<compile_context>
chip_gen: v7x
topology: tpu7x:2x2x1
jax: 0.10.2.dev20260603
libtpu: 0.0.44.dev20260713+nightly
codegen_flags: <defaults>
</compile_context>

<pallas_src>
import dataclasses
import functools

import jax
import jax.numpy as jnp
from jax import lax
from jax.experimental import pallas as pl
from jax.experimental.pallas import tpu as pltpu
from jax.experimental.pallas import tpu_sc as plsc

NC = 2
NS = 16
L = 16
NW = NC * NS
K = 128



def _tc_head_body(x_ref, w_ref, as_ref, ad_ref, h_ref, aso_ref, ado_ref, m_ref):
    x = x_ref[...]
    h = jnp.dot(x, w_ref[...], preferred_element_type=jnp.float32)
    npad = x.shape[0]
    h_ref[...] = h
    h3 = h.reshape(npad // 128, 128, 128)
    asv = jnp.sum(h3 * as_ref[...].reshape(1, 1, 128), axis=-1)
    adv = jnp.sum(h3 * ad_ref[...].reshape(1, 1, 128), axis=-1)
    aso_ref[...] = asv
    ado_ref[...] = adv
    m = jnp.max(asv) + jnp.max(adv)
    m_ref[...] = jnp.full((8, 128), m, jnp.float32)


def _tc_head(x_pad, W, a_s, a_d):
    npad, d = x_pad.shape
    outs = pl.pallas_call(
        _tc_head_body,
        out_shape=[
            jax.ShapeDtypeStruct((npad, d), jnp.float32),
            jax.ShapeDtypeStruct((npad // 128, 128), jnp.float32),
            jax.ShapeDtypeStruct((npad // 128, 128), jnp.float32),
            jax.ShapeDtypeStruct((8, 128), jnp.float32),
        ],
    )(x_pad, W, a_s.reshape(1, d), a_d.reshape(1, d))
    h, asv, adv, m = outs
    return h, asv.reshape(-1), adv.reshape(-1), m.reshape(-1)[:L]


def _tc_norm_body(n_real, num_ref, den_ref, b_ref, o_ref):
    npad = num_ref.shape[1]
    nr = npad // 128
    p3 = (num_ref[0] + num_ref[1]).reshape(nr, 128, 128)
    den = jnp.sum(den_ref[...], axis=0)
    y = p3 / (den[:, :, None] + 1e-16) + b_ref[...].reshape(1, 1, 128)
    y = jnp.maximum(y, 0.0)
    r0 = lax.broadcasted_iota(jnp.int32, (nr, 128, 1), 0)
    r1 = lax.broadcasted_iota(jnp.int32, (nr, 128, 1), 1)
    y = jnp.where(r0 * 128 + r1 < n_real, y, 0.0)
    o_ref[...] = y.reshape(npad, 128)


def _tc_norm_head_body(n_real, num_ref, den_ref, b_ref, w_ref, as_ref,
                       ad_ref, h_ref, aso_ref, ado_ref, m_ref):
    npad = num_ref.shape[1]
    nr = npad // 128
    p3 = (num_ref[0] + num_ref[1]).reshape(nr, 128, 128)
    den = jnp.sum(den_ref[...], axis=0)
    y = p3 / (den[:, :, None] + 1e-16) + b_ref[...].reshape(1, 1, 128)
    y = jnp.maximum(y, 0.0)
    r0 = lax.broadcasted_iota(jnp.int32, (nr, 128, 1), 0)
    r1 = lax.broadcasted_iota(jnp.int32, (nr, 128, 1), 1)
    y = jnp.where(r0 * 128 + r1 < n_real, y, 0.0)
    x2 = y.reshape(npad, 128)
    h = jnp.dot(x2, w_ref[...], preferred_element_type=jnp.float32)
    h_ref[...] = h
    h3 = h.reshape(nr, 128, 128)
    asv = jnp.sum(h3 * as_ref[...].reshape(1, 1, 128), axis=-1)
    adv = jnp.sum(h3 * ad_ref[...].reshape(1, 1, 128), axis=-1)
    aso_ref[...] = asv
    ado_ref[...] = adv
    m = jnp.max(asv) + jnp.max(adv)
    m_ref[...] = jnp.full((8, 128), m, jnp.float32)


def _tc_norm_head(part, den, bias, W, a_s, a_d, n_real):
    npad = part.shape[1]
    d = W.shape[0]
    outs = pl.pallas_call(
        functools.partial(_tc_norm_head_body, n_real),
        out_shape=[
            jax.ShapeDtypeStruct((npad, d), jnp.float32),
            jax.ShapeDtypeStruct((npad // 128, 128), jnp.float32),
            jax.ShapeDtypeStruct((npad // 128, 128), jnp.float32),
            jax.ShapeDtypeStruct((8, 128), jnp.float32),
        ],
    )(part, den.reshape(NC * NS, npad // 128, 128), bias.reshape(1, 128),
      W, a_s.reshape(1, d), a_d.reshape(1, d))
    h, asv, adv, m = outs
    return h, asv.reshape(-1), adv.reshape(-1), m.reshape(-1)[:L]


def _tc_norm(part, den, bias, n_real):
    npad = part.shape[1]
    return pl.pallas_call(
        functools.partial(_tc_norm_body, n_real),
        out_shape=jax.ShapeDtypeStruct((npad, 128), jnp.float32),
    )(part, den.reshape(NC * NS, npad // 128, 128), bias.reshape(1, 128))



def _sc_w_body(nb, as_hbm, ad_hbm, m_hbm, src_hbm, dst_hbm, w_hbm, den_hbm,
               as_v, ad_v, m_v, src_v, dst_v, w_buf, den_v):
    cid = lax.axis_index("c")
    sid = lax.axis_index("s")
    wid = sid * NC + cid

    pltpu.sync_copy(as_hbm, as_v)
    pltpu.sync_copy(ad_hbm, ad_v)
    pltpu.sync_copy(m_hbm, m_v)
    pltpu.sync_copy(src_hbm.at[wid], src_v)
    pltpu.sync_copy(dst_hbm.at[wid], dst_v)

    zero16 = jnp.zeros((L,), jnp.float32)

    @pl.loop(0, den_v.shape[0])
    def _z(i):
        for c in range(den_v.shape[1] // L):
            den_v[i, pl.ds(c * L, L)] = zero16

    mv = m_v[...]
    lane_iota = lax.broadcasted_iota(jnp.int32, (L,), 0)

    @plsc.parallel_loop(0, nb, unroll=2)
    def _blk(b):
        @pl.loop(0, K // L)
        def _grp(g):
            sidx = src_v[b, pl.ds(g * L, L)]
            didx = dst_v[b, pl.ds(g * L, L)]
            s = plsc.load_gather(as_v, [sidx])
            t = plsc.load_gather(ad_v, [didx])
            e = s + t
            e = jnp.where(e > 0, e, e * jnp.float32(0.2))
            w_buf[b, pl.ds(g * L, L)] = jnp.exp(e - mv)

    @pl.loop(0, nb)
    def _dblk(b):
        @pl.loop(0, K // L)
        def _dgrp(g):
            didx = dst_v[b, pl.ds(g * L, L)]
            w = w_buf[b, pl.ds(g * L, L)]
            drow = jax.lax.shift_right_logical(didx, 7)
            dcol = jnp.bitwise_and(didx, 127)
            for j in range(L):
                plsc.addupdate_scatter(den_v, [drow, dcol], w,
                                       mask=lane_iota == j)

    pltpu.sync_copy(w_buf, w_hbm.at[wid])
    pltpu.sync_copy(den_v, den_hbm.at[cid, sid])


def _sc_a_body(nb, nbc, h_hbm, src_hbm, dst_hbm, w_hbm, zeros_hbm, out_hbm,
               src_c, dst_c, w_c, r0, r1, out_sp, sem0, sem1):
    cid = lax.axis_index("c")
    sid = lax.axis_index("s")
    wid = sid * NC + cid
    nacc = out_sp.shape[0]
    zps = nacc // NS
    d = r0.shape[1]

    pltpu.sync_copy(zeros_hbm.at[pl.ds(sid * zps, zps)],
                    out_sp.at[pl.ds(sid * zps, zps)])
    plsc.subcore_barrier()

    def scale_and_scatter(buf, bi):
        bidx = lax.broadcast(bi, (L,))

        @plsc.parallel_loop(0, K, unroll=8)
        def _row(r):
            wv = plsc.load_gather(w_c, [bidx, lax.broadcast(r, (L,))])
            for c in range(d // L):
                buf[r, pl.ds(c * L, L)] = buf[r, pl.ds(c * L, L)] * wv

        pltpu.sync_copy(buf, out_sp.at[dst_c.at[bi]], add=True)

    @pl.loop(0, nb // nbc)
    def _chunk(ch):
        pltpu.sync_copy(src_hbm.at[wid, ch], src_c)
        pltpu.sync_copy(dst_hbm.at[wid, ch], dst_c)
        pltpu.sync_copy(w_hbm.at[wid, ch], w_c)
        pltpu.async_copy(h_hbm.at[src_c.at[0]], r0, sem0)

        @pl.loop(0, nbc // 2)
        def _pair(p):
            b0 = 2 * p
            pltpu.async_copy(h_hbm.at[src_c.at[b0 + 1]], r1, sem1)
            pltpu.make_async_copy(h_hbm.at[src_c.at[b0]], r0, sem0).wait()
            scale_and_scatter(r0, b0)
            pltpu.async_copy(h_hbm.at[src_c.at[b0 + 2]], r0, sem0)
            pltpu.make_async_copy(h_hbm.at[src_c.at[b0 + 1]], r1, sem1).wait()
            scale_and_scatter(r1, b0 + 1)

        pltpu.make_async_copy(h_hbm.at[src_c.at[nbc - 1]], r0, sem0).wait()
        scale_and_scatter(r0, nbc - 1)

    plsc.subcore_barrier()
    pltpu.sync_copy(out_sp.at[pl.ds(sid * zps, zps)],
                    out_hbm.at[cid, pl.ds(sid * zps, zps)])


def _sc_compiler_params():
    cp = pltpu.CompilerParams()
    if "needs_layout_passes" in pltpu.CompilerParams.__dataclass_fields__:
        cp = dataclasses.replace(cp, needs_layout_passes=False)
    return cp


@functools.lru_cache(maxsize=None)
def _sc_w_kernel(npad, nb):
    mesh = plsc.VectorSubcoreMesh(core_axis_name="c", subcore_axis_name="s")
    return pl.kernel(
        functools.partial(_sc_w_body, nb),
        out_type=[
            jax.ShapeDtypeStruct((NW, nb, K), jnp.float32),
            jax.ShapeDtypeStruct((NC, NS, npad // 128, 128), jnp.float32),
        ],
        mesh=mesh,
        scratch_types=[
            pltpu.VMEM((npad,), jnp.float32),
            pltpu.VMEM((npad,), jnp.float32),
            pltpu.VMEM((L,), jnp.float32),
            pltpu.VMEM((nb, K), jnp.int32),
            pltpu.VMEM((nb, K), jnp.int32),
            pltpu.VMEM((nb, K), jnp.float32),
            pltpu.VMEM((npad // 128, 128), jnp.float32),
        ],
        compiler_params=_sc_compiler_params(),
    )


@functools.lru_cache(maxsize=None)
def _sc_a_kernel(npad, d, nb, nbc):
    mesh = plsc.VectorSubcoreMesh(core_axis_name="c", subcore_axis_name="s")
    return pl.kernel(
        functools.partial(_sc_a_body, nb, nbc),
        out_type=jax.ShapeDtypeStruct((NC, npad, d), jnp.float32),
        mesh=mesh,
        scratch_types=[
            pltpu.VMEM((nbc, K), jnp.int32),
            pltpu.VMEM((nbc, K), jnp.int32),
            pltpu.VMEM((nbc, K), jnp.float32),
            pltpu.VMEM((K, d), jnp.float32),
            pltpu.VMEM((K, d), jnp.float32),
            pltpu.VMEM_SHARED((npad, d), jnp.float32),
            pltpu.SemaphoreType.DMA,
            pltpu.SemaphoreType.DMA,
        ],
        compiler_params=_sc_compiler_params(),
    )


def _sc_gat_edges(h, as_flat, ad_flat, mv, src3, dst3, zeros_out):
    npad, d = h.shape
    nb = src3.shape[1]
    nbc = nb // 3
    w3, den = _sc_w_kernel(npad, nb)(as_flat, ad_flat, mv, src3, dst3)
    src4 = src3.reshape(NW, nb // nbc, nbc, K)
    dst4 = dst3.reshape(NW, nb // nbc, nbc, K)
    w4 = w3.reshape(NW, nb // nbc, nbc, K)
    part = _sc_a_kernel(npad, d, nb, nbc)(h, src4, dst4, w4, zeros_out)
    return part, den.reshape(NC, NS, npad)



def kernel(x, edge_index, W1, a1_src, a1_dst, b1, W2, a2_src, a2_dst, b2):
    n, d = x.shape
    e = edge_index.shape[1]
    npad = ((n + 255) // 256) * 256
    etot = e + n
    nb = -(-etot // (NW * K))
    epad = NW * K * nb

    loop = jnp.arange(n, dtype=edge_index.dtype)
    src = jnp.concatenate([edge_index[0], loop,
                           jnp.zeros((epad - etot,), edge_index.dtype)])
    dst = jnp.concatenate([edge_index[1], loop,
                           jnp.full((epad - etot,), n, edge_index.dtype)])
    src3 = src.reshape(NW, nb, K)
    dst3 = dst.reshape(NW, nb, K)
    zeros_out = jnp.zeros((npad, d), jnp.float32)
    x_pad = jnp.zeros((npad, d), jnp.float32).at[:n].set(x)

    h1, as1, ad1, m1 = _tc_head(x_pad, W1, a1_src, a1_dst)
    part1, den1 = _sc_gat_edges(h1, as1, ad1, m1, src3, dst3, zeros_out)
    h2, as2, ad2, m2 = _tc_norm_head(part1, den1, b1, W2, a2_src, a2_dst, n)
    part2, den2 = _sc_gat_edges(h2, as2, ad2, m2, src3, dst3, zeros_out)
    y = _tc_norm(part2, den2, b2, n)

    out = jnp.concatenate([jnp.zeros((1, d), jnp.float32), y[:n]], axis=0)
    return out.reshape(1, n + 1, d)

# --- scband reference (transcript-rebuilt; emitter-appended) ---
"""Pipeline reference for scband-gat-token-construction-69226282877369 (READ-ONLY COPY).

The authoritative reference and input builder live on the scoring server;
editing this copy changes nothing except your own understanding.
"""

import jax, jax.numpy as jnp
import numpy as np

N = 10000
E = 320000
D_IN = 128
D_HID = 128


def _gat_conv(x, src, dst, W, a_src, a_dst, bias, num_nodes):
    # PyG GATConv (heads=1, add_self_loops=True, negative_slope=0.2)
    h = x @ W  # [N, D_out]
    alpha_s = (h * a_src).sum(axis=-1)  # [N]
    alpha_d = (h * a_dst).sum(axis=-1)  # [N]
    e = alpha_s[src] + alpha_d[dst]  # [E']
    e = jax.nn.leaky_relu(e, negative_slope=0.2)
    # segment softmax over incoming edges per destination node
    e_max = jax.ops.segment_max(e, dst, num_segments=num_nodes)
    e_exp = jnp.exp(e - e_max[dst])
    denom = jax.ops.segment_sum(e_exp, dst, num_segments=num_nodes)
    alpha = e_exp / (denom[dst] + 1e-16)
    out = jax.ops.segment_sum(h[src] * alpha[:, None], dst, num_segments=num_nodes)
    return out + bias


def setup_inputs(seed: int = 0) -> dict:
    key = jax.random.key(seed)
    ks = jax.random.split(key, 10)
    x = jax.random.normal(ks[0], (N, D_IN), dtype=jnp.float32)
    edge_index = jax.random.randint(ks[1], (2, E), 0, N, dtype=jnp.int32)
    s1 = 1.0 / np.sqrt(D_IN)
    s2 = 1.0 / np.sqrt(D_HID)
    W1 = jax.random.normal(ks[2], (D_IN, D_HID), dtype=jnp.float32) * s1
    a1_src = jax.random.normal(ks[3], (D_HID,), dtype=jnp.float32) * s2
    a1_dst = jax.random.normal(ks[4], (D_HID,), dtype=jnp.float32) * s2
    b1 = jnp.zeros((D_HID,), dtype=jnp.float32)
    W2 = jax.random.normal(ks[5], (D_HID, D_HID), dtype=jnp.float32) * s2
    a2_src = jax.random.normal(ks[6], (D_HID,), dtype=jnp.float32) * s2
    a2_dst = jax.random.normal(ks[7], (D_HID,), dtype=jnp.float32) * s2
    b2 = jnp.zeros((D_HID,), dtype=jnp.float32)
    return {"x": x, "edge_index": edge_index, "W1": W1, "a1_src": a1_src,
            "a1_dst": a1_dst, "b1": b1, "W2": W2, "a2_src": a2_src,
            "a2_dst": a2_dst, "b2": b2}


def reference(x, edge_index, W1, a1_src, a1_dst, b1, W2, a2_src, a2_dst, b2):
    num_nodes = x.shape[0]
    loop = jnp.arange(num_nodes, dtype=edge_index.dtype)
    src = jnp.concatenate([edge_index[0], loop])
    dst = jnp.concatenate([edge_index[1], loop])
    h = _gat_conv(x, src, dst, W1, a1_src, a1_dst, b1, num_nodes)
    h = jax.nn.relu(h)
    h = _gat_conv(h, src, dst, W2, a2_src, a2_dst, b2, num_nodes)
    h = jax.nn.relu(h)
    # prepend a zero row (CLS-like placeholder) and add batch dim, as in forward
    node_embs = jnp.concatenate([jnp.zeros((1, h.shape[1]), dtype=h.dtype), h], axis=0)
    return node_embs.reshape(1, -1, h.shape[1])

if __name__ == "__main__":
    import jax
    _d = setup_inputs()
    print(jax.jit(kernel)(*tuple(_d.values())))

</pallas_src>

<mosaic_0001>
#map = affine_map<(d0, d1) -> (0)>
#map1 = affine_map<(d0, d1) -> (0, 0, 0)>
#map2 = affine_map<(d0, d1) -> (0, 0, 0, 0)>
module attributes {stable_mosaic.version = 14 : i64} {
  func.func @_sc_w_body(%arg0: i32, %arg1: i32, %arg2: memref<10240xf32, #tpu.memory_space<hbm>>, %arg3: memref<10240xf32, #tpu.memory_space<hbm>>, %arg4: memref<16xf32, #tpu.memory_space<hbm>>, %arg5: memref<32x81x128xi32, #tpu.memory_space<hbm>>, %arg6: memref<32x81x128xi32, #tpu.memory_space<hbm>>, %arg7: memref<32x81x128xf32, #tpu.memory_space<hbm>>, %arg8: memref<2x16x80x128xf32, #tpu.memory_space<hbm>>, %arg9: memref<10240xf32, #tpu.memory_space<vmem>>, %arg10: memref<10240xf32, #tpu.memory_space<vmem>>, %arg11: memref<16xf32, #tpu.memory_space<vmem>>, %arg12: memref<81x128xi32, #tpu.memory_space<vmem>>, %arg13: memref<81x128xi32, #tpu.memory_space<vmem>>, %arg14: memref<81x128xf32, #tpu.memory_space<vmem>>, %arg15: memref<80x128xf32, #tpu.memory_space<vmem>>) attributes {dimension_semantics = [#tpu.dimension_semantics<core_parallel>, #tpu.dimension_semantics<subcore_parallel>], iteration_bounds = array<i64: 2, 16>, scalar_prefetch = 0 : i64, scratch_operands = 7 : i64, tpu.core_type = #tpu.core_type<sc_vector_subcore>, window_params = [{transform_indices = #map}, {transform_indices = #map}, {transform_indices = #map}, {transform_indices = #map1}, {transform_indices = #map1}, {transform_indices = #map1}, {transform_indices = #map2}]} {
    %mul3A = arith.constant 2 : i32
    %mul3A_0 = arith.muli %arg1, %mul3A : i32
    %add3A = arith.addi %mul3A_0, %arg0 : i32
    "tpu.region"() ({
      %run_scoped3A = tpu.sem_alloc : memref<!tpu.dma_semaphore, #tpu.memory_space<semaphore_mem>>
      tpu.enqueue_dma source(%arg2 : memref<10240xf32, #tpu.memory_space<hbm>>) target(%arg9 : memref<10240xf32, #tpu.memory_space<vmem>>) target_semaphore(%run_scoped3A : memref<!tpu.dma_semaphore, #tpu.memory_space<semaphore_mem>>)
      tpu.wait_dma2 semaphore(%run_scoped3A : memref<!tpu.dma_semaphore, #tpu.memory_space<semaphore_mem>>) src(%arg2 : memref<10240xf32, #tpu.memory_space<hbm>>) dst(%arg9 : memref<10240xf32, #tpu.memory_space<vmem>>)
      tpu.yield
    }) : () -> ()
    "tpu.region"() ({
      %run_scoped3A = tpu.sem_alloc : memref<!tpu.dma_semaphore, #tpu.memory_space<semaphore_mem>>
      tpu.enqueue_dma source(%arg3 : memref<10240xf32, #tpu.memory_space<hbm>>) target(%arg10 : memref<10240xf32, #tpu.memory_space<vmem>>) target_semaphore(%run_scoped3A : memref<!tpu.dma_semaphore, #tpu.memory_space<semaphore_mem>>)
      tpu.wait_dma2 semaphore(%run_scoped3A : memref<!tpu.dma_semaphore, #tpu.memory_space<semaphore_mem>>) src(%arg3 : memref<10240xf32, #tpu.memory_space<hbm>>) dst(%arg10 : memref<10240xf32, #tpu.memory_space<vmem>>)
      tpu.yield
    }) : () -> ()
    "tpu.region"() ({
      %run_scoped3A = tpu.sem_alloc : memref<!tpu.dma_semaphore, #tpu.memory_space<semaphore_mem>>
      tpu.enqueue_dma source(%arg4 : memref<16xf32, #tpu.memory_space<hbm>>) target(%arg11 : memref<16xf32, #tpu.memory_space<vmem>>) target_semaphore(%run_scoped3A : memref<!tpu.dma_semaphore, #tpu.memory_space<semaphore_mem>>)
      tpu.wait_dma2 semaphore(%run_scoped3A : memref<!tpu.dma_semaphore, #tpu.memory_space<semaphore_mem>>) src(%arg4 : memref<16xf32, #tpu.memory_space<hbm>>) dst(%arg11 : memref<16xf32, #tpu.memory_space<vmem>>)
      tpu.yield
    }) : () -> ()
    "tpu.region"() ({
      %run_scoped3A = tpu.sem_alloc : memref<!tpu.dma_semaphore, #tpu.memory_space<semaphore_mem>>
      %dma_start3A = arith.constant 0 : i32
      %dma_start3A_14 = arith.constant 0 : i32
      %dma_start3A_15 = tpu.memref_slice %arg5[%add3A, %dma_start3A, %dma_start3A_14] : memref<32x81x128xi32, #tpu.memory_space<hbm>> -> memref<1x81x128xi32, #tpu.memory_space<hbm>>
      %dma_start3A_16 = tpu.memref_squeeze %dma_start3A_15 : memref<1x81x128xi32, #tpu.memory_space<hbm>> -> memref<81x128xi32, #tpu.memory_space<hbm>>
      %dma_start3A_17 = arith.constant 0 : i32
      %dma_start3A_18 = arith.constant 0 : i32
      %dma_start3A_19 = tpu.memref_slice %arg5[%add3A, %dma_start3A_17, %dma_start3A_18] : memref<32x81x128xi32, #tpu.memory_space<hbm>> -> memref<1x81x128xi32, #tpu.memory_space<hbm>>
      %dma_start3A_20 = tpu.memref_squeeze %dma_start3A_19 : memref<1x81x128xi32, #tpu.memory_space<hbm>> -> memref<81x128xi32, #tpu.memory_space<hbm>>
      tpu.enqueue_dma source(%dma_start3A_20 : memref<81x128xi32, #tpu.memory_space<hbm>>) target(%arg12 : memref<81x128xi32, #tpu.memory_space<vmem>>) target_semaphore(%run_scoped3A : memref<!tpu.dma_semaphore, #tpu.memory_space<semaphore_mem>>)
      %dma_wait3A = arith.constant 0 : i32
      %dma_wait3A_21 = arith.constant 0 : i32
      %dma_wait3A_22 = tpu.memref_slice %arg5[%add3A, %dma_wait3A, %dma_wait3A_21] : memref<32x81x128xi32, #tpu.memory_space<hbm>> -> memref<1x81x128xi32, #tpu.memory_space<hbm>>
      %dma_wait3A_23 = tpu.memref_squeeze %dma_wait3A_22 : memref<1x81x128xi32, #tpu.memory_space<hbm>> -> memref<81x128xi32, #tpu.memory_space<hbm>>
      %dma_wait3A_24 = arith.constant 0 : i32
      %dma_wait3A_25 = arith.constant 0 : i32
      %dma_wait3A_26 = tpu.memref_slice %arg5[%add3A, %dma_wait3A_24, %dma_wait3A_25] : memref<32x81x128xi32, #tpu.memory_space<hbm>> -> memref<1x81x128xi32, #tpu.memory_space<hbm>>
      %dma_wait3A_27 = tpu.memref_squeeze %dma_wait3A_26 : memref<1x81x128xi32, #tpu.memory_space<hbm>> -> memref<81x128xi32, #tpu.memory_space<hbm>>
      tpu.wait_dma2 semaphore(%run_scoped3A : memref<!tpu.dma_semaphore, #tpu.memory_space<semaphore_mem>>) src(%dma_wait3A_27 : memref<81x128xi32, #tpu.memory_space<hbm>>) dst(%arg12 : memref<81x128xi32, #tpu.memory_space<vmem>>)
      tpu.yield
    }) : () -> ()
    "tpu.region"() ({
      %run_scoped3A = tpu.sem_alloc : memref<!tpu.dma_semaphore, #tpu.memory_space<semaphore_mem>>
      %dma_start3A = arith.constant 0 : i32
      %dma_start3A_14 = arith.constant 0 : i32
      %dma_start3A_15 = tpu.memref_slice %arg6[%add3A, %dma_start3A, %dma_start3A_14] : memref<32x81x128xi32, #tpu.memory_space<hbm>> -> memref<1x81x128xi32, #tpu.memory_space<hbm>>
      %dma_start3A_16 = tpu.memref_squeeze %dma_start3A_15 : memref<1x81x128xi32, #tpu.memory_space<hbm>> -> memref<81x128xi32, #tpu.memory_space<hbm>>
      %dma_start3A_17 = arith.constant 0 : i32
      %dma_start3A_18 = arith.constant 0 : i32
      %dma_start3A_19 = tpu.memref_slice %arg6[%add3A, %dma_start3A_17, %dma_start3A_18] : memref<32x81x128xi32, #tpu.memory_space<hbm>> -> memref<1x81x128xi32, #tpu.memory_space<hbm>>
      %dma_start3A_20 = tpu.memref_squeeze %dma_start3A_19 : memref<1x81x128xi32, #tpu.memory_space<hbm>> -> memref<81x128xi32, #tpu.memory_space<hbm>>
      tpu.enqueue_dma source(%dma_start3A_20 : memref<81x128xi32, #tpu.memory_space<hbm>>) target(%arg13 : memref<81x128xi32, #tpu.memory_space<vmem>>) target_semaphore(%run_scoped3A : memref<!tpu.dma_semaphore, #tpu.memory_space<semaphore_mem>>)
      %dma_wait3A = arith.constant 0 : i32
      %dma_wait3A_21 = arith.constant 0 : i32
      %dma_wait3A_22 = tpu.memref_slice %arg6[%add3A, %dma_wait3A, %dma_wait3A_21] : memref<32x81x128xi32, #tpu.memory_space<hbm>> -> memref<1x81x128xi32, #tpu.memory_space<hbm>>
      %dma_wait3A_23 = tpu.memref_squeeze %dma_wait3A_22 : memref<1x81x128xi32, #tpu.memory_space<hbm>> -> memref<81x128xi32, #tpu.memory_space<hbm>>
      %dma_wait3A_24 = arith.constant 0 : i32
      %dma_wait3A_25 = arith.constant 0 : i32
      %dma_wait3A_26 = tpu.memref_slice %arg6[%add3A, %dma_wait3A_24, %dma_wait3A_25] : memref<32x81x128xi32, #tpu.memory_space<hbm>> -> memref<1x81x128xi32, #tpu.memory_space<hbm>>
      %dma_wait3A_27 = tpu.memref_squeeze %dma_wait3A_26 : memref<1x81x128xi32, #tpu.memory_space<hbm>> -> memref<81x128xi32, #tpu.memory_space<hbm>>
      tpu.wait_dma2 semaphore(%run_scoped3A : memref<!tpu.dma_semaphore, #tpu.memory_space<semaphore_mem>>) src(%dma_wait3A_27 : memref<81x128xi32, #tpu.memory_space<hbm>>) dst(%arg13 : memref<81x128xi32, #tpu.memory_space<vmem>>)
      tpu.yield
    }) : () -> ()
    %broadcast_in_dim3A = arith.constant 0.000000e+00 : f32
    %broadcast_in_dim3A_1 = vector.broadcast %broadcast_in_dim3A : f32 to vector<16xf32>
    %scan3A = arith.constant 0 : i32
    %scan3A_2 = arith.constant 80 : i32
    %scan3A_3 = arith.addi %scan3A, %scan3A_2 : i32
    %scan3A_4 = arith.constant 1 : i32
    scf.for %scan3A_14 = %scan3A to %scan3A_3 step %scan3A_4  : i32 {
      %mul3A_15 = arith.constant 1 : i32
      %mul3A_16 = arith.muli %scan3A_14, %mul3A_15 : i32
      %add3A_17 = arith.constant 0 : i32
      %add3A_18 = arith.addi %add3A_17, %mul3A_16 : i32
      %swap3A = arith.index_cast %add3A_18 : i32 to index
      %swap3A_19 = arith.constant 0 : index
      %swap3A_20 = tpu.vector_load %arg15[%swap3A, %swap3A_19] {strides = array<i32>} : memref<80x128xf32, #tpu.memory_space<vmem>>, vector<16xf32>,
      tpu.vector_store %arg15[%swap3A, %swap3A_19], %broadcast_in_dim3A_1 {strides = array<i32>} : memref<80x128xf32, #tpu.memory_space<vmem>>, vector<16xf32>,
      %swap3A_21 = arith.index_cast %add3A_18 : i32 to index
      %swap3A_22 = arith.constant 16 : index
      %swap3A_23 = tpu.vector_load %arg15[%swap3A_21, %swap3A_22] {strides = array<i32>} : memref<80x128xf32, #tpu.memory_space<vmem>>, vector<16xf32>,
      tpu.vector_store %arg15[%swap3A_21, %swap3A_22], %broadcast_in_dim3A_1 {strides = array<i32>} : memref<80x128xf32, #tpu.memory_space<vmem>>, vector<16xf32>,
      %swap3A_24 = arith.index_cast %add3A_18 : i32 to index
      %swap3A_25 = arith.constant 32 : index
      %swap3A_26 = tpu.vector_load %arg15[%swap3A_24, %swap3A_25] {strides = array<i32>} : memref<80x128xf32, #tpu.memory_space<vmem>>, vector<16xf32>,
      tpu.vector_store %arg15[%swap3A_24, %swap3A_25], %broadcast_in_dim3A_1 {strides = array<i32>} : memref<80x128xf32, #tpu.memory_space<vmem>>, vector<16xf32>,
      %swap3A_27 = arith.index_cast %add3A_18 : i32 to index
      %swap3A_28 = arith.constant 48 : index
      %swap3A_29 = tpu.vector_load %arg15[%swap3A_27, %swap3A_28] {strides = array<i32>} : memref<80x128xf32, #tpu.memory_space<vmem>>, vector<16xf32>,
      tpu.vector_store %arg15[%swap3A_27, %swap3A_28], %broadcast_in_dim3A_1 {strides = array<i32>} : memref<80x128xf32, #tpu.memory_space<vmem>>, vector<16xf32>,
      %swap3A_30 = arith.index_cast %add3A_18 : i32 to index
      %swap3A_31 = arith.constant 64 : index
      %swap3A_32 = tpu.vector_load %arg15[%swap3A_30, %swap3A_31] {strides = array<i32>} : memref<80x128xf32, #tpu.memory_space<vmem>>, vector<16xf32>,
      tpu.vector_store %arg15[%swap3A_30, %swap3A_31], %broadcast_in_dim3A_1 {strides = array<i32>} : memref<80x128xf32, #tpu.memory_space<vmem>>, vector<16xf32>,
      %swap3A_33 = arith.index_cast %add3A_18 : i32 to index
      %swap3A_34 = arith.constant 80 : index
      %swap3A_35 = tpu.vector_load %arg15[%swap3A_33, %swap3A_34] {strides = array<i32>} : memref<80x128xf32, #tpu.memory_space<vmem>>, vector<16xf32>,
      tpu.vector_store %arg15[%swap3A_33, %swap3A_34], %broadcast_in_dim3A_1 {strides = array<i32>} : memref<80x128xf32, #tpu.memory_space<vmem>>, vector<16xf32>,
      %swap3A_36 = arith.index_cast %add3A_18 : i32 to index
      %swap3A_37 = arith.constant 96 : index
      %swap3A_38 = tpu.vector_load %arg15[%swap3A_36, %swap3A_37] {strides = array<i32>} : memref<80x128xf32, #tpu.memory_space<vmem>>, vector<16xf32>,
      tpu.vector_store %arg15[%swap3A_36, %swap3A_37], %broadcast_in_dim3A_1 {strides = array<i32>} : memref<80x128xf32, #tpu.memory_space<vmem>>, vector<16xf32>,
      %swap3A_39 = arith.index_cast %add3A_18 : i32 to index
      %swap3A_40 = arith.constant 112 : index
      %swap3A_41 = tpu.vector_load %arg15[%swap3A_39, %swap3A_40] {strides = array<i32>} : memref<80x128xf32, #tpu.memory_space<vmem>>, vector<16xf32>,
      tpu.vector_store %arg15[%swap3A_39, %swap3A_40], %broadcast_in_dim3A_1 {strides = array<i32>} : memref<80x128xf32, #tpu.memory_space<vmem>>, vector<16xf32>,
    }
    %scan3A_5 = arith.constant 80 : i32
    %get3A = arith.constant 0 : index
    %get3A_6 = tpu.vector_load %arg11[%get3A] {strides = array<i32>} : memref<16xf32, #tpu.memory_space<vmem>>, vector<16xf32>,
    %iota3A = tpu.iota {dimensions = array<i32: 0>} : vector<16xi32>
    %parallel_loop3A = arith.constant 0 : i32
    %parallel_loop3A_7 = arith.constant 81 : i32
    %parallel_loop3A_8 = arith.constant 1 : i32
    scf.for %parallel_loop3A_14 = %parallel_loop3A to %parallel_loop3A_7 step %parallel_loop3A_8  : i32 {
      %parallel_loop3A_15 = arith.constant 0 : i32
      %parallel_loop3A_16 = arith.constant 8 : i32
      %parallel_loop3A_17 = arith.addi %parallel_loop3A_15, %parallel_loop3A_16 : i32
      %parallel_loop3A_18 = arith.constant 1 : i32
      scf.for %scan3A_20 = %parallel_loop3A_15 to %parallel_loop3A_17 step %parallel_loop3A_18  : i32 {
        %parallel_loop3A_21 = arith.constant 1 : i32
        %parallel_loop3A_22 = arith.muli %scan3A_20, %parallel_loop3A_21 : i32
        %parallel_loop3A_23 = arith.constant 0 : i32
        %parallel_loop3A_24 = arith.addi %parallel_loop3A_23, %parallel_loop3A_22 : i32
        %parallel_loop3A_25 = arith.constant 16 : i32
        %parallel_loop3A_26 = arith.muli %parallel_loop3A_24, %parallel_loop3A_25 : i32
        %parallel_loop3A_27 = arith.index_cast %parallel_loop3A_14 : i32 to index
        %parallel_loop3A_28 = arith.index_cast %parallel_loop3A_26 : i32 to index
        %parallel_loop3A_29 = tpu.vector_load %arg12[%parallel_loop3A_27, %parallel_loop3A_28] {strides = array<i32>} : memref<81x128xi32, #tpu.memory_space<vmem>>, vector<16xi32>,
        %parallel_loop3A_30 = arith.constant 16 : i32
        %parallel_loop3A_31 = arith.muli %parallel_loop3A_24, %parallel_loop3A_30 : i32
        %parallel_loop3A_32 = arith.index_cast %parallel_loop3A_14 : i32 to index
        %parallel_loop3A_33 = arith.index_cast %parallel_loop3A_31 : i32 to index
        %parallel_loop3A_34 = tpu.vector_load %arg13[%parallel_loop3A_32, %parallel_loop3A_33] {strides = array<i32>} : memref<81x128xi32, #tpu.memory_space<vmem>>, vector<16xi32>,
        %parallel_loop3A_35 = tpu.vector_load_idx %arg9[%parallel_loop3A_29] : memref<10240xf32, #tpu.memory_space<vmem>>[vector<16xi32>], vector<16xf32>,
        %parallel_loop3A_36 = tpu.vector_load_idx %arg10[%parallel_loop3A_34] : memref<10240xf32, #tpu.memory_space<vmem>>[vector<16xi32>], vector<16xf32>,
        %parallel_loop3A_37 = arith.addf %parallel_loop3A_35, %parallel_loop3A_36 : vector<16xf32>
        %parallel_loop3A_38 = arith.constant 0.000000e+00 : f32
        %parallel_loop3A_39 = vector.broadcast %parallel_loop3A_38 : f32 to vector<16xf32>
        %parallel_loop3A_40 = arith.cmpf ogt, %parallel_loop3A_37, %parallel_loop3A_39 : vector<16xf32>
        %parallel_loop3A_41 = arith.constant 2.000000e-01 : f32
        %parallel_loop3A_42 = vector.broadcast %parallel_loop3A_41 : f32 to vector<16xf32>
        %parallel_loop3A_43 = arith.mulf %parallel_loop3A_37, %parallel_loop3A_42 : vector<16xf32>
        %parallel_loop3A_44 = arith.select %parallel_loop3A_40, %parallel_loop3A_37, %parallel_loop3A_43 : vector<16xi1>, vector<16xf32>
        %parallel_loop3A_45 = arith.subf %parallel_loop3A_44, %get3A_6 : vector<16xf32>
        %parallel_loop3A_46 = math.exp %parallel_loop3A_45 : vector<16xf32>
        %parallel_loop3A_47 = arith.constant 16 : i32
        %parallel_loop3A_48 = arith.muli %parallel_loop3A_24, %parallel_loop3A_47 : i32
        %parallel_loop3A_49 = arith.index_cast %parallel_loop3A_14 : i32 to index
        %parallel_loop3A_50 = arith.index_cast %parallel_loop3A_48 : i32 to index
        %parallel_loop3A_51 = tpu.vector_load %arg14[%parallel_loop3A_49, %parallel_loop3A_50] {strides = array<i32>} : memref<81x128xf32, #tpu.memory_space<vmem>>, vector<16xf32>,
        tpu.vector_store %arg14[%parallel_loop3A_49, %parallel_loop3A_50], %parallel_loop3A_46 {strides = array<i32>} : memref<81x128xf32, #tpu.memory_space<vmem>>, vector<16xf32>,
      }
      %parallel_loop3A_19 = arith.constant 8 : i32
    } {sc.loop_unroll_factor = 2 : i64, sc.parallel_access}
    %scan3A_9 = arith.constant 0 : i32
    %scan3A_10 = arith.constant 81 : i32
    %scan3A_11 = arith.addi %scan3A_9, %scan3A_10 : i32
    %scan3A_12 = arith.constant 1 : i32
    scf.for %scan3A_14 = %scan3A_9 to %scan3A_11 step %scan3A_12  : i32 {
      %mul3A_15 = arith.constant 1 : i32
      %mul3A_16 = arith.muli %scan3A_14, %mul3A_15 : i32
      %add3A_17 = arith.constant 0 : i32
      %add3A_18 = arith.addi %add3A_17, %mul3A_16 : i32
      %scan3A_19 = arith.constant 0 : i32
      %scan3A_20 = arith.constant 8 : i32
      %scan3A_21 = arith.addi %scan3A_19, %scan3A_20 : i32
      %scan3A_22 = arith.constant 1 : i32
      scf.for %scan3A_24 = %scan3A_19 to %scan3A_21 step %scan3A_22  : i32 {
        %mul3A_25 = arith.constant 1 : i32
        %mul3A_26 = arith.muli %scan3A_24, %mul3A_25 : i32
        %add3A_27 = arith.constant 0 : i32
        %add3A_28 = arith.addi %add3A_27, %mul3A_26 : i32
        %mul3A_29 = arith.constant 16 : i32
        %mul3A_30 = arith.muli %add3A_28, %mul3A_29 : i32
        %get3A_31 = arith.index_cast %add3A_18 : i32 to index
        %get3A_32 = arith.index_cast %mul3A_30 : i32 to index
        %get3A_33 = tpu.vector_load %arg13[%get3A_31, %get3A_32] {strides = array<i32>} : memref<81x128xi32, #tpu.memory_space<vmem>>, vector<16xi32>,
        %mul3A_34 = arith.constant 16 : i32
        %mul3A_35 = arith.muli %add3A_28, %mul3A_34 : i32
        %get3A_36 = arith.index_cast %add3A_18 : i32 to index
        %get3A_37 = arith.index_cast %mul3A_35 : i32 to index
        %get3A_38 = tpu.vector_load %arg14[%get3A_36, %get3A_37] {strides = array<i32>} : memref<81x128xf32, #tpu.memory_space<vmem>>, vector<16xf32>,
        %shift_right_logical3A = arith.constant 7 : i32
        %shift_right_logical3A_39 = vector.broadcast %shift_right_logical3A : i32 to vector<16xi32>
        %shift_right_logical3A_40 = arith.shrui %get3A_33, %shift_right_logical3A_39 : vector<16xi32>
        %and3A = arith.constant 127 : i32
        %and3A_41 = vector.broadcast %and3A : i32 to vector<16xi32>
        %and3A_42 = arith.andi %get3A_33, %and3A_41 : vector<16xi32>
        %eq3A = arith.constant 0 : i32
        %eq3A_43 = vector.broadcast %eq3A : i32 to vector<16xi32>
        %eq3A_44 = arith.cmpi eq, %iota3A, %eq3A_43 : vector<16xi32>
        tpu.vector_store_idx %arg15[%shift_right_logical3A_40, %and3A_42], %get3A_38 masked %eq3A_44 {add = true} : memref<80x128xf32, #tpu.memory_space<vmem>>[vector<16xi32>, vector<16xi32>], vector<16xf32>, vector<16xi1>
        %eq3A_45 = arith.constant 1 : i32
        %eq3A_46 = vector.broadcast %eq3A_45 : i32 to vector<16xi32>
        %eq3A_47 = arith.cmpi eq, %iota3A, %eq3A_46 : vector<16xi32>
        tpu.vector_store_idx %arg15[%shift_right_logical3A_40, %and3A_42], %get3A_38 masked %eq3A_47 {add = true} : memref<80x128xf32, #tpu.memory_space<vmem>>[vector<16xi32>, vector<16xi32>], vector<16xf32>, vector<16xi1>
        %eq3A_48 = arith.constant 2 : i32
        %eq3A_49 = vector.broadcast %eq3A_48 : i32 to vector<16xi32>
        %eq3A_50 = arith.cmpi eq, %iota3A, %eq3A_49 : vector<16xi32>
        tpu.vector_store_idx %arg15[%shift_right_logical3A_40, %and3A_42], %get3A_38 masked %eq3A_50 {add = true} : memref<80x128xf32, #tpu.memory_space<vmem>>[vector<16xi32>, vector<16xi32>], vector<16xf32>, vector<16xi1>
        %eq3A_51 = arith.constant 3 : i32
        %eq3A_52 = vector.broadcast %eq3A_51 : i32 to vector<16xi32>
        %eq3A_53 = arith.cmpi eq, %iota3A, %eq3A_52 : vector<16xi32>
        tpu.vector_store_idx %arg15[%shift_right_logical3A_40, %and3A_42], %get3A_38 masked %eq3A_53 {add = true} : memref<80x128xf32, #tpu.memory_space<vmem>>[vector<16xi32>, vector<16xi32>], vector<16xf32>, vector<16xi1>
        %eq3A_54 = arith.constant 4 : i32
        %eq3A_55 = vector.broadcast %eq3A_54 : i32 to vector<16xi32>
        %eq3A_56 = arith.cmpi eq, %iota3A, %eq3A_55 : vector<16xi32>
        tpu.vector_store_idx %arg15[%shift_right_logical3A_40, %and3A_42], %get3A_38 masked %eq3A_56 {add = true} : memref<80x128xf32, #tpu.memory_space<vmem>>[vector<16xi32>, vector<16xi32>], vector<16xf32>, vector<16xi1>
        %eq3A_57 = arith.constant 5 : i32
        %eq3A_58 = vector.broadcast %eq3A_57 : i32 to vector<16xi32>
        %eq3A_59 = arith.cmpi eq, %iota3A, %eq3A_58 : vector<16xi32>
        tpu.vector_store_idx %arg15[%shift_right_logical3A_40, %and3A_42], %get3A_38 masked %eq3A_59 {add = true} : memref<80x128xf32, #tpu.memory_space<vmem>>[vector<16xi32>, vector<16xi32>], vector<16xf32>, vector<16xi1>
        %eq3A_60 = arith.constant 6 : i32
        %eq3A_61 = vector.broadcast %eq3A_60 : i32 to vector<16xi32>
        %eq3A_62 = arith.cmpi eq, %iota3A, %eq3A_61 : vector<16xi32>
        tpu.vector_store_idx %arg15[%shift_right_logical3A_40, %and3A_42], %get3A_38 masked %eq3A_62 {add = true} : memref<80x128xf32, #tpu.memory_space<vmem>>[vector<16xi32>, vector<16xi32>], vector<16xf32>, vector<16xi1>
        %eq3A_63 = arith.constant 7 : i32
        %eq3A_64 = vector.broadcast %eq3A_63 : i32 to vector<16xi32>
        %eq3A_65 = arith.cmpi eq, %iota3A, %eq3A_64 : vector<16xi32>
        tpu.vector_store_idx %arg15[%shift_right_logical3A_40, %and3A_42], %get3A_38 masked %eq3A_65 {add = true} : memref<80x128xf32, #tpu.memory_space<vmem>>[vector<16xi32>, vector<16xi32>], vector<16xf32>, vector<16xi1>
        %eq3A_66 = arith.constant 8 : i32
        %eq3A_67 = vector.broadcast %eq3A_66 : i32 to vector<16xi32>
        %eq3A_68 = arith.cmpi eq, %iota3A, %eq3A_67 : vector<16xi32>
        tpu.vector_store_idx %arg15[%shift_right_logical3A_40, %and3A_42], %get3A_38 masked %eq3A_68 {add = true} : memref<80x128xf32, #tpu.memory_space<vmem>>[vector<16xi32>, vector<16xi32>], vector<16xf32>, vector<16xi1>
        %eq3A_69 = arith.constant 9 : i32
        %eq3A_70 = vector.broadcast %eq3A_69 : i32 to vector<16xi32>
        %eq3A_71 = arith.cmpi eq, %iota3A, %eq3A_70 : vector<16xi32>
        tpu.vector_store_idx %arg15[%shift_right_logical3A_40, %and3A_42], %get3A_38 masked %eq3A_71 {add = true} : memref<80x128xf32, #tpu.memory_space<vmem>>[vector<16xi32>, vector<16xi32>], vector<16xf32>, vector<16xi1>
        %eq3A_72 = arith.constant 10 : i32
        %eq3A_73 = vector.broadcast %eq3A_72 : i32 to vector<16xi32>
        %eq3A_74 = arith.cmpi eq, %iota3A, %eq3A_73 : vector<16xi32>
        tpu.vector_store_idx %arg15[%shift_right_logical3A_40, %and3A_42], %get3A_38 masked %eq3A_74 {add = true} : memref<80x128xf32, #tpu.memory_space<vmem>>[vector<16xi32>, vector<16xi32>], vector<16xf32>, vector<16xi1>
        %eq3A_75 = arith.constant 11 : i32
        %eq3A_76 = vector.broadcast %eq3A_75 : i32 to vector<16xi32>
        %eq3A_77 = arith.cmpi eq, %iota3A, %eq3A_76 : vector<16xi32>
        tpu.vector_store_idx %arg15[%shift_right_logical3A_40, %and3A_42], %get3A_38 masked %eq3A_77 {add = true} : memref<80x128xf32, #tpu.memory_space<vmem>>[vector<16xi32>, vector<16xi32>], vector<16xf32>, vector<16xi1>
        %eq3A_78 = arith.constant 12 : i32
        %eq3A_79 = vector.broadcast %eq3A_78 : i32 to vector<16xi32>
        %eq3A_80 = arith.cmpi eq, %iota3A, %eq3A_79 : vector<16xi32>
        tpu.vector_store_idx %arg15[%shift_right_logical3A_40, %and3A_42], %get3A_38 masked %eq3A_80 {add = true} : memref<80x128xf32, #tpu.memory_space<vmem>>[vector<16xi32>, vector<16xi32>], vector<16xf32>, vector<16xi1>
        %eq3A_81 = arith.constant 13 : i32
        %eq3A_82 = vector.broadcast %eq3A_81 : i32 to vector<16xi32>
        %eq3A_83 = arith.cmpi eq, %iota3A, %eq3A_82 : vector<16xi32>
        tpu.vector_store_idx %arg15[%shift_right_logical3A_40, %and3A_42], %get3A_38 masked %eq3A_83 {add = true} : memref<80x128xf32, #tpu.memory_space<vmem>>[vector<16xi32>, vector<16xi32>], vector<16xf32>, vector<16xi1>
        %eq3A_84 = arith.constant 14 : i32
        %eq3A_85 = vector.broadcast %eq3A_84 : i32 to vector<16xi32>
        %eq3A_86 = arith.cmpi eq, %iota3A, %eq3A_85 : vector<16xi32>
        tpu.vector_store_idx %arg15[%shift_right_logical3A_40, %and3A_42], %get3A_38 masked %eq3A_86 {add = true} : memref<80x128xf32, #tpu.memory_space<vmem>>[vector<16xi32>, vector<16xi32>], vector<16xf32>, vector<16xi1>
        %eq3A_87 = arith.constant 15 : i32
        %eq3A_88 = vector.broadcast %eq3A_87 : i32 to vector<16xi32>
        %eq3A_89 = arith.cmpi eq, %iota3A, %eq3A_88 : vector<16xi32>
        tpu.vector_store_idx %arg15[%shift_right_logical3A_40, %and3A_42], %get3A_38 masked %eq3A_89 {add = true} : memref<80x128xf32, #tpu.memory_space<vmem>>[vector<16xi32>, vector<16xi32>], vector<16xf32>, vector<16xi1>
      }
      %scan3A_23 = arith.constant 8 : i32
    }
    %scan3A_13 = arith.constant 81 : i32
    "tpu.region"() ({
      %run_scoped3A = tpu.sem_alloc : memref<!tpu.dma_semaphore, #tpu.memory_space<semaphore_mem>>
      %dma_start3A = arith.constant 0 : i32
      %dma_start3A_14 = arith.constant 0 : i32
      %dma_start3A_15 = tpu.memref_slice %arg7[%add3A, %dma_start3A, %dma_start3A_14] : memref<32x81x128xf32, #tpu.memory_space<hbm>> -> memref<1x81x128xf32, #tpu.memory_space<hbm>>
      %dma_start3A_16 = tpu.memref_squeeze %dma_start3A_15 : memref<1x81x128xf32, #tpu.memory_space<hbm>> -> memref<81x128xf32, #tpu.memory_space<hbm>>
      %dma_start3A_17 = arith.constant 0 : i32
      %dma_start3A_18 = arith.constant 0 : i32
      %dma_start3A_19 = tpu.memref_slice %arg7[%add3A, %dma_start3A_17, %dma_start3A_18] : memref<32x81x128xf32, #tpu.memory_space<hbm>> -> memref<1x81x128xf32, #tpu.memory_space<hbm>>
      %dma_start3A_20 = tpu.memref_squeeze %dma_start3A_19 : memref<1x81x128xf32, #tpu.memory_space<hbm>> -> memref<81x128xf32, #tpu.memory_space<hbm>>
      tpu.enqueue_dma source(%arg14 : memref<81x128xf32, #tpu.memory_space<vmem>>) target(%dma_start3A_20 : memref<81x128xf32, #tpu.memory_space<hbm>>) target_semaphore(%run_scoped3A : memref<!tpu.dma_semaphore, #tpu.memory_space<semaphore_mem>>)
      %dma_wait3A = arith.constant 0 : i32
      %dma_wait3A_21 = arith.constant 0 : i32
      %dma_wait3A_22 = tpu.memref_slice %arg7[%add3A, %dma_wait3A, %dma_wait3A_21] : memref<32x81x128xf32, #tpu.memory_space<hbm>> -> memref<1x81x128xf32, #tpu.memory_space<hbm>>
      %dma_wait3A_23 = tpu.memref_squeeze %dma_wait3A_22 : memref<1x81x128xf32, #tpu.memory_space<hbm>> -> memref<81x128xf32, #tpu.memory_space<hbm>>
      %dma_wait3A_24 = arith.constant 0 : i32
      %dma_wait3A_25 = arith.constant 0 : i32
      %dma_wait3A_26 = tpu.memref_slice %arg7[%add3A, %dma_wait3A_24, %dma_wait3A_25] : memref<32x81x128xf32, #tpu.memory_space<hbm>> -> memref<1x81x128xf32, #tpu.memory_space<hbm>>
      %dma_wait3A_27 = tpu.memref_squeeze %dma_wait3A_26 : memref<1x81x128xf32, #tpu.memory_space<hbm>> -> memref<81x128xf32, #tpu.memory_space<hbm>>
      tpu.wait_dma2 semaphore(%run_scoped3A : memref<!tpu.dma_semaphore, #tpu.memory_space<semaphore_mem>>) src(%arg14 : memref<81x128xf32, #tpu.memory_space<vmem>>) dst(%dma_wait3A_27 : memref<81x128xf32, #tpu.memory_space<hbm>>)
      tpu.yield
    }) : () -> ()
    "tpu.region"() ({
      %run_scoped3A = tpu.sem_alloc : memref<!tpu.dma_semaphore, #tpu.memory_space<semaphore_mem>>
      %dma_start3A = arith.constant 0 : i32
      %dma_start3A_14 = arith.constant 0 : i32
      %dma_start3A_15 = tpu.memref_slice %arg8[%arg0, %arg1, %dma_start3A, %dma_start3A_14] : memref<2x16x80x128xf32, #tpu.memory_space<hbm>> -> memref<1x1x80x128xf32, #tpu.memory_space<hbm>>
      %dma_start3A_16 = tpu.memref_squeeze %dma_start3A_15 : memref<1x1x80x128xf32, #tpu.memory_space<hbm>> -> memref<80x128xf32, #tpu.memory_space<hbm>>
      %dma_start3A_17 = arith.constant 0 : i32
      %dma_start3A_18 = arith.constant 0 : i32
      %dma_start3A_19 = tpu.memref_slice %arg8[%arg0, %arg1, %dma_start3A_17, %dma_start3A_18] : memref<2x16x80x128xf32, #tpu.memory_space<hbm>> -> memref<1x1x80x128xf32, #tpu.memory_space<hbm>>
      %dma_start3A_20 = tpu.memref_squeeze %dma_start3A_19 : memref<1x1x80x128xf32, #tpu.memory_space<hbm>> -> memref<80x128xf32, #tpu.memory_space<hbm>>
      tpu.enqueue_dma source(%arg15 : memref<80x128xf32, #tpu.memory_space<vmem>>) target(%dma_start3A_20 : memref<80x128xf32, #tpu.memory_space<hbm>>) target_semaphore(%run_scoped3A : memref<!tpu.dma_semaphore, #tpu.memory_space<semaphore_mem>>)
      %dma_wait3A = arith.constant 0 : i32
      %dma_wait3A_21 = arith.constant 0 : i32
      %dma_wait3A_22 = tpu.memref_slice %arg8[%arg0, %arg1, %dma_wait3A, %dma_wait3A_21] : memref<2x16x80x128xf32, #tpu.memory_space<hbm>> -> memref<1x1x80x128xf32, #tpu.memory_space<hbm>>
      %dma_wait3A_23 = tpu.memref_squeeze %dma_wait3A_22 : memref<1x1x80x128xf32, #tpu.memory_space<hbm>> -> memref<80x128xf32, #tpu.memory_space<hbm>>
      %dma_wait3A_24 = arith.constant 0 : i32
      %dma_wait3A_25 = arith.constant 0 : i32
      %dma_wait3A_26 = tpu.memref_slice %arg8[%arg0, %arg1, %dma_wait3A_24, %dma_wait3A_25] : memref<2x16x80x128xf32, #tpu.memory_space<hbm>> -> memref<1x1x80x128xf32, #tpu.memory_space<hbm>>
      %dma_wait3A_27 = tpu.memref_squeeze %dma_wait3A_26 : memref<1x1x80x128xf32, #tpu.memory_space<hbm>> -> memref<80x128xf32, #tpu.memory_space<hbm>>
      tpu.wait_dma2 semaphore(%run_scoped3A : memref<!tpu.dma_semaphore, #tpu.memory_space<semaphore_mem>>) src(%arg15 : memref<80x128xf32, #tpu.memory_space<vmem>>) dst(%dma_wait3A_27 : memref<80x128xf32, #tpu.memory_space<hbm>>)
      tpu.yield
    }) : () -> ()
    return
  }
}

#map = affine_map<(d0, d1) -> (0, 0)>
#map1 = affine_map<(d0, d1) -> (0, 0, 0, 0)>
#map2 = affine_map<(d0, d1) -> (0, 0, 0)>
module attributes {stable_mosaic.version = 14 : i64} {
  func.func @_sc_a_body(%arg0: i32, %arg1: i32, %arg2: memref<10240x128xf32, #tpu.memory_space<hbm>>, %arg3: memref<32x3x27x128xi32, #tpu.memory_space<hbm>>, %arg4: memref<32x3x27x128xi32, #tpu.memory_space<hbm>>, %arg5: memref<32x3x27x128xf32, #tpu.memory_space<hbm>>, %arg6: memref<10240x128xf32, #tpu.memory_space<hbm>>, %arg7: memref<2x10240x128xf32, #tpu.memory_space<hbm>>, %arg8: memref<27x128xi32, #tpu.memory_space<vmem>>, %arg9: memref<27x128xi32, #tpu.memory_space<vmem>>, %arg10: memref<27x128xf32, #tpu.memory_space<vmem>>, %arg11: memref<128x128xf32, #tpu.memory_space<vmem>>, %arg12: memref<128x128xf32, #tpu.memory_space<vmem>>, %arg13: memref<10240x128xf32, #tpu.memory_space<vmem_shared>>, %arg14: memref<!tpu.dma_semaphore, #tpu.memory_space<semaphore_mem>>, %arg15: memref<!tpu.dma_semaphore, #tpu.memory_space<semaphore_mem>>) attributes {dimension_semantics = [#tpu.dimension_semantics<core_parallel>, #tpu.dimension_semantics<subcore_parallel>], iteration_bounds = array<i64: 2, 16>, scalar_prefetch = 0 : i64, scratch_operands = 8 : i64, tpu.core_type = #tpu.core_type<sc_vector_subcore>, window_params = [{transform_indices = #map}, {transform_indices = #map1}, {transform_indices = #map1}, {transform_indices = #map1}, {transform_indices = #map}, {transform_indices = #map2}]} {
    %mul3A = arith.constant 2 : i32
    %mul3A_0 = arith.muli %arg1, %mul3A : i32
    %add3A = arith.addi %mul3A_0, %arg0 : i32
    %mul3A_1 = arith.constant 640 : i32
    %mul3A_2 = arith.muli %arg1, %mul3A_1 : i32
    %mul3A_3 = arith.constant 640 : i32
    %mul3A_4 = arith.muli %arg1, %mul3A_3 : i32
    "tpu.region"() ({
      %run_scoped3A = tpu.sem_alloc : memref<!tpu.dma_semaphore, #tpu.memory_space<semaphore_mem>>
      %dma_start3A = arith.constant 0 : i32
      %dma_start3A_14 = tpu.memref_slice %arg13[%mul3A_4, %dma_start3A] : memref<10240x128xf32, #tpu.memory_space<vmem_shared>> -> memref<640x128xf32, #tpu.memory_space<vmem_shared>>
      %dma_start3A_15 = arith.constant 0 : i32
      %dma_start3A_16 = tpu.memref_slice %arg6[%mul3A_2, %dma_start3A_15] : memref<10240x128xf32, #tpu.memory_space<hbm>> -> memref<640x128xf32, #tpu.memory_space<hbm>>
      tpu.enqueue_dma source(%dma_start3A_16 : memref<640x128xf32, #tpu.memory_space<hbm>>) target(%dma_start3A_14 : memref<640x128xf32, #tpu.memory_space<vmem_shared>>) target_semaphore(%run_scoped3A : memref<!tpu.dma_semaphore, #tpu.memory_space<semaphore_mem>>)
      %dma_wait3A = arith.constant 0 : i32
      %dma_wait3A_17 = tpu.memref_slice %arg13[%mul3A_4, %dma_wait3A] : memref<10240x128xf32, #tpu.memory_space<vmem_shared>> -> memref<640x128xf32, #tpu.memory_space<vmem_shared>>
      %dma_wait3A_18 = arith.constant 0 : i32
      %dma_wait3A_19 = tpu.memref_slice %arg6[%mul3A_2, %dma_wait3A_18] : memref<10240x128xf32, #tpu.memory_space<hbm>> -> memref<640x128xf32, #tpu.memory_space<hbm>>
      tpu.wait_dma2 semaphore(%run_scoped3A : memref<!tpu.dma_semaphore, #tpu.memory_space<semaphore_mem>>) src(%dma_wait3A_19 : memref<640x128xf32, #tpu.memory_space<hbm>>) dst(%dma_wait3A_17 : memref<640x128xf32, #tpu.memory_space<vmem_shared>>)
      tpu.yield
    }) : () -> ()
    %barrier3A = arith.constant 0 : index
    tpu.barrier barrier_id(%barrier3A)
    %scan3A = arith.constant 0 : i32
    %scan3A_5 = arith.constant 3 : i32
    %scan3A_6 = arith.addi %scan3A, %scan3A_5 : i32
    %scan3A_7 = arith.constant 1 : i32
    scf.for %scan3A_14 = %scan3A to %scan3A_6 step %scan3A_7  : i32 {
      %mul3A_15 = arith.constant 1 : i32
      %mul3A_16 = arith.muli %scan3A_14, %mul3A_15 : i32
      %add3A_17 = arith.constant 0 : i32
      %add3A_18 = arith.addi %add3A_17, %mul3A_16 : i32
      "tpu.region"() ({
        %run_scoped3A_39 = tpu.sem_alloc : memref<!tpu.dma_semaphore, #tpu.memory_space<semaphore_mem>>
        %dma_start3A_40 = arith.constant 0 : i32
        %dma_start3A_41 = arith.constant 0 : i32
        %dma_start3A_42 = tpu.memref_slice %arg3[%add3A, %add3A_18, %dma_start3A_40, %dma_start3A_41] : memref<32x3x27x128xi32, #tpu.memory_space<hbm>> -> memref<1x1x27x128xi32, #tpu.memory_space<hbm>>
        %dma_start3A_43 = tpu.memref_squeeze %dma_start3A_42 : memref<1x1x27x128xi32, #tpu.memory_space<hbm>> -> memref<27x128xi32, #tpu.memory_space<hbm>>
        %dma_start3A_44 = arith.constant 0 : i32
        %dma_start3A_45 = arith.constant 0 : i32
        %dma_start3A_46 = tpu.memref_slice %arg3[%add3A, %add3A_18, %dma_start3A_44, %dma_start3A_45] : memref<32x3x27x128xi32, #tpu.memory_space<hbm>> -> memref<1x1x27x128xi32, #tpu.memory_space<hbm>>
        %dma_start3A_47 = tpu.memref_squeeze %dma_start3A_46 : memref<1x1x27x128xi32, #tpu.memory_space<hbm>> -> memref<27x128xi32, #tpu.memory_space<hbm>>
        tpu.enqueue_dma source(%dma_start3A_47 : memref<27x128xi32, #tpu.memory_space<hbm>>) target(%arg8 : memref<27x128xi32, #tpu.memory_space<vmem>>) target_semaphore(%run_scoped3A_39 : memref<!tpu.dma_semaphore, #tpu.memory_space<semaphore_mem>>)
        %dma_wait3A_48 = arith.constant 0 : i32
        %dma_wait3A_49 = arith.constant 0 : i32
        %dma_wait3A_50 = tpu.memref_slice %arg3[%add3A, %add3A_18, %dma_wait3A_48, %dma_wait3A_49] : memref<32x3x27x128xi32, #tpu.memory_space<hbm>> -> memref<1x1x27x128xi32, #tpu.memory_space<hbm>>
        %dma_wait3A_51 = tpu.memref_squeeze %dma_wait3A_50 : memref<1x1x27x128xi32, #tpu.memory_space<hbm>> -> memref<27x128xi32, #tpu.memory_space<hbm>>
        %dma_wait3A_52 = arith.constant 0 : i32
        %dma_wait3A_53 = arith.constant 0 : i32
        %dma_wait3A_54 = tpu.memref_slice %arg3[%add3A, %add3A_18, %dma_wait3A_52, %dma_wait3A_53] : memref<32x3x27x128xi32, #tpu.memory_space<hbm>> -> memref<1x1x27x128xi32, #tpu.memory_space<hbm>>
        %dma_wait3A_55 = tpu.memref_squeeze %dma_wait3A_54 : memref<1x1x27x128xi32, #tpu.memory_space<hbm>> -> memref<27x128xi32, #tpu.memory_space<hbm>>
        tpu.wait_dma2 semaphore(%run_scoped3A_39 : memref<!tpu.dma_semaphore, #tpu.memory_space<semaphore_mem>>) src(%dma_wait3A_55 : memref<27x128xi32, #tpu.memory_space<hbm>>) dst(%arg8 : memref<27x128xi32, #tpu.memory_space<vmem>>)
        tpu.yield
      }) : () -> ()
      "tpu.region"() ({
        %run_scoped3A_39 = tpu.sem_alloc : memref<!tpu.dma_semaphore, #tpu.memory_space<semaphore_mem>>
        %dma_start3A_40 = arith.constant 0 : i32
        %dma_start3A_41 = arith.constant 0 : i32
        %dma_start3A_42 = tpu.memref_slice %arg4[%add3A, %add3A_18, %dma_start3A_40, %dma_start3A_41] : memref<32x3x27x128xi32, #tpu.memory_space<hbm>> -> memref<1x1x27x128xi32, #tpu.memory_space<hbm>>
        %dma_start3A_43 = tpu.memref_squeeze %dma_start3A_42 : memref<1x1x27x128xi32, #tpu.memory_space<hbm>> -> memref<27x128xi32, #tpu.memory_space<hbm>>
        %dma_start3A_44 = arith.constant 0 : i32
        %dma_start3A_45 = arith.constant 0 : i32
        %dma_start3A_46 = tpu.memref_slice %arg4[%add3A, %add3A_18, %dma_start3A_44, %dma_start3A_45] : memref<32x3x27x128xi32, #tpu.memory_space<hbm>> -> memref<1x1x27x128xi32, #tpu.memory_space<hbm>>
        %dma_start3A_47 = tpu.memref_squeeze %dma_start3A_46 : memref<1x1x27x128xi32, #tpu.memory_space<hbm>> -> memref<27x128xi32, #tpu.memory_space<hbm>>
        tpu.enqueue_dma source(%dma_start3A_47 : memref<27x128xi32, #tpu.memory_space<hbm>>) target(%arg9 : memref<27x128xi32, #tpu.memory_space<vmem>>) target_semaphore(%run_scoped3A_39 : memref<!tpu.dma_semaphore, #tpu.memory_space<semaphore_mem>>)
        %dma_wait3A_48 = arith.constant 0 : i32
        %dma_wait3A_49 = arith.constant 0 : i32
        %dma_wait3A_50 = tpu.memref_slice %arg4[%add3A, %add3A_18, %dma_wait3A_48, %dma_wait3A_49] : memref<32x3x27x128xi32, #tpu.memory_space<hbm>> -> memref<1x1x27x128xi32, #tpu.memory_space<hbm>>
        %dma_wait3A_51 = tpu.memref_squeeze %dma_wait3A_50 : memref<1x1x27x128xi32, #tpu.memory_space<hbm>> -> memref<27x128xi32, #tpu.memory_space<hbm>>
        %dma_wait3A_52 = arith.constant 0 : i32
        %dma_wait3A_53 = arith.constant 0 : i32
        %dma_wait3A_54 = tpu.memref_slice %arg4[%add3A, %add3A_18, %dma_wait3A_52, %dma_wait3A_53] : memref<32x3x27x128xi32, #tpu.memory_space<hbm>> -> memref<1x1x27x128xi32, #tpu.memory_space<hbm>>
        %dma_wait3A_55 = tpu.memref_squeeze %dma_wait3A_54 : memref<1x1x27x128xi32, #tpu.memory_space<hbm>> -> memref<27x128xi32, #tpu.memory_space<hbm>>
        tpu.wait_dma2 semaphore(%run_scoped3A_39 : memref<!tpu.dma_semaphore, #tpu.memory_space<semaphore_mem>>) src(%dma_wait3A_55 : memref<27x128xi32, #tpu.memory_space<hbm>>) dst(%arg9 : memref<27x128xi32, #tpu.memory_space<vmem>>)
        tpu.yield
      }) : () -> ()
      "tpu.region"() ({
        %run_scoped3A_39 = tpu.sem_alloc : memref<!tpu.dma_semaphore, #tpu.memory_space<semaphore_mem>>
        %dma_start3A_40 = arith.constant 0 : i32
        %dma_start3A_41 = arith.constant 0 : i32
        %dma_start3A_42 = tpu.memref_slice %arg5[%add3A, %add3A_18, %dma_start3A_40, %dma_start3A_41] : memref<32x3x27x128xf32, #tpu.memory_space<hbm>> -> memref<1x1x27x128xf32, #tpu.memory_space<hbm>>
        %dma_start3A_43 = tpu.memref_squeeze %dma_start3A_42 : memref<1x1x27x128xf32, #tpu.memory_space<hbm>> -> memref<27x128xf32, #tpu.memory_space<hbm>>
        %dma_start3A_44 = arith.constant 0 : i32
        %dma_start3A_45 = arith.constant 0 : i32
        %dma_start3A_46 = tpu.memref_slice %arg5[%add3A, %add3A_18, %dma_start3A_44, %dma_start3A_45] : memref<32x3x27x128xf32, #tpu.memory_space<hbm>> -> memref<1x1x27x128xf32, #tpu.memory_space<hbm>>
        %dma_start3A_47 = tpu.memref_squeeze %dma_start3A_46 : memref<1x1x27x128xf32, #tpu.memory_space<hbm>> -> memref<27x128xf32, #tpu.memory_space<hbm>>
        tpu.enqueue_dma source(%dma_start3A_47 : memref<27x128xf32, #tpu.memory_space<hbm>>) target(%arg10 : memref<27x128xf32, #tpu.memory_space<vmem>>) target_semaphore(%run_scoped3A_39 : memref<!tpu.dma_semaphore, #tpu.memory_space<semaphore_mem>>)
        %dma_wait3A_48 = arith.constant 0 : i32
        %dma_wait3A_49 = arith.constant 0 : i32
        %dma_wait3A_50 = tpu.memref_slice %arg5[%add3A, %add3A_18, %dma_wait3A_48, %dma_wait3A_49] : memref<32x3x27x128xf32, #tpu.memory_space<hbm>> -> memref<1x1x27x128xf32, #tpu.memory_space<hbm>>
        %dma_wait3A_51 = tpu.memref_squeeze %dma_wait3A_50 : memref<1x1x27x128xf32, #tpu.memory_space<hbm>> -> memref<27x128xf32, #tpu.memory_space<hbm>>
        %dma_wait3A_52 = arith.constant 0 : i32
        %dma_wait3A_53 = arith.constant 0 : i32
        %dma_wait3A_54 = tpu.memref_slice %arg5[%add3A, %add3A_18, %dma_wait3A_52, %dma_wait3A_53] : memref<32x3x27x128xf32, #tpu.memory_space<hbm>> -> memref<1x1x27x128xf32, #tpu.memory_space<hbm>>
        %dma_wait3A_55 = tpu.memref_squeeze %dma_wait3A_54 : memref<1x1x27x128xf32, #tpu.memory_space<hbm>> -> memref<27x128xf32, #tpu.memory_space<hbm>>
        tpu.wait_dma2 semaphore(%run_scoped3A_39 : memref<!tpu.dma_semaphore, #tpu.memory_space<semaphore_mem>>) src(%dma_wait3A_55 : memref<27x128xf32, #tpu.memory_space<hbm>>) dst(%arg10 : memref<27x128xf32, #tpu.memory_space<vmem>>)
        tpu.yield
      }) : () -> ()
      %dma_start3A = arith.constant 0 : i32
      %dma_start3A_19 = arith.constant 0 : i32
      %dma_start3A_20 = tpu.memref_slice %arg8[%dma_start3A, %dma_start3A_19] : memref<27x128xi32, #tpu.memory_space<vmem>> -> memref<1x128xi32, #tpu.memory_space<vmem>>
      %dma_start3A_21 = tpu.memref_squeeze %dma_start3A_20 : memref<1x128xi32, #tpu.memory_space<vmem>> -> memref<128xi32, #tpu.memory_space<vmem>>
      %dma_start3A_22 = arith.constant 0 : i32
      %dma_start3A_23 = arith.constant 0 : i32
      %dma_start3A_24 = tpu.memref_slice %arg2[%dma_start3A_22, %dma_start3A_23] : memref<10240x128xf32, #tpu.memory_space<hbm>> -> memref<10240x128xf32, #tpu.memory_space<hbm>>
      tpu.enqueue_indirect_dma source(%dma_start3A_24 : memref<10240x128xf32, #tpu.memory_space<hbm>>) target(%arg11 : memref<128x128xf32, #tpu.memory_space<vmem>>) offsets(%dma_start3A_21 : memref<128xi32, #tpu.memory_space<vmem>>) semaphore(%arg14 : memref<!tpu.dma_semaphore, #tpu.memory_space<semaphore_mem>>)
      %scan3A_25 = arith.constant 0 : i32
      %scan3A_26 = arith.constant 13 : i32
      %scan3A_27 = arith.addi %scan3A_25, %scan3A_26 : i32
      %scan3A_28 = arith.constant 1 : i32
      scf.for %scan3A_39 = %scan3A_25 to %scan3A_27 step %scan3A_28  : i32 {
        %mul3A_40 = arith.constant 1 : i32
        %mul3A_41 = arith.muli %scan3A_39, %mul3A_40 : i32
        %add3A_42 = arith.constant 0 : i32
        %add3A_43 = arith.addi %add3A_42, %mul3A_41 : i32
        %mul3A_44 = arith.constant 2 : i32
        %mul3A_45 = arith.muli %mul3A_44, %add3A_43 : i32
        %add3A_46 = arith.constant 1 : i32
        %add3A_47 = arith.addi %mul3A_45, %add3A_46 : i32
        %dma_start3A_48 = arith.constant 0 : i32
        %dma_start3A_49 = tpu.memref_slice %arg8[%add3A_47, %dma_start3A_48] : memref<27x128xi32, #tpu.memory_space<vmem>> -> memref<1x128xi32, #tpu.memory_space<vmem>>
        %dma_start3A_50 = tpu.memref_squeeze %dma_start3A_49 : memref<1x128xi32, #tpu.memory_space<vmem>> -> memref<128xi32, #tpu.memory_space<vmem>>
        %dma_start3A_51 = arith.constant 0 : i32
        %dma_start3A_52 = arith.constant 0 : i32
        %dma_start3A_53 = tpu.memref_slice %arg2[%dma_start3A_51, %dma_start3A_52] : memref<10240x128xf32, #tpu.memory_space<hbm>> -> memref<10240x128xf32, #tpu.memory_space<hbm>>
        tpu.enqueue_indirect_dma source(%dma_start3A_53 : memref<10240x128xf32, #tpu.memory_space<hbm>>) target(%arg12 : memref<128x128xf32, #tpu.memory_space<vmem>>) offsets(%dma_start3A_50 : memref<128xi32, #tpu.memory_space<vmem>>) semaphore(%arg15 : memref<!tpu.dma_semaphore, #tpu.memory_space<semaphore_mem>>)
        %dma_wait3A_54 = arith.constant 0 : i32
        %dma_wait3A_55 = tpu.memref_slice %arg8[%mul3A_45, %dma_wait3A_54] : memref<27x128xi32, #tpu.memory_space<vmem>> -> memref<1x128xi32, #tpu.memory_space<vmem>>
        %dma_wait3A_56 = tpu.memref_squeeze %dma_wait3A_55 : memref<1x128xi32, #tpu.memory_space<vmem>> -> memref<128xi32, #tpu.memory_space<vmem>>
        %dma_wait3A_57 = arith.constant 0 : i32
        %dma_wait3A_58 = arith.constant 0 : i32
        %dma_wait3A_59 = tpu.memref_slice %arg2[%dma_wait3A_57, %dma_wait3A_58] : memref<10240x128xf32, #tpu.memory_space<hbm>> -> memref<10240x128xf32, #tpu.memory_space<hbm>>
        tpu.wait_indirect_dma semaphore(%arg14 : memref<!tpu.dma_semaphore, #tpu.memory_space<semaphore_mem>>) src(%dma_wait3A_59 : memref<10240x128xf32, #tpu.memory_space<hbm>>) dst(%arg11 : memref<128x128xf32, #tpu.memory_space<vmem>>)
        %broadcast_in_dim3A_60 = vector.broadcast %mul3A_45 : i32 to vector<16xi32>
        %parallel_loop3A_61 = arith.constant 0 : i32
        %parallel_loop3A_62 = arith.constant 128 : i32
        %parallel_loop3A_63 = arith.constant 1 : i32
        scf.for %parallel_loop3A_86 = %parallel_loop3A_61 to %parallel_loop3A_62 step %parallel_loop3A_63  : i32 {
          %parallel_loop3A_87 = vector.broadcast %parallel_loop3A_86 : i32 to vector<16xi32>
          %parallel_loop3A_88 = tpu.vector_load_idx %arg10[%broadcast_in_dim3A_60, %parallel_loop3A_87] : memref<27x128xf32, #tpu.memory_space<vmem>>[vector<16xi32>, vector<16xi32>], vector<16xf32>,
          %parallel_loop3A_89 = arith.index_cast %parallel_loop3A_86 : i32 to index
          %parallel_loop3A_90 = arith.constant 0 : index
          %parallel_loop3A_91 = tpu.vector_load %arg11[%parallel_loop3A_89, %parallel_loop3A_90] {strides = array<i32>} : memref<128x128xf32, #tpu.memory_space<vmem>>, vector<16xf32>,
          %parallel_loop3A_92 = arith.mulf %parallel_loop3A_91, %parallel_loop3A_88 : vector<16xf32>
          %parallel_loop3A_93 = arith.index_cast %parallel_loop3A_86 : i32 to index
          %parallel_loop3A_94 = arith.constant 0 : index
          %parallel_loop3A_95 = tpu.vector_load %arg11[%parallel_loop3A_93, %parallel_loop3A_94] {strides = array<i32>} : memref<128x128xf32, #tpu.memory_space<vmem>>, vector<16xf32>,
          tpu.vector_store %arg11[%parallel_loop3A_93, %parallel_loop3A_94], %parallel_loop3A_92 {strides = array<i32>} : memref<128x128xf32, #tpu.memory_space<vmem>>, vector<16xf32>,
          %parallel_loop3A_96 = arith.index_cast %parallel_loop3A_86 : i32 to index
          %parallel_loop3A_97 = arith.constant 16 : index
          %parallel_loop3A_98 = tpu.vector_load %arg11[%parallel_loop3A_96, %parallel_loop3A_97] {strides = array<i32>} : memref<128x128xf32, #tpu.memory_space<vmem>>, vector<16xf32>,
          %parallel_loop3A_99 = arith.mulf %parallel_loop3A_98, %parallel_loop3A_88 : vector<16xf32>
          %parallel_loop3A_100 = arith.index_cast %parallel_loop3A_86 : i32 to index
          %parallel_loop3A_101 = arith.constant 16 : index
          %parallel_loop3A_102 = tpu.vector_load %arg11[%parallel_loop3A_100, %parallel_loop3A_101] {strides = array<i32>} : memref<128x128xf32, #tpu.memory_space<vmem>>, vector<16xf32>,
          tpu.vector_store %arg11[%parallel_loop3A_100, %parallel_loop3A_101], %parallel_loop3A_99 {strides = array<i32>} : memref<128x128xf32, #tpu.memory_space<vmem>>, vector<16xf32>,
          %parallel_loop3A_103 = arith.index_cast %parallel_loop3A_86 : i32 to index
          %parallel_loop3A_104 = arith.constant 32 : index
          %parallel_loop3A_105 = tpu.vector_load %arg11[%parallel_loop3A_103, %parallel_loop3A_104] {strides = array<i32>} : memref<128x128xf32, #tpu.memory_space<vmem>>, vector<16xf32>,
          %parallel_loop3A_106 = arith.mulf %parallel_loop3A_105, %parallel_loop3A_88 : vector<16xf32>
          %parallel_loop3A_107 = arith.index_cast %parallel_loop3A_86 : i32 to index
          %parallel_loop3A_108 = arith.constant 32 : index
          %parallel_loop3A_109 = tpu.vector_load %arg11[%parallel_loop3A_107, %parallel_loop3A_108] {strides = array<i32>} : memref<128x128xf32, #tpu.memory_space<vmem>>, vector<16xf32>,
          tpu.vector_store %arg11[%parallel_loop3A_107, %parallel_loop3A_108], %parallel_loop3A_106 {strides = array<i32>} : memref<128x128xf32, #tpu.memory_space<vmem>>, vector<16xf32>,
          %parallel_loop3A_110 = arith.index_cast %parallel_loop3A_86 : i32 to index
          %parallel_loop3A_111 = arith.constant 48 : index
          %parallel_loop3A_112 = tpu.vector_load %arg11[%parallel_loop3A_110, %parallel_loop3A_111] {strides = array<i32>} : memref<128x128xf32, #tpu.memory_space<vmem>>, vector<16xf32>,
          %parallel_loop3A_113 = arith.mulf %parallel_loop3A_112, %parallel_loop3A_88 : vector<16xf32>
          %parallel_loop3A_114 = arith.index_cast %parallel_loop3A_86 : i32 to index
          %parallel_loop3A_115 = arith.constant 48 : index
          %parallel_loop3A_116 = tpu.vector_load %arg11[%parallel_loop3A_114, %parallel_loop3A_115] {strides = array<i32>} : memref<128x128xf32, #tpu.memory_space<vmem>>, vector<16xf32>,
          tpu.vector_store %arg11[%parallel_loop3A_114, %parallel_loop3A_115], %parallel_loop3A_113 {strides = array<i32>} : memref<128x128xf32, #tpu.memory_space<vmem>>, vector<16xf32>,
          %parallel_loop3A_117 = arith.index_cast %parallel_loop3A_86 : i32 to index
          %parallel_loop3A_118 = arith.constant 64 : index
          %parallel_loop3A_119 = tpu.vector_load %arg11[%parallel_loop3A_117, %parallel_loop3A_118] {strides = array<i32>} : memref<128x128xf32, #tpu.memory_space<vmem>>, vector<16xf32>,
          %parallel_loop3A_120 = arith.mulf %parallel_loop3A_119, %parallel_loop3A_88 : vector<16xf32>
          %parallel_loop3A_121 = arith.index_cast %parallel_loop3A_86 : i32 to index
          %parallel_loop3A_122 = arith.constant 64 : index
          %parallel_loop3A_123 = tpu.vector_load %arg11[%parallel_loop3A_121, %parallel_loop3A_122] {strides = array<i32>} : memref<128x128xf32, #tpu.memory_space<vmem>>, vector<16xf32>,
          tpu.vector_store %arg11[%parallel_loop3A_121, %parallel_loop3A_122], %parallel_loop3A_120 {strides = array<i32>} : memref<128x128xf32, #tpu.memory_space<vmem>>, vector<16xf32>,
          %parallel_loop3A_124 = arith.index_cast %parallel_loop3A_86 : i32 to index
          %parallel_loop3A_125 = arith.constant 80 : index
          %parallel_loop3A_126 = tpu.vector_load %arg11[%parallel_loop3A_124, %parallel_loop3A_125] {strides = array<i32>} : memref<128x128xf32, #tpu.memory_space<vmem>>, vector<16xf32>,
          %parallel_loop3A_127 = arith.mulf %parallel_loop3A_126, %parallel_loop3A_88 : vector<16xf32>
          %parallel_loop3A_128 = arith.index_cast %parallel_loop3A_86 : i32 to index
          %parallel_loop3A_129 = arith.constant 80 : index
          %parallel_loop3A_130 = tpu.vector_load %arg11[%parallel_loop3A_128, %parallel_loop3A_129] {strides = array<i32>} : memref<128x128xf32, #tpu.memory_space<vmem>>, vector<16xf32>,
          tpu.vector_store %arg11[%parallel_loop3A_128, %parallel_loop3A_129], %parallel_loop3A_127 {strides = array<i32>} : memref<128x128xf32, #tpu.memory_space<vmem>>, vector<16xf32>,
          %parallel_loop3A_131 = arith.index_cast %parallel_loop3A_86 : i32 to index
          %parallel_loop3A_132 = arith.constant 96 : index
          %parallel_loop3A_133 = tpu.vector_load %arg11[%parallel_loop3A_131, %parallel_loop3A_132] {strides = array<i32>} : memref<128x128xf32, #tpu.memory_space<vmem>>, vector<16xf32>,
          %parallel_loop3A_134 = arith.mulf %parallel_loop3A_133, %parallel_loop3A_88 : vector<16xf32>
          %parallel_loop3A_135 = arith.index_cast %parallel_loop3A_86 : i32 to index
          %parallel_loop3A_136 = arith.constant 96 : index
          %parallel_loop3A_137 = tpu.vector_load %arg11[%parallel_loop3A_135, %parallel_loop3A_136] {strides = array<i32>} : memref<128x128xf32, #tpu.memory_space<vmem>>, vector<16xf32>,
          tpu.vector_store %arg11[%parallel_loop3A_135, %parallel_loop3A_136], %parallel_loop3A_134 {strides = array<i32>} : memref<128x128xf32, #tpu.memory_space<vmem>>, vector<16xf32>,
          %parallel_loop3A_138 = arith.index_cast %parallel_loop3A_86 : i32 to index
          %parallel_loop3A_139 = arith.constant 112 : index
          %parallel_loop3A_140 = tpu.vector_load %arg11[%parallel_loop3A_138, %parallel_loop3A_139] {strides = array<i32>} : memref<128x128xf32, #tpu.memory_space<vmem>>, vector<16xf32>,
          %parallel_loop3A_141 = arith.mulf %parallel_loop3A_140, %parallel_loop3A_88 : vector<16xf32>
          %parallel_loop3A_142 = arith.index_cast %parallel_loop3A_86 : i32 to index
          %parallel_loop3A_143 = arith.constant 112 : index
          %parallel_loop3A_144 = tpu.vector_load %arg11[%parallel_loop3A_142, %parallel_loop3A_143] {strides = array<i32>} : memref<128x128xf32, #tpu.memory_space<vmem>>, vector<16xf32>,
          tpu.vector_store %arg11[%parallel_loop3A_142, %parallel_loop3A_143], %parallel_loop3A_141 {strides = array<i32>} : memref<128x128xf32, #tpu.memory_space<vmem>>, vector<16xf32>,
        } {sc.loop_unroll_factor = 8 : i64, sc.parallel_access}
        "tpu.region"() ({
          %run_scoped3A_86 = tpu.sem_alloc : memref<!tpu.dma_semaphore, #tpu.memory_space<semaphore_mem>>
          %dma_start3A_87 = arith.constant 0 : i32
          %dma_start3A_88 = tpu.memref_slice %arg9[%mul3A_45, %dma_start3A_87] : memref<27x128xi32, #tpu.memory_space<vmem>> -> memref<1x128xi32, #tpu.memory_space<vmem>>
          %dma_start3A_89 = tpu.memref_squeeze %dma_start3A_88 : memref<1x128xi32, #tpu.memory_space<vmem>> -> memref<128xi32, #tpu.memory_space<vmem>>
          %dma_start3A_90 = arith.constant 0 : i32
          %dma_start3A_91 = arith.constant 0 : i32
          %dma_start3A_92 = tpu.memref_slice %arg13[%dma_start3A_90, %dma_start3A_91] : memref<10240x128xf32, #tpu.memory_space<vmem_shared>> -> memref<10240x128xf32, #tpu.memory_space<vmem_shared>>
          tpu.enqueue_indirect_dma source(%arg11 : memref<128x128xf32, #tpu.memory_space<vmem>>) target(%dma_start3A_92 : memref<10240x128xf32, #tpu.memory_space<vmem_shared>>) offsets(%dma_start3A_89 : memref<128xi32, #tpu.memory_space<vmem>>) semaphore(%run_scoped3A_86 : memref<!tpu.dma_semaphore, #tpu.memory_space<semaphore_mem>>) {add = true}
          %dma_wait3A_93 = arith.constant 0 : i32
          %dma_wait3A_94 = tpu.memref_slice %arg9[%mul3A_45, %dma_wait3A_93] : memref<27x128xi32, #tpu.memory_space<vmem>> -> memref<1x128xi32, #tpu.memory_space<vmem>>
          %dma_wait3A_95 = tpu.memref_squeeze %dma_wait3A_94 : memref<1x128xi32, #tpu.memory_space<vmem>> -> memref<128xi32, #tpu.memory_space<vmem>>
          %dma_wait3A_96 = arith.constant 0 : i32
          %dma_wait3A_97 = arith.constant 0 : i32
          %dma_wait3A_98 = tpu.memref_slice %arg13[%dma_wait3A_96, %dma_wait3A_97] : memref<10240x128xf32, #tpu.memory_space<vmem_shared>> -> memref<10240x128xf32, #tpu.memory_space<vmem_shared>>
          tpu.wait_indirect_dma semaphore(%run_scoped3A_86 : memref<!tpu.dma_semaphore, #tpu.memory_space<semaphore_mem>>) src(%arg11 : memref<128x128xf32, #tpu.memory_space<vmem>>) dst(%dma_wait3A_98 : memref<10240x128xf32, #tpu.memory_space<vmem_shared>>)
          tpu.yield
        }) : () -> ()
        %add3A_64 = arith.constant 2 : i32
        %add3A_65 = arith.addi %mul3A_45, %add3A_64 : i32
        %dma_start3A_66 = arith.constant 0 : i32
        %dma_start3A_67 = tpu.memref_slice %arg8[%add3A_65, %dma_start3A_66] : memref<27x128xi32, #tpu.memory_space<vmem>> -> memref<1x128xi32, #tpu.memory_space<vmem>>
        %dma_start3A_68 = tpu.memref_squeeze %dma_start3A_67 : memref<1x128xi32, #tpu.memory_space<vmem>> -> memref<128xi32, #tpu.memory_space<vmem>>
        %dma_start3A_69 = arith.constant 0 : i32
        %dma_start3A_70 = arith.constant 0 : i32
        %dma_start3A_71 = tpu.memref_slice %arg2[%dma_start3A_69, %dma_start3A_70] : memref<10240x128xf32, #tpu.memory_space<hbm>> -> memref<10240x128xf32, #tpu.memory_space<hbm>>
        tpu.enqueue_indirect_dma source(%dma_start3A_71 : memref<10240x128xf32, #tpu.memory_space<hbm>>) target(%arg11 : memref<128x128xf32, #tpu.memory_space<vmem>>) offsets(%dma_start3A_68 : memref<128xi32, #tpu.memory_space<vmem>>) semaphore(%arg14 : memref<!tpu.dma_semaphore, #tpu.memory_space<semaphore_mem>>)
        %add3A_72 = arith.constant 1 : i32
        %add3A_73 = arith.addi %mul3A_45, %add3A_72 : i32
        %dma_wait3A_74 = arith.constant 0 : i32
        %dma_wait3A_75 = tpu.memref_slice %arg8[%add3A_73, %dma_wait3A_74] : memref<27x128xi32, #tpu.memory_space<vmem>> -> memref<1x128xi32, #tpu.memory_space<vmem>>
        %dma_wait3A_76 = tpu.memref_squeeze %dma_wait3A_75 : memref<1x128xi32, #tpu.memory_space<vmem>> -> memref<128xi32, #tpu.memory_space<vmem>>
        %dma_wait3A_77 = arith.constant 0 : i32
        %dma_wait3A_78 = arith.constant 0 : i32
        %dma_wait3A_79 = tpu.memref_slice %arg2[%dma_wait3A_77, %dma_wait3A_78] : memref<10240x128xf32, #tpu.memory_space<hbm>> -> memref<10240x128xf32, #tpu.memory_space<hbm>>
        tpu.wait_indirect_dma semaphore(%arg15 : memref<!tpu.dma_semaphore, #tpu.memory_space<semaphore_mem>>) src(%dma_wait3A_79 : memref<10240x128xf32, #tpu.memory_space<hbm>>) dst(%arg12 : memref<128x128xf32, #tpu.memory_space<vmem>>)
        %add3A_80 = arith.constant 1 : i32
        %add3A_81 = arith.addi %mul3A_45, %add3A_80 : i32
        %broadcast_in_dim3A_82 = vector.broadcast %add3A_81 : i32 to vector<16xi32>
        %parallel_loop3A_83 = arith.constant 0 : i32
        %parallel_loop3A_84 = arith.constant 128 : i32
        %parallel_loop3A_85 = arith.constant 1 : i32
        scf.for %parallel_loop3A_86 = %parallel_loop3A_83 to %parallel_loop3A_84 step %parallel_loop3A_85  : i32 {
          %parallel_loop3A_87 = vector.broadcast %parallel_loop3A_86 : i32 to vector<16xi32>
          %parallel_loop3A_88 = tpu.vector_load_idx %arg10[%broadcast_in_dim3A_82, %parallel_loop3A_87] : memref<27x128xf32, #tpu.memory_space<vmem>>[vector<16xi32>, vector<16xi32>], vector<16xf32>,
          %parallel_loop3A_89 = arith.index_cast %parallel_loop3A_86 : i32 to index
          %parallel_loop3A_90 = arith.constant 0 : index
          %parallel_loop3A_91 = tpu.vector_load %arg12[%parallel_loop3A_89, %parallel_loop3A_90] {strides = array<i32>} : memref<128x128xf32, #tpu.memory_space<vmem>>, vector<16xf32>,
          %parallel_loop3A_92 = arith.mulf %parallel_loop3A_91, %parallel_loop3A_88 : vector<16xf32>
          %parallel_loop3A_93 = arith.index_cast %parallel_loop3A_86 : i32 to index
          %parallel_loop3A_94 = arith.constant 0 : index
          %parallel_loop3A_95 = tpu.vector_load %arg12[%parallel_loop3A_93, %parallel_loop3A_94] {strides = array<i32>} : memref<128x128xf32, #tpu.memory_space<vmem>>, vector<16xf32>,
          tpu.vector_store %arg12[%parallel_loop3A_93, %parallel_loop3A_94], %parallel_loop3A_92 {strides = array<i32>} : memref<128x128xf32, #tpu.memory_space<vmem>>, vector<16xf32>,
          %parallel_loop3A_96 = arith.index_cast %parallel_loop3A_86 : i32 to index
          %parallel_loop3A_97 = arith.constant 16 : index
          %parallel_loop3A_98 = tpu.vector_load %arg12[%parallel_loop3A_96, %parallel_loop3A_97] {strides = array<i32>} : memref<128x128xf32, #tpu.memory_space<vmem>>, vector<16xf32>,
          %parallel_loop3A_99 = arith.mulf %parallel_loop3A_98, %parallel_loop3A_88 : vector<16xf32>
          %parallel_loop3A_100 = arith.index_cast %parallel_loop3A_86 : i32 to index
          %parallel_loop3A_101 = arith.constant 16 : index
          %parallel_loop3A_102 = tpu.vector_load %arg12[%parallel_loop3A_100, %parallel_loop3A_101] {strides = array<i32>} : memref<128x128xf32, #tpu.memory_space<vmem>>, vector<16xf32>,
          tpu.vector_store %arg12[%parallel_loop3A_100, %parallel_loop3A_101], %parallel_loop3A_99 {strides = array<i32>} : memref<128x128xf32, #tpu.memory_space<vmem>>, vector<16xf32>,
          %parallel_loop3A_103 = arith.index_cast %parallel_loop3A_86 : i32 to index
          %parallel_loop3A_104 = arith.constant 32 : index
          %parallel_loop3A_105 = tpu.vector_load %arg12[%parallel_loop3A_103, %parallel_loop3A_104] {strides = array<i32>} : memref<128x128xf32, #tpu.memory_space<vmem>>, vector<16xf32>,
          %parallel_loop3A_106 = arith.mulf %parallel_loop3A_105, %parallel_loop3A_88 : vector<16xf32>
          %parallel_loop3A_107 = arith.index_cast %parallel_loop3A_86 : i32 to index
          %parallel_loop3A_108 = arith.constant 32 : index
          %parallel_loop3A_109 = tpu.vector_load %arg12[%parallel_loop3A_107, %parallel_loop3A_108] {strides = array<i32>} : memref<128x128xf32, #tpu.memory_space<vmem>>, vector<16xf32>,
          tpu.vector_store %arg12[%parallel_loop3A_107, %parallel_loop3A_108], %parallel_loop3A_106 {strides = array<i32>} : memref<128x128xf32, #tpu.memory_space<vmem>>, vector<16xf32>,
          %parallel_loop3A_110 = arith.index_cast %parallel_loop3A_86 : i32 to index
          %parallel_loop3A_111 = arith.constant 48 : index
          %parallel_loop3A_112 = tpu.vector_load %arg12[%parallel_loop3A_110, %parallel_loop3A_111] {strides = array<i32>} : memref<128x128xf32, #tpu.memory_space<vmem>>, vector<16xf32>,
          %parallel_loop3A_113 = arith.mulf %parallel_loop3A_112, %parallel_loop3A_88 : vector<16xf32>
          %parallel_loop3A_114 = arith.index_cast %parallel_loop3A_86 : i32 to index
          %parallel_loop3A_115 = arith.constant 48 : index
          %parallel_loop3A_116 = tpu.vector_load %arg12[%parallel_loop3A_114, %parallel_loop3A_115] {strides = array<i32>} : memref<128x128xf32, #tpu.memory_space<vmem>>, vector<16xf32>,
          tpu.vector_store %arg12[%parallel_loop3A_114, %parallel_loop3A_115], %parallel_loop3A_113 {strides = array<i32>} : memref<128x128xf32, #tpu.memory_space<vmem>>, vector<16xf32>,
          %parallel_loop3A_117 = arith.index_cast %parallel_loop3A_86 : i32 to index
          %parallel_loop3A_118 = arith.constant 64 : index
          %parallel_loop3A_119 = tpu.vector_load %arg12[%parallel_loop3A_117, %parallel_loop3A_118] {strides = array<i32>} : memref<128x128xf32, #tpu.memory_space<vmem>>, vector<16xf32>,
          %parallel_loop3A_120 = arith.mulf %parallel_loop3A_119, %parallel_loop3A_88 : vector<16xf32>
          %parallel_loop3A_121 = arith.index_cast %parallel_loop3A_86 : i32 to index
          %parallel_loop3A_122 = arith.constant 64 : index
          %parallel_loop3A_123 = tpu.vector_load %arg12[%parallel_loop3A_121, %parallel_loop3A_122] {strides = array<i32>} : memref<128x128xf32, #tpu.memory_space<vmem>>, vector<16xf32>,
          tpu.vector_store %arg12[%parallel_loop3A_121, %parallel_loop3A_122], %parallel_loop3A_120 {strides = array<i32>} : memref<128x128xf32, #tpu.memory_space<vmem>>, vector<16xf32>,
          %parallel_loop3A_124 = arith.index_cast %parallel_loop3A_86 : i32 to index
          %parallel_loop3A_125 = arith.constant 80 : index
          %parallel_loop3A_126 = tpu.vector_load %arg12[%parallel_loop3A_124, %parallel_loop3A_125] {strides = array<i32>} : memref<128x128xf32, #tpu.memory_space<vmem>>, vector<16xf32>,
          %parallel_loop3A_127 = arith.mulf %parallel_loop3A_126, %parallel_loop3A_88 : vector<16xf32>
          %parallel_loop3A_128 = arith.index_cast %parallel_loop3A_86 : i32 to index
          %parallel_loop3A_129 = arith.constant 80 : index
          %parallel_loop3A_130 = tpu.vector_load %arg12[%parallel_loop3A_128, %parallel_loop3A_129] {strides = array<i32>} : memref<128x128xf32, #tpu.memory_space<vmem>>, vector<16xf32>,
          tpu.vector_store %arg12[%parallel_loop3A_128, %parallel_loop3A_129], %parallel_loop3A_127 {strides = array<i32>} : memref<128x128xf32, #tpu.memory_space<vmem>>, vector<16xf32>,
          %parallel_loop3A_131 = arith.index_cast %parallel_loop3A_86 : i32 to index
          %parallel_loop3A_132 = arith.constant 96 : index
          %parallel_loop3A_133 = tpu.vector_load %arg12[%parallel_loop3A_131, %parallel_loop3A_132] {strides = array<i32>} : memref<128x128xf32, #tpu.memory_space<vmem>>, vector<16xf32>,
          %parallel_loop3A_134 = arith.mulf %parallel_loop3A_133, %parallel_loop3A_88 : vector<16xf32>
          %parallel_loop3A_135 = arith.index_cast %parallel_loop3A_86 : i32 to index
          %parallel_loop3A_136 = arith.constant 96 : index
          %parallel_loop3A_137 = tpu.vector_load %arg12[%parallel_loop3A_135, %parallel_loop3A_136] {strides = array<i32>} : memref<128x128xf32, #tpu.memory_space<vmem>>, vector<16xf32>,
          tpu.vector_store %arg12[%parallel_loop3A_135, %parallel_loop3A_136], %parallel_loop3A_134 {strides = array<i32>} : memref<128x128xf32, #tpu.memory_space<vmem>>, vector<16xf32>,
          %parallel_loop3A_138 = arith.index_cast %parallel_loop3A_86 : i32 to index
          %parallel_loop3A_139 = arith.constant 112 : index
          %parallel_loop3A_140 = tpu.vector_load %arg12[%parallel_loop3A_138, %parallel_loop3A_139] {strides = array<i32>} : memref<128x128xf32, #tpu.memory_space<vmem>>, vector<16xf32>,
          %parallel_loop3A_141 = arith.mulf %parallel_loop3A_140, %parallel_loop3A_88 : vector<16xf32>
          %parallel_loop3A_142 = arith.index_cast %parallel_loop3A_86 : i32 to index
          %parallel_loop3A_143 = arith.constant 112 : index
          %parallel_loop3A_144 = tpu.vector_load %arg12[%parallel_loop3A_142, %parallel_loop3A_143] {strides = array<i32>} : memref<128x128xf32, #tpu.memory_space<vmem>>, vector<16xf32>,
          tpu.vector_store %arg12[%parallel_loop3A_142, %parallel_loop3A_143], %parallel_loop3A_141 {strides = array<i32>} : memref<128x128xf32, #tpu.memory_space<vmem>>, vector<16xf32>,
        } {sc.loop_unroll_factor = 8 : i64, sc.parallel_access}
        "tpu.region"() ({
          %run_scoped3A_86 = tpu.sem_alloc : memref<!tpu.dma_semaphore, #tpu.memory_space<semaphore_mem>>
          %dma_start3A_87 = arith.constant 0 : i32
          %dma_start3A_88 = tpu.memref_slice %arg9[%add3A_81, %dma_start3A_87] : memref<27x128xi32, #tpu.memory_space<vmem>> -> memref<1x128xi32, #tpu.memory_space<vmem>>
          %dma_start3A_89 = tpu.memref_squeeze %dma_start3A_88 : memref<1x128xi32, #tpu.memory_space<vmem>> -> memref<128xi32, #tpu.memory_space<vmem>>
          %dma_start3A_90 = arith.constant 0 : i32
          %dma_start3A_91 = arith.constant 0 : i32
          %dma_start3A_92 = tpu.memref_slice %arg13[%dma_start3A_90, %dma_start3A_91] : memref<10240x128xf32, #tpu.memory_space<vmem_shared>> -> memref<10240x128xf32, #tpu.memory_space<vmem_shared>>
          tpu.enqueue_indirect_dma source(%arg12 : memref<128x128xf32, #tpu.memory_space<vmem>>) target(%dma_start3A_92 : memref<10240x128xf32, #tpu.memory_space<vmem_shared>>) offsets(%dma_start3A_89 : memref<128xi32, #tpu.memory_space<vmem>>) semaphore(%run_scoped3A_86 : memref<!tpu.dma_semaphore, #tpu.memory_space<semaphore_mem>>) {add = true}
          %dma_wait3A_93 = arith.constant 0 : i32
          %dma_wait3A_94 = tpu.memref_slice %arg9[%add3A_81, %dma_wait3A_93] : memref<27x128xi32, #tpu.memory_space<vmem>> -> memref<1x128xi32, #tpu.memory_space<vmem>>
          %dma_wait3A_95 = tpu.memref_squeeze %dma_wait3A_94 : memref<1x128xi32, #tpu.memory_space<vmem>> -> memref<128xi32, #tpu.memory_space<vmem>>
          %dma_wait3A_96 = arith.constant 0 : i32
          %dma_wait3A_97 = arith.constant 0 : i32
          %dma_wait3A_98 = tpu.memref_slice %arg13[%dma_wait3A_96, %dma_wait3A_97] : memref<10240x128xf32, #tpu.memory_space<vmem_shared>> -> memref<10240x128xf32, #tpu.memory_space<vmem_shared>>
          tpu.wait_indirect_dma semaphore(%run_scoped3A_86 : memref<!tpu.dma_semaphore, #tpu.memory_space<semaphore_mem>>) src(%arg12 : memref<128x128xf32, #tpu.memory_space<vmem>>) dst(%dma_wait3A_98 : memref<10240x128xf32, #tpu.memory_space<vmem_shared>>)
          tpu.yield
        }) : () -> ()
      }
      %scan3A_29 = arith.constant 13 : i32
      %dma_wait3A = arith.constant 26 : i32
      %dma_wait3A_30 = arith.constant 0 : i32
      %dma_wait3A_31 = tpu.memref_slice %arg8[%dma_wait3A, %dma_wait3A_30] : memref<27x128xi32, #tpu.memory_space<vmem>> -> memref<1x128xi32, #tpu.memory_space<vmem>>
      %dma_wait3A_32 = tpu.memref_squeeze %dma_wait3A_31 : memref<1x128xi32, #tpu.memory_space<vmem>> -> memref<128xi32, #tpu.memory_space<vmem>>
      %dma_wait3A_33 = arith.constant 0 : i32
      %dma_wait3A_34 = arith.constant 0 : i32
      %dma_wait3A_35 = tpu.memref_slice %arg2[%dma_wait3A_33, %dma_wait3A_34] : memref<10240x128xf32, #tpu.memory_space<hbm>> -> memref<10240x128xf32, #tpu.memory_space<hbm>>
      tpu.wait_indirect_dma semaphore(%arg14 : memref<!tpu.dma_semaphore, #tpu.memory_space<semaphore_mem>>) src(%dma_wait3A_35 : memref<10240x128xf32, #tpu.memory_space<hbm>>) dst(%arg11 : memref<128x128xf32, #tpu.memory_space<vmem>>)
      %broadcast_in_dim3A = arith.constant 26 : i32
      %broadcast_in_dim3A_36 = vector.broadcast %broadcast_in_dim3A : i32 to vector<16xi32>
      %parallel_loop3A = arith.constant 0 : i32
      %parallel_loop3A_37 = arith.constant 128 : i32
      %parallel_loop3A_38 = arith.constant 1 : i32
      scf.for %parallel_loop3A_39 = %parallel_loop3A to %parallel_loop3A_37 step %parallel_loop3A_38  : i32 {
        %parallel_loop3A_40 = vector.broadcast %parallel_loop3A_39 : i32 to vector<16xi32>
        %parallel_loop3A_41 = tpu.vector_load_idx %arg10[%broadcast_in_dim3A_36, %parallel_loop3A_40] : memref<27x128xf32, #tpu.memory_space<vmem>>[vector<16xi32>, vector<16xi32>], vector<16xf32>,
        %parallel_loop3A_42 = arith.index_cast %parallel_loop3A_39 : i32 to index
        %parallel_loop3A_43 = arith.constant 0 : index
        %parallel_loop3A_44 = tpu.vector_load %arg11[%parallel_loop3A_42, %parallel_loop3A_43] {strides = array<i32>} : memref<128x128xf32, #tpu.memory_space<vmem>>, vector<16xf32>,
        %parallel_loop3A_45 = arith.mulf %parallel_loop3A_44, %parallel_loop3A_41 : vector<16xf32>
        %parallel_loop3A_46 = arith.index_cast %parallel_loop3A_39 : i32 to index
        %parallel_loop3A_47 = arith.constant 0 : index
        %parallel_loop3A_48 = tpu.vector_load %arg11[%parallel_loop3A_46, %parallel_loop3A_47] {strides = array<i32>} : memref<128x128xf32, #tpu.memory_space<vmem>>, vector<16xf32>,
        tpu.vector_store %arg11[%parallel_loop3A_46, %parallel_loop3A_47], %parallel_loop3A_45 {strides = array<i32>} : memref<128x128xf32, #tpu.memory_space<vmem>>, vector<16xf32>,
        %parallel_loop3A_49 = arith.index_cast %parallel_loop3A_39 : i32 to index
        %parallel_loop3A_50 = arith.constant 16 : index
        %parallel_loop3A_51 = tpu.vector_load %arg11[%parallel_loop3A_49, %parallel_loop3A_50] {strides = array<i32>} : memref<128x128xf32, #tpu.memory_space<vmem>>, vector<16xf32>,
        %parallel_loop3A_52 = arith.mulf %parallel_loop3A_51, %parallel_loop3A_41 : vector<16xf32>
        %parallel_loop3A_53 = arith.index_cast %parallel_loop3A_39 : i32 to index
        %parallel_loop3A_54 = arith.constant 16 : index
        %parallel_loop3A_55 = tpu.vector_load %arg11[%parallel_loop3A_53, %parallel_loop3A_54] {strides = array<i32>} : memref<128x128xf32, #tpu.memory_space<vmem>>, vector<16xf32>,
        tpu.vector_store %arg11[%parallel_loop3A_53, %parallel_loop3A_54], %parallel_loop3A_52 {strides = array<i32>} : memref<128x128xf32, #tpu.memory_space<vmem>>, vector<16xf32>,
        %parallel_loop3A_56 = arith.index_cast %parallel_loop3A_39 : i32 to index
        %parallel_loop3A_57 = arith.constant 32 : index
        %parallel_loop3A_58 = tpu.vector_load %arg11[%parallel_loop3A_56, %parallel_loop3A_57] {strides = array<i32>} : memref<128x128xf32, #tpu.memory_space<vmem>>, vector<16xf32>,
        %parallel_loop3A_59 = arith.mulf %parallel_loop3A_58, %parallel_loop3A_41 : vector<16xf32>
        %parallel_loop3A_60 = arith.index_cast %parallel_loop3A_39 : i32 to index
        %parallel_loop3A_61 = arith.constant 32 : index
        %parallel_loop3A_62 = tpu.vector_load %arg11[%parallel_loop3A_60, %parallel_loop3A_61] {strides = array<i32>} : memref<128x128xf32, #tpu.memory_space<vmem>>, vector<16xf32>,
        tpu.vector_store %arg11[%parallel_loop3A_60, %parallel_loop3A_61], %parallel_loop3A_59 {strides = array<i32>} : memref<128x128xf32, #tpu.memory_space<vmem>>, vector<16xf32>,
        %parallel_loop3A_63 = arith.index_cast %parallel_loop3A_39 : i32 to index
        %parallel_loop3A_64 = arith.constant 48 : index
        %parallel_loop3A_65 = tpu.vector_load %arg11[%parallel_loop3A_63, %parallel_loop3A_64] {strides = array<i32>} : memref<128x128xf32, #tpu.memory_space<vmem>>, vector<16xf32>,
        %parallel_loop3A_66 = arith.mulf %parallel_loop3A_65, %parallel_loop3A_41 : vector<16xf32>
        %parallel_loop3A_67 = arith.index_cast %parallel_loop3A_39 : i32 to index
        %parallel_loop3A_68 = arith.constant 48 : index
        %parallel_loop3A_69 = tpu.vector_load %arg11[%parallel_loop3A_67, %parallel_loop3A_68] {strides = array<i32>} : memref<128x128xf32, #tpu.memory_space<vmem>>, vector<16xf32>,
        tpu.vector_store %arg11[%parallel_loop3A_67, %parallel_loop3A_68], %parallel_loop3A_66 {strides = array<i32>} : memref<128x128xf32, #tpu.memory_space<vmem>>, vector<16xf32>,
        %parallel_loop3A_70 = arith.index_cast %parallel_loop3A_39 : i32 to index
        %parallel_loop3A_71 = arith.constant 64 : index
        %parallel_loop3A_72 = tpu.vector_load %arg11[%parallel_loop3A_70, %parallel_loop3A_71] {strides = array<i32>} : memref<128x128xf32, #tpu.memory_space<vmem>>, vector<16xf32>,
        %parallel_loop3A_73 = arith.mulf %parallel_loop3A_72, %parallel_loop3A_41 : vector<16xf32>
        %parallel_loop3A_74 = arith.index_cast %parallel_loop3A_39 : i32 to index
        %parallel_loop3A_75 = arith.constant 64 : index
        %parallel_loop3A_76 = tpu.vector_load %arg11[%parallel_loop3A_74, %parallel_loop3A_75] {strides = array<i32>} : memref<128x128xf32, #tpu.memory_space<vmem>>, vector<16xf32>,
        tpu.vector_store %arg11[%parallel_loop3A_74, %parallel_loop3A_75], %parallel_loop3A_73 {strides = array<i32>} : memref<128x128xf32, #tpu.memory_space<vmem>>, vector<16xf32>,
        %parallel_loop3A_77 = arith.index_cast %parallel_loop3A_39 : i32 to index
        %parallel_loop3A_78 = arith.constant 80 : index
        %parallel_loop3A_79 = tpu.vector_load %arg11[%parallel_loop3A_77, %parallel_loop3A_78] {strides = array<i32>} : memref<128x128xf32, #tpu.memory_space<vmem>>, vector<16xf32>,
        %parallel_loop3A_80 = arith.mulf %parallel_loop3A_79, %parallel_loop3A_41 : vector<16xf32>
        %parallel_loop3A_81 = arith.index_cast %parallel_loop3A_39 : i32 to index
        %parallel_loop3A_82 = arith.constant 80 : index
        %parallel_loop3A_83 = tpu.vector_load %arg11[%parallel_loop3A_81, %parallel_loop3A_82] {strides = array<i32>} : memref<128x128xf32, #tpu.memory_space<vmem>>, vector<16xf32>,
        tpu.vector_store %arg11[%parallel_loop3A_81, %parallel_loop3A_82], %parallel_loop3A_80 {strides = array<i32>} : memref<128x128xf32, #tpu.memory_space<vmem>>, vector<16xf32>,
        %parallel_loop3A_84 = arith.index_cast %parallel_loop3A_39 : i32 to index
        %parallel_loop3A_85 = arith.constant 96 : index
        %parallel_loop3A_86 = tpu.vector_load %arg11[%parallel_loop3A_84, %parallel_loop3A_85] {strides = array<i32>} : memref<128x128xf32, #tpu.memory_space<vmem>>, vector<16xf32>,
        %parallel_loop3A_87 = arith.mulf %parallel_loop3A_86, %parallel_loop3A_41 : vector<16xf32>
        %parallel_loop3A_88 = arith.index_cast %parallel_loop3A_39 : i32 to index
        %parallel_loop3A_89 = arith.constant 96 : index
        %parallel_loop3A_90 = tpu.vector_load %arg11[%parallel_loop3A_88, %parallel_loop3A_89] {strides = array<i32>} : memref<128x128xf32, #tpu.memory_space<vmem>>, vector<16xf32>,
        tpu.vector_store %arg11[%parallel_loop3A_88, %parallel_loop3A_89], %parallel_loop3A_87 {strides = array<i32>} : memref<128x128xf32, #tpu.memory_space<vmem>>, vector<16xf32>,
        %parallel_loop3A_91 = arith.index_cast %parallel_loop3A_39 : i32 to index
        %parallel_loop3A_92 = arith.constant 112 : index
        %parallel_loop3A_93 = tpu.vector_load %arg11[%parallel_loop3A_91, %parallel_loop3A_92] {strides = array<i32>} : memref<128x128xf32, #tpu.memory_space<vmem>>, vector<16xf32>,
        %parallel_loop3A_94 = arith.mulf %parallel_loop3A_93, %parallel_loop3A_41 : vector<16xf32>
        %parallel_loop3A_95 = arith.index_cast %parallel_loop3A_39 : i32 to index
        %parallel_loop3A_96 = arith.constant 112 : index
        %parallel_loop3A_97 = tpu.vector_load %arg11[%parallel_loop3A_95, %parallel_loop3A_96] {strides = array<i32>} : memref<128x128xf32, #tpu.memory_space<vmem>>, vector<16xf32>,
        tpu.vector_store %arg11[%parallel_loop3A_95, %parallel_loop3A_96], %parallel_loop3A_94 {strides = array<i32>} : memref<128x128xf32, #tpu.memory_space<vmem>>, vector<16xf32>,
      } {sc.loop_unroll_factor = 8 : i64, sc.parallel_access}
      %run_scoped3A = arith.constant 26 : i32
      "tpu.region"() ({
        %run_scoped3A_39 = tpu.sem_alloc : memref<!tpu.dma_semaphore, #tpu.memory_space<semaphore_mem>>
        %dma_start3A_40 = arith.constant 0 : i32
        %dma_start3A_41 = tpu.memref_slice %arg9[%run_scoped3A, %dma_start3A_40] : memref<27x128xi32, #tpu.memory_space<vmem>> -> memref<1x128xi32, #tpu.memory_space<vmem>>
        %dma_start3A_42 = tpu.memref_squeeze %dma_start3A_41 : memref<1x128xi32, #tpu.memory_space<vmem>> -> memref<128xi32, #tpu.memory_space<vmem>>
        %dma_start3A_43 = arith.constant 0 : i32
        %dma_start3A_44 = arith.constant 0 : i32
        %dma_start3A_45 = tpu.memref_slice %arg13[%dma_start3A_43, %dma_start3A_44] : memref<10240x128xf32, #tpu.memory_space<vmem_shared>> -> memref<10240x128xf32, #tpu.memory_space<vmem_shared>>
        tpu.enqueue_indirect_dma source(%arg11 : memref<128x128xf32, #tpu.memory_space<vmem>>) target(%dma_start3A_45 : memref<10240x128xf32, #tpu.memory_space<vmem_shared>>) offsets(%dma_start3A_42 : memref<128xi32, #tpu.memory_space<vmem>>) semaphore(%run_scoped3A_39 : memref<!tpu.dma_semaphore, #tpu.memory_space<semaphore_mem>>) {add = true}
        %dma_wait3A_46 = arith.constant 0 : i32
        %dma_wait3A_47 = tpu.memref_slice %arg9[%run_scoped3A, %dma_wait3A_46] : memref<27x128xi32, #tpu.memory_space<vmem>> -> memref<1x128xi32, #tpu.memory_space<vmem>>
        %dma_wait3A_48 = tpu.memref_squeeze %dma_wait3A_47 : memref<1x128xi32, #tpu.memory_space<vmem>> -> memref<128xi32, #tpu.memory_space<vmem>>
        %dma_wait3A_49 = arith.constant 0 : i32
        %dma_wait3A_50 = arith.constant 0 : i32
        %dma_wait3A_51 = tpu.memref_slice %arg13[%dma_wait3A_49, %dma_wait3A_50] : memref<10240x128xf32, #tpu.memory_space<vmem_shared>> -> memref<10240x128xf32, #tpu.memory_space<vmem_shared>>
        tpu.wait_indirect_dma semaphore(%run_scoped3A_39 : memref<!tpu.dma_semaphore, #tpu.memory_space<semaphore_mem>>) src(%arg11 : memref<128x128xf32, #tpu.memory_space<vmem>>) dst(%dma_wait3A_51 : memref<10240x128xf32, #tpu.memory_space<vmem_shared>>)
        tpu.yield
      }) : () -> ()
    }
    %scan3A_8 = arith.constant 3 : i32
    %barrier3A_9 = arith.constant 0 : index
    tpu.barrier barrier_id(%barrier3A_9)
    %mul3A_10 = arith.constant 640 : i32
    %mul3A_11 = arith.muli %arg1, %mul3A_10 : i32
    %mul3A_12 = arith.constant 640 : i32
    %mul3A_13 = arith.muli %arg1, %mul3A_12 : i32
    "tpu.region"() ({
      %run_scoped3A = tpu.sem_alloc : memref<!tpu.dma_semaphore, #tpu.memory_space<semaphore_mem>>
      %dma_start3A = arith.constant 0 : i32
      %dma_start3A_14 = tpu.memref_slice %arg7[%arg0, %mul3A_13, %dma_start3A] : memref<2x10240x128xf32, #tpu.memory_space<hbm>> -> memref<1x640x128xf32, #tpu.memory_space<hbm>>
      %dma_start3A_15 = tpu.memref_squeeze %dma_start3A_14 : memref<1x640x128xf32, #tpu.memory_space<hbm>> -> memref<640x128xf32, #tpu.memory_space<hbm>>
      %dma_start3A_16 = arith.constant 0 : i32
      %dma_start3A_17 = tpu.memref_slice %arg13[%mul3A_11, %dma_start3A_16] : memref<10240x128xf32, #tpu.memory_space<vmem_shared>> -> memref<640x128xf32, #tpu.memory_space<vmem_shared>>
      tpu.enqueue_dma source(%dma_start3A_17 : memref<640x128xf32, #tpu.memory_space<vmem_shared>>) target(%dma_start3A_15 : memref<640x128xf32, #tpu.memory_space<hbm>>) target_semaphore(%run_scoped3A : memref<!tpu.dma_semaphore, #tpu.memory_space<semaphore_mem>>)
      %dma_wait3A = arith.constant 0 : i32
      %dma_wait3A_18 = tpu.memref_slice %arg7[%arg0, %mul3A_13, %dma_wait3A] : memref<2x10240x128xf32, #tpu.memory_space<hbm>> -> memref<1x640x128xf32, #tpu.memory_space<hbm>>
      %dma_wait3A_19 = tpu.memref_squeeze %dma_wait3A_18 : memref<1x640x128xf32, #tpu.memory_space<hbm>> -> memref<640x128xf32, #tpu.memory_space<hbm>>
      %dma_wait3A_20 = arith.constant 0 : i32
      %dma_wait3A_21 = tpu.memref_slice %arg13[%mul3A_11, %dma_wait3A_20] : memref<10240x128xf32, #tpu.memory_space<vmem_shared>> -> memref<640x128xf32, #tpu.memory_space<vmem_shared>>
      tpu.wait_dma2 semaphore(%run_scoped3A : memref<!tpu.dma_semaphore, #tpu.memory_space<semaphore_mem>>) src(%dma_wait3A_21 : memref<640x128xf32, #tpu.memory_space<vmem_shared>>) dst(%dma_wait3A_19 : memref<640x128xf32, #tpu.memory_space<hbm>>)
      tpu.yield
    }) : () -> ()
    return
  }
}

#map = affine_map<(d0, d1) -> (0, 0)>
#map1 = affine_map<(d0, d1) -> (0, 0, 0, 0)>
#map2 = affine_map<(d0, d1) -> (0, 0, 0)>
module attributes {stable_mosaic.version = 14 : i64} {
  func.func @_sc_a_body(%arg0: i32, %arg1: i32, %arg2: memref<10240x128xf32, #tpu.memory_space<hbm>>, %arg3: memref<32x3x27x128xi32, #tpu.memory_space<hbm>>, %arg4: memref<32x3x27x128xi32, #tpu.memory_space<hbm>>, %arg5: memref<32x3x27x128xf32, #tpu.memory_space<hbm>>, %arg6: memref<10240x128xf32, #tpu.memory_space<hbm>>, %arg7: memref<2x10240x128xf32, #tpu.memory_space<hbm>>, %arg8: memref<27x128xi32, #tpu.memory_space<vmem>>, %arg9: memref<27x128xi32, #tpu.memory_space<vmem>>, %arg10: memref<27x128xf32, #tpu.memory_space<vmem>>, %arg11: memref<128x128xf32, #tpu.memory_space<vmem>>, %arg12: memref<128x128xf32, #tpu.memory_space<vmem>>, %arg13: memref<10240x128xf32, #tpu.memory_space<vmem_shared>>, %arg14: memref<!tpu.dma_semaphore, #tpu.memory_space<semaphore_mem>>, %arg15: memref<!tpu.dma_semaphore, #tpu.memory_space<semaphore_mem>>) attributes {dimension_semantics = [#tpu.dimension_semantics<core_parallel>, #tpu.dimension_semantics<subcore_parallel>], iteration_bounds = array<i64: 2, 16>, scalar_prefetch = 0 : i64, scratch_operands = 8 : i64, tpu.core_type = #tpu.core_type<sc_vector_subcore>, window_params = [{transform_indices = #map}, {transform_indices = #map1}, {transform_indices = #map1}, {transform_indices = #map1}, {transform_indices = #map}, {transform_indices = #map2}]} {
    %mul3A = arith.constant 2 : i32
    %mul3A_0 = arith.muli %arg1, %mul3A : i32
    %add3A = arith.addi %mul3A_0, %arg0 : i32
    %mul3A_1 = arith.constant 640 : i32
    %mul3A_2 = arith.muli %arg1, %mul3A_1 : i32
    %mul3A_3 = arith.constant 640 : i32
    %mul3A_4 = arith.muli %arg1, %mul3A_3 : i32
    "tpu.region"() ({
      %run_scoped3A = tpu.sem_alloc : memref<!tpu.dma_semaphore, #tpu.memory_space<semaphore_mem>>
      %dma_start3A = arith.constant 0 : i32
      %dma_start3A_14 = tpu.memref_slice %arg13[%mul3A_4, %dma_start3A] : memref<10240x128xf32, #tpu.memory_space<vmem_shared>> -> memref<640x128xf32, #tpu.memory_space<vmem_shared>>
      %dma_start3A_15 = arith.constant 0 : i32
      %dma_start3A_16 = tpu.memref_slice %arg6[%mul3A_2, %dma_start3A_15] : memref<10240x128xf32, #tpu.memory_space<hbm>> -> memref<640x128xf32, #tpu.memory_space<hbm>>
      tpu.enqueue_dma source(%dma_start3A_16 : memref<640x128xf32, #tpu.memory_space<hbm>>) target(%dma_start3A_14 : memref<640x128xf32, #tpu.memory_space<vmem_shared>>) target_semaphore(%run_scoped3A : memref<!tpu.dma_semaphore, #tpu.memory_space<semaphore_mem>>)
      %dma_wait3A = arith.constant 0 : i32
      %dma_wait3A_17 = tpu.memref_slice %arg13[%mul3A_4, %dma_wait3A] : memref<10240x128xf32, #tpu.memory_space<vmem_shared>> -> memref<640x128xf32, #tpu.memory_space<vmem_shared>>
      %dma_wait3A_18 = arith.constant 0 : i32
      %dma_wait3A_19 = tpu.memref_slice %arg6[%mul3A_2, %dma_wait3A_18] : memref<10240x128xf32, #tpu.memory_space<hbm>> -> memref<640x128xf32, #tpu.memory_space<hbm>>
      tpu.wait_dma2 semaphore(%run_scoped3A : memref<!tpu.dma_semaphore, #tpu.memory_space<semaphore_mem>>) src(%dma_wait3A_19 : memref<640x128xf32, #tpu.memory_space<hbm>>) dst(%dma_wait3A_17 : memref<640x128xf32, #tpu.memory_space<vmem_shared>>)
      tpu.yield
    }) : () -> ()
    %barrier3A = arith.constant 0 : index
    tpu.barrier barrier_id(%barrier3A)
    %scan3A = arith.constant 0 : i32
    %scan3A_5 = arith.constant 3 : i32
    %scan3A_6 = arith.addi %scan3A, %scan3A_5 : i32
    %scan3A_7 = arith.constant 1 : i32
    scf.for %scan3A_14 = %scan3A to %scan3A_6 step %scan3A_7  : i32 {
      %mul3A_15 = arith.constant 1 : i32
      %mul3A_16 = arith.muli %scan3A_14, %mul3A_15 : i32
      %add3A_17 = arith.constant 0 : i32
      %add3A_18 = arith.addi %add3A_17, %mul3A_16 : i32
      "tpu.region"() ({
        %run_scoped3A_39 = tpu.sem_alloc : memref<!tpu.dma_semaphore, #tpu.memory_space<semaphore_mem>>
        %dma_start3A_40 = arith.constant 0 : i32
        %dma_start3A_41 = arith.constant 0 : i32
        %dma_start3A_42 = tpu.memref_slice %arg3[%add3A, %add3A_18, %dma_start3A_40, %dma_start3A_41] : memref<32x3x27x128xi32, #tpu.memory_space<hbm>> -> memref<1x1x27x128xi32, #tpu.memory_space<hbm>>
        %dma_start3A_43 = tpu.memref_squeeze %dma_start3A_42 : memref<1x1x27x128xi32, #tpu.memory_space<hbm>> -> memref<27x128xi32, #tpu.memory_space<hbm>>
        %dma_start3A_44 = arith.constant 0 : i32
        %dma_start3A_45 = arith.constant 0 : i32
        %dma_start3A_46 = tpu.memref_slice %arg3[%add3A, %add3A_18, %dma_start3A_44, %dma_start3A_45] : memref<32x3x27x128xi32, #tpu.memory_space<hbm>> -> memref<1x1x27x128xi32, #tpu.memory_space<hbm>>
        %dma_start3A_47 = tpu.memref_squeeze %dma_start3A_46 : memref<1x1x27x128xi32, #tpu.memory_space<hbm>> -> memref<27x128xi32, #tpu.memory_space<hbm>>
        tpu.enqueue_dma source(%dma_start3A_47 : memref<27x128xi32, #tpu.memory_space<hbm>>) target(%arg8 : memref<27x128xi32, #tpu.memory_space<vmem>>) target_semaphore(%run_scoped3A_39 : memref<!tpu.dma_semaphore, #tpu.memory_space<semaphore_mem>>)
        %dma_wait3A_48 = arith.constant 0 : i32
        %dma_wait3A_49 = arith.constant 0 : i32
        %dma_wait3A_50 = tpu.memref_slice %arg3[%add3A, %add3A_18, %dma_wait3A_48, %dma_wait3A_49] : memref<32x3x27x128xi32, #tpu.memory_space<hbm>> -> memref<1x1x27x128xi32, #tpu.memory_space<hbm>>
        %dma_wait3A_51 = tpu.memref_squeeze %dma_wait3A_50 : memref<1x1x27x128xi32, #tpu.memory_space<hbm>> -> memref<27x128xi32, #tpu.memory_space<hbm>>
        %dma_wait3A_52 = arith.constant 0 : i32
        %dma_wait3A_53 = arith.constant 0 : i32
        %dma_wait3A_54 = tpu.memref_slice %arg3[%add3A, %add3A_18, %dma_wait3A_52, %dma_wait3A_53] : memref<32x3x27x128xi32, #tpu.memory_space<hbm>> -> memref<1x1x27x128xi32, #tpu.memory_space<hbm>>
        %dma_wait3A_55 = tpu.memref_squeeze %dma_wait3A_54 : memref<1x1x27x128xi32, #tpu.memory_space<hbm>> -> memref<27x128xi32, #tpu.memory_space<hbm>>
        tpu.wait_dma2 semaphore(%run_scoped3A_39 : memref<!tpu.dma_semaphore, #tpu.memory_space<semaphore_mem>>) src(%dma_wait3A_55 : memref<27x128xi32, #tpu.memory_space<hbm>>) dst(%arg8 : memref<27x128xi32, #tpu.memory_space<vmem>>)
        tpu.yield
      }) : () -> ()
      "tpu.region"() ({
        %run_scoped3A_39 = tpu.sem_alloc : memref<!tpu.dma_semaphore, #tpu.memory_space<semaphore_mem>>
        %dma_start3A_40 = arith.constant 0 : i32
        %dma_start3A_41 = arith.constant 0 : i32
        %dma_start3A_42 = tpu.memref_slice %arg4[%add3A, %add3A_18, %dma_start3A_40, %dma_start3A_41] : memref<32x3x27x128xi32, #tpu.memory_space<hbm>> -> memref<1x1x27x128xi32, #tpu.memory_space<hbm>>
        %dma_start3A_43 = tpu.memref_squeeze %dma_start3A_42 : memref<1x1x27x128xi32, #tpu.memory_space<hbm>> -> memref<27x128xi32, #tpu.memory_space<hbm>>
        %dma_start3A_44 = arith.constant 0 : i32
        %dma_start3A_45 = arith.constant 0 : i32
        %dma_start3A_46 = tpu.memref_slice %arg4[%add3A, %add3A_18, %dma_start3A_44, %dma_start3A_45] : memref<32x3x27x128xi32, #tpu.memory_space<hbm>> -> memref<1x1x27x128xi32, #tpu.memory_space<hbm>>
        %dma_start3A_47 = tpu.memref_squeeze %dma_start3A_46 : memref<1x1x27x128xi32, #tpu.memory_space<hbm>> -> memref<27x128xi32, #tpu.memory_space<hbm>>
        tpu.enqueue_dma source(%dma_start3A_47 : memref<27x128xi32, #tpu.memory_space<hbm>>) target(%arg9 : memref<27x128xi32, #tpu.memory_space<vmem>>) target_semaphore(%run_scoped3A_39 : memref<!tpu.dma_semaphore, #tpu.memory_space<semaphore_mem>>)
        %dma_wait3A_48 = arith.constant 0 : i32
        %dma_wait3A_49 = arith.constant 0 : i32
        %dma_wait3A_50 = tpu.memref_slice %arg4[%add3A, %add3A_18, %dma_wait3A_48, %dma_wait3A_49] : memref<32x3x27x128xi32, #tpu.memory_space<hbm>> -> memref<1x1x27x128xi32, #tpu.memory_space<hbm>>
        %dma_wait3A_51 = tpu.memref_squeeze %dma_wait3A_50 : memref<1x1x27x128xi32, #tpu.memory_space<hbm>> -> memref<27x128xi32, #tpu.memory_space<hbm>>
        %dma_wait3A_52 = arith.constant 0 : i32
        %dma_wait3A_53 = arith.constant 0 : i32
        %dma_wait3A_54 = tpu.memref_slice %arg4[%add3A, %add3A_18, %dma_wait3A_52, %dma_wait3A_53] : memref<32x3x27x128xi32, #tpu.memory_space<hbm>> -> memref<1x1x27x128xi32, #tpu.memory_space<hbm>>
        %dma_wait3A_55 = tpu.memref_squeeze %dma_wait3A_54 : memref<1x1x27x128xi32, #tpu.memory_space<hbm>> -> memref<27x128xi32, #tpu.memory_space<hbm>>
        tpu.wait_dma2 semaphore(%run_scoped3A_39 : memref<!tpu.dma_semaphore, #tpu.memory_space<semaphore_mem>>) src(%dma_wait3A_55 : memref<27x128xi32, #tpu.memory_space<hbm>>) dst(%arg9 : memref<27x128xi32, #tpu.memory_space<vmem>>)
        tpu.yield
      }) : () -> ()
      "tpu.region"() ({
        %run_scoped3A_39 = tpu.sem_alloc : memref<!tpu.dma_semaphore, #tpu.memory_space<semaphore_mem>>
        %dma_start3A_40 = arith.constant 0 : i32
        %dma_start3A_41 = arith.constant 0 : i32
        %dma_start3A_42 = tpu.memref_slice %arg5[%add3A, %add3A_18, %dma_start3A_40, %dma_start3A_41] : memref<32x3x27x128xf32, #tpu.memory_space<hbm>> -> memref<1x1x27x128xf32, #tpu.memory_space<hbm>>
        %dma_start3A_43 = tpu.memref_squeeze %dma_start3A_42 : memref<1x1x27x128xf32, #tpu.memory_space<hbm>> -> memref<27x128xf32, #tpu.memory_space<hbm>>
        %dma_start3A_44 = arith.constant 0 : i32
        %dma_start3A_45 = arith.constant 0 : i32
        %dma_start3A_46 = tpu.memref_slice %arg5[%add3A, %add3A_18, %dma_start3A_44, %dma_start3A_45] : memref<32x3x27x128xf32, #tpu.memory_space<hbm>> -> memref<1x1x27x128xf32, #tpu.memory_space<hbm>>
        %dma_start3A_47 = tpu.memref_squeeze %dma_start3A_46 : memref<1x1x27x128xf32, #tpu.memory_space<hbm>> -> memref<27x128xf32, #tpu.memory_space<hbm>>
        tpu.enqueue_dma source(%dma_start3A_47 : memref<27x128xf32, #tpu.memory_space<hbm>>) target(%arg10 : memref<27x128xf32, #tpu.memory_space<vmem>>) target_semaphore(%run_scoped3A_39 : memref<!tpu.dma_semaphore, #tpu.memory_space<semaphore_mem>>)
        %dma_wait3A_48 = arith.constant 0 : i32
        %dma_wait3A_49 = arith.constant 0 : i32
        %dma_wait3A_50 = tpu.memref_slice %arg5[%add3A, %add3A_18, %dma_wait3A_48, %dma_wait3A_49] : memref<32x3x27x128xf32, #tpu.memory_space<hbm>> -> memref<1x1x27x128xf32, #tpu.memory_space<hbm>>
        %dma_wait3A_51 = tpu.memref_squeeze %dma_wait3A_50 : memref<1x1x27x128xf32, #tpu.memory_space<hbm>> -> memref<27x128xf32, #tpu.memory_space<hbm>>
        %dma_wait3A_52 = arith.constant 0 : i32
        %dma_wait3A_53 = arith.constant 0 : i32
        %dma_wait3A_54 = tpu.memref_slice %arg5[%add3A, %add3A_18, %dma_wait3A_52, %dma_wait3A_53] : memref<32x3x27x128xf32, #tpu.memory_space<hbm>> -> memref<1x1x27x128xf32, #tpu.memory_space<hbm>>
        %dma_wait3A_55 = tpu.memref_squeeze %dma_wait3A_54 : memref<1x1x27x128xf32, #tpu.memory_space<hbm>> -> memref<27x128xf32, #tpu.memory_space<hbm>>
        tpu.wait_dma2 semaphore(%run_scoped3A_39 : memref<!tpu.dma_semaphore, #tpu.memory_space<semaphore_mem>>) src(%dma_wait3A_55 : memref<27x128xf32, #tpu.memory_space<hbm>>) dst(%arg10 : memref<27x128xf32, #tpu.memory_space<vmem>>)
        tpu.yield
      }) : () -> ()
      %dma_start3A = arith.constant 0 : i32
      %dma_start3A_19 = arith.constant 0 : i32
      %dma_start3A_20 = tpu.memref_slice %arg8[%dma_start3A, %dma_start3A_19] : memref<27x128xi32, #tpu.memory_space<vmem>> -> memref<1x128xi32, #tpu.memory_space<vmem>>
      %dma_start3A_21 = tpu.memref_squeeze %dma_start3A_20 : memref<1x128xi32, #tpu.memory_space<vmem>> -> memref<128xi32, #tpu.memory_space<vmem>>
      %dma_start3A_22 = arith.constant 0 : i32
      %dma_start3A_23 = arith.constant 0 : i32
      %dma_start3A_24 = tpu.memref_slice %arg2[%dma_start3A_22, %dma_start3A_23] : memref<10240x128xf32, #tpu.memory_space<hbm>> -> memref<10240x128xf32, #tpu.memory_space<hbm>>
      tpu.enqueue_indirect_dma source(%dma_start3A_24 : memref<10240x128xf32, #tpu.memory_space<hbm>>) target(%arg11 : memref<128x128xf32, #tpu.memory_space<vmem>>) offsets(%dma_start3A_21 : memref<128xi32, #tpu.memory_space<vmem>>) semaphore(%arg14 : memref<!tpu.dma_semaphore, #tpu.memory_space<semaphore_mem>>)
      %scan3A_25 = arith.constant 0 : i32
      %scan3A_26 = arith.constant 13 : i32
      %scan3A_27 = arith.addi %scan3A_25, %scan3A_26 : i32
      %scan3A_28 = arith.constant 1 : i32
      scf.for %scan3A_39 = %scan3A_25 to %scan3A_27 step %scan3A_28  : i32 {
        %mul3A_40 = arith.constant 1 : i32
        %mul3A_41 = arith.muli %scan3A_39, %mul3A_40 : i32
        %add3A_42 = arith.constant 0 : i32
        %add3A_43 = arith.addi %add3A_42, %mul3A_41 : i32
        %mul3A_44 = arith.constant 2 : i32
        %mul3A_45 = arith.muli %mul3A_44, %add3A_43 : i32
        %add3A_46 = arith.constant 1 : i32
        %add3A_47 = arith.addi %mul3A_45, %add3A_46 : i32
        %dma_start3A_48 = arith.constant 0 : i32
        %dma_start3A_49 = tpu.memref_slice %arg8[%add3A_47, %dma_start3A_48] : memref<27x128xi32, #tpu.memory_space<vmem>> -> memref<1x128xi32, #tpu.memory_space<vmem>>
        %dma_start3A_50 = tpu.memref_squeeze %dma_start3A_49 : memref<1x128xi32, #tpu.memory_space<vmem>> -> memref<128xi32, #tpu.memory_space<vmem>>
        %dma_start3A_51 = arith.constant 0 : i32
        %dma_start3A_52 = arith.constant 0 : i32
        %dma_start3A_53 = tpu.memref_slice %arg2[%dma_start3A_51, %dma_start3A_52] : memref<10240x128xf32, #tpu.memory_space<hbm>> -> memref<10240x128xf32, #tpu.memory_space<hbm>>
        tpu.enqueue_indirect_dma source(%dma_start3A_53 : memref<10240x128xf32, #tpu.memory_space<hbm>>) target(%arg12 : memref<128x128xf32, #tpu.memory_space<vmem>>) offsets(%dma_start3A_50 : memref<128xi32, #tpu.memory_space<vmem>>) semaphore(%arg15 : memref<!tpu.dma_semaphore, #tpu.memory_space<semaphore_mem>>)
        %dma_wait3A_54 = arith.constant 0 : i32
        %dma_wait3A_55 = tpu.memref_slice %arg8[%mul3A_45, %dma_wait3A_54] : memref<27x128xi32, #tpu.memory_space<vmem>> -> memref<1x128xi32, #tpu.memory_space<vmem>>
        %dma_wait3A_56 = tpu.memref_squeeze %dma_wait3A_55 : memref<1x128xi32, #tpu.memory_space<vmem>> -> memref<128xi32, #tpu.memory_space<vmem>>
        %dma_wait3A_57 = arith.constant 0 : i32
        %dma_wait3A_58 = arith.constant 0 : i32
        %dma_wait3A_59 = tpu.memref_slice %arg2[%dma_wait3A_57, %dma_wait3A_58] : memref<10240x128xf32, #tpu.memory_space<hbm>> -> memref<10240x128xf32, #tpu.memory_space<hbm>>
        tpu.wait_indirect_dma semaphore(%arg14 : memref<!tpu.dma_semaphore, #tpu.memory_space<semaphore_mem>>) src(%dma_wait3A_59 : memref<10240x128xf32, #tpu.memory_space<hbm>>) dst(%arg11 : memref<128x128xf32, #tpu.memory_space<vmem>>)
        %broadcast_in_dim3A_60 = vector.broadcast %mul3A_45 : i32 to vector<16xi32>
        %parallel_loop3A_61 = arith.constant 0 : i32
        %parallel_loop3A_62 = arith.constant 128 : i32
        %parallel_loop3A_63 = arith.constant 1 : i32
        scf.for %parallel_loop3A_86 = %parallel_loop3A_61 to %parallel_loop3A_62 step %parallel_loop3A_63  : i32 {
          %parallel_loop3A_87 = vector.broadcast %parallel_loop3A_86 : i32 to vector<16xi32>
          %parallel_loop3A_88 = tpu.vector_load_idx %arg10[%broadcast_in_dim3A_60, %parallel_loop3A_87] : memref<27x128xf32, #tpu.memory_space<vmem>>[vector<16xi32>, vector<16xi32>], vector<16xf32>,
          %parallel_loop3A_89 = arith.index_cast %parallel_loop3A_86 : i32 to index
          %parallel_loop3A_90 = arith.constant 0 : index
          %parallel_loop3A_91 = tpu.vector_load %arg11[%parallel_loop3A_89, %parallel_loop3A_90] {strides = array<i32>} : memref<128x128xf32, #tpu.memory_space<vmem>>, vector<16xf32>,
          %parallel_loop3A_92 = arith.mulf %parallel_loop3A_91, %parallel_loop3A_88 : vector<16xf32>
          %parallel_loop3A_93 = arith.index_cast %parallel_loop3A_86 : i32 to index
          %parallel_loop3A_94 = arith.constant 0 : index
          %parallel_loop3A_95 = tpu.vector_load %arg11[%parallel_loop3A_93, %parallel_loop3A_94] {strides = array<i32>} : memref<128x128xf32, #tpu.memory_space<vmem>>, vector<16xf32>,
          tpu.vector_store %arg11[%parallel_loop3A_93, %parallel_loop3A_94], %parallel_loop3A_92 {strides = array<i32>} : memref<128x128xf32, #tpu.memory_space<vmem>>, vector<16xf32>,
          %parallel_loop3A_96 = arith.index_cast %parallel_loop3A_86 : i32 to index
          %parallel_loop3A_97 = arith.constant 16 : index
          %parallel_loop3A_98 = tpu.vector_load %arg11[%parallel_loop3A_96, %parallel_loop3A_97] {strides = array<i32>} : memref<128x128xf32, #tpu.memory_space<vmem>>, vector<16xf32>,
          %parallel_loop3A_99 = arith.mulf %parallel_loop3A_98, %parallel_loop3A_88 : vector<16xf32>
          %parallel_loop3A_100 = arith.index_cast %parallel_loop3A_86 : i32 to index
          %parallel_loop3A_101 = arith.constant 16 : index
          %parallel_loop3A_102 = tpu.vector_load %arg11[%parallel_loop3A_100, %parallel_loop3A_101] {strides = array<i32>} : memref<128x128xf32, #tpu.memory_space<vmem>>, vector<16xf32>,
          tpu.vector_store %arg11[%parallel_loop3A_100, %parallel_loop3A_101], %parallel_loop3A_99 {strides = array<i32>} : memref<128x128xf32, #tpu.memory_space<vmem>>, vector<16xf32>,
          %parallel_loop3A_103 = arith.index_cast %parallel_loop3A_86 : i32 to index
          %parallel_loop3A_104 = arith.constant 32 : index
          %parallel_loop3A_105 = tpu.vector_load %arg11[%parallel_loop3A_103, %parallel_loop3A_104] {strides = array<i32>} : memref<128x128xf32, #tpu.memory_space<vmem>>, vector<16xf32>,
          %parallel_loop3A_106 = arith.mulf %parallel_loop3A_105, %parallel_loop3A_88 : vector<16xf32>
          %parallel_loop3A_107 = arith.index_cast %parallel_loop3A_86 : i32 to index
          %parallel_loop3A_108 = arith.constant 32 : index
          %parallel_loop3A_109 = tpu.vector_load %arg11[%parallel_loop3A_107, %parallel_loop3A_108] {strides = array<i32>} : memref<128x128xf32, #tpu.memory_space<vmem>>, vector<16xf32>,
          tpu.vector_store %arg11[%parallel_loop3A_107, %parallel_loop3A_108], %parallel_loop3A_106 {strides = array<i32>} : memref<128x128xf32, #tpu.memory_space<vmem>>, vector<16xf32>,
          %parallel_loop3A_110 = arith.index_cast %parallel_loop3A_86 : i32 to index
          %parallel_loop3A_111 = arith.constant 48 : index
          %parallel_loop3A_112 = tpu.vector_load %arg11[%parallel_loop3A_110, %parallel_loop3A_111] {strides = array<i32>} : memref<128x128xf32, #tpu.memory_space<vmem>>, vector<16xf32>,
          %parallel_loop3A_113 = arith.mulf %parallel_loop3A_112, %parallel_loop3A_88 : vector<16xf32>
          %parallel_loop3A_114 = arith.index_cast %parallel_loop3A_86 : i32 to index
          %parallel_loop3A_115 = arith.constant 48 : index
          %parallel_loop3A_116 = tpu.vector_load %arg11[%parallel_loop3A_114, %parallel_loop3A_115] {strides = array<i32>} : memref<128x128xf32, #tpu.memory_space<vmem>>, vector<16xf32>,
          tpu.vector_store %arg11[%parallel_loop3A_114, %parallel_loop3A_115], %parallel_loop3A_113 {strides = array<i32>} : memref<128x128xf32, #tpu.memory_space<vmem>>, vector<16xf32>,
          %parallel_loop3A_117 = arith.index_cast %parallel_loop3A_86 : i32 to index
          %parallel_loop3A_118 = arith.constant 64 : index
          %parallel_loop3A_119 = tpu.vector_load %arg11[%parallel_loop3A_117, %parallel_loop3A_118] {strides = array<i32>} : memref<128x128xf32, #tpu.memory_space<vmem>>, vector<16xf32>,
          %parallel_loop3A_120 = arith.mulf %parallel_loop3A_119, %parallel_loop3A_88 : vector<16xf32>
          %parallel_loop3A_121 = arith.index_cast %parallel_loop3A_86 : i32 to index
          %parallel_loop3A_122 = arith.constant 64 : index
          %parallel_loop3A_123 = tpu.vector_load %arg11[%parallel_loop3A_121, %parallel_loop3A_122] {strides = array<i32>} : memref<128x128xf32, #tpu.memory_space<vmem>>, vector<16xf32>,
          tpu.vector_store %arg11[%parallel_loop3A_121, %parallel_loop3A_122], %parallel_loop3A_120 {strides = array<i32>} : memref<128x128xf32, #tpu.memory_space<vmem>>, vector<16xf32>,
          %parallel_loop3A_124 = arith.index_cast %parallel_loop3A_86 : i32 to index
          %parallel_loop3A_125 = arith.constant 80 : index
          %parallel_loop3A_126 = tpu.vector_load %arg11[%parallel_loop3A_124, %parallel_loop3A_125] {strides = array<i32>} : memref<128x128xf32, #tpu.memory_space<vmem>>, vector<16xf32>,
          %parallel_loop3A_127 = arith.mulf %parallel_loop3A_126, %parallel_loop3A_88 : vector<16xf32>
          %parallel_loop3A_128 = arith.index_cast %parallel_loop3A_86 : i32 to index
          %parallel_loop3A_129 = arith.constant 80 : index
          %parallel_loop3A_130 = tpu.vector_load %arg11[%parallel_loop3A_128, %parallel_loop3A_129] {strides = array<i32>} : memref<128x128xf32, #tpu.memory_space<vmem>>, vector<16xf32>,
          tpu.vector_store %arg11[%parallel_loop3A_128, %parallel_loop3A_129], %parallel_loop3A_127 {strides = array<i32>} : memref<128x128xf32, #tpu.memory_space<vmem>>, vector<16xf32>,
          %parallel_loop3A_131 = arith.index_cast %parallel_loop3A_86 : i32 to index
          %parallel_loop3A_132 = arith.constant 96 : index
          %parallel_loop3A_133 = tpu.vector_load %arg11[%parallel_loop3A_131, %parallel_loop3A_132] {strides = array<i32>} : memref<128x128xf32, #tpu.memory_space<vmem>>, vector<16xf32>,
          %parallel_loop3A_134 = arith.mulf %parallel_loop3A_133, %parallel_loop3A_88 : vector<16xf32>
          %parallel_loop3A_135 = arith.index_cast %parallel_loop3A_86 : i32 to index
          %parallel_loop3A_136 = arith.constant 96 : index
          %parallel_loop3A_137 = tpu.vector_load %arg11[%parallel_loop3A_135, %parallel_loop3A_136] {strides = array<i32>} : memref<128x128xf32, #tpu.memory_space<vmem>>, vector<16xf32>,
          tpu.vector_store %arg11[%parallel_loop3A_135, %parallel_loop3A_136], %parallel_loop3A_134 {strides = array<i32>} : memref<128x128xf32, #tpu.memory_space<vmem>>, vector<16xf32>,
          %parallel_loop3A_138 = arith.index_cast %parallel_loop3A_86 : i32 to index
          %parallel_loop3A_139 = arith.constant 112 : index
          %parallel_loop3A_140 = tpu.vector_load %arg11[%parallel_loop3A_138, %parallel_loop3A_139] {strides = array<i32>} : memref<128x128xf32, #tpu.memory_space<vmem>>, vector<16xf32>,
          %parallel_loop3A_141 = arith.mulf %parallel_loop3A_140, %parallel_loop3A_88 : vector<16xf32>
          %parallel_loop3A_142 = arith.index_cast %parallel_loop3A_86 : i32 to index
          %parallel_loop3A_143 = arith.constant 112 : index
          %parallel_loop3A_144 = tpu.vector_load %arg11[%parallel_loop3A_142, %parallel_loop3A_143] {strides = array<i32>} : memref<128x128xf32, #tpu.memory_space<vmem>>, vector<16xf32>,
          tpu.vector_store %arg11[%parallel_loop3A_142, %parallel_loop3A_143], %parallel_loop3A_141 {strides = array<i32>} : memref<128x128xf32, #tpu.memory_space<vmem>>, vector<16xf32>,
        } {sc.loop_unroll_factor = 8 : i64, sc.parallel_access}
        "tpu.region"() ({
          %run_scoped3A_86 = tpu.sem_alloc : memref<!tpu.dma_semaphore, #tpu.memory_space<semaphore_mem>>
          %dma_start3A_87 = arith.constant 0 : i32
          %dma_start3A_88 = tpu.memref_slice %arg9[%mul3A_45, %dma_start3A_87] : memref<27x128xi32, #tpu.memory_space<vmem>> -> memref<1x128xi32, #tpu.memory_space<vmem>>
          %dma_start3A_89 = tpu.memref_squeeze %dma_start3A_88 : memref<1x128xi32, #tpu.memory_space<vmem>> -> memref<128xi32, #tpu.memory_space<vmem>>
          %dma_start3A_90 = arith.constant 0 : i32
          %dma_start3A_91 = arith.constant 0 : i32
          %dma_start3A_92 = tpu.memref_slice %arg13[%dma_start3A_90, %dma_start3A_91] : memref<10240x128xf32, #tpu.memory_space<vmem_shared>> -> memref<10240x128xf32, #tpu.memory_space<vmem_shared>>
          tpu.enqueue_indirect_dma source(%arg11 : memref<128x128xf32, #tpu.memory_space<vmem>>) target(%dma_start3A_92 : memref<10240x128xf32, #tpu.memory_space<vmem_shared>>) offsets(%dma_start3A_89 : memref<128xi32, #tpu.memory_space<vmem>>) semaphore(%run_scoped3A_86 : memref<!tpu.dma_semaphore, #tpu.memory_space<semaphore_mem>>) {add = true}
          %dma_wait3A_93 = arith.constant 0 : i32
          %dma_wait3A_94 = tpu.memref_slice %arg9[%mul3A_45, %dma_wait3A_93] : memref<27x128xi32, #tpu.memory_space<vmem>> -> memref<1x128xi32, #tpu.memory_space<vmem>>
          %dma_wait3A_95 = tpu.memref_squeeze %dma_wait3A_94 : memref<1x128xi32, #tpu.memory_space<vmem>> -> memref<128xi32, #tpu.memory_space<vmem>>
          %dma_wait3A_96 = arith.constant 0 : i32
          %dma_wait3A_97 = arith.constant 0 : i32
          %dma_wait3A_98 = tpu.memref_slice %arg13[%dma_wait3A_96, %dma_wait3A_97] : memref<10240x128xf32, #tpu.memory_space<vmem_shared>> -> memref<10240x128xf32, #tpu.memory_space<vmem_shared>>
          tpu.wait_indirect_dma semaphore(%run_scoped3A_86 : memref<!tpu.dma_semaphore, #tpu.memory_space<semaphore_mem>>) src(%arg11 : memref<128x128xf32, #tpu.memory_space<vmem>>) dst(%dma_wait3A_98 : memref<10240x128xf32, #tpu.memory_space<vmem_shared>>)
          tpu.yield
        }) : () -> ()
        %add3A_64 = arith.constant 2 : i32
        %add3A_65 = arith.addi %mul3A_45, %add3A_64 : i32
        %dma_start3A_66 = arith.constant 0 : i32
        %dma_start3A_67 = tpu.memref_slice %arg8[%add3A_65, %dma_start3A_66] : memref<27x128xi32, #tpu.memory_space<vmem>> -> memref<1x128xi32, #tpu.memory_space<vmem>>
        %dma_start3A_68 = tpu.memref_squeeze %dma_start3A_67 : memref<1x128xi32, #tpu.memory_space<vmem>> -> memref<128xi32, #tpu.memory_space<vmem>>
        %dma_start3A_69 = arith.constant 0 : i32
        %dma_start3A_70 = arith.constant 0 : i32
        %dma_start3A_71 = tpu.memref_slice %arg2[%dma_start3A_69, %dma_start3A_70] : memref<10240x128xf32, #tpu.memory_space<hbm>> -> memref<10240x128xf32, #tpu.memory_space<hbm>>
        tpu.enqueue_indirect_dma source(%dma_start3A_71 : memref<10240x128xf32, #tpu.memory_space<hbm>>) target(%arg11 : memref<128x128xf32, #tpu.memory_space<vmem>>) offsets(%dma_start3A_68 : memref<128xi32, #tpu.memory_space<vmem>>) semaphore(%arg14 : memref<!tpu.dma_semaphore, #tpu.memory_space<semaphore_mem>>)
        %add3A_72 = arith.constant 1 : i32
        %add3A_73 = arith.addi %mul3A_45, %add3A_72 : i32
        %dma_wait3A_74 = arith.constant 0 : i32
        %dma_wait3A_75 = tpu.memref_slice %arg8[%add3A_73, %dma_wait3A_74] : memref<27x128xi32, #tpu.memory_space<vmem>> -> memref<1x128xi32, #tpu.memory_space<vmem>>
        %dma_wait3A_76 = tpu.memref_squeeze %dma_wait3A_75 : memref<1x128xi32, #tpu.memory_space<vmem>> -> memref<128xi32, #tpu.memory_space<vmem>>
        %dma_wait3A_77 = arith.constant 0 : i32
        %dma_wait3A_78 = arith.constant 0 : i32
        %dma_wait3A_79 = tpu.memref_slice %arg2[%dma_wait3A_77, %dma_wait3A_78] : memref<10240x128xf32, #tpu.memory_space<hbm>> -> memref<10240x128xf32, #tpu.memory_space<hbm>>
        tpu.wait_indirect_dma semaphore(%arg15 : memref<!tpu.dma_semaphore, #tpu.memory_space<semaphore_mem>>) src(%dma_wait3A_79 : memref<10240x128xf32, #tpu.memory_space<hbm>>) dst(%arg12 : memref<128x128xf32, #tpu.memory_space<vmem>>)
        %add3A_80 = arith.constant 1 : i32
        %add3A_81 = arith.addi %mul3A_45, %add3A_80 : i32
        %broadcast_in_dim3A_82 = vector.broadcast %add3A_81 : i32 to vector<16xi32>
        %parallel_loop3A_83 = arith.constant 0 : i32
        %parallel_loop3A_84 = arith.constant 128 : i32
        %parallel_loop3A_85 = arith.constant 1 : i32
        scf.for %parallel_loop3A_86 = %parallel_loop3A_83 to %parallel_loop3A_84 step %parallel_loop3A_85  : i32 {
          %parallel_loop3A_87 = vector.broadcast %parallel_loop3A_86 : i32 to vector<16xi32>
          %parallel_loop3A_88 = tpu.vector_load_idx %arg10[%broadcast_in_dim3A_82, %parallel_loop3A_87] : memref<27x128xf32, #tpu.memory_space<vmem>>[vector<16xi32>, vector<16xi32>], vector<16xf32>,
          %parallel_loop3A_89 = arith.index_cast %parallel_loop3A_86 : i32 to index
          %parallel_loop3A_90 = arith.constant 0 : index
          %parallel_loop3A_91 = tpu.vector_load %arg12[%parallel_loop3A_89, %parallel_loop3A_90] {strides = array<i32>} : memref<128x128xf32, #tpu.memory_space<vmem>>, vector<16xf32>,
          %parallel_loop3A_92 = arith.mulf %parallel_loop3A_91, %parallel_loop3A_88 : vector<16xf32>
          %parallel_loop3A_93 = arith.index_cast %parallel_loop3A_86 : i32 to index
          %parallel_loop3A_94 = arith.constant 0 : index
          %parallel_loop3A_95 = tpu.vector_load %arg12[%parallel_loop3A_93, %parallel_loop3A_94] {strides = array<i32>} : memref<128x128xf32, #tpu.memory_space<vmem>>, vector<16xf32>,
          tpu.vector_store %arg12[%parallel_loop3A_93, %parallel_loop3A_94], %parallel_loop3A_92 {strides = array<i32>} : memref<128x128xf32, #tpu.memory_space<vmem>>, vector<16xf32>,
          %parallel_loop3A_96 = arith.index_cast %parallel_loop3A_86 : i32 to index
          %parallel_loop3A_97 = arith.constant 16 : index
          %parallel_loop3A_98 = tpu.vector_load %arg12[%parallel_loop3A_96, %parallel_loop3A_97] {strides = array<i32>} : memref<128x128xf32, #tpu.memory_space<vmem>>, vector<16xf32>,
          %parallel_loop3A_99 = arith.mulf %parallel_loop3A_98, %parallel_loop3A_88 : vector<16xf32>
          %parallel_loop3A_100 = arith.index_cast %parallel_loop3A_86 : i32 to index
          %parallel_loop3A_101 = arith.constant 16 : index
          %parallel_loop3A_102 = tpu.vector_load %arg12[%parallel_loop3A_100, %parallel_loop3A_101] {strides = array<i32>} : memref<128x128xf32, #tpu.memory_space<vmem>>, vector<16xf32>,
          tpu.vector_store %arg12[%parallel_loop3A_100, %parallel_loop3A_101], %parallel_loop3A_99 {strides = array<i32>} : memref<128x128xf32, #tpu.memory_space<vmem>>, vector<16xf32>,
          %parallel_loop3A_103 = arith.index_cast %parallel_loop3A_86 : i32 to index
          %parallel_loop3A_104 = arith.constant 32 : index
          %parallel_loop3A_105 = tpu.vector_load %arg12[%parallel_loop3A_103, %parallel_loop3A_104] {strides = array<i32>} : memref<128x128xf32, #tpu.memory_space<vmem>>, vector<16xf32>,
          %parallel_loop3A_106 = arith.mulf %parallel_loop3A_105, %parallel_loop3A_88 : vector<16xf32>
          %parallel_loop3A_107 = arith.index_cast %parallel_loop3A_86 : i32 to index
          %parallel_loop3A_108 = arith.constant 32 : index
          %parallel_loop3A_109 = tpu.vector_load %arg12[%parallel_loop3A_107, %parallel_loop3A_108] {strides = array<i32>} : memref<128x128xf32, #tpu.memory_space<vmem>>, vector<16xf32>,
          tpu.vector_store %arg12[%parallel_loop3A_107, %parallel_loop3A_108], %parallel_loop3A_106 {strides = array<i32>} : memref<128x128xf32, #tpu.memory_space<vmem>>, vector<16xf32>,
          %parallel_loop3A_110 = arith.index_cast %parallel_loop3A_86 : i32 to index
          %parallel_loop3A_111 = arith.constant 48 : index
          %parallel_loop3A_112 = tpu.vector_load %arg12[%parallel_loop3A_110, %parallel_loop3A_111] {strides = array<i32>} : memref<128x128xf32, #tpu.memory_space<vmem>>, vector<16xf32>,
          %parallel_loop3A_113 = arith.mulf %parallel_loop3A_112, %parallel_loop3A_88 : vector<16xf32>
          %parallel_loop3A_114 = arith.index_cast %parallel_loop3A_86 : i32 to index
          %parallel_loop3A_115 = arith.constant 48 : index
          %parallel_loop3A_116 = tpu.vector_load %arg12[%parallel_loop3A_114, %parallel_loop3A_115] {strides = array<i32>} : memref<128x128xf32, #tpu.memory_space<vmem>>, vector<16xf32>,
          tpu.vector_store %arg12[%parallel_loop3A_114, %parallel_loop3A_115], %parallel_loop3A_113 {strides = array<i32>} : memref<128x128xf32, #tpu.memory_space<vmem>>, vector<16xf32>,
          %parallel_loop3A_117 = arith.index_cast %parallel_loop3A_86 : i32 to index
          %parallel_loop3A_118 = arith.constant 64 : index
          %parallel_loop3A_119 = tpu.vector_load %arg12[%parallel_loop3A_117, %parallel_loop3A_118] {strides = array<i32>} : memref<128x128xf32, #tpu.memory_space<vmem>>, vector<16xf32>,
          %parallel_loop3A_120 = arith.mulf %parallel_loop3A_119, %parallel_loop3A_88 : vector<16xf32>
          %parallel_loop3A_121 = arith.index_cast %parallel_loop3A_86 : i32 to index
          %parallel_loop3A_122 = arith.constant 64 : index
          %parallel_loop3A_123 = tpu.vector_load %arg12[%parallel_loop3A_121, %parallel_loop3A_122] {strides = array<i32>} : memref<128x128xf32, #tpu.memory_space<vmem>>, vector<16xf32>,
          tpu.vector_store %arg12[%parallel_loop3A_121, %parallel_loop3A_122], %parallel_loop3A_120 {strides = array<i32>} : memref<128x128xf32, #tpu.memory_space<vmem>>, vector<16xf32>,
          %parallel_loop3A_124 = arith.index_cast %parallel_loop3A_86 : i32 to index
          %parallel_loop3A_125 = arith.constant 80 : index
          %parallel_loop3A_126 = tpu.vector_load %arg12[%parallel_loop3A_124, %parallel_loop3A_125] {strides = array<i32>} : memref<128x128xf32, #tpu.memory_space<vmem>>, vector<16xf32>,
          %parallel_loop3A_127 = arith.mulf %parallel_loop3A_126, %parallel_loop3A_88 : vector<16xf32>
          %parallel_loop3A_128 = arith.index_cast %parallel_loop3A_86 : i32 to index
          %parallel_loop3A_129 = arith.constant 80 : index
          %parallel_loop3A_130 = tpu.vector_load %arg12[%parallel_loop3A_128, %parallel_loop3A_129] {strides = array<i32>} : memref<128x128xf32, #tpu.memory_space<vmem>>, vector<16xf32>,
          tpu.vector_store %arg12[%parallel_loop3A_128, %parallel_loop3A_129], %parallel_loop3A_127 {strides = array<i32>} : memref<128x128xf32, #tpu.memory_space<vmem>>, vector<16xf32>,
          %parallel_loop3A_131 = arith.index_cast %parallel_loop3A_86 : i32 to index
          %parallel_loop3A_132 = arith.constant 96 : index
          %parallel_loop3A_133 = tpu.vector_load %arg12[%parallel_loop3A_131, %parallel_loop3A_132] {strides = array<i32>} : memref<128x128xf32, #tpu.memory_space<vmem>>, vector<16xf32>,
          %parallel_loop3A_134 = arith.mulf %parallel_loop3A_133, %parallel_loop3A_88 : vector<16xf32>
          %parallel_loop3A_135 = arith.index_cast %parallel_loop3A_86 : i32 to index
          %parallel_loop3A_136 = arith.constant 96 : index
          %parallel_loop3A_137 = tpu.vector_load %arg12[%parallel_loop3A_135, %parallel_loop3A_136] {strides = array<i32>} : memref<128x128xf32, #tpu.memory_space<vmem>>, vector<16xf32>,
          tpu.vector_store %arg12[%parallel_loop3A_135, %parallel_loop3A_136], %parallel_loop3A_134 {strides = array<i32>} : memref<128x128xf32, #tpu.memory_space<vmem>>, vector<16xf32>,
          %parallel_loop3A_138 = arith.index_cast %parallel_loop3A_86 : i32 to index
          %parallel_loop3A_139 = arith.constant 112 : index
          %parallel_loop3A_140 = tpu.vector_load %arg12[%parallel_loop3A_138, %parallel_loop3A_139] {strides = array<i32>} : memref<128x128xf32, #tpu.memory_space<vmem>>, vector<16xf32>,
          %parallel_loop3A_141 = arith.mulf %parallel_loop3A_140, %parallel_loop3A_88 : vector<16xf32>
          %parallel_loop3A_142 = arith.index_cast %parallel_loop3A_86 : i32 to index
          %parallel_loop3A_143 = arith.constant 112 : index
          %parallel_loop3A_144 = tpu.vector_load %arg12[%parallel_loop3A_142, %parallel_loop3A_143] {strides = array<i32>} : memref<128x128xf32, #tpu.memory_space<vmem>>, vector<16xf32>,
          tpu.vector_store %arg12[%parallel_loop3A_142, %parallel_loop3A_143], %parallel_loop3A_141 {strides = array<i32>} : memref<128x128xf32, #tpu.memory_space<vmem>>, vector<16xf32>,
        } {sc.loop_unroll_factor = 8 : i64, sc.parallel_access}
        "tpu.region"() ({
          %run_scoped3A_86 = tpu.sem_alloc : memref<!tpu.dma_semaphore, #tpu.memory_space<semaphore_mem>>
          %dma_start3A_87 = arith.constant 0 : i32
          %dma_start3A_88 = tpu.memref_slice %arg9[%add3A_81, %dma_start3A_87] : memref<27x128xi32, #tpu.memory_space<vmem>> -> memref<1x128xi32, #tpu.memory_space<vmem>>
          %dma_start3A_89 = tpu.memref_squeeze %dma_start3A_88 : memref<1x128xi32, #tpu.memory_space<vmem>> -> memref<128xi32, #tpu.memory_space<vmem>>
          %dma_start3A_90 = arith.constant 0 : i32
          %dma_start3A_91 = arith.constant 0 : i32
          %dma_start3A_92 = tpu.memref_slice %arg13[%dma_start3A_90, %dma_start3A_91] : memref<10240x128xf32, #tpu.memory_space<vmem_shared>> -> memref<10240x128xf32, #tpu.memory_space<vmem_shared>>
          tpu.enqueue_indirect_dma source(%arg12 : memref<128x128xf32, #tpu.memory_space<vmem>>) target(%dma_start3A_92 : memref<10240x128xf32, #tpu.memory_space<vmem_shared>>) offsets(%dma_start3A_89 : memref<128xi32, #tpu.memory_space<vmem>>) semaphore(%run_scoped3A_86 : memref<!tpu.dma_semaphore, #tpu.memory_space<semaphore_mem>>) {add = true}
          %dma_wait3A_93 = arith.constant 0 : i32
          %dma_wait3A_94 = tpu.memref_slice %arg9[%add3A_81, %dma_wait3A_93] : memref<27x128xi32, #tpu.memory_space<vmem>> -> memref<1x128xi32, #tpu.memory_space<vmem>>
          %dma_wait3A_95 = tpu.memref_squeeze %dma_wait3A_94 : memref<1x128xi32, #tpu.memory_space<vmem>> -> memref<128xi32, #tpu.memory_space<vmem>>
          %dma_wait3A_96 = arith.constant 0 : i32
          %dma_wait3A_97 = arith.constant 0 : i32
          %dma_wait3A_98 = tpu.memref_slice %arg13[%dma_wait3A_96, %dma_wait3A_97] : memref<10240x128xf32, #tpu.memory_space<vmem_shared>> -> memref<10240x128xf32, #tpu.memory_space<vmem_shared>>
          tpu.wait_indirect_dma semaphore(%run_scoped3A_86 : memref<!tpu.dma_semaphore, #tpu.memory_space<semaphore_mem>>) src(%arg12 : memref<128x128xf32, #tpu.memory_space<vmem>>) dst(%dma_wait3A_98 : memref<10240x128xf32, #tpu.memory_space<vmem_shared>>)
          tpu.yield
        }) : () -> ()
      }
      %scan3A_29 = arith.constant 13 : i32
      %dma_wait3A = arith.constant 26 : i32
      %dma_wait3A_30 = arith.constant 0 : i32
      %dma_wait3A_31 = tpu.memref_slice %arg8[%dma_wait3A, %dma_wait3A_30] : memref<27x128xi32, #tpu.memory_space<vmem>> -> memref<1x128xi32, #tpu.memory_space<vmem>>
      %dma_wait3A_32 = tpu.memref_squeeze %dma_wait3A_31 : memref<1x128xi32, #tpu.memory_space<vmem>> -> memref<128xi32, #tpu.memory_space<vmem>>
      %dma_wait3A_33 = arith.constant 0 : i32
      %dma_wait3A_34 = arith.constant 0 : i32
      %dma_wait3A_35 = tpu.memref_slice %arg2[%dma_wait3A_33, %dma_wait3A_34] : memref<10240x128xf32, #tpu.memory_space<hbm>> -> memref<10240x128xf32, #tpu.memory_space<hbm>>
      tpu.wait_indirect_dma semaphore(%arg14 : memref<!tpu.dma_semaphore, #tpu.memory_space<semaphore_mem>>) src(%dma_wait3A_35 : memref<10240x128xf32, #tpu.memory_space<hbm>>) dst(%arg11 : memref<128x128xf32, #tpu.memory_space<vmem>>)
      %broadcast_in_dim3A = arith.constant 26 : i32
      %broadcast_in_dim3A_36 = vector.broadcast %broadcast_in_dim3A : i32 to vector<16xi32>
      %parallel_loop3A = arith.constant 0 : i32
      %parallel_loop3A_37 = arith.constant 128 : i32
      %parallel_loop3A_38 = arith.constant 1 : i32
      scf.for %parallel_loop3A_39 = %parallel_loop3A to %parallel_loop3A_37 step %parallel_loop3A_38  : i32 {
        %parallel_loop3A_40 = vector.broadcast %parallel_loop3A_39 : i32 to vector<16xi32>
        %parallel_loop3A_41 = tpu.vector_load_idx %arg10[%broadcast_in_dim3A_36, %parallel_loop3A_40] : memref<27x128xf32, #tpu.memory_space<vmem>>[vector<16xi32>, vector<16xi32>], vector<16xf32>,
        %parallel_loop3A_42 = arith.index_cast %parallel_loop3A_39 : i32 to index
        %parallel_loop3A_43 = arith.constant 0 : index
        %parallel_loop3A_44 = tpu.vector_load %arg11[%parallel_loop3A_42, %parallel_loop3A_43] {strides = array<i32>} : memref<128x128xf32, #tpu.memory_space<vmem>>, vector<16xf32>,
        %parallel_loop3A_45 = arith.mulf %parallel_loop3A_44, %parallel_loop3A_41 : vector<16xf32>
        %parallel_loop3A_46 = arith.index_cast %parallel_loop3A_39 : i32 to index
        %parallel_loop3A_47 = arith.constant 0 : index
        %parallel_loop3A_48 = tpu.vector_load %arg11[%parallel_loop3A_46, %parallel_loop3A_47] {strides = array<i32>} : memref<128x128xf32, #tpu.memory_space<vmem>>, vector<16xf32>,
        tpu.vector_store %arg11[%parallel_loop3A_46, %parallel_loop3A_47], %parallel_loop3A_45 {strides = array<i32>} : memref<128x128xf32, #tpu.memory_space<vmem>>, vector<16xf32>,
        %parallel_loop3A_49 = arith.index_cast %parallel_loop3A_39 : i32 to index
        %parallel_loop3A_50 = arith.constant 16 : index
        %parallel_loop3A_51 = tpu.vector_load %arg11[%parallel_loop3A_49, %parallel_loop3A_50] {strides = array<i32>} : memref<128x128xf32, #tpu.memory_space<vmem>>, vector<16xf32>,
        %parallel_loop3A_52 = arith.mulf %parallel_loop3A_51, %parallel_loop3A_41 : vector<16xf32>
        %parallel_loop3A_53 = arith.index_cast %parallel_loop3A_39 : i32 to index
        %parallel_loop3A_54 = arith.constant 16 : index
        %parallel_loop3A_55 = tpu.vector_load %arg11[%parallel_loop3A_53, %parallel_loop3A_54] {strides = array<i32>} : memref<128x128xf32, #tpu.memory_space<vmem>>, vector<16xf32>,
        tpu.vector_store %arg11[%parallel_loop3A_53, %parallel_loop3A_54], %parallel_loop3A_52 {strides = array<i32>} : memref<128x128xf32, #tpu.memory_space<vmem>>, vector<16xf32>,
        %parallel_loop3A_56 = arith.index_cast %parallel_loop3A_39 : i32 to index
        %parallel_loop3A_57 = arith.constant 32 : index
        %parallel_loop3A_58 = tpu.vector_load %arg11[%parallel_loop3A_56, %parallel_loop3A_57] {strides = array<i32>} : memref<128x128xf32, #tpu.memory_space<vmem>>, vector<16xf32>,
        %parallel_loop3A_59 = arith.mulf %parallel_loop3A_58, %parallel_loop3A_41 : vector<16xf32>
        %parallel_loop3A_60 = arith.index_cast %parallel_loop3A_39 : i32 to index
        %parallel_loop3A_61 = arith.constant 32 : index
        %parallel_loop3A_62 = tpu.vector_load %arg11[%parallel_loop3A_60, %parallel_loop3A_61] {strides = array<i32>} : memref<128x128xf32, #tpu.memory_space<vmem>>, vector<16xf32>,
        tpu.vector_store %arg11[%parallel_loop3A_60, %parallel_loop3A_61], %parallel_loop3A_59 {strides = array<i32>} : memref<128x128xf32, #tpu.memory_space<vmem>>, vector<16xf32>,
        %parallel_loop3A_63 = arith.index_cast %parallel_loop3A_39 : i32 to index
        %parallel_loop3A_64 = arith.constant 48 : index
        %parallel_loop3A_65 = tpu.vector_load %arg11[%parallel_loop3A_63, %parallel_loop3A_64] {strides = array<i32>} : memref<128x128xf32, #tpu.memory_space<vmem>>, vector<16xf32>,
        %parallel_loop3A_66 = arith.mulf %parallel_loop3A_65, %parallel_loop3A_41 : vector<16xf32>
        %parallel_loop3A_67 = arith.index_cast %parallel_loop3A_39 : i32 to index
        %parallel_loop3A_68 = arith.constant 48 : index
        %parallel_loop3A_69 = tpu.vector_load %arg11[%parallel_loop3A_67, %parallel_loop3A_68] {strides = array<i32>} : memref<128x128xf32, #tpu.memory_space<vmem>>, vector<16xf32>,
        tpu.vector_store %arg11[%parallel_loop3A_67, %parallel_loop3A_68], %parallel_loop3A_66 {strides = array<i32>} : memref<128x128xf32, #tpu.memory_space<vmem>>, vector<16xf32>,
        %parallel_loop3A_70 = arith.index_cast %parallel_loop3A_39 : i32 to index
        %parallel_loop3A_71 = arith.constant 64 : index
        %parallel_loop3A_72 = tpu.vector_load %arg11[%parallel_loop3A_70, %parallel_loop3A_71] {strides = array<i32>} : memref<128x128xf32, #tpu.memory_space<vmem>>, vector<16xf32>,
        %parallel_loop3A_73 = arith.mulf %parallel_loop3A_72, %parallel_loop3A_41 : vector<16xf32>
        %parallel_loop3A_74 = arith.index_cast %parallel_loop3A_39 : i32 to index
        %parallel_loop3A_75 = arith.constant 64 : index
        %parallel_loop3A_76 = tpu.vector_load %arg11[%parallel_loop3A_74, %parallel_loop3A_75] {strides = array<i32>} : memref<128x128xf32, #tpu.memory_space<vmem>>, vector<16xf32>,
        tpu.vector_store %arg11[%parallel_loop3A_74, %parallel_loop3A_75], %parallel_loop3A_73 {strides = array<i32>} : memref<128x128xf32, #tpu.memory_space<vmem>>, vector<16xf32>,
        %parallel_loop3A_77 = arith.index_cast %parallel_loop3A_39 : i32 to index
        %parallel_loop3A_78 = arith.constant 80 : index
        %parallel_loop3A_79 = tpu.vector_load %arg11[%parallel_loop3A_77, %parallel_loop3A_78] {strides = array<i32>} : memref<128x128xf32, #tpu.memory_space<vmem>>, vector<16xf32>,
        %parallel_loop3A_80 = arith.mulf %parallel_loop3A_79, %parallel_loop3A_41 : vector<16xf32>
        %parallel_loop3A_81 = arith.index_cast %parallel_loop3A_39 : i32 to index
        %parallel_loop3A_82 = arith.constant 80 : index
        %parallel_loop3A_83 = tpu.vector_load %arg11[%parallel_loop3A_81, %parallel_loop3A_82] {strides = array<i32>} : memref<128x128xf32, #tpu.memory_space<vmem>>, vector<16xf32>,
        tpu.vector_store %arg11[%parallel_loop3A_81, %parallel_loop3A_82], %parallel_loop3A_80 {strides = array<i32>} : memref<128x128xf32, #tpu.memory_space<vmem>>, vector<16xf32>,
        %parallel_loop3A_84 = arith.index_cast %parallel_loop3A_39 : i32 to index
        %parallel_loop3A_85 = arith.constant 96 : index
        %parallel_loop3A_86 = tpu.vector_load %arg11[%parallel_loop3A_84, %parallel_loop3A_85] {strides = array<i32>} : memref<128x128xf32, #tpu.memory_space<vmem>>, vector<16xf32>,
        %parallel_loop3A_87 = arith.mulf %parallel_loop3A_86, %parallel_loop3A_41 : vector<16xf32>
        %parallel_loop3A_88 = arith.index_cast %parallel_loop3A_39 : i32 to index
        %parallel_loop3A_89 = arith.constant 96 : index
        %parallel_loop3A_90 = tpu.vector_load %arg11[%parallel_loop3A_88, %parallel_loop3A_89] {strides = array<i32>} : memref<128x128xf32, #tpu.memory_space<vmem>>, vector<16xf32>,
        tpu.vector_store %arg11[%parallel_loop3A_88, %parallel_loop3A_89], %parallel_loop3A_87 {strides = array<i32>} : memref<128x128xf32, #tpu.memory_space<vmem>>, vector<16xf32>,
        %parallel_loop3A_91 = arith.index_cast %parallel_loop3A_39 : i32 to index
        %parallel_loop3A_92 = arith.constant 112 : index
        %parallel_loop3A_93 = tpu.vector_load %arg11[%parallel_loop3A_91, %parallel_loop3A_92] {strides = array<i32>} : memref<128x128xf32, #tpu.memory_space<vmem>>, vector<16xf32>,
        %parallel_loop3A_94 = arith.mulf %parallel_loop3A_93, %parallel_loop3A_41 : vector<16xf32>
        %parallel_loop3A_95 = arith.index_cast %parallel_loop3A_39 : i32 to index
        %parallel_loop3A_96 = arith.constant 112 : index
        %parallel_loop3A_97 = tpu.vector_load %arg11[%parallel_loop3A_95, %parallel_loop3A_96] {strides = array<i32>} : memref<128x128xf32, #tpu.memory_space<vmem>>, vector<16xf32>,
        tpu.vector_store %arg11[%parallel_loop3A_95, %parallel_loop3A_96], %parallel_loop3A_94 {strides = array<i32>} : memref<128x128xf32, #tpu.memory_space<vmem>>, vector<16xf32>,
      } {sc.loop_unroll_factor = 8 : i64, sc.parallel_access}
      %run_scoped3A = arith.constant 26 : i32
      "tpu.region"() ({
        %run_scoped3A_39 = tpu.sem_alloc : memref<!tpu.dma_semaphore, #tpu.memory_space<semaphore_mem>>
        %dma_start3A_40 = arith.constant 0 : i32
        %dma_start3A_41 = tpu.memref_slice %arg9[%run_scoped3A, %dma_start3A_40] : memref<27x128xi32, #tpu.memory_space<vmem>> -> memref<1x128xi32, #tpu.memory_space<vmem>>
        %dma_start3A_42 = tpu.memref_squeeze %dma_start3A_41 : memref<1x128xi32, #tpu.memory_space<vmem>> -> memref<128xi32, #tpu.memory_space<vmem>>
        %dma_start3A_43 = arith.constant 0 : i32
        %dma_start3A_44 = arith.constant 0 : i32
        %dma_start3A_45 = tpu.memref_slice %arg13[%dma_start3A_43, %dma_start3A_44] : memref<10240x128xf32, #tpu.memory_space<vmem_shared>> -> memref<10240x128xf32, #tpu.memory_space<vmem_shared>>
        tpu.enqueue_indirect_dma source(%arg11 : memref<128x128xf32, #tpu.memory_space<vmem>>) target(%dma_start3A_45 : memref<10240x128xf32, #tpu.memory_space<vmem_shared>>) offsets(%dma_start3A_42 : memref<128xi32, #tpu.memory_space<vmem>>) semaphore(%run_scoped3A_39 : memref<!tpu.dma_semaphore, #tpu.memory_space<semaphore_mem>>) {add = true}
        %dma_wait3A_46 = arith.constant 0 : i32
        %dma_wait3A_47 = tpu.memref_slice %arg9[%run_scoped3A, %dma_wait3A_46] : memref<27x128xi32, #tpu.memory_space<vmem>> -> memref<1x128xi32, #tpu.memory_space<vmem>>
        %dma_wait3A_48 = tpu.memref_squeeze %dma_wait3A_47 : memref<1x128xi32, #tpu.memory_space<vmem>> -> memref<128xi32, #tpu.memory_space<vmem>>
        %dma_wait3A_49 = arith.constant 0 : i32
        %dma_wait3A_50 = arith.constant 0 : i32
        %dma_wait3A_51 = tpu.memref_slice %arg13[%dma_wait3A_49, %dma_wait3A_50] : memref<10240x128xf32, #tpu.memory_space<vmem_shared>> -> memref<10240x128xf32, #tpu.memory_space<vmem_shared>>
        tpu.wait_indirect_dma semaphore(%run_scoped3A_39 : memref<!tpu.dma_semaphore, #tpu.memory_space<semaphore_mem>>) src(%arg11 : memref<128x128xf32, #tpu.memory_space<vmem>>) dst(%dma_wait3A_51 : memref<10240x128xf32, #tpu.memory_space<vmem_shared>>)
        tpu.yield
      }) : () -> ()
    }
    %scan3A_8 = arith.constant 3 : i32
    %barrier3A_9 = arith.constant 0 : index
    tpu.barrier barrier_id(%barrier3A_9)
    %mul3A_10 = arith.constant 640 : i32
    %mul3A_11 = arith.muli %arg1, %mul3A_10 : i32
    %mul3A_12 = arith.constant 640 : i32
    %mul3A_13 = arith.muli %arg1, %mul3A_12 : i32
    "tpu.region"() ({
      %run_scoped3A = tpu.sem_alloc : memref<!tpu.dma_semaphore, #tpu.memory_space<semaphore_mem>>
      %dma_start3A = arith.constant 0 : i32
      %dma_start3A_14 = tpu.memref_slice %arg7[%arg0, %mul3A_13, %dma_start3A] : memref<2x10240x128xf32, #tpu.memory_space<hbm>> -> memref<1x640x128xf32, #tpu.memory_space<hbm>>
      %dma_start3A_15 = tpu.memref_squeeze %dma_start3A_14 : memref<1x640x128xf32, #tpu.memory_space<hbm>> -> memref<640x128xf32, #tpu.memory_space<hbm>>
      %dma_start3A_16 = arith.constant 0 : i32
      %dma_start3A_17 = tpu.memref_slice %arg13[%mul3A_11, %dma_start3A_16] : memref<10240x128xf32, #tpu.memory_space<vmem_shared>> -> memref<640x128xf32, #tpu.memory_space<vmem_shared>>
      tpu.enqueue_dma source(%dma_start3A_17 : memref<640x128xf32, #tpu.memory_space<vmem_shared>>) target(%dma_start3A_15 : memref<640x128xf32, #tpu.memory_space<hbm>>) target_semaphore(%run_scoped3A : memref<!tpu.dma_semaphore, #tpu.memory_space<semaphore_mem>>)
      %dma_wait3A = arith.constant 0 : i32
      %dma_wait3A_18 = tpu.memref_slice %arg7[%arg0, %mul3A_13, %dma_wait3A] : memref<2x10240x128xf32, #tpu.memory_space<hbm>> -> memref<1x640x128xf32, #tpu.memory_space<hbm>>
      %dma_wait3A_19 = tpu.memref_squeeze %dma_wait3A_18 : memref<1x640x128xf32, #tpu.memory_space<hbm>> -> memref<640x128xf32, #tpu.memory_space<hbm>>
      %dma_wait3A_20 = arith.constant 0 : i32
      %dma_wait3A_21 = tpu.memref_slice %arg13[%mul3A_11, %dma_wait3A_20] : memref<10240x128xf32, #tpu.memory_space<vmem_shared>> -> memref<640x128xf32, #tpu.memory_space<vmem_shared>>
      tpu.wait_dma2 semaphore(%run_scoped3A : memref<!tpu.dma_semaphore, #tpu.memory_space<semaphore_mem>>) src(%dma_wait3A_21 : memref<640x128xf32, #tpu.memory_space<vmem_shared>>) dst(%dma_wait3A_19 : memref<640x128xf32, #tpu.memory_space<hbm>>)
      tpu.yield
    }) : () -> ()
    return
  }
}

#map = affine_map<(d0, d1) -> (0)>
#map1 = affine_map<(d0, d1) -> (0, 0, 0)>
#map2 = affine_map<(d0, d1) -> (0, 0, 0, 0)>
module attributes {stable_mosaic.version = 14 : i64} {
  func.func @_sc_w_body(%arg0: i32, %arg1: i32, %arg2: memref<10240xf32, #tpu.memory_space<hbm>>, %arg3: memref<10240xf32, #tpu.memory_space<hbm>>, %arg4: memref<16xf32, #tpu.memory_space<hbm>>, %arg5: memref<32x81x128xi32, #tpu.memory_space<hbm>>, %arg6: memref<32x81x128xi32, #tpu.memory_space<hbm>>, %arg7: memref<32x81x128xf32, #tpu.memory_space<hbm>>, %arg8: memref<2x16x80x128xf32, #tpu.memory_space<hbm>>, %arg9: memref<10240xf32, #tpu.memory_space<vmem>>, %arg10: memref<10240xf32, #tpu.memory_space<vmem>>, %arg11: memref<16xf32, #tpu.memory_space<vmem>>, %arg12: memref<81x128xi32, #tpu.memory_space<vmem>>, %arg13: memref<81x128xi32, #tpu.memory_space<vmem>>, %arg14: memref<81x128xf32, #tpu.memory_space<vmem>>, %arg15: memref<80x128xf32, #tpu.memory_space<vmem>>) attributes {dimension_semantics = [#tpu.dimension_semantics<core_parallel>, #tpu.dimension_semantics<subcore_parallel>], iteration_bounds = array<i64: 2, 16>, scalar_prefetch = 0 : i64, scratch_operands = 7 : i64, tpu.core_type = #tpu.core_type<sc_vector_subcore>, window_params = [{transform_indices = #map}, {transform_indices = #map}, {transform_indices = #map}, {transform_indices = #map1}, {transform_indices = #map1}, {transform_indices = #map1}, {transform_indices = #map2}]} {
    %mul3A = arith.constant 2 : i32
    %mul3A_0 = arith.muli %arg1, %mul3A : i32
    %add3A = arith.addi %mul3A_0, %arg0 : i32
    "tpu.region"() ({
      %run_scoped3A = tpu.sem_alloc : memref<!tpu.dma_semaphore, #tpu.memory_space<semaphore_mem>>
      tpu.enqueue_dma source(%arg2 : memref<10240xf32, #tpu.memory_space<hbm>>) target(%arg9 : memref<10240xf32, #tpu.memory_space<vmem>>) target_semaphore(%run_scoped3A : memref<!tpu.dma_semaphore, #tpu.memory_space<semaphore_mem>>)
      tpu.wait_dma2 semaphore(%run_scoped3A : memref<!tpu.dma_semaphore, #tpu.memory_space<semaphore_mem>>) src(%arg2 : memref<10240xf32, #tpu.memory_space<hbm>>) dst(%arg9 : memref<10240xf32, #tpu.memory_space<vmem>>)
      tpu.yield
    }) : () -> ()
    "tpu.region"() ({
      %run_scoped3A = tpu.sem_alloc : memref<!tpu.dma_semaphore, #tpu.memory_space<semaphore_mem>>
      tpu.enqueue_dma source(%arg3 : memref<10240xf32, #tpu.memory_space<hbm>>) target(%arg10 : memref<10240xf32, #tpu.memory_space<vmem>>) target_semaphore(%run_scoped3A : memref<!tpu.dma_semaphore, #tpu.memory_space<semaphore_mem>>)
      tpu.wait_dma2 semaphore(%run_scoped3A : memref<!tpu.dma_semaphore, #tpu.memory_space<semaphore_mem>>) src(%arg3 : memref<10240xf32, #tpu.memory_space<hbm>>) dst(%arg10 : memref<10240xf32, #tpu.memory_space<vmem>>)
      tpu.yield
    }) : () -> ()
    "tpu.region"() ({
      %run_scoped3A = tpu.sem_alloc : memref<!tpu.dma_semaphore, #tpu.memory_space<semaphore_mem>>
      tpu.enqueue_dma source(%arg4 : memref<16xf32, #tpu.memory_space<hbm>>) target(%arg11 : memref<16xf32, #tpu.memory_space<vmem>>) target_semaphore(%run_scoped3A : memref<!tpu.dma_semaphore, #tpu.memory_space<semaphore_mem>>)
      tpu.wait_dma2 semaphore(%run_scoped3A : memref<!tpu.dma_semaphore, #tpu.memory_space<semaphore_mem>>) src(%arg4 : memref<16xf32, #tpu.memory_space<hbm>>) dst(%arg11 : memref<16xf32, #tpu.memory_space<vmem>>)
      tpu.yield
    }) : () -> ()
    "tpu.region"() ({
      %run_scoped3A = tpu.sem_alloc : memref<!tpu.dma_semaphore, #tpu.memory_space<semaphore_mem>>
      %dma_start3A = arith.constant 0 : i32
      %dma_start3A_14 = arith.constant 0 : i32
      %dma_start3A_15 = tpu.memref_slice %arg5[%add3A, %dma_start3A, %dma_start3A_14] : memref<32x81x128xi32, #tpu.memory_space<hbm>> -> memref<1x81x128xi32, #tpu.memory_space<hbm>>
      %dma_start3A_16 = tpu.memref_squeeze %dma_start3A_15 : memref<1x81x128xi32, #tpu.memory_space<hbm>> -> memref<81x128xi32, #tpu.memory_space<hbm>>
      %dma_start3A_17 = arith.constant 0 : i32
      %dma_start3A_18 = arith.constant 0 : i32
      %dma_start3A_19 = tpu.memref_slice %arg5[%add3A, %dma_start3A_17, %dma_start3A_18] : memref<32x81x128xi32, #tpu.memory_space<hbm>> -> memref<1x81x128xi32, #tpu.memory_space<hbm>>
      %dma_start3A_20 = tpu.memref_squeeze %dma_start3A_19 : memref<1x81x128xi32, #tpu.memory_space<hbm>> -> memref<81x128xi32, #tpu.memory_space<hbm>>
      tpu.enqueue_dma source(%dma_start3A_20 : memref<81x128xi32, #tpu.memory_space<hbm>>) target(%arg12 : memref<81x128xi32, #tpu.memory_space<vmem>>) target_semaphore(%run_scoped3A : memref<!tpu.dma_semaphore, #tpu.memory_space<semaphore_mem>>)
      %dma_wait3A = arith.constant 0 : i32
      %dma_wait3A_21 = arith.constant 0 : i32
      %dma_wait3A_22 = tpu.memref_slice %arg5[%add3A, %dma_wait3A, %dma_wait3A_21] : memref<32x81x128xi32, #tpu.memory_space<hbm>> -> memref<1x81x128xi32, #tpu.memory_space<hbm>>
      %dma_wait3A_23 = tpu.memref_squeeze %dma_wait3A_22 : memref<1x81x128xi32, #tpu.memory_space<hbm>> -> memref<81x128xi32, #tpu.memory_space<hbm>>
      %dma_wait3A_24 = arith.constant 0 : i32
      %dma_wait3A_25 = arith.constant 0 : i32
      %dma_wait3A_26 = tpu.memref_slice %arg5[%add3A, %dma_wait3A_24, %dma_wait3A_25] : memref<32x81x128xi32, #tpu.memory_space<hbm>> -> memref<1x81x128xi32, #tpu.memory_space<hbm>>
      %dma_wait3A_27 = tpu.memref_squeeze %dma_wait3A_26 : memref<1x81x128xi32, #tpu.memory_space<hbm>> -> memref<81x128xi32, #tpu.memory_space<hbm>>
      tpu.wait_dma2 semaphore(%run_scoped3A : memref<!tpu.dma_semaphore, #tpu.memory_space<semaphore_mem>>) src(%dma_wait3A_27 : memref<81x128xi32, #tpu.memory_space<hbm>>) dst(%arg12 : memref<81x128xi32, #tpu.memory_space<vmem>>)
      tpu.yield
    }) : () -> ()
    "tpu.region"() ({
      %run_scoped3A = tpu.sem_alloc : memref<!tpu.dma_semaphore, #tpu.memory_space<semaphore_mem>>
      %dma_start3A = arith.constant 0 : i32
      %dma_start3A_14 = arith.constant 0 : i32
      %dma_start3A_15 = tpu.memref_slice %arg6[%add3A, %dma_start3A, %dma_start3A_14] : memref<32x81x128xi32, #tpu.memory_space<hbm>> -> memref<1x81x128xi32, #tpu.memory_space<hbm>>
      %dma_start3A_16 = tpu.memref_squeeze %dma_start3A_15 : memref<1x81x128xi32, #tpu.memory_space<hbm>> -> memref<81x128xi32, #tpu.memory_space<hbm>>
      %dma_start3A_17 = arith.constant 0 : i32
      %dma_start3A_18 = arith.constant 0 : i32
      %dma_start3A_19 = tpu.memref_slice %arg6[%add3A, %dma_start3A_17, %dma_start3A_18] : memref<32x81x128xi32, #tpu.memory_space<hbm>> -> memref<1x81x128xi32, #tpu.memory_space<hbm>>
      %dma_start3A_20 = tpu.memref_squeeze %dma_start3A_19 : memref<1x81x128xi32, #tpu.memory_space<hbm>> -> memref<81x128xi32, #tpu.memory_space<hbm>>
      tpu.enqueue_dma source(%dma_start3A_20 : memref<81x128xi32, #tpu.memory_space<hbm>>) target(%arg13 : memref<81x128xi32, #tpu.memory_space<vmem>>) target_semaphore(%run_scoped3A : memref<!tpu.dma_semaphore, #tpu.memory_space<semaphore_mem>>)
      %dma_wait3A = arith.constant 0 : i32
      %dma_wait3A_21 = arith.constant 0 : i32
      %dma_wait3A_22 = tpu.memref_slice %arg6[%add3A, %dma_wait3A, %dma_wait3A_21] : memref<32x81x128xi32, #tpu.memory_space<hbm>> -> memref<1x81x128xi32, #tpu.memory_space<hbm>>
      %dma_wait3A_23 = tpu.memref_squeeze %dma_wait3A_22 : memref<1x81x128xi32, #tpu.memory_space<hbm>> -> memref<81x128xi32, #tpu.memory_space<hbm>>
      %dma_wait3A_24 = arith.constant 0 : i32
      %dma_wait3A_25 = arith.constant 0 : i32
      %dma_wait3A_26 = tpu.memref_slice %arg6[%add3A, %dma_wait3A_24, %dma_wait3A_25] : memref<32x81x128xi32, #tpu.memory_space<hbm>> -> memref<1x81x128xi32, #tpu.memory_space<hbm>>
      %dma_wait3A_27 = tpu.memref_squeeze %dma_wait3A_26 : memref<1x81x128xi32, #tpu.memory_space<hbm>> -> memref<81x128xi32, #tpu.memory_space<hbm>>
      tpu.wait_dma2 semaphore(%run_scoped3A : memref<!tpu.dma_semaphore, #tpu.memory_space<semaphore_mem>>) src(%dma_wait3A_27 : memref<81x128xi32, #tpu.memory_space<hbm>>) dst(%arg13 : memref<81x128xi32, #tpu.memory_space<vmem>>)
      tpu.yield
    }) : () -> ()
    %broadcast_in_dim3A = arith.constant 0.000000e+00 : f32
    %broadcast_in_dim3A_1 = vector.broadcast %broadcast_in_dim3A : f32 to vector<16xf32>
    %scan3A = arith.constant 0 : i32
    %scan3A_2 = arith.constant 80 : i32
    %scan3A_3 = arith.addi %scan3A, %scan3A_2 : i32
    %scan3A_4 = arith.constant 1 : i32
    scf.for %scan3A_14 = %scan3A to %scan3A_3 step %scan3A_4  : i32 {
      %mul3A_15 = arith.constant 1 : i32
      %mul3A_16 = arith.muli %scan3A_14, %mul3A_15 : i32
      %add3A_17 = arith.constant 0 : i32
      %add3A_18 = arith.addi %add3A_17, %mul3A_16 : i32
      %swap3A = arith.index_cast %add3A_18 : i32 to index
      %swap3A_19 = arith.constant 0 : index
      %swap3A_20 = tpu.vector_load %arg15[%swap3A, %swap3A_19] {strides = array<i32>} : memref<80x128xf32, #tpu.memory_space<vmem>>, vector<16xf32>,
      tpu.vector_store %arg15[%swap3A, %swap3A_19], %broadcast_in_dim3A_1 {strides = array<i32>} : memref<80x128xf32, #tpu.memory_space<vmem>>, vector<16xf32>,
      %swap3A_21 = arith.index_cast %add3A_18 : i32 to index
      %swap3A_22 = arith.constant 16 : index
      %swap3A_23 = tpu.vector_load %arg15[%swap3A_21, %swap3A_22] {strides = array<i32>} : memref<80x128xf32, #tpu.memory_space<vmem>>, vector<16xf32>,
      tpu.vector_store %arg15[%swap3A_21, %swap3A_22], %broadcast_in_dim3A_1 {strides = array<i32>} : memref<80x128xf32, #tpu.memory_space<vmem>>, vector<16xf32>,
      %swap3A_24 = arith.index_cast %add3A_18 : i32 to index
      %swap3A_25 = arith.constant 32 : index
      %swap3A_26 = tpu.vector_load %arg15[%swap3A_24, %swap3A_25] {strides = array<i32>} : memref<80x128xf32, #tpu.memory_space<vmem>>, vector<16xf32>,
      tpu.vector_store %arg15[%swap3A_24, %swap3A_25], %broadcast_in_dim3A_1 {strides = array<i32>} : memref<80x128xf32, #tpu.memory_space<vmem>>, vector<16xf32>,
      %swap3A_27 = arith.index_cast %add3A_18 : i32 to index
      %swap3A_28 = arith.constant 48 : index
      %swap3A_29 = tpu.vector_load %arg15[%swap3A_27, %swap3A_28] {strides = array<i32>} : memref<80x128xf32, #tpu.memory_space<vmem>>, vector<16xf32>,
      tpu.vector_store %arg15[%swap3A_27, %swap3A_28], %broadcast_in_dim3A_1 {strides = array<i32>} : memref<80x128xf32, #tpu.memory_space<vmem>>, vector<16xf32>,
      %swap3A_30 = arith.index_cast %add3A_18 : i32 to index
      %swap3A_31 = arith.constant 64 : index
      %swap3A_32 = tpu.vector_load %arg15[%swap3A_30, %swap3A_31] {strides = array<i32>} : memref<80x128xf32, #tpu.memory_space<vmem>>, vector<16xf32>,
      tpu.vector_store %arg15[%swap3A_30, %swap3A_31], %broadcast_in_dim3A_1 {strides = array<i32>} : memref<80x128xf32, #tpu.memory_space<vmem>>, vector<16xf32>,
      %swap3A_33 = arith.index_cast %add3A_18 : i32 to index
      %swap3A_34 = arith.constant 80 : index
      %swap3A_35 = tpu.vector_load %arg15[%swap3A_33, %swap3A_34] {strides = array<i32>} : memref<80x128xf32, #tpu.memory_space<vmem>>, vector<16xf32>,
      tpu.vector_store %arg15[%swap3A_33, %swap3A_34], %broadcast_in_dim3A_1 {strides = array<i32>} : memref<80x128xf32, #tpu.memory_space<vmem>>, vector<16xf32>,
      %swap3A_36 = arith.index_cast %add3A_18 : i32 to index
      %swap3A_37 = arith.constant 96 : index
      %swap3A_38 = tpu.vector_load %arg15[%swap3A_36, %swap3A_37] {strides = array<i32>} : memref<80x128xf32, #tpu.memory_space<vmem>>, vector<16xf32>,
      tpu.vector_store %arg15[%swap3A_36, %swap3A_37], %broadcast_in_dim3A_1 {strides = array<i32>} : memref<80x128xf32, #tpu.memory_space<vmem>>, vector<16xf32>,
      %swap3A_39 = arith.index_cast %add3A_18 : i32 to index
      %swap3A_40 = arith.constant 112 : index
      %swap3A_41 = tpu.vector_load %arg15[%swap3A_39, %swap3A_40] {strides = array<i32>} : memref<80x128xf32, #tpu.memory_space<vmem>>, vector<16xf32>,
      tpu.vector_store %arg15[%swap3A_39, %swap3A_40], %broadcast_in_dim3A_1 {strides = array<i32>} : memref<80x128xf32, #tpu.memory_space<vmem>>, vector<16xf32>,
    }
    %scan3A_5 = arith.constant 80 : i32
    %get3A = arith.constant 0 : index
    %get3A_6 = tpu.vector_load %arg11[%get3A] {strides = array<i32>} : memref<16xf32, #tpu.memory_space<vmem>>, vector<16xf32>,
    %iota3A = tpu.iota {dimensions = array<i32: 0>} : vector<16xi32>
    %parallel_loop3A = arith.constant 0 : i32
    %parallel_loop3A_7 = arith.constant 81 : i32
    %parallel_loop3A_8 = arith.constant 1 : i32
    scf.for %parallel_loop3A_14 = %parallel_loop3A to %parallel_loop3A_7 step %parallel_loop3A_8  : i32 {
      %parallel_loop3A_15 = arith.constant 0 : i32
      %parallel_loop3A_16 = arith.constant 8 : i32
      %parallel_loop3A_17 = arith.addi %parallel_loop3A_15, %parallel_loop3A_16 : i32
      %parallel_loop3A_18 = arith.constant 1 : i32
      scf.for %scan3A_20 = %parallel_loop3A_15 to %parallel_loop3A_17 step %parallel_loop3A_18  : i32 {
        %parallel_loop3A_21 = arith.constant 1 : i32
        %parallel_loop3A_22 = arith.muli %scan3A_20, %parallel_loop3A_21 : i32
        %parallel_loop3A_23 = arith.constant 0 : i32
        %parallel_loop3A_24 = arith.addi %parallel_loop3A_23, %parallel_loop3A_22 : i32
        %parallel_loop3A_25 = arith.constant 16 : i32
        %parallel_loop3A_26 = arith.muli %parallel_loop3A_24, %parallel_loop3A_25 : i32
        %parallel_loop3A_27 = arith.index_cast %parallel_loop3A_14 : i32 to index
        %parallel_loop3A_28 = arith.index_cast %parallel_loop3A_26 : i32 to index
        %parallel_loop3A_29 = tpu.vector_load %arg12[%parallel_loop3A_27, %parallel_loop3A_28] {strides = array<i32>} : memref<81x128xi32, #tpu.memory_space<vmem>>, vector<16xi32>,
        %parallel_loop3A_30 = arith.constant 16 : i32
        %parallel_loop3A_31 = arith.muli %parallel_loop3A_24, %parallel_loop3A_30 : i32
        %parallel_loop3A_32 = arith.index_cast %parallel_loop3A_14 : i32 to index
        %parallel_loop3A_33 = arith.index_cast %parallel_loop3A_31 : i32 to index
        %parallel_loop3A_34 = tpu.vector_load %arg13[%parallel_loop3A_32, %parallel_loop3A_33] {strides = array<i32>} : memref<81x128xi32, #tpu.memory_space<vmem>>, vector<16xi32>,
        %parallel_loop3A_35 = tpu.vector_load_idx %arg9[%parallel_loop3A_29] : memref<10240xf32, #tpu.memory_space<vmem>>[vector<16xi32>], vector<16xf32>,
        %parallel_loop3A_36 = tpu.vector_load_idx %arg10[%parallel_loop3A_34] : memref<10240xf32, #tpu.memory_space<vmem>>[vector<16xi32>], vector<16xf32>,
        %parallel_loop3A_37 = arith.addf %parallel_loop3A_35, %parallel_loop3A_36 : vector<16xf32>
        %parallel_loop3A_38 = arith.constant 0.000000e+00 : f32
        %parallel_loop3A_39 = vector.broadcast %parallel_loop3A_38 : f32 to vector<16xf32>
        %parallel_loop3A_40 = arith.cmpf ogt, %parallel_loop3A_37, %parallel_loop3A_39 : vector<16xf32>
        %parallel_loop3A_41 = arith.constant 2.000000e-01 : f32
        %parallel_loop3A_42 = vector.broadcast %parallel_loop3A_41 : f32 to vector<16xf32>
        %parallel_loop3A_43 = arith.mulf %parallel_loop3A_37, %parallel_loop3A_42 : vector<16xf32>
        %parallel_loop3A_44 = arith.select %parallel_loop3A_40, %parallel_loop3A_37, %parallel_loop3A_43 : vector<16xi1>, vector<16xf32>
        %parallel_loop3A_45 = arith.subf %parallel_loop3A_44, %get3A_6 : vector<16xf32>
        %parallel_loop3A_46 = math.exp %parallel_loop3A_45 : vector<16xf32>
        %parallel_loop3A_47 = arith.constant 16 : i32
        %parallel_loop3A_48 = arith.muli %parallel_loop3A_24, %parallel_loop3A_47 : i32
        %parallel_loop3A_49 = arith.index_cast %parallel_loop3A_14 : i32 to index
        %parallel_loop3A_50 = arith.index_cast %parallel_loop3A_48 : i32 to index
        %parallel_loop3A_51 = tpu.vector_load %arg14[%parallel_loop3A_49, %parallel_loop3A_50] {strides = array<i32>} : memref<81x128xf32, #tpu.memory_space<vmem>>, vector<16xf32>,
        tpu.vector_store %arg14[%parallel_loop3A_49, %parallel_loop3A_50], %parallel_loop3A_46 {strides = array<i32>} : memref<81x128xf32, #tpu.memory_space<vmem>>, vector<16xf32>,
      }
      %parallel_loop3A_19 = arith.constant 8 : i32
    } {sc.loop_unroll_factor = 2 : i64, sc.parallel_access}
    %scan3A_9 = arith.constant 0 : i32
    %scan3A_10 = arith.constant 81 : i32
    %scan3A_11 = arith.addi %scan3A_9, %scan3A_10 : i32
    %scan3A_12 = arith.constant 1 : i32
    scf.for %scan3A_14 = %scan3A_9 to %scan3A_11 step %scan3A_12  : i32 {
      %mul3A_15 = arith.constant 1 : i32
      %mul3A_16 = arith.muli %scan3A_14, %mul3A_15 : i32
      %add3A_17 = arith.constant 0 : i32
      %add3A_18 = arith.addi %add3A_17, %mul3A_16 : i32
      %scan3A_19 = arith.constant 0 : i32
      %scan3A_20 = arith.constant 8 : i32
      %scan3A_21 = arith.addi %scan3A_19, %scan3A_20 : i32
      %scan3A_22 = arith.constant 1 : i32
      scf.for %scan3A_24 = %scan3A_19 to %scan3A_21 step %scan3A_22  : i32 {
        %mul3A_25 = arith.constant 1 : i32
        %mul3A_26 = arith.muli %scan3A_24, %mul3A_25 : i32
        %add3A_27 = arith.constant 0 : i32
        %add3A_28 = arith.addi %add3A_27, %mul3A_26 : i32
        %mul3A_29 = arith.constant 16 : i32
        %mul3A_30 = arith.muli %add3A_28, %mul3A_29 : i32
        %get3A_31 = arith.index_cast %add3A_18 : i32 to index
        %get3A_32 = arith.index_cast %mul3A_30 : i32 to index
        %get3A_33 = tpu.vector_load %arg13[%get3A_31, %get3A_32] {strides = array<i32>} : memref<81x128xi32, #tpu.memory_space<vmem>>, vector<16xi32>,
        %mul3A_34 = arith.constant 16 : i32
        %mul3A_35 = arith.muli %add3A_28, %mul3A_34 : i32
        %get3A_36 = arith.index_cast %add3A_18 : i32 to index
        %get3A_37 = arith.index_cast %mul3A_35 : i32 to index
        %get3A_38 = tpu.vector_load %arg14[%get3A_36, %get3A_37] {strides = array<i32>} : memref<81x128xf32, #tpu.memory_space<vmem>>, vector<16xf32>,
        %shift_right_logical3A = arith.constant 7 : i32
        %shift_right_logical3A_39 = vector.broadcast %shift_right_logical3A : i32 to vector<16xi32>
        %shift_right_logical3A_40 = arith.shrui %get3A_33, %shift_right_logical3A_39 : vector<16xi32>
        %and3A = arith.constant 127 : i32
        %and3A_41 = vector.broadcast %and3A : i32 to vector<16xi32>
        %and3A_42 = arith.andi %get3A_33, %and3A_41 : vector<16xi32>
        %eq3A = arith.constant 0 : i32
        %eq3A_43 = vector.broadcast %eq3A : i32 to vector<16xi32>
        %eq3A_44 = arith.cmpi eq, %iota3A, %eq3A_43 : vector<16xi32>
        tpu.vector_store_idx %arg15[%shift_right_logical3A_40, %and3A_42], %get3A_38 masked %eq3A_44 {add = true} : memref<80x128xf32, #tpu.memory_space<vmem>>[vector<16xi32>, vector<16xi32>], vector<16xf32>, vector<16xi1>
        %eq3A_45 = arith.constant 1 : i32
        %eq3A_46 = vector.broadcast %eq3A_45 : i32 to vector<16xi32>
        %eq3A_47 = arith.cmpi eq, %iota3A, %eq3A_46 : vector<16xi32>
        tpu.vector_store_idx %arg15[%shift_right_logical3A_40, %and3A_42], %get3A_38 masked %eq3A_47 {add = true} : memref<80x128xf32, #tpu.memory_space<vmem>>[vector<16xi32>, vector<16xi32>], vector<16xf32>, vector<16xi1>
        %eq3A_48 = arith.constant 2 : i32
        %eq3A_49 = vector.broadcast %eq3A_48 : i32 to vector<16xi32>
        %eq3A_50 = arith.cmpi eq, %iota3A, %eq3A_49 : vector<16xi32>
        tpu.vector_store_idx %arg15[%shift_right_logical3A_40, %and3A_42], %get3A_38 masked %eq3A_50 {add = true} : memref<80x128xf32, #tpu.memory_space<vmem>>[vector<16xi32>, vector<16xi32>], vector<16xf32>, vector<16xi1>
        %eq3A_51 = arith.constant 3 : i32
        %eq3A_52 = vector.broadcast %eq3A_51 : i32 to vector<16xi32>
        %eq3A_53 = arith.cmpi eq, %iota3A, %eq3A_52 : vector<16xi32>
        tpu.vector_store_idx %arg15[%shift_right_logical3A_40, %and3A_42], %get3A_38 masked %eq3A_53 {add = true} : memref<80x128xf32, #tpu.memory_space<vmem>>[vector<16xi32>, vector<16xi32>], vector<16xf32>, vector<16xi1>
        %eq3A_54 = arith.constant 4 : i32
        %eq3A_55 = vector.broadcast %eq3A_54 : i32 to vector<16xi32>
        %eq3A_56 = arith.cmpi eq, %iota3A, %eq3A_55 : vector<16xi32>
        tpu.vector_store_idx %arg15[%shift_right_logical3A_40, %and3A_42], %get3A_38 masked %eq3A_56 {add = true} : memref<80x128xf32, #tpu.memory_space<vmem>>[vector<16xi32>, vector<16xi32>], vector<16xf32>, vector<16xi1>
        %eq3A_57 = arith.constant 5 : i32
        %eq3A_58 = vector.broadcast %eq3A_57 : i32 to vector<16xi32>
        %eq3A_59 = arith.cmpi eq, %iota3A, %eq3A_58 : vector<16xi32>
        tpu.vector_store_idx %arg15[%shift_right_logical3A_40, %and3A_42], %get3A_38 masked %eq3A_59 {add = true} : memref<80x128xf32, #tpu.memory_space<vmem>>[vector<16xi32>, vector<16xi32>], vector<16xf32>, vector<16xi1>
        %eq3A_60 = arith.constant 6 : i32
        %eq3A_61 = vector.broadcast %eq3A_60 : i32 to vector<16xi32>
        %eq3A_62 = arith.cmpi eq, %iota3A, %eq3A_61 : vector<16xi32>
        tpu.vector_store_idx %arg15[%shift_right_logical3A_40, %and3A_42], %get3A_38 masked %eq3A_62 {add = true} : memref<80x128xf32, #tpu.memory_space<vmem>>[vector<16xi32>, vector<16xi32>], vector<16xf32>, vector<16xi1>
        %eq3A_63 = arith.constant 7 : i32
        %eq3A_64 = vector.broadcast %eq3A_63 : i32 to vector<16xi32>
        %eq3A_65 = arith.cmpi eq, %iota3A, %eq3A_64 : vector<16xi32>
        tpu.vector_store_idx %arg15[%shift_right_logical3A_40, %and3A_42], %get3A_38 masked %eq3A_65 {add = true} : memref<80x128xf32, #tpu.memory_space<vmem>>[vector<16xi32>, vector<16xi32>], vector<16xf32>, vector<16xi1>
        %eq3A_66 = arith.constant 8 : i32
        %eq3A_67 = vector.broadcast %eq3A_66 : i32 to vector<16xi32>
        %eq3A_68 = arith.cmpi eq, %iota3A, %eq3A_67 : vector<16xi32>
        tpu.vector_store_idx %arg15[%shift_right_logical3A_40, %and3A_42], %get3A_38 masked %eq3A_68 {add = true} : memref<80x128xf32, #tpu.memory_space<vmem>>[vector<16xi32>, vector<16xi32>], vector<16xf32>, vector<16xi1>
        %eq3A_69 = arith.constant 9 : i32
        %eq3A_70 = vector.broadcast %eq3A_69 : i32 to vector<16xi32>
        %eq3A_71 = arith.cmpi eq, %iota3A, %eq3A_70 : vector<16xi32>
        tpu.vector_store_idx %arg15[%shift_right_logical3A_40, %and3A_42], %get3A_38 masked %eq3A_71 {add = true} : memref<80x128xf32, #tpu.memory_space<vmem>>[vector<16xi32>, vector<16xi32>], vector<16xf32>, vector<16xi1>
        %eq3A_72 = arith.constant 10 : i32
        %eq3A_73 = vector.broadcast %eq3A_72 : i32 to vector<16xi32>
        %eq3A_74 = arith.cmpi eq, %iota3A, %eq3A_73 : vector<16xi32>
        tpu.vector_store_idx %arg15[%shift_right_logical3A_40, %and3A_42], %get3A_38 masked %eq3A_74 {add = true} : memref<80x128xf32, #tpu.memory_space<vmem>>[vector<16xi32>, vector<16xi32>], vector<16xf32>, vector<16xi1>
        %eq3A_75 = arith.constant 11 : i32
        %eq3A_76 = vector.broadcast %eq3A_75 : i32 to vector<16xi32>
        %eq3A_77 = arith.cmpi eq, %iota3A, %eq3A_76 : vector<16xi32>
        tpu.vector_store_idx %arg15[%shift_right_logical3A_40, %and3A_42], %get3A_38 masked %eq3A_77 {add = true} : memref<80x128xf32, #tpu.memory_space<vmem>>[vector<16xi32>, vector<16xi32>], vector<16xf32>, vector<16xi1>
        %eq3A_78 = arith.constant 12 : i32
        %eq3A_79 = vector.broadcast %eq3A_78 : i32 to vector<16xi32>
        %eq3A_80 = arith.cmpi eq, %iota3A, %eq3A_79 : vector<16xi32>
        tpu.vector_store_idx %arg15[%shift_right_logical3A_40, %and3A_42], %get3A_38 masked %eq3A_80 {add = true} : memref<80x128xf32, #tpu.memory_space<vmem>>[vector<16xi32>, vector<16xi32>], vector<16xf32>, vector<16xi1>
        %eq3A_81 = arith.constant 13 : i32
        %eq3A_82 = vector.broadcast %eq3A_81 : i32 to vector<16xi32>
        %eq3A_83 = arith.cmpi eq, %iota3A, %eq3A_82 : vector<16xi32>
        tpu.vector_store_idx %arg15[%shift_right_logical3A_40, %and3A_42], %get3A_38 masked %eq3A_83 {add = true} : memref<80x128xf32, #tpu.memory_space<vmem>>[vector<16xi32>, vector<16xi32>], vector<16xf32>, vector<16xi1>
        %eq3A_84 = arith.constant 14 : i32
        %eq3A_85 = vector.broadcast %eq3A_84 : i32 to vector<16xi32>
        %eq3A_86 = arith.cmpi eq, %iota3A, %eq3A_85 : vector<16xi32>
        tpu.vector_store_idx %arg15[%shift_right_logical3A_40, %and3A_42], %get3A_38 masked %eq3A_86 {add = true} : memref<80x128xf32, #tpu.memory_space<vmem>>[vector<16xi32>, vector<16xi32>], vector<16xf32>, vector<16xi1>
        %eq3A_87 = arith.constant 15 : i32
        %eq3A_88 = vector.broadcast %eq3A_87 : i32 to vector<16xi32>
        %eq3A_89 = arith.cmpi eq, %iota3A, %eq3A_88 : vector<16xi32>
        tpu.vector_store_idx %arg15[%shift_right_logical3A_40, %and3A_42], %get3A_38 masked %eq3A_89 {add = true} : memref<80x128xf32, #tpu.memory_space<vmem>>[vector<16xi32>, vector<16xi32>], vector<16xf32>, vector<16xi1>
      }
      %scan3A_23 = arith.constant 8 : i32
    }
    %scan3A_13 = arith.constant 81 : i32
    "tpu.region"() ({
      %run_scoped3A = tpu.sem_alloc : memref<!tpu.dma_semaphore, #tpu.memory_space<semaphore_mem>>
      %dma_start3A = arith.constant 0 : i32
      %dma_start3A_14 = arith.constant 0 : i32
      %dma_start3A_15 = tpu.memref_slice %arg7[%add3A, %dma_start3A, %dma_start3A_14] : memref<32x81x128xf32, #tpu.memory_space<hbm>> -> memref<1x81x128xf32, #tpu.memory_space<hbm>>
      %dma_start3A_16 = tpu.memref_squeeze %dma_start3A_15 : memref<1x81x128xf32, #tpu.memory_space<hbm>> -> memref<81x128xf32, #tpu.memory_space<hbm>>
      %dma_start3A_17 = arith.constant 0 : i32
      %dma_start3A_18 = arith.constant 0 : i32
      %dma_start3A_19 = tpu.memref_slice %arg7[%add3A, %dma_start3A_17, %dma_start3A_18] : memref<32x81x128xf32, #tpu.memory_space<hbm>> -> memref<1x81x128xf32, #tpu.memory_space<hbm>>
      %dma_start3A_20 = tpu.memref_squeeze %dma_start3A_19 : memref<1x81x128xf32, #tpu.memory_space<hbm>> -> memref<81x128xf32, #tpu.memory_space<hbm>>
      tpu.enqueue_dma source(%arg14 : memref<81x128xf32, #tpu.memory_space<vmem>>) target(%dma_start3A_20 : memref<81x128xf32, #tpu.memory_space<hbm>>) target_semaphore(%run_scoped3A : memref<!tpu.dma_semaphore, #tpu.memory_space<semaphore_mem>>)
      %dma_wait3A = arith.constant 0 : i32
      %dma_wait3A_21 = arith.constant 0 : i32
      %dma_wait3A_22 = tpu.memref_slice %arg7[%add3A, %dma_wait3A, %dma_wait3A_21] : memref<32x81x128xf32, #tpu.memory_space<hbm>> -> memref<1x81x128xf32, #tpu.memory_space<hbm>>
      %dma_wait3A_23 = tpu.memref_squeeze %dma_wait3A_22 : memref<1x81x128xf32, #tpu.memory_space<hbm>> -> memref<81x128xf32, #tpu.memory_space<hbm>>
      %dma_wait3A_24 = arith.constant 0 : i32
      %dma_wait3A_25 = arith.constant 0 : i32
      %dma_wait3A_26 = tpu.memref_slice %arg7[%add3A, %dma_wait3A_24, %dma_wait3A_25] : memref<32x81x128xf32, #tpu.memory_space<hbm>> -> memref<1x81x128xf32, #tpu.memory_space<hbm>>
      %dma_wait3A_27 = tpu.memref_squeeze %dma_wait3A_26 : memref<1x81x128xf32, #tpu.memory_space<hbm>> -> memref<81x128xf32, #tpu.memory_space<hbm>>
      tpu.wait_dma2 semaphore(%run_scoped3A : memref<!tpu.dma_semaphore, #tpu.memory_space<semaphore_mem>>) src(%arg14 : memref<81x128xf32, #tpu.memory_space<vmem>>) dst(%dma_wait3A_27 : memref<81x128xf32, #tpu.memory_space<hbm>>)
      tpu.yield
    }) : () -> ()
    "tpu.region"() ({
      %run_scoped3A = tpu.sem_alloc : memref<!tpu.dma_semaphore, #tpu.memory_space<semaphore_mem>>
      %dma_start3A = arith.constant 0 : i32
      %dma_start3A_14 = arith.constant 0 : i32
      %dma_start3A_15 = tpu.memref_slice %arg8[%arg0, %arg1, %dma_start3A, %dma_start3A_14] : memref<2x16x80x128xf32, #tpu.memory_space<hbm>> -> memref<1x1x80x128xf32, #tpu.memory_space<hbm>>
      %dma_start3A_16 = tpu.memref_squeeze %dma_start3A_15 : memref<1x1x80x128xf32, #tpu.memory_space<hbm>> -> memref<80x128xf32, #tpu.memory_space<hbm>>
      %dma_start3A_17 = arith.constant 0 : i32
      %dma_start3A_18 = arith.constant 0 : i32
      %dma_start3A_19 = tpu.memref_slice %arg8[%arg0, %arg1, %dma_start3A_17, %dma_start3A_18] : memref<2x16x80x128xf32, #tpu.memory_space<hbm>> -> memref<1x1x80x128xf32, #tpu.memory_space<hbm>>
      %dma_start3A_20 = tpu.memref_squeeze %dma_start3A_19 : memref<1x1x80x128xf32, #tpu.memory_space<hbm>> -> memref<80x128xf32, #tpu.memory_space<hbm>>
      tpu.enqueue_dma source(%arg15 : memref<80x128xf32, #tpu.memory_space<vmem>>) target(%dma_start3A_20 : memref<80x128xf32, #tpu.memory_space<hbm>>) target_semaphore(%run_scoped3A : memref<!tpu.dma_semaphore, #tpu.memory_space<semaphore_mem>>)
      %dma_wait3A = arith.constant 0 : i32
      %dma_wait3A_21 = arith.constant 0 : i32
      %dma_wait3A_22 = tpu.memref_slice %arg8[%arg0, %arg1, %dma_wait3A, %dma_wait3A_21] : memref<2x16x80x128xf32, #tpu.memory_space<hbm>> -> memref<1x1x80x128xf32, #tpu.memory_space<hbm>>
      %dma_wait3A_23 = tpu.memref_squeeze %dma_wait3A_22 : memref<1x1x80x128xf32, #tpu.memory_space<hbm>> -> memref<80x128xf32, #tpu.memory_space<hbm>>
      %dma_wait3A_24 = arith.constant 0 : i32
      %dma_wait3A_25 = arith.constant 0 : i32
      %dma_wait3A_26 = tpu.memref_slice %arg8[%arg0, %arg1, %dma_wait3A_24, %dma_wait3A_25] : memref<2x16x80x128xf32, #tpu.memory_space<hbm>> -> memref<1x1x80x128xf32, #tpu.memory_space<hbm>>
      %dma_wait3A_27 = tpu.memref_squeeze %dma_wait3A_26 : memref<1x1x80x128xf32, #tpu.memory_space<hbm>> -> memref<80x128xf32, #tpu.memory_space<hbm>>
      tpu.wait_dma2 semaphore(%run_scoped3A : memref<!tpu.dma_semaphore, #tpu.memory_space<semaphore_mem>>) src(%arg15 : memref<80x128xf32, #tpu.memory_space<vmem>>) dst(%dma_wait3A_27 : memref<80x128xf32, #tpu.memory_space<hbm>>)
      tpu.yield
    }) : () -> ()
    return
  }
}

module attributes {stable_mosaic.version = 14 : i64} {
  func.func @_tc_head_body(%arg0: memref<10240x128xf32, #tpu.memory_space<vmem>>, %arg1: memref<128x128xf32, #tpu.memory_space<vmem>>, %arg2: memref<1x128xf32, #tpu.memory_space<vmem>>, %arg3: memref<1x128xf32, #tpu.memory_space<vmem>>, %arg4: memref<10240x128xf32, #tpu.memory_space<vmem>>, %arg5: memref<80x128xf32, #tpu.memory_space<vmem>>, %arg6: memref<80x128xf32, #tpu.memory_space<vmem>>, %arg7: memref<8x128xf32, #tpu.memory_space<vmem>>) attributes {dimension_semantics = [], scalar_prefetch = 0 : i64, scratch_operands = 0 : i64, tpu.core_type = #tpu.core_type<tc>} {
    %get3A = arith.constant 0 : index
    %get3A_0 = arith.constant 0 : index
    %get3A_1 = vector.load %arg0[%get3A, %get3A_0] : memref<10240x128xf32, #tpu.memory_space<vmem>>, vector<10240x128xf32>
    %get3A_2 = arith.constant 0 : index
    %get3A_3 = arith.constant 0 : index
    %get3A_4 = vector.load %arg1[%get3A_2, %get3A_3] : memref<128x128xf32, #tpu.memory_space<vmem>>, vector<128x128xf32>
    %dot_general3A = arith.constant dense<0.000000e+00> : vector<10240x128xf32>
    %dot_general3A_5 = tpu.matmul %get3A_1, %get3A_4, %dot_general3A {dimension_numbers = #tpu.dot_dimension_numbers<[1], [0], [0], [1], [0, 0, 1, 1], [], []>, transpose_lhs_hint = false} : vector<10240x128xf32>, vector<128x128xf32>, vector<10240x128xf32> -> vector<10240x128xf32>
    %swap3A = arith.constant 0 : index
    %swap3A_6 = arith.constant 0 : index
    %swap3A_7 = vector.load %arg4[%swap3A, %swap3A_6] : memref<10240x128xf32, #tpu.memory_space<vmem>>, vector<10240x128xf32>
    tpu.vector_store %arg4[%swap3A, %swap3A_6], %dot_general3A_5 {strides = array<i32>} : memref<10240x128xf32, #tpu.memory_space<vmem>>, vector<10240x128xf32>,
    %reshape3A = vector.shape_cast %dot_general3A_5 : vector<10240x128xf32> to vector<80x128x128xf32>
    %get3A_8 = arith.constant 0 : index
    %get3A_9 = arith.constant 0 : index
    %get3A_10 = vector.load %arg2[%get3A_8, %get3A_9] : memref<1x128xf32, #tpu.memory_space<vmem>>, vector<1x128xf32>
    %reshape3A_11 = vector.shape_cast %get3A_10 : vector<1x128xf32> to vector<1x1x128xf32>
    %mul3A = vector.broadcast %reshape3A_11 : vector<1x1x128xf32> to vector<80x128x128xf32>
    %mul3A_12 = arith.mulf %reshape3A, %mul3A : vector<80x128x128xf32>
    %reduce_sum3A = arith.constant dense<0.000000e+00> : vector<80x128xf32>
    %reduce_sum3A_13 = vector.multi_reduction <add>, %mul3A_12, %reduce_sum3A [2] : vector<80x128x128xf32> to vector<80x128xf32>
    %get3A_14 = arith.constant 0 : index
    %get3A_15 = arith.constant 0 : index
    %get3A_16 = vector.load %arg3[%get3A_14, %get3A_15] : memref<1x128xf32, #tpu.memory_space<vmem>>, vector<1x128xf32>
    %reshape3A_17 = vector.shape_cast %get3A_16 : vector<1x128xf32> to vector<1x1x128xf32>
    %mul3A_18 = vector.broadcast %reshape3A_17 : vector<1x1x128xf32> to vector<80x128x128xf32>
    %mul3A_19 = arith.mulf %reshape3A, %mul3A_18 : vector<80x128x128xf32>
    %reduce_sum3A_20 = arith.constant dense<0.000000e+00> : vector<80x128xf32>
    %reduce_sum3A_21 = vector.multi_reduction <add>, %mul3A_19, %reduce_sum3A_20 [2] : vector<80x128x128xf32> to vector<80x128xf32>
    %swap3A_22 = arith.constant 0 : index
    %swap3A_23 = arith.constant 0 : index
    %swap3A_24 = vector.load %arg5[%swap3A_22, %swap3A_23] : memref<80x128xf32, #tpu.memory_space<vmem>>, vector<80x128xf32>
    tpu.vector_store %arg5[%swap3A_22, %swap3A_23], %reduce_sum3A_13 {strides = array<i32>} : memref<80x128xf32, #tpu.memory_space<vmem>>, vector<80x128xf32>,
    %swap3A_25 = arith.constant 0 : index
    %swap3A_26 = arith.constant 0 : index
    %swap3A_27 = vector.load %arg6[%swap3A_25, %swap3A_26] : memref<80x128xf32, #tpu.memory_space<vmem>>, vector<80x128xf32>
    tpu.vector_store %arg6[%swap3A_25, %swap3A_26], %reduce_sum3A_21 {strides = array<i32>} : memref<80x128xf32, #tpu.memory_space<vmem>>, vector<80x128xf32>,
    %reduce_max3A = vector.shape_cast %reduce_sum3A_13 : vector<80x128xf32> to vector<1x80x128xf32>
    %reduce_max3A_28 = arith.constant dense<0xFF800000> : vector<1xf32>
    %reduce_max3A_29 = vector.multi_reduction <maximumf>, %reduce_max3A, %reduce_max3A_28 [1, 2] : vector<1x80x128xf32> to vector<1xf32>
    %reduce_max3A_30 = vector.shape_cast %reduce_max3A_29 : vector<1xf32> to vector<1x1x1xf32>
    %reduce_max3A_31 = vector.extract %reduce_max3A_30[0, 0, 0] : f32 from vector<1x1x1xf32>
    %reduce_max3A_32 = vector.shape_cast %reduce_sum3A_21 : vector<80x128xf32> to vector<1x80x128xf32>
    %reduce_max3A_33 = arith.constant dense<0xFF800000> : vector<1xf32>
    %reduce_max3A_34 = vector.multi_reduction <maximumf>, %reduce_max3A_32, %reduce_max3A_33 [1, 2] : vector<1x80x128xf32> to vector<1xf32>
    %reduce_max3A_35 = vector.shape_cast %reduce_max3A_34 : vector<1xf32> to vector<1x1x1xf32>
    %reduce_max3A_36 = vector.extract %reduce_max3A_35[0, 0, 0] : f32 from vector<1x1x1xf32>
    %add3A = arith.addf %reduce_max3A_31, %reduce_max3A_36 : f32
    %broadcast_in_dim3A = vector.broadcast %add3A : f32 to vector<8x128xf32>
    %swap3A_37 = arith.constant 0 : index
    %swap3A_38 = arith.constant 0 : index
    %swap3A_39 = vector.load %arg7[%swap3A_37, %swap3A_38] : memref<8x128xf32, #tpu.memory_space<vmem>>, vector<8x128xf32>
    tpu.vector_store %arg7[%swap3A_37, %swap3A_38], %broadcast_in_dim3A {strides = array<i32>} : memref<8x128xf32, #tpu.memory_space<vmem>>, vector<8x128xf32>,
    return
  }
}

module attributes {stable_mosaic.version = 14 : i64} {
  func.func @_tc_norm_head_body(%arg0: memref<2x10240x128xf32, #tpu.memory_space<vmem>>, %arg1: memref<32x80x128xf32, #tpu.memory_space<vmem>>, %arg2: memref<1x128xf32, #tpu.memory_space<vmem>>, %arg3: memref<128x128xf32, #tpu.memory_space<vmem>>, %arg4: memref<1x128xf32, #tpu.memory_space<vmem>>, %arg5: memref<1x128xf32, #tpu.memory_space<vmem>>, %arg6: memref<10240x128xf32, #tpu.memory_space<vmem>>, %arg7: memref<80x128xf32, #tpu.memory_space<vmem>>, %arg8: memref<80x128xf32, #tpu.memory_space<vmem>>, %arg9: memref<8x128xf32, #tpu.memory_space<vmem>>) attributes {dimension_semantics = [], scalar_prefetch = 0 : i64, scratch_operands = 0 : i64, tpu.core_type = #tpu.core_type<tc>} {
    %get3A = arith.constant 0 : index
    %get3A_0 = arith.constant 0 : index
    %get3A_1 = arith.constant 0 : index
    %get3A_2 = vector.load %arg0[%get3A, %get3A_0, %get3A_1] : memref<2x10240x128xf32, #tpu.memory_space<vmem>>, vector<1x10240x128xf32>
    %get3A_3 = vector.shape_cast %get3A_2 : vector<1x10240x128xf32> to vector<10240x128xf32>
    %get3A_4 = arith.constant 1 : index
    %get3A_5 = arith.constant 0 : index
    %get3A_6 = arith.constant 0 : index
    %get3A_7 = vector.load %arg0[%get3A_4, %get3A_5, %get3A_6] : memref<2x10240x128xf32, #tpu.memory_space<vmem>>, vector<1x10240x128xf32>
    %get3A_8 = vector.shape_cast %get3A_7 : vector<1x10240x128xf32> to vector<10240x128xf32>
    %add3A = arith.addf %get3A_3, %get3A_8 : vector<10240x128xf32>
    %reshape3A = vector.shape_cast %add3A : vector<10240x128xf32> to vector<80x128x128xf32>
    %get3A_9 = arith.constant 0 : index
    %get3A_10 = arith.constant 0 : index
    %get3A_11 = arith.constant 0 : index
    %get3A_12 = vector.load %arg1[%get3A_9, %get3A_10, %get3A_11] : memref<32x80x128xf32, #tpu.memory_space<vmem>>, vector<32x80x128xf32>
    %reduce_sum3A = arith.constant dense<0.000000e+00> : vector<80x128xf32>
    %reduce_sum3A_13 = vector.multi_reduction <add>, %get3A_12, %reduce_sum3A [0] : vector<32x80x128xf32> to vector<80x128xf32>
    %broadcast_in_dim3A = vector.shape_cast %reduce_sum3A_13 : vector<80x128xf32> to vector<80x128x1xf32>
    %add3A_14 = arith.constant 1.000000e-16 : f32
    %add3A_15 = vector.broadcast %add3A_14 : f32 to vector<80x128x1xf32>
    %add3A_16 = arith.addf %broadcast_in_dim3A, %add3A_15 : vector<80x128x1xf32>
    %div3A = vector.broadcast %add3A_16 : vector<80x128x1xf32> to vector<80x128x128xf32>
    %div3A_17 = arith.divf %reshape3A, %div3A : vector<80x128x128xf32>
    %get3A_18 = arith.constant 0 : index
    %get3A_19 = arith.constant 0 : index
    %get3A_20 = vector.load %arg2[%get3A_18, %get3A_19] : memref<1x128xf32, #tpu.memory_space<vmem>>, vector<1x128xf32>
    %reshape3A_21 = vector.shape_cast %get3A_20 : vector<1x128xf32> to vector<1x1x128xf32>
    %add3A_22 = vector.broadcast %reshape3A_21 : vector<1x1x128xf32> to vector<80x128x128xf32>
    %add3A_23 = arith.addf %div3A_17, %add3A_22 : vector<80x128x128xf32>
    %max3A = arith.constant 0.000000e+00 : f32
    %max3A_24 = vector.broadcast %max3A : f32 to vector<80x128x128xf32>
    %max3A_25 = arith.maximumf %add3A_23, %max3A_24 : vector<80x128x128xf32>
    %iota3A = tpu.iota {dimensions = array<i32: 0>} : vector<80x128x1xi32>
    %iota3A_26 = tpu.iota {dimensions = array<i32: 1>} : vector<80x128x1xi32>
    %mul3A = arith.constant 128 : i32
    %mul3A_27 = vector.broadcast %mul3A : i32 to vector<80x128x1xi32>
    %mul3A_28 = arith.muli %iota3A, %mul3A_27 : vector<80x128x1xi32>
    %add3A_29 = arith.addi %mul3A_28, %iota3A_26 : vector<80x128x1xi32>
    %lt3A = arith.constant 10000 : i32
    %lt3A_30 = vector.broadcast %lt3A : i32 to vector<80x128x1xi32>
    %lt3A_31 = arith.cmpi slt, %add3A_29, %lt3A_30 : vector<80x128x1xi32>
    %jit3A = arith.constant 0.000000e+00 : f32
    %broadcast_in_dim3A_32 = vector.shape_cast %lt3A_31 : vector<80x128x1xi1> to vector<80x128x1xi1>
    %broadcast_in_dim3A_33 = vector.broadcast %broadcast_in_dim3A_32 : vector<80x128x1xi1> to vector<80x128x128xi1>
    %broadcast_in_dim3A_34 = vector.broadcast %jit3A : f32 to vector<80x128x128xf32>
    %select_n3A = arith.select %broadcast_in_dim3A_33, %max3A_25, %broadcast_in_dim3A_34 : vector<80x128x128xi1>, vector<80x128x128xf32>
    %reshape3A_35 = vector.shape_cast %select_n3A : vector<80x128x128xf32> to vector<10240x128xf32>
    %get3A_36 = arith.constant 0 : index
    %get3A_37 = arith.constant 0 : index
    %get3A_38 = vector.load %arg3[%get3A_36, %get3A_37] : memref<128x128xf32, #tpu.memory_space<vmem>>, vector<128x128xf32>
    %dot_general3A = arith.constant dense<0.000000e+00> : vector<10240x128xf32>
    %dot_general3A_39 = tpu.matmul %reshape3A_35, %get3A_38, %dot_general3A {dimension_numbers = #tpu.dot_dimension_numbers<[1], [0], [0], [1], [0, 0, 1, 1], [], []>, transpose_lhs_hint = false} : vector<10240x128xf32>, vector<128x128xf32>, vector<10240x128xf32> -> vector<10240x128xf32>
    %swap3A = arith.constant 0 : index
    %swap3A_40 = arith.constant 0 : index
    %swap3A_41 = vector.load %arg6[%swap3A, %swap3A_40] : memref<10240x128xf32, #tpu.memory_space<vmem>>, vector<10240x128xf32>
    tpu.vector_store %arg6[%swap3A, %swap3A_40], %dot_general3A_39 {strides = array<i32>} : memref<10240x128xf32, #tpu.memory_space<vmem>>, vector<10240x128xf32>,
    %reshape3A_42 = vector.shape_cast %dot_general3A_39 : vector<10240x128xf32> to vector<80x128x128xf32>
    %get3A_43 = arith.constant 0 : index
    %get3A_44 = arith.constant 0 : index
    %get3A_45 = vector.load %arg4[%get3A_43, %get3A_44] : memref<1x128xf32, #tpu.memory_space<vmem>>, vector<1x128xf32>
    %reshape3A_46 = vector.shape_cast %get3A_45 : vector<1x128xf32> to vector<1x1x128xf32>
    %mul3A_47 = vector.broadcast %reshape3A_46 : vector<1x1x128xf32> to vector<80x128x128xf32>
    %mul3A_48 = arith.mulf %reshape3A_42, %mul3A_47 : vector<80x128x128xf32>
    %reduce_sum3A_49 = arith.constant dense<0.000000e+00> : vector<80x128xf32>
    %reduce_sum3A_50 = vector.multi_reduction <add>, %mul3A_48, %reduce_sum3A_49 [2] : vector<80x128x128xf32> to vector<80x128xf32>
    %get3A_51 = arith.constant 0 : index
    %get3A_52 = arith.constant 0 : index
    %get3A_53 = vector.load %arg5[%get3A_51, %get3A_52] : memref<1x128xf32, #tpu.memory_space<vmem>>, vector<1x128xf32>
    %reshape3A_54 = vector.shape_cast %get3A_53 : vector<1x128xf32> to vector<1x1x128xf32>
    %mul3A_55 = vector.broadcast %reshape3A_54 : vector<1x1x128xf32> to vector<80x128x128xf32>
    %mul3A_56 = arith.mulf %reshape3A_42, %mul3A_55 : vector<80x128x128xf32>
    %reduce_sum3A_57 = arith.constant dense<0.000000e+00> : vector<80x128xf32>
    %reduce_sum3A_58 = vector.multi_reduction <add>, %mul3A_56, %reduce_sum3A_57 [2] : vector<80x128x128xf32> to vector<80x128xf32>
    %swap3A_59 = arith.constant 0 : index
    %swap3A_60 = arith.constant 0 : index
    %swap3A_61 = vector.load %arg7[%swap3A_59, %swap3A_60] : memref<80x128xf32, #tpu.memory_space<vmem>>, vector<80x128xf32>
    tpu.vector_store %arg7[%swap3A_59, %swap3A_60], %reduce_sum3A_50 {strides = array<i32>} : memref<80x128xf32, #tpu.memory_space<vmem>>, vector<80x128xf32>,
    %swap3A_62 = arith.constant 0 : index
    %swap3A_63 = arith.constant 0 : index
    %swap3A_64 = vector.load %arg8[%swap3A_62, %swap3A_63] : memref<80x128xf32, #tpu.memory_space<vmem>>, vector<80x128xf32>
    tpu.vector_store %arg8[%swap3A_62, %swap3A_63], %reduce_sum3A_58 {strides = array<i32>} : memref<80x128xf32, #tpu.memory_space<vmem>>, vector<80x128xf32>,
    %reduce_max3A = vector.shape_cast %reduce_sum3A_50 : vector<80x128xf32> to vector<1x80x128xf32>
    %reduce_max3A_65 = arith.constant dense<0xFF800000> : vector<1xf32>
    %reduce_max3A_66 = vector.multi_reduction <maximumf>, %reduce_max3A, %reduce_max3A_65 [1, 2] : vector<1x80x128xf32> to vector<1xf32>
    %reduce_max3A_67 = vector.shape_cast %reduce_max3A_66 : vector<1xf32> to vector<1x1x1xf32>
    %reduce_max3A_68 = vector.extract %reduce_max3A_67[0, 0, 0] : f32 from vector<1x1x1xf32>
    %reduce_max3A_69 = vector.shape_cast %reduce_sum3A_58 : vector<80x128xf32> to vector<1x80x128xf32>
    %reduce_max3A_70 = arith.constant dense<0xFF800000> : vector<1xf32>
    %reduce_max3A_71 = vector.multi_reduction <maximumf>, %reduce_max3A_69, %reduce_max3A_70 [1, 2] : vector<1x80x128xf32> to vector<1xf32>
    %reduce_max3A_72 = vector.shape_cast %reduce_max3A_71 : vector<1xf32> to vector<1x1x1xf32>
    %reduce_max3A_73 = vector.extract %reduce_max3A_72[0, 0, 0] : f32 from vector<1x1x1xf32>
    %add3A_74 = arith.addf %reduce_max3A_68, %reduce_max3A_73 : f32
    %broadcast_in_dim3A_75 = vector.broadcast %add3A_74 : f32 to vector<8x128xf32>
    %swap3A_76 = arith.constant 0 : index
    %swap3A_77 = arith.constant 0 : index
    %swap3A_78 = vector.load %arg9[%swap3A_76, %swap3A_77] : memref<8x128xf32, #tpu.memory_space<vmem>>, vector<8x128xf32>
    tpu.vector_store %arg9[%swap3A_76, %swap3A_77], %broadcast_in_dim3A_75 {strides = array<i32>} : memref<8x128xf32, #tpu.memory_space<vmem>>, vector<8x128xf32>,
    return
  }
}

module attributes {stable_mosaic.version = 14 : i64} {
  func.func @_tc_norm_body(%arg0: memref<2x10240x128xf32, #tpu.memory_space<vmem>>, %arg1: memref<32x80x128xf32, #tpu.memory_space<vmem>>, %arg2: memref<1x128xf32, #tpu.memory_space<vmem>>, %arg3: memref<10240x128xf32, #tpu.memory_space<vmem>>) attributes {dimension_semantics = [], scalar_prefetch = 0 : i64, scratch_operands = 0 : i64, tpu.core_type = #tpu.core_type<tc>} {
    %get3A = arith.constant 0 : index
    %get3A_0 = arith.constant 0 : index
    %get3A_1 = arith.constant 0 : index
    %get3A_2 = vector.load %arg0[%get3A, %get3A_0, %get3A_1] : memref<2x10240x128xf32, #tpu.memory_space<vmem>>, vector<1x10240x128xf32>
    %get3A_3 = vector.shape_cast %get3A_2 : vector<1x10240x128xf32> to vector<10240x128xf32>
    %get3A_4 = arith.constant 1 : index
    %get3A_5 = arith.constant 0 : index
    %get3A_6 = arith.constant 0 : index
    %get3A_7 = vector.load %arg0[%get3A_4, %get3A_5, %get3A_6] : memref<2x10240x128xf32, #tpu.memory_space<vmem>>, vector<1x10240x128xf32>
    %get3A_8 = vector.shape_cast %get3A_7 : vector<1x10240x128xf32> to vector<10240x128xf32>
    %add3A = arith.addf %get3A_3, %get3A_8 : vector<10240x128xf32>
    %reshape3A = vector.shape_cast %add3A : vector<10240x128xf32> to vector<80x128x128xf32>
    %get3A_9 = arith.constant 0 : index
    %get3A_10 = arith.constant 0 : index
    %get3A_11 = arith.constant 0 : index
    %get3A_12 = vector.load %arg1[%get3A_9, %get3A_10, %get3A_11] : memref<32x80x128xf32, #tpu.memory_space<vmem>>, vector<32x80x128xf32>
    %reduce_sum3A = arith.constant dense<0.000000e+00> : vector<80x128xf32>
    %reduce_sum3A_13 = vector.multi_reduction <add>, %get3A_12, %reduce_sum3A [0] : vector<32x80x128xf32> to vector<80x128xf32>
    %broadcast_in_dim3A = vector.shape_cast %reduce_sum3A_13 : vector<80x128xf32> to vector<80x128x1xf32>
    %add3A_14 = arith.constant 1.000000e-16 : f32
    %add3A_15 = vector.broadcast %add3A_14 : f32 to vector<80x128x1xf32>
    %add3A_16 = arith.addf %broadcast_in_dim3A, %add3A_15 : vector<80x128x1xf32>
    %div3A = vector.broadcast %add3A_16 : vector<80x128x1xf32> to vector<80x128x128xf32>
    %div3A_17 = arith.divf %reshape3A, %div3A : vector<80x128x128xf32>
    %get3A_18 = arith.constant 0 : index
    %get3A_19 = arith.constant 0 : index
    %get3A_20 = vector.load %arg2[%get3A_18, %get3A_19] : memref<1x128xf32, #tpu.memory_space<vmem>>, vector<1x128xf32>
    %reshape3A_21 = vector.shape_cast %get3A_20 : vector<1x128xf32> to vector<1x1x128xf32>
    %add3A_22 = vector.broadcast %reshape3A_21 : vector<1x1x128xf32> to vector<80x128x128xf32>
    %add3A_23 = arith.addf %div3A_17, %add3A_22 : vector<80x128x128xf32>
    %max3A = arith.constant 0.000000e+00 : f32
    %max3A_24 = vector.broadcast %max3A : f32 to vector<80x128x128xf32>
    %max3A_25 = arith.maximumf %add3A_23, %max3A_24 : vector<80x128x128xf32>
    %iota3A = tpu.iota {dimensions = array<i32: 0>} : vector<80x128x1xi32>
    %iota3A_26 = tpu.iota {dimensions = array<i32: 1>} : vector<80x128x1xi32>
    %mul3A = arith.constant 128 : i32
    %mul3A_27 = vector.broadcast %mul3A : i32 to vector<80x128x1xi32>
    %mul3A_28 = arith.muli %iota3A, %mul3A_27 : vector<80x128x1xi32>
    %add3A_29 = arith.addi %mul3A_28, %iota3A_26 : vector<80x128x1xi32>
    %lt3A = arith.constant 10000 : i32
    %lt3A_30 = vector.broadcast %lt3A : i32 to vector<80x128x1xi32>
    %lt3A_31 = arith.cmpi slt, %add3A_29, %lt3A_30 : vector<80x128x1xi32>
    %jit3A = arith.constant 0.000000e+00 : f32
    %broadcast_in_dim3A_32 = vector.shape_cast %lt3A_31 : vector<80x128x1xi1> to vector<80x128x1xi1>
    %broadcast_in_dim3A_33 = vector.broadcast %broadcast_in_dim3A_32 : vector<80x128x1xi1> to vector<80x128x128xi1>
    %broadcast_in_dim3A_34 = vector.broadcast %jit3A : f32 to vector<80x128x128xf32>
    %select_n3A = arith.select %broadcast_in_dim3A_33, %max3A_25, %broadcast_in_dim3A_34 : vector<80x128x128xi1>, vector<80x128x128xf32>
    %reshape3A_35 = vector.shape_cast %select_n3A : vector<80x128x128xf32> to vector<10240x128xf32>
    %swap3A = arith.constant 0 : index
    %swap3A_36 = arith.constant 0 : index
    %swap3A_37 = vector.load %arg3[%swap3A, %swap3A_36] : memref<10240x128xf32, #tpu.memory_space<vmem>>, vector<10240x128xf32>
    tpu.vector_store %arg3[%swap3A, %swap3A_36], %reshape3A_35 {strides = array<i32>} : memref<10240x128xf32, #tpu.memory_space<vmem>>, vector<10240x128xf32>,
    return
  }
}

</mosaic_0001>

<sc_bundles>
// kernel: kernel.12.cloned.1.call-start
scs
__scs_entry_jumppad:
0x0: {  	(pc) =	sbr.rel $0x88, $3  }
0x1: {  	(tag) =	ssettag $0x0;
	lr =	simm.s32 $0x1  }
0x2: {  	[smem:$0x3F97] =	sst lr;
	_ =	strace $0xD0000000  }
0x3: {  	_ = 	snop  }
0x4: {  	_ = 	snop  }
0x5: {  	_ = 	snop  }
0x6: {  	_ = 	snop  }
0x7: {  	_ = 	snop  }
__scs_overlays_trampoline_lowered:
0x8: {  	[smem:$0x3FA6] =	sst s0  }
0x9: {  	[smem:$0x3FA7] =	sst s1  }
0xa: {  	[smem:$0x3FA8] =	sst s2  }
0xb: {  	[smem:$0x3FA9] =	sst s3  }
0xc: {  	[smem:$0x3FAA] =	sst s4  }
0xd: {  	[smem:$0x3FAB] =	sst s5  }
0xe: {  	[smem:$0x3FAC] =	sst s6  }
0xf: {  	[smem:$0x3FAD] =	sst s7  }
0x10: {  	[smem:$0x3FAE] =	sst s8  }
0x11: {  	[smem:$0x3FAF] =	sst s9;
	s0 =	simm.s32 @!p0 $0x0  }
0x12: {  	s1 =	sld [smem:$0x3F95];
	s0 =	simm.s32 @p0 $0x1  }
0x13: {  	[smem:$0x3FB0] =	sst s0;
	s0 =	simm.s32 @!p1 $0x0  }
0x14: {  	s2 =	sld [smem:$0x3F94];
	s0 =	simm.s32 @p1 $0x1  }
0x15: {  	[smem:$0x3FB1] =	sst s0;
	s0 =	simm.s32 @!p2 $0x0  }
0x16: {  	s3 =	sld [smem:$0x3FDB];
	s0 =	simm.s32 @p2 $0x1  }
0x17: {  	s4 =	simm.s32 $0x1BF5;
	[smem:$0x3FB3] =	sst s0  }
0x18: {  	s0 =	sld [smem:$0x3F96];
	_ =	swait.ge [sflag:s4], $0x0  }
0x19: {  	s7 =	sld [smem:$0x3F97]  }
0x1a: {  	s8 =	sadd.s32 $0xFFFFE003, lr  }
0x1b: {  	s9 =	sadd.s32 $0xFFFFFEF7, lr;
	s5 =	simm.s32 $0xFFFFFFFF;
	p2 =	slt.u32 s8, $0xFFFFF086  }
0x1c: {  	p1 =	slt.u32 s9, $0xF7A;
	s5 =	simm.s32 @!p2 $0x0  }
0x1d: {  	s5 =	simm.s32 @p1 $0x1;
	p0 =	seq.s32 s7, s2  }
0x1e: {  	s7 =	smul.u32 @!p0 $0xF7A, s2;
	p2 =	seq.s32 @!p0 s5, $0x0  }
0x1f: {  	s9 =	smul.u32 $0xF7A, s1;
	s8 =	simm.s32 @!p0 $0x1BF5;
	p2 =	por !p2, p0  }
0x20: {  	[sflag:s8] =	ssyncset.s32 @!p0 $0xFFFFF086;
	s6 =	sadd.s32 @!p0 s3, s7;
	s7 =	simm.s32 @!p0 $0x108  }
0x21: {  	s3 =	sadd.s32 s3, s9;
	s6 =	sadd.s32 @!p0 $0x88, s6;
	s7 =	simm.s32 @p2 $0x1082  }
0x22: {  	[simem:s7], [sflag:s8] =	dma.local @!p0 [hbm:s6], $0xF7A  }
0x23: {  	s9 =	sor.u32 $0xD0000000, s2;
	s6 =	simm.s32 $0x108;
	_ =	swait.ge @!p0 [sflag:s8], $0x0  }
0x24: {  	s3 =	sadd.s32 $0x88, s3;
	s6 =	simm.s32 @!p1 $0x1082;
	[sflag:s4] =	ssyncset.s32 $0xFFFFF086  }
0x25: {  	[simem:s6], [sflag:s4] =	dma.local [hbm:s3], $0xF7A  }
0x26: {  	[smem:$0x3F97] =	sst s1;
	(tag) =	ssettag s2;
	_ =	strace s9  }
0x27: {  	s1 =	sld [smem:$0x3FA7]  }
0x28: {  	s2 =	sld [smem:$0x3FA8]  }
0x29: {  	s4 =	sld [smem:$0x3FAA]  }
0x2a: {  	p0 =	seq.s32 s5, $0x0;
	s5 =	sld [smem:$0x3FAB]  }
0x2b: {  	s6 =	sld [smem:$0x3FAC]  }
0x2c: {  	s7 =	sld [smem:$0x3FAD]  }
0x2d: {  	s3 =	simm.s32 $0x108;
	s8 =	sld [smem:$0x3FAE]  }
0x2e: {  	s3 =	simm.s32 @!p0 $0x1082;
	s9 =	sld [smem:$0x3FAF]  }
0x2f: {  	lr =	sadd.s32 s0, s3;
	s0 =	sld [smem:$0x3FA6]  }
0x30: {  	s3 =	sld [smem:$0x3FA9]  }
0x31: {  	[smem:$0x3FB2] =	sst s10  }
0x32: {  	s10 =	sld [smem:$0x3FB0];
	_ =	sdelay $0x3  }
0x33: {  	p0 =	seq.s32 s10, $0x1;
	s10 =	sld [smem:$0x3FB2];
	_ =	sdelay $0x3  }
0x34: {  	[smem:$0x3FB2] =	sst s10  }
0x35: {  	s10 =	sld [smem:$0x3FB1];
	_ =	sdelay $0x3  }
0x36: {  	p1 =	seq.s32 s10, $0x1;
	s10 =	sld [smem:$0x3FB2];
	_ =	sdelay $0x3  }
0x37: {  	[smem:$0x3FB2] =	sst s10  }
0x38: {  	s10 =	sld [smem:$0x3FB3]  }
0x39: {  	_ = 	snop;
	(pc) =	sbr.ind lr, $3  }
0x3a: {  	_ = 	snop  }
0x3b: {  	_ = 	snop  }
0x3c: {  	p2 =	seq.s32 s10, $0x1;
	s10 =	sld [smem:$0x3FB2]  }
0x3d: {  	_ =	shalt  }
0x3e: {  	_ =	shalt  }
0x3f: {  	_ =	shalt  }
0x40: {  	_ =	shalt  }
0x41: {  	_ =	shalt  }
0x42: {  	_ =	shalt  }
0x43: {  	_ =	shalt  }
0x44: {  	_ =	shalt  }
0x45: {  	_ =	shalt  }
0x46: {  	_ =	shalt  }
0x47: {  	_ =	shalt  }
0x48: {  	_ =	shalt  }
0x49: {  	_ =	shalt  }
0x4a: {  	_ =	shalt  }
0x4b: {  	_ =	shalt  }
0x4c: {  	_ =	shalt  }
0x4d: {  	_ =	shalt  }
0x4e: {  	_ =	shalt  }
0x4f: {  	_ =	shalt  }
0x50: {  	_ =	shalt  }
0x51: {  	_ =	shalt  }
0x52: {  	_ =	shalt  }
0x53: {  	_ =	shalt  }
0x54: {  	_ =	shalt  }
0x55: {  	_ =	shalt  }
0x56: {  	_ =	shalt  }
0x57: {  	_ =	shalt  }
0x58: {  	_ =	shalt  }
0x59: {  	_ =	shalt  }
0x5a: {  	_ =	shalt  }
0x5b: {  	_ =	shalt  }
0x5c: {  	_ =	shalt  }
0x5d: {  	_ =	shalt  }
0x5e: {  	_ =	shalt  }
0x5f: {  	_ =	shalt  }
0x60: {  	_ =	shalt  }
0x61: {  	_ =	shalt  }
0x62: {  	_ =	shalt  }
0x63: {  	_ =	shalt  }
0x64: {  	_ =	shalt  }
0x65: {  	_ =	shalt  }
0x66: {  	_ =	shalt  }
0x67: {  	_ =	shalt  }
0x68: {  	_ =	shalt  }
0x69: {  	_ =	shalt  }
0x6a: {  	_ =	shalt  }
0x6b: {  	_ =	shalt  }
0x6c: {  	_ =	shalt  }
0x6d: {  	_ =	shalt  }
0x6e: {  	_ =	shalt  }
0x6f: {  	_ =	shalt  }
0x70: {  	_ =	shalt  }
0x71: {  	_ =	shalt  }
0x72: {  	_ =	shalt  }
0x73: {  	_ =	shalt  }
0x74: {  	_ =	shalt  }
0x75: {  	_ =	shalt  }
0x76: {  	_ =	shalt  }
0x77: {  	_ =	shalt  }
0x78: {  	_ =	shalt  }
0x79: {  	_ =	shalt  }
0x7a: {  	_ =	shalt  }
0x7b: {  	_ =	shalt  }
0x7c: {  	_ =	shalt  }
0x7d: {  	_ =	shalt  }
0x7e: {  	_ =	shalt  }
0x7f: {  	_ =	shalt  }
0x80: {  	_ =	shalt  }
0x81: {  	_ =	shalt  }
0x82: {  	_ =	shalt  }
0x83: {  	_ =	shalt  }
0x84: {  	_ =	shalt  }
0x85: {  	_ =	shalt  }
0x86: {  	_ =	shalt  }
0x87: {  	_ =	shalt  }
.Lfunc_end0:
.L_simem_size_0:
called_computation.1_lowered:
.L_overlay_start_0:
0x88: {  	s2 =	sld [smem:$0x3FD9]  }
0x89: {  	s3 =	sld [smem:$0x3FFE];
	_ =	sdelay $0x1  }
0x8a: {  	s1 =	srdreg.scid  }
0x8b: {  	s0 =	sand.u32 $0x1, s1  }
0x8c: {  	s17 =	sshll.u32 s0, $0xA;
	s2 =	sadd.s32 s3, s2  }
0x8d: {  	s2 =	sadd.s32 s2, s17  }
0x8e: {  	[smem:$0x3FBE] =	sst s2  }
0x8f: {  	_ = 	snop  }
0x90: {  	s2 =	sld [smem:$0x3FD0];
	(tm) =	ssettm $0x1  }
0x91: {  	s18 =	sld [smem:$0x3FFB];
	_ =	sdelay $0x3  }
0x92: {  	_ =	strace s18  }
0x93: {  	s3 =	sld [smem:$0x3FFC];
	_ =	sdelay $0x3  }
0x94: {  	_ =	strace s3  }
0x95: {  	s3 =	sld [smem:$0x3FFD];
	_ =	sdelay $0x3  }
0x96: {  	_ =	strace s3  }
0x97: {  	_ =	strace $0x8FFFFFFF  }
0x98: {  	s19 =	sld [smem:$0x3FDB];
	_ =	sdelay $0x1  }
0x99: {  	s4 =	simm.s32 $_scs_section_size  }
0x9a: {  	s5 =	simm.s32 $_size__tile_overlayer_lowered;
	s6 =	simm.s32 $_tile_overlayer_lowered  }
0x9b: {  	s22 =	simm.s32 $0x1BFF;
	s21 =	sshll.u32 s6, $0x1;
	s3 =	sadd.s32 s4, s19  }
0x9c: {  	s7 =	simm.s32 $0x0;
	s20 =	sshll.u32 s5, $0x1;
	s5 =	sadd.s32 s21, s3  }
0x9d: {  	[timem:s7], [sflag:s22] =	dma.local [hbm:s5], s20  }
0x9e: {  	_ =	swait.ge [sflag:s22], s20  }
0x9f: {  	s4 =	ssub.s32 $0x0, s20;
	[sflag:s22] =	ssyncset.done $0x0  }
0xa0: {  	[sflag:s22] =	ssyncadd.s32 s4;
	_ =	sdelay $0x1  }
0xa1: {  	s23 =	simm.s32 $0x1B8B  }
0xa2: {  	_ =	swait.ge [sflag:s23], $0x1  }
0xa3: {  	[sflag:s23] =	ssyncset.done $0x0  }
0xa4: {  	s25 =	simm.s32 $0x1B8E;
	s24 =	sld [smem:$0x3FFE];
	[sflag:s23] =	ssyncadd.s32 $0xFFFFFFFF  }
0xa5: {  	s26 =	simm.s32 $execute0_lowered;
	[smem:$0x3FD2] =	sst s25  }
0xa6: {  	s5 =	sshll.u32 s26, $0x1;
	_ =	strace $0x80000049;
	[dreg:$0x1] =	wrdreg $0xFFFFFFFF  }
0xa7: {  	s28 =	simm.s32 $_size_execute0_lowered;
	s3 =	sadd.s32 s3, s5;
	[dreg:$0x0] =	wrdreg $0x0  }
0xa8: {  	s5 =	sshll.u32 s28, $0x1;
	[dreg:$0x2] =	wrdreg s3  }
0xa9: {  	[dreg:$0x3] =	wrdreg s5  }
0xaa: {  	[dreg:$0x4] =	wrdreg $0xC0  }
0xab: {  	_ =	task [dreg:s7], $0x5FFFF  }
0xac: {  	[dreg:$0x1] =	wrdreg $0xFFFFFFFF  }
0xad: {  	[dreg:$0x0] =	wrdreg $0x60  }
0xae: {  	[dreg:$0x2] =	wrdreg s24  }
0xaf: {  	[dreg:$0x3] =	wrdreg s2  }
0xb0: {  	[dreg:$0x4] =	wrdreg $0xB0000  }
0xb1: {  	[dreg:$0x5] =	wrdreg $0x9  }
0xb2: {  	_ =	task.clear_ibuf [dreg:s7], $0x6FFFF;
	_ =	strace $0x90000049  }
0xb3: {  	s29 =	simm.s32 $0x9;
	_ =	strace $0x8000004B  }
0xb4: {  	_ =	swait.ge [sflag:s29], $0x1  }
0xb5: {  	[sflag:s29] =	ssyncadd.s32 $0xFFFFFFFF  }
0xb6: {  	_ =	strace $0x9000004B  }
0xb7: {  	_ =	sfence  }
0xb8: {  	s30 =	sld [smem:$0x0];
	_ =	sdelay $0x2  }
0xb9: {  	s31 =	sshll.u32 s1, $0xD;
	s1 =	sshrl.u32 s1, $0x2  }
0xba: {  	s3 =	sand.u32 $0x4000, s31;
	s1 =	sadd.s32 s1, s30  }
0xbb: {  	s0 =	sor.u32 s3, s0;
	s1 =	sshll.u32 s1, $0x11  }
0xbc: {  	s0 =	sor.u32 s1, s0  }
0xbd: {  	s0 =	sadd.s32 $0x8F2B, s0  }
0xbe: {  	[sflag:s0] =	ssyncadd.remote.s32 $0x1  }
0xbf: {  	_ =	sfence.sel $0xFFFF  }
0xc0: {  	[dreg:$0x0] =	wrdreg $0xFFFFFFFF;
	(pc) =	sbr.abs _section_cstart, $3  }
0xc1: {  	[dreg:$0x1] =	wrdreg $0xFFFFFFFF  }
0xc2: {  	_ =	task.clear_ibuf [dreg:s7], $0x2FFFF;
	_ =	strace $0x9FFFFFFF  }
0xc3: {  	(tm) =	ssettm $0x7FFFFFFF  }
tec
execute0_lowered:
.L_overlay_start_1:
0x0: {  	(tag) =	ssettag $0x1  }
0x1: {  	s8 =	rddreg [dreg:$0x0]  }
0x2: {  	s2 =	rddreg [dreg:$0x1]  }
0x3: {  	s3 =	rddreg [dreg:$0x2];
	s1 =	stileid.u32  }
0x4: {  	s5 =	srdreg.scid;
	s4 =	simm.s32 $0x0;
	s16 =	simm.s32 $0x2000  }
0x5: {  	s17 =	simm.s32 $0x80;
	s18 =	simm.s32 $0x3000;
	s19 =	simm.s32 $0x7000  }
0x6: {  	s20 =	simm.s32 $0x1;
	s21 =	simm.s32 $0x2;
	s22 =	simm.s32 $0x1D00  }
0x7: {  	s9 =	smul.u32 $0x14000, s1;
	s10 =	sand.u32 $0x1, s5;
	[smem:$0x7FF] =	sst s4  }
0x8: {  	s5 =	sadd.s32 $0x1AC00, s8;
	s6 =	sadd.s32 $0x57E00, s8;
	s7 =	sadd.s32 $0x63E00, s8  }
0x9: {  	s13 =	smul.u32 $0x50000, s1;
	s29 =	sshll.u32 s1, $0x1;
	s31 =	sshll.u32 s1, $0x6  }
0xa: {  	s11 =	smul.u32 $0x140000, s10;
	_ =	strace $0x8000004A;
	s26 =	ssub.s32 $0x2, s10  }
0xb: {  	s10 =	sor.u32 s10, s29;
	s12 =	sshrl.u32 s9, $0x3;
	s28 =	sshrl.u32 s26, $0x1  }
0xc: {  	s30 =	sshrl.u32 s13, $0x2;
	s10 =	smul.u32 $0x3000, s10;
	s9 =	sadd.s32 s9, s11  }
0xd: {  	s12 =	sadd.s32 s12, s8;
	s13 =	sadd.s32 s30, s3;
	s9 =	sshrl.u32 s9, $0x3  }
0xe: {  	s15 =	ssub.s32 s26, s28;
	s13 =	sshrl.u32 s13, $0x3;
	s14 =	sadd.s32 s9, s8  }
0xf: {  	s8 =	sadd.s32 $0x6FE00, s12;
	s9 =	sor.u32 $0x1C03, s31;
	s12 =	smax.u32 s15, $0x1  }
0x10: {  	s15 =	simm.s32 $0x1000;
	s11 =	sadd.s32 $0x97E00, s14;
	s14 =	simm.s32 $0x3  }
.LBB2_1:
0x11: {  	[spmem:s13], [sflag:s9] =	dma.local [hbm:s8], $0x2800  }
0x12: {  	_ =	swait.ge [sflag:s14], $0x2800  }
0x13: {  	[sflag:s14] =	ssyncset.done $0x0  }
0x14: {  	[sflag:s14] =	ssyncadd.s32 $0xFFFFD800  }
0x15: {  	s23 =	simm.s32 $0x0;
	[bflag:$0x0] =	sbarrier.arrive $0xFFFF  }
.LBB2_2:
0x16: {  	s24 =	sshll.u32 s23, $0xC  }
0x17: {  	s24 =	sadd.s32 s10, s24  }
0x18: {  	s25 =	sshrl.u32 s24, $0x3  }
0x19: {  	s24 =	simm.s32 $0x0;
	s26 =	sadd.s32 s2, s25  }
0x1a: {  	[tilespmem:s24], [sflag:$0x3] =	stream.linear.gather [hbm4b:s26+s24], $0xD80, $0x38;
	[tilespmem:$0x1F000] =	vst v63  }
0x1b: {  	_ =	swait.ge [sflag:s14], $0xD80  }
0x1c: {  	[sflag:s14] =	ssyncset.done $0x0  }
0x1d: {  	s31 =	sadd.s32 s6, s25;
	[sflag:s14] =	ssyncadd.s32 $0xFFFFF280  }
0x1e: {  	[tilespmem:s15], [sflag:$0x3] =	stream.linear.gather [hbm4b:s31+s24], $0xD80, $0x38;
	[tilespmem:$0x1F000] =	vst v63  }
0x1f: {  	_ =	swait.ge [sflag:s14], $0xD80  }
0x20: {  	[sflag:s14] =	ssyncset.done $0x0  }
0x21: {  	s25 =	sadd.s32 s7, s25;
	[sflag:s14] =	ssyncadd.s32 $0xFFFFF280  }
0x22: {  	[tilespmem:s16], [sflag:$0x3] =	stream.linear.gather [hbm4b:s25+s24], $0xD80, $0x38;
	[tilespmem:$0x1F000] =	vst v63  }
0x23: {  	_ =	swait.ge [sflag:s14], $0xD80  }
0x24: {  	[sflag:s14] =	ssyncset.done $0x0  }
0x25: {  	s25 =	simm.s32 $0x0;
	[sflag:s14] =	ssyncadd.s32 $0xFFFFF280  }
0x26: {  	[tilespmem:s18], [sflag:$0x1] =	stream.indirect.gather [hbm4b:s5+s17], $0x80, s24, s17, $0xb8;
	[tilespmem:$0x1F000] =	vst v63  }
.LBB2_3:
0x27: {  	s0 =	simm.s32 $0x7  }
0x28: {  	s26 =	simm.s32 $0x1;
	v3 =	vmov s0;
	s0 =	sshllo.u32 s25, $0x1  }
0x29: {  	v2 =	vmov s26;
	s26 =	sshll.u32 s0, $0x7  }
0x2a: {  	[tilespmem:s19], [sflag:$0x2] =	stream.indirect.gather [hbm4b:s5+s17], $0x80, s26, s17, $0xb8;
	[tilespmem:$0x1F000] =	vst v63  }
0x2b: {  	_ =	swait.ge [sflag:s20], $0x4000  }
0x2c: {  	[sflag:s20] =	ssyncset.done $0x0  }
0x2d: {  	s28 =	sshll.u32 s25, $0x8;
	v1 =	vmov s24;
	s29 =	simm.s32 $0x3200;
	[sflag:s20] =	ssyncadd.s32 $0xFFFFC000  }
0x2e: {  	v0 =	vmov s28;
	v1 =	vand.u32 $0x78, v1;
	v5 =	vld [tilespmem:s29+$0xFFFFFE10]  }
0x2f: {  	v1 =	vor.u32 v0, v1;
	v3 =	vand.u32 $0x7F, v3;
	v6 =	vld [tilespmem:s29+$0xFFFFFE20]  }
0x30: {  	v1 =	vbroadcast v1, $0x0;
	v3 =	vor.u32 v0, v3;
	v7 =	vld [tilespmem:s29+$0xFFFFFE30]  }
0x31: {  	v3 =	vbroadcast v3, $0x0;
	v8 =	vld [tilespmem:s29+$0xFFFFFE40]  }
0x32: {  	v9 =	vld [tilespmem:s29+$0xFFFFFE50]  }
0x33: {  	v10 =	vld [tilespmem:s29+$0xFFFFFE60]  }
0x34: {  	v2 =	vand.u32 $0x79, v2;
	v12 =	vld [tilespmem:s29+$0x1F0]  }
0x35: {  	v2 =	vor.u32 v0, v2;
	v13 =	vld [tilespmem:s29+$0xFFFFFE80]  }
0x36: {  	v2 =	vbroadcast v2, $0x0;
	v4 =	vld.idx.msk [tilespmem:v1+s16+$0x0], $0xffff  }
0x37: {  	v1 =	vld.idx.msk [tilespmem:v3+s16+$0x0], $0xffff  }
0x38: {  	v3 =	vld [tilespmem:s29+$0xFFFFFE00]  }
0x39: {  	v14 =	vld [tilespmem:s29+$0xFFFFFE90]  }
0x3a: {  	v15 =	vld [tilespmem:s29+$0xFFFFFEA0]  }
0x3b: {  	v16 =	vld [tilespmem:s29+$0xFFFFFEB0];
	v5 =	vmul.f32 v5, v4  }
0x3c: {  	v2 =	vld.idx.msk [tilespmem:v2+s16+$0x0], $0xffff;
	v6 =	vmul.f32 v6, v4  }
0x3d: {  	s30 =	simm.s32 $0x2;
	v17 =	vld [tilespmem:s29+$0xFFFFFEC0];
	v3 =	vmul.f32 v3, v4;
	[tilespmem:s29+$0xFFFFFE10] =	vst v5  }
0x3e: {  	v11 =	vmov s30;
	v7 =	vmul.f32 v7, v4;
	v5 =	vld [tilespmem:s29+$0xFFFFFEE0];
	[tilespmem:s29+$0xFFFFFE20] =	vst v6  }
0x3f: {  	v12 =	vmul.f32 v12, v1;
	v6 =	vmul.f32 v8, v4;
	v8 =	vld [tilespmem:s29+$0xFFFFFEF0];
	[tilespmem:s29+$0xFFFFFE00] =	vst v3;
	v3 =	vand.u32 $0x7A, v11  }
0x40: {  	[tilespmem:s29+$0xFFFFFE30] =	vst v7;
	v7 =	vmul.f32 v9, v4;
	v11 =	vld [tilespmem:s29+$0xFFFFFE70];
	v3 =	vor.u32 v0, v3  }
0x41: {  	v9 =	vld [tilespmem:s29+$0xFFFFFF00];
	[tilespmem:s29+$0x1F0] =	vst v12;
	v12 =	vmul.f32 v13, v2;
	v3 =	vbroadcast v3, $0x0  }
0x42: {  	s30 =	simm.s32 $0x3;
	v13 =	vld [tilespmem:s29+$0xFFFFFED0];
	[tilespmem:s29+$0xFFFFFE40] =	vst v6  }
0x43: {  	v6 =	vmul.f32 v10, v4;
	v10 =	vld [tilespmem:s29+$0xFFFFFF10];
	[tilespmem:s29+$0xFFFFFE80] =	vst v12;
	v12 =	vmov s30  }
0x44: {  	v17 =	vmul.f32 v17, v2;
	[tilespmem:s29+$0xFFFFFE50] =	vst v7;
	v7 =	vld [tilespmem:s29+$0xFFFFFF20];
	v12 =	vand.u32 $0x7B, v12  }
0x45: {  	[tilespmem:s29+$0xFFFFFE60] =	vst v6;
	v6 =	vmul.f32 v14, v2;
	v14 =	vld [tilespmem:s29+$0xFFFFFF40];
	v12 =	vor.u32 v0, v12;
	v4 =	vmul.f32 v11, v4  }
0x46: {  	v5 =	vmul.f32 v5, v2;
	v12 =	vbroadcast v12, $0x0;
	v11 =	vld [tilespmem:s29+$0xFFFFFF30]  }
0x47: {  	v13 =	vmul.f32 v13, v2;
	[tilespmem:s29+$0xFFFFFE70] =	vst v4;
	v4 =	vmul.f32 v15, v2;
	v3 =	vld.idx.msk [tilespmem:v3+s16+$0x0], $0xffff  }
0x48: {  	[tilespmem:s29+$0xFFFFFE90] =	vst v6;
	v15 =	vmul.f32 v16, v2;
	v2 =	vmul.f32 v8, v2;
	v8 =	vld [tilespmem:s29+$0xFFFFFF90]  }
0x49: {  	[tilespmem:s29+$0xFFFFFED0] =	vst v13;
	v13 =	vld [tilespmem:s29+$0xFFFFFFD0]  }
0x4a: {  	[tilespmem:s29+$0xFFFFFEA0] =	vst v4;
	v4 =	vld [tilespmem:s29+$0xFFFFFF60]  }
0x4b: {  	[tilespmem:s29+$0xFFFFFEB0] =	vst v15;
	v15 =	vld [tilespmem:s29+$0xFFFFFF70]  }
0x4c: {  	[tilespmem:s29+$0xFFFFFEE0] =	vst v5;
	v12 =	vld.idx.msk [tilespmem:v12+s16+$0x0], $0xffff;
	v6 =	vmul.f32 v9, v3  }
0x4d: {  	s30 =	simm.s32 $0x4;
	[tilespmem:s29+$0xFFFFFEF0] =	vst v2;
	v9 =	vld [tilespmem:s29+$0xFFFFFF50];
	v5 =	vmul.f32 v10, v3  }
0x4e: {  	v16 =	vmov s30;
	v10 =	vld [tilespmem:s29+$0xFFFFFFA0];
	v2 =	vmul.f32 v7, v3;
	[tilespmem:s29+$0xFFFFFF00] =	vst v6  }
0x4f: {  	v14 =	vmul.f32 v14, v3;
	v6 =	vand.u32 $0x7C, v16;
	v16 =	vld [tilespmem:s29+$0xFFFFFF80];
	[tilespmem:s29+$0xFFFFFF10] =	vst v5  }
0x50: {  	v7 =	vld [tilespmem:s29+$0xFFFFFFB0];
	v4 =	vmul.f32 v4, v3;
	[tilespmem:s29+$0xFFFFFF20] =	vst v2;
	v6 =	vor.u32 v0, v6  }
0x51: {  	v5 =	vmul.f32 v11, v3;
	v11 =	vld [tilespmem:s29+$0xFFFFFFC0];
	[tilespmem:s29+$0xFFFFFF40] =	vst v14;
	v6 =	vbroadcast v6, $0x0  }
0x52: {  	v14 =	vld [tilespmem:s29+$0xFFFFFFF0];
	[tilespmem:s29+$0xFFFFFF60] =	vst v4;
	v4 =	vmul.f32 v8, v12  }
0x53: {  	v8 =	vld [tilespmem:s29+$0x10];
	[tilespmem:s29+$0xFFFFFF30] =	vst v5;
	v9 =	vmul.f32 v9, v3  }
0x54: {  	s30 =	simm.s32 $0x5;
	v5 =	vld [tilespmem:s29+$0xFFFFFFE0];
	[tilespmem:s29+$0xFFFFFF90] =	vst v4;
	v2 =	vmul.f32 v16, v12  }
0x55: {  	v3 =	vmul.f32 v15, v3;
	v4 =	vmul.f32 v7, v12;
	v7 =	vld [tilespmem:s29+$0x30];
	v16 =	vmov s30;
	[tilespmem:s29+$0xFFFFFF50] =	vst v9  }
0x56: {  	v13 =	vmul.f32 v13, v12;
	v9 =	vld [tilespmem:s29+$0x0];
	[tilespmem:s29+$0xFFFFFF80] =	vst v2;
	v2 =	vand.u32 $0x7D, v16  }
0x57: {  	[tilespmem:s29+$0xFFFFFF70] =	vst v3;
	v3 =	vmul.f32 v10, v12;
	v6 =	vld.idx.msk [tilespmem:v6+s16+$0x0], $0xffff;
	v2 =	vor.u32 v0, v2  }
0x58: {  	[tilespmem:s29+$0xFFFFFFD0] =	vst v13;
	v13 =	vld [tilespmem:s29+$0x70];
	v2 =	vbroadcast v2, $0x0  }
0x59: {  	v10 =	vld [tilespmem:s29+$0x20];
	[tilespmem:s29+$0xFFFFFFA0] =	vst v3;
	v3 =	vmul.f32 v11, v12  }
0x5a: {  	[tilespmem:s29+$0xFFFFFFB0] =	vst v4;
	v11 =	vld [tilespmem:s29+$0x40];
	v5 =	vmul.f32 v5, v12;
	v12 =	vmul.f32 v14, v12  }
0x5b: {  	[tilespmem:s29+$0xFFFFFFC0] =	vst v3;
	v3 =	vld [tilespmem:s29+$0x60]  }
0x5c: {  	s30 =	simm.s32 $0x6;
	[tilespmem:s29+$0xFFFFFFF0] =	vst v12;
	v12 =	vld [tilespmem:s29+$0x90];
	v4 =	vmul.f32 v9, v6  }
0x5d: {  	v15 =	vmov s30;
	[tilespmem:s29+$0xFFFFFFE0] =	vst v5;
	v9 =	vld [tilespmem:s29+$0x50];
	v5 =	vmul.f32 v8, v6  }
0x5e: {  	v10 =	vmul.f32 v10, v6;
	v2 =	vld.idx.msk [tilespmem:v2+s16+$0x0], $0xffff;
	[tilespmem:s29+$0x0] =	vst v4;
	v4 =	vand.u32 $0x7E, v15  }
0x5f: {  	v8 =	vld [tilespmem:s29+$0x80];
	[tilespmem:s29+$0x10] =	vst v5;
	v5 =	vmul.f32 v7, v6;
	v4 =	vor.u32 v0, v4  }
0x60: {  	[tilespmem:s29+$0x20] =	vst v10;
	v10 =	vmul.f32 v11, v6;
	v11 =	vld [tilespmem:s29+$0xB0];
	v4 =	vbroadcast v4, $0x0  }
0x61: {  	v3 =	vmul.f32 v3, v6;
	v7 =	vld [tilespmem:s29+$0xA0];
	[tilespmem:s29+$0x30] =	vst v5  }
0x62: {  	[tilespmem:s29+$0x40] =	vst v10;
	v10 =	vld [tilespmem:s29+$0xD0];
	v5 =	vmul.f32 v9, v6  }
0x63: {  	[tilespmem:s29+$0x60] =	vst v3;
	v9 =	vld [tilespmem:s29+$0xC0];
	v3 =	vmul.f32 v12, v2  }
0x64: {  	[tilespmem:s29+$0x50] =	vst v5;
	v5 =	vld [tilespmem:s29+$0xE0]  }
0x65: {  	v8 =	vmul.f32 v8, v2;
	[tilespmem:s29+$0x90] =	vst v3;
	v3 =	vmul.f32 v11, v2;
	v11 =	vld [tilespmem:s29+$0x110]  }
0x66: {  	[tilespmem:s29+$0xFFFFFEC0] =	vst v17;
	v16 =	vld.idx.msk [tilespmem:v4+s16+$0x0], $0xffff;
	v4 =	vmul.f32 v13, v6  }
0x67: {  	s30 =	simm.s32 $0x8;
	[tilespmem:s29+$0x80] =	vst v8;
	v6 =	vld [tilespmem:s29+$0xF0]  }
0x68: {  	s31 =	simm.s32 $0xB;
	v8 =	vmov s30;
	s30 =	simm.s32 $0x9;
	[tilespmem:s29+$0x70] =	vst v4;
	v4 =	vmul.f32 v7, v2;
	v7 =	vld [tilespmem:s29+$0x100]  }
0x69: {  	v14 =	vmov s31;
	s31 =	simm.s32 $0xD;
	v12 =	vmov s30;
	s30 =	simm.s32 $0xA;
	[tilespmem:s29+$0xB0] =	vst v3;
	v3 =	vmul.f32 v10, v2  }
0x6a: {  	v17 =	vmov s31;
	v13 =	vmov s30;
	s30 =	simm.s32 $0xC;
	[tilespmem:s29+$0xA0] =	vst v4;
	v4 =	vmul.f32 v9, v2;
	v9 =	vld [tilespmem:s29+$0x120]  }
0x6b: {  	v8 =	vand.u32 $0x78, v8;
	v10 =	vld [tilespmem:s29+$0x130];
	v15 =	vmov s30;
	[tilespmem:s29+$0xD0] =	vst v3;
	v11 =	vmul.f32 v11, v16  }
0x6c: {  	v18 =	vld [tilespmem:s29+$0x140];
	s30 =	simm.s32 $0xE;
	[tilespmem:s29+$0xC0] =	vst v4;
	v4 =	vmul.f32 v5, v2;
	v5 =	vor.u32 v0, v8;
	v2 =	vmul.f32 v6, v2  }
0x6d: {  	v6 =	vmov s30;
	v8 =	vand.u32 $0x79, v12;
	v3 =	vmul.f32 v7, v16;
	v7 =	vld [tilespmem:s29+$0x150];
	[tilespmem:s29+$0x110] =	vst v11  }
0x6e: {  	v19 =	vld [tilespmem:s29+$0x160];
	v12 =	vand.u32 $0x7A, v13;
	v13 =	vand.u32 $0x7C, v15;
	[tilespmem:s29+$0xE0] =	vst v4;
	v4 =	vand.u32 $0x7B, v14  }
0x6f: {  	[tilespmem:s29+$0xF0] =	vst v2;
	v2 =	vand.u32 $0x7D, v17;
	v14 =	vand.u32 $0x7E, v6;
	v17 =	vld [tilespmem:s29+$0x170];
	v6 =	vmul.f32 v9, v16  }
0x70: {  	v8 =	vor.u32 v0, v8;
	[tilespmem:s29+$0x100] =	vst v3;
	v3 =	vbroadcast v5, $0x0;
	v9 =	vmul.f32 v10, v16;
	v5 =	vld [tilespmem:s29+$0x180]  }
0x71: {  	v13 =	vor.u32 v0, v13;
	v10 =	vor.u32 v0, v12;
	v12 =	vmul.f32 v18, v16;
	[tilespmem:s29+$0x120] =	vst v6;
	v6 =	vld [tilespmem:s29+$0x190]  }
0x72: {  	v11 =	vor.u32 v0, v4;
	v4 =	vbroadcast v8, $0x0;
	[tilespmem:s29+$0x130] =	vst v9;
	v18 =	vmul.f32 v7, v16;
	v7 =	vld [tilespmem:s29+$0x1A0]  }
0x73: {  	v15 =	vor.u32 v0, v2;
	v8 =	vld [tilespmem:s29+$0x1B0];
	v9 =	vbroadcast v10, $0x0;
	[tilespmem:s29+$0x140] =	vst v12;
	v12 =	vmul.f32 v19, v16  }
0x74: {  	s31 =	simm.s32 $0xF;
	s30 =	simm.s32 $0x10;
	v14 =	vor.u32 v0, v14;
	v11 =	vbroadcast v11, $0x0;
	v10 =	vld [tilespmem:s29+$0x1C0];
	v16 =	vmul.f32 v17, v16;
	[tilespmem:s29+$0x150] =	vst v18  }
.LBB2_4:
0x75: {  	p0 =	slt.u32 s30, $0x78;
	v2 =	vbroadcast v13, $0x0;
	v13 =	vmov s31;
	[tilespmem:s29+$0x160] =	vst v12;
	v5 =	vmul.f32 v5, v1;
	v12 =	vld [tilespmem:s29+$0x1D0]  }
0x76: {  	v15 =	vbroadcast v15, $0x0;
	v13 =	vand.u32 $0x7F, v13;
	[tilespmem:s29+$0x170] =	vst v16;
	v6 =	vmul.f32 v6, v1;
	v16 =	vld [tilespmem:s29+$0x1E0]  }
0x77: {  	v14 =	vbroadcast v14, $0x0;
	v17 =	vld.idx.msk [tilespmem:v3+s16+$0x0], $0xffff;
	v3 =	vor.u32 v0, v13;
	[tilespmem:s29+$0x180] =	vst v5;
	v5 =	vmul.f32 v7, v1  }
0x78: {  	v7 =	vld.idx.msk [tilespmem:v4+s16+$0x0], $0xffff;
	v13 =	vbroadcast v3, $0x0;
	[tilespmem:s29+$0x190] =	vst v6;
	v3 =	vmul.f32 v8, v1  }
0x79: {  	v6 =	vld.idx.msk [tilespmem:v9+s16+$0x0], $0xffff;
	[tilespmem:s29+$0x1A0] =	vst v5;
	v8 =	vmul.f32 v10, v1  }
0x7a: {  	v5 =	vld.idx.msk [tilespmem:v11+s16+$0x0], $0xffff;
	[tilespmem:s29+$0x1B0] =	vst v3;
	v9 =	vmul.f32 v12, v1  }
0x7b: {  	v4 =	vld.idx.msk [tilespmem:v2+s16+$0x0], $0xffff;
	[tilespmem:s29+$0x1C0] =	vst v8;
	v1 =	vmul.f32 v16, v1  }
0x7c: {  	v3 =	vld.idx.msk [tilespmem:v15+s16+$0x0], $0xffff;
	[tilespmem:s29+$0x1D0] =	vst v9  }
0x7d: {  	v2 =	vld.idx.msk [tilespmem:v14+s16+$0x0], $0xffff;
	[tilespmem:s29+$0x1E0] =	vst v1  }
0x7e: {  	s29 =	sadd.s32 $0x400, s29;
	v1 =	vld.idx.msk [tilespmem:v13+s16+$0x0], $0xffff  }
0x7f: {  	v8 =	vld [tilespmem:s29+$0x1F0]  }
0x80: {  	v9 =	vld [tilespmem:s29+$0xFFFFFE00]  }
0x81: {  	v10 =	vld [tilespmem:s29+$0xFFFFFE10]  }
0x82: {  	v11 =	vld [tilespmem:s29+$0xFFFFFE20]  }
0x83: {  	v12 =	vld [tilespmem:s29+$0xFFFFFE30]  }
0x84: {  	v13 =	vld [tilespmem:s29+$0xFFFFFE40];
	v8 =	vmul.f32 v8, v1  }
0x85: {  	v9 =	vmul.f32 v9, v17;
	v14 =	vld [tilespmem:s29+$0xFFFFFE50]  }
0x86: {  	v10 =	vmul.f32 v10, v17;
	v15 =	vld [tilespmem:s29+$0xFFFFFE60];
	[tilespmem:s29+$0x1F0] =	vst v8  }
0x87: {  	[tilespmem:s29+$0xFFFFFE00] =	vst v9;
	v8 =	vmul.f32 v11, v17;
	v9 =	vld [tilespmem:s29+$0xFFFFFE70]  }
0x88: {  	[tilespmem:s29+$0xFFFFFE10] =	vst v10;
	v10 =	vmul.f32 v12, v17;
	v11 =	vld [tilespmem:s29+$0xFFFFFE80]  }
0x89: {  	[tilespmem:s29+$0xFFFFFE20] =	vst v8;
	v8 =	vmul.f32 v13, v17;
	v12 =	vld [tilespmem:s29+$0xFFFFFE90]  }
0x8a: {  	[tilespmem:s29+$0xFFFFFE30] =	vst v10;
	v10 =	vmul.f32 v14, v17;
	v13 =	vld [tilespmem:s29+$0xFFFFFEA0]  }
0x8b: {  	[tilespmem:s29+$0xFFFFFE40] =	vst v8;
	v8 =	vmul.f32 v15, v17;
	v14 =	vld [tilespmem:s29+$0xFFFFFEB0]  }
0x8c: {  	[tilespmem:s29+$0xFFFFFE50] =	vst v10;
	v9 =	vmul.f32 v9, v17;
	v10 =	vld [tilespmem:s29+$0xFFFFFEC0]  }
0x8d: {  	[tilespmem:s29+$0xFFFFFE60] =	vst v8;
	v8 =	vmul.f32 v11, v7;
	v11 =	vld [tilespmem:s29+$0xFFFFFED0]  }
0x8e: {  	[tilespmem:s29+$0xFFFFFE70] =	vst v9;
	v9 =	vmul.f32 v12, v7;
	v12 =	vld [tilespmem:s29+$0xFFFFFEE0]  }
0x8f: {  	[tilespmem:s29+$0xFFFFFE80] =	vst v8;
	v8 =	vmul.f32 v13, v7;
	v13 =	vld [tilespmem:s29+$0xFFFFFEF0]  }
0x90: {  	[tilespmem:s29+$0xFFFFFE90] =	vst v9;
	v9 =	vmul.f32 v14, v7;
	v14 =	vld [tilespmem:s29+$0xFFFFFF00]  }
0x91: {  	[tilespmem:s29+$0xFFFFFEA0] =	vst v8;
	v8 =	vmul.f32 v10, v7;
	v10 =	vld [tilespmem:s29+$0xFFFFFF10]  }
0x92: {  	[tilespmem:s29+$0xFFFFFEB0] =	vst v9;
	v9 =	vmul.f32 v11, v7;
	v11 =	vld [tilespmem:s29+$0xFFFFFF20]  }
0x93: {  	[tilespmem:s29+$0xFFFFFEC0] =	vst v8;
	v8 =	vmul.f32 v12, v7;
	v12 =	vld [tilespmem:s29+$0xFFFFFF30]  }
0x94: {  	[tilespmem:s29+$0xFFFFFED0] =	vst v9;
	v7 =	vmul.f32 v13, v7;
	v9 =	vld [tilespmem:s29+$0xFFFFFF40]  }
0x95: {  	[tilespmem:s29+$0xFFFFFEE0] =	vst v8;
	v8 =	vmul.f32 v14, v6;
	v13 =	vld [tilespmem:s29+$0xFFFFFF50]  }
0x96: {  	[tilespmem:s29+$0xFFFFFEF0] =	vst v7;
	v7 =	vmul.f32 v10, v6;
	v10 =	vld [tilespmem:s29+$0xFFFFFF60]  }
0x97: {  	[tilespmem:s29+$0xFFFFFF00] =	vst v8;
	v8 =	vmul.f32 v11, v6;
	v11 =	vld [tilespmem:s29+$0xFFFFFF70]  }
0x98: {  	[tilespmem:s29+$0xFFFFFF10] =	vst v7;
	v7 =	vmul.f32 v12, v6;
	v12 =	vld [tilespmem:s29+$0xFFFFFF80]  }
0x99: {  	[tilespmem:s29+$0xFFFFFF20] =	vst v8;
	v8 =	vmul.f32 v9, v6;
	v9 =	vld [tilespmem:s29+$0xFFFFFF90]  }
0x9a: {  	[tilespmem:s29+$0xFFFFFF30] =	vst v7;
	v7 =	vmul.f32 v13, v6;
	v13 =	vld [tilespmem:s29+$0xFFFFFFA0]  }
0x9b: {  	[tilespmem:s29+$0xFFFFFF40] =	vst v8;
	v8 =	vmul.f32 v10, v6;
	v10 =	vld [tilespmem:s29+$0xFFFFFFB0]  }
0x9c: {  	[tilespmem:s29+$0xFFFFFF50] =	vst v7;
	v6 =	vmul.f32 v11, v6;
	v7 =	vld [tilespmem:s29+$0xFFFFFFC0]  }
0x9d: {  	[tilespmem:s29+$0xFFFFFF60] =	vst v8;
	v8 =	vmul.f32 v12, v5;
	v11 =	vld [tilespmem:s29+$0xFFFFFFD0]  }
0x9e: {  	[tilespmem:s29+$0xFFFFFF70] =	vst v6;
	v6 =	vmul.f32 v9, v5;
	v9 =	vld [tilespmem:s29+$0xFFFFFFE0]  }
0x9f: {  	[tilespmem:s29+$0xFFFFFF80] =	vst v8;
	v8 =	vmul.f32 v13, v5;
	v12 =	vld [tilespmem:s29+$0xFFFFFFF0]  }
0xa0: {  	[tilespmem:s29+$0xFFFFFF90] =	vst v6;
	v6 =	vmul.f32 v10, v5;
	v10 =	vld [tilespmem:s29+$0x0]  }
0xa1: {  	[tilespmem:s29+$0xFFFFFFA0] =	vst v8;
	v7 =	vmul.f32 v7, v5;
	v8 =	vld [tilespmem:s29+$0x10]  }
0xa2: {  	[tilespmem:s29+$0xFFFFFFB0] =	vst v6;
	v6 =	vmul.f32 v11, v5;
	v11 =	vld [tilespmem:s29+$0x20]  }
0xa3: {  	[tilespmem:s29+$0xFFFFFFC0] =	vst v7;
	v7 =	vmul.f32 v9, v5;
	v9 =	vld [tilespmem:s29+$0x30]  }
0xa4: {  	[tilespmem:s29+$0xFFFFFFD0] =	vst v6;
	v5 =	vmul.f32 v12, v5;
	v6 =	vld [tilespmem:s29+$0x40]  }
0xa5: {  	[tilespmem:s29+$0xFFFFFFE0] =	vst v7;
	v7 =	vmul.f32 v10, v4;
	v10 =	vld [tilespmem:s29+$0x50]  }
0xa6: {  	[tilespmem:s29+$0xFFFFFFF0] =	vst v5;
	v5 =	vmul.f32 v8, v4;
	v8 =	vld [tilespmem:s29+$0x60]  }
0xa7: {  	[tilespmem:s29+$0x0] =	vst v7;
	v7 =	vmul.f32 v11, v4;
	v11 =	vld [tilespmem:s29+$0x70]  }
0xa8: {  	[tilespmem:s29+$0x10] =	vst v5;
	v5 =	vmul.f32 v9, v4;
	v9 =	vld [tilespmem:s29+$0x80]  }
0xa9: {  	[tilespmem:s29+$0x20] =	vst v7;
	v6 =	vmul.f32 v6, v4;
	v7 =	vld [tilespmem:s29+$0x90]  }
0xaa: {  	[tilespmem:s29+$0x30] =	vst v5;
	v5 =	vmul.f32 v10, v4;
	v10 =	vld [tilespmem:s29+$0xA0]  }
0xab: {  	[tilespmem:s29+$0x40] =	vst v6;
	v6 =	vmul.f32 v8, v4;
	v8 =	vld [tilespmem:s29+$0xB0]  }
0xac: {  	[tilespmem:s29+$0x50] =	vst v5;
	v4 =	vmul.f32 v11, v4;
	v5 =	vld [tilespmem:s29+$0xC0]  }
0xad: {  	[tilespmem:s29+$0x60] =	vst v6;
	v6 =	vmul.f32 v9, v3;
	v9 =	vld [tilespmem:s29+$0xD0]  }
0xae: {  	[tilespmem:s29+$0x70] =	vst v4;
	v4 =	vmul.f32 v7, v3;
	v7 =	vld [tilespmem:s29+$0xE0]  }
0xaf: {  	[tilespmem:s29+$0x80] =	vst v6;
	v6 =	vmul.f32 v10, v3;
	v10 =	vld [tilespmem:s29+$0xF0]  }
0xb0: {  	s31 =	sadd.s32 $0x1, s30;
	v11 =	vmov s30;
	[tilespmem:s29+$0x90] =	vst v4;
	v4 =	vmul.f32 v8, v3;
	v8 =	vld [tilespmem:s29+$0x100]  }
0xb1: {  	s0 =	sadd.s32 $0x3, s30;
	v12 =	vmov s31;
	s31 =	sadd.s32 $0x2, s30;
	v11 =	vand.u32 $0x78, v11;
	[tilespmem:s29+$0xA0] =	vst v6;
	v5 =	vmul.f32 v5, v3;
	v6 =	vld [tilespmem:s29+$0x110]  }
0xb2: {  	v14 =	vmov s0;
	s0 =	sadd.s32 $0x4, s30;
	v13 =	vmov s31;
	s31 =	sadd.s32 $0x5, s30;
	[tilespmem:s29+$0xB0] =	vst v4;
	v4 =	vmul.f32 v9, v3;
	v9 =	vld [tilespmem:s29+$0x120]  }
0xb3: {  	v15 =	vmov s0;
	s0 =	sadd.s32 $0x6, s30;
	v16 =	vmov s31;
	[tilespmem:s29+$0xC0] =	vst v5;
	v5 =	vmul.f32 v7, v3;
	v7 =	vld [tilespmem:s29+$0x130]  }
0xb4: {  	v17 =	vmov s0;
	v11 =	vor.u32 v0, v11;
	[tilespmem:s29+$0xD0] =	vst v4;
	v3 =	vmul.f32 v10, v3;
	v4 =	vld [tilespmem:s29+$0x140]  }
0xb5: {  	v10 =	vand.u32 $0x79, v12;
	v12 =	vand.u32 $0x7A, v13;
	[tilespmem:s29+$0xE0] =	vst v5;
	v5 =	vmul.f32 v8, v2;
	v8 =	vld [tilespmem:s29+$0x150]  }
0xb6: {  	v13 =	vand.u32 $0x7B, v14;
	v14 =	vand.u32 $0x7C, v15;
	[tilespmem:s29+$0xF0] =	vst v3;
	v6 =	vmul.f32 v6, v2;
	v18 =	vld [tilespmem:s29+$0x160]  }
0xb7: {  	v15 =	vand.u32 $0x7D, v16;
	v16 =	vand.u32 $0x7E, v17;
	[tilespmem:s29+$0x100] =	vst v5;
	v9 =	vmul.f32 v9, v2;
	v17 =	vld [tilespmem:s29+$0x170]  }
.Ltmp0:
0xb8: {  	v10 =	vor.u32 v0, v10;
	v3 =	vbroadcast v11, $0x0;
	[tilespmem:s29+$0x110] =	vst v6;
	v7 =	vmul.f32 v7, v2;
	v5 =	vld [tilespmem:s29+$0x180];
	(pc) =	sbr.rel @p0 .LBB2_4-.Ltmp0, $4  }
0xb9: {  	v19 =	vor.u32 v0, v13;
	v11 =	vor.u32 v0, v12;
	[tilespmem:s29+$0x120] =	vst v9;
	v12 =	vmul.f32 v4, v2;
	v6 =	vld [tilespmem:s29+$0x190]  }
0xba: {  	v13 =	vor.u32 v0, v14;
	v4 =	vbroadcast v10, $0x0;
	[tilespmem:s29+$0x130] =	vst v7;
	v10 =	vmul.f32 v8, v2;
	v7 =	vld [tilespmem:s29+$0x1A0]  }
0xbb: {  	v15 =	vor.u32 v0, v15;
	v9 =	vbroadcast v11, $0x0;
	[tilespmem:s29+$0x140] =	vst v12;
	v12 =	vmul.f32 v18, v2;
	v8 =	vld [tilespmem:s29+$0x1B0]  }
0xbc: {  	s31 =	sadd.s32 $0x7, s30;
	s30 =	sadd.s32 $0x8, s30;
	v14 =	vor.u32 v0, v16;
	v11 =	vbroadcast v19, $0x0;
	[tilespmem:s29+$0x150] =	vst v10;
	v16 =	vmul.f32 v17, v2;
	v10 =	vld [tilespmem:s29+$0x1C0]  }
0xbd: {  	_ =	sdelay $0x1  }
0xbe: {  	v17 =	vld [tilespmem:s29+$0x1D0]  }
0xbf: {  	v18 =	vld [tilespmem:s29+$0x1E0]  }
0xc0: {  	v2 =	vbroadcast v13, $0x0;
	v13 =	vmov s31;
	v19 =	vld.idx.msk [tilespmem:v4+s16+$0x0], $0xffff  }
0xc1: {  	v9 =	vld.idx.msk [tilespmem:v9+s16+$0x0], $0xffff;
	v13 =	vand.u32 $0x7F, v13  }
0xc2: {  	s30 =	sadd.s32 $0x400, s29;
	v11 =	vld.idx.msk [tilespmem:v11+s16+$0x0], $0xffff;
	v0 =	vor.u32 v0, v13  }
0xc3: {  	[tilespmem:s29+$0x160] =	vst v12;
	v5 =	vmul.f32 v5, v1;
	v12 =	vld [tilespmem:s30+$0xFFFFFE20];
	v0 =	vbroadcast v0, $0x0  }
0xc4: {  	v15 =	vbroadcast v15, $0x0;
	v6 =	vmul.f32 v6, v1;
	v13 =	vld.idx.msk [tilespmem:v3+s16+$0x0], $0xffff  }
0xc5: {  	v14 =	vbroadcast v14, $0x0;
	[tilespmem:s29+$0x180] =	vst v5;
	v5 =	vmul.f32 v7, v1;
	v7 =	vld [tilespmem:s30+$0x1F0]  }
0xc6: {  	[tilespmem:s29+$0x190] =	vst v6;
	v6 =	vmul.f32 v8, v1;
	v8 =	vld [tilespmem:s30+$0xFFFFFE00]  }
0xc7: {  	[tilespmem:s29+$0x1A0] =	vst v5;
	v5 =	vmul.f32 v10, v1;
	v10 =	vld [tilespmem:s30+$0xFFFFFE10]  }
0xc8: {  	v4 =	vld.idx.msk [tilespmem:v2+s16+$0x0], $0xffff  }
0xc9: {  	v0 =	vld.idx.msk [tilespmem:v0+s16+$0x0], $0xffff  }
0xca: {  	[tilespmem:s29+$0x1B0] =	vst v6;
	v6 =	vmul.f32 v17, v1;
	v3 =	vld.idx.msk [tilespmem:v15+s16+$0x0], $0xffff  }
0xcb: {  	v1 =	vmul.f32 v18, v1;
	v2 =	vld.idx.msk [tilespmem:v14+s16+$0x0], $0xffff;
	[tilespmem:s29+$0x1C0] =	vst v5  }
0xcc: {  	v5 =	vld [tilespmem:s30+$0xFFFFFE30];
	[tilespmem:s29+$0x1D0] =	vst v6  }
0xcd: {  	v6 =	vld [tilespmem:s30+$0xFFFFFE40];
	[tilespmem:s29+$0x1E0] =	vst v1;
	v1 =	vmul.f32 v8, v13  }
0xce: {  	[tilespmem:s29+$0x170] =	vst v16;
	v8 =	vld [tilespmem:s30+$0xFFFFFE50];
	v7 =	vmul.f32 v7, v0  }
0xcf: {  	v14 =	vld [tilespmem:s30+$0xFFFFFE60];
	v10 =	vmul.f32 v10, v13;
	[tilespmem:s30+$0xFFFFFE00] =	vst v1  }
0xd0: {  	v1 =	vmul.f32 v12, v13;
	[tilespmem:s30+$0x1F0] =	vst v7;
	v7 =	vld [tilespmem:s30+$0xFFFFFE70]  }
0xd1: {  	[tilespmem:s30+$0xFFFFFE10] =	vst v10;
	v5 =	vmul.f32 v5, v13;
	v10 =	vld [tilespmem:s30+$0xFFFFFE80]  }
0xd2: {  	[tilespmem:s30+$0xFFFFFE20] =	vst v1;
	v1 =	vmul.f32 v6, v13;
	v6 =	vld [tilespmem:s30+$0xFFFFFE90]  }
0xd3: {  	[tilespmem:s30+$0xFFFFFE30] =	vst v5;
	v5 =	vmul.f32 v8, v13;
	v8 =	vld [tilespmem:s30+$0xFFFFFEA0]  }
0xd4: {  	v12 =	vld [tilespmem:s30+$0xFFFFFEB0];
	[tilespmem:s30+$0xFFFFFE40] =	vst v1;
	v1 =	vmul.f32 v14, v13  }
0xd5: {  	[tilespmem:s30+$0xFFFFFE50] =	vst v5;
	v5 =	vmul.f32 v7, v13;
	v7 =	vld [tilespmem:s30+$0xFFFFFEC0]  }
0xd6: {  	[tilespmem:s30+$0xFFFFFE60] =	vst v1;
	v1 =	vmul.f32 v10, v19;
	v10 =	vld [tilespmem:s30+$0xFFFFFED0]  }
0xd7: {  	[tilespmem:s30+$0xFFFFFE70] =	vst v5;
	v5 =	vmul.f32 v6, v19;
	v6 =	vld [tilespmem:s30+$0xFFFFFEE0]  }
0xd8: {  	[tilespmem:s30+$0xFFFFFE80] =	vst v1;
	v1 =	vmul.f32 v8, v19;
	v8 =	vld [tilespmem:s30+$0xFFFFFEF0]  }
0xd9: {  	[tilespmem:s30+$0xFFFFFE90] =	vst v5;
	v5 =	vmul.f32 v12, v19;
	v12 =	vld [tilespmem:s30+$0xFFFFFF00]  }
0xda: {  	[tilespmem:s30+$0xFFFFFEA0] =	vst v1;
	v1 =	vmul.f32 v7, v19;
	v7 =	vld [tilespmem:s30+$0xFFFFFF10]  }
0xdb: {  	[tilespmem:s30+$0xFFFFFEB0] =	vst v5;
	v5 =	vmul.f32 v10, v19;
	v10 =	vld [tilespmem:s30+$0xFFFFFF20]  }
0xdc: {  	[tilespmem:s30+$0xFFFFFEC0] =	vst v1;
	v1 =	vmul.f32 v6, v19;
	v6 =	vld [tilespmem:s30+$0xFFFFFF30]  }
0xdd: {  	[tilespmem:s30+$0xFFFFFED0] =	vst v5;
	v5 =	vmul.f32 v8, v19;
	v8 =	vld [tilespmem:s30+$0xFFFFFF40]  }
0xde: {  	[tilespmem:s30+$0xFFFFFEE0] =	vst v1;
	v1 =	vmul.f32 v12, v9;
	v12 =	vld [tilespmem:s30+$0xFFFFFF50]  }
0xdf: {  	[tilespmem:s30+$0xFFFFFEF0] =	vst v5;
	v5 =	vmul.f32 v7, v9;
	v7 =	vld [tilespmem:s30+$0xFFFFFF60]  }
0xe0: {  	[tilespmem:s30+$0xFFFFFF00] =	vst v1;
	v1 =	vmul.f32 v10, v9;
	v10 =	vld [tilespmem:s30+$0xFFFFFF70]  }
0xe1: {  	[tilespmem:s30+$0xFFFFFF10] =	vst v5;
	v5 =	vmul.f32 v6, v9;
	v6 =	vld [tilespmem:s30+$0xFFFFFF80]  }
0xe2: {  	[tilespmem:s30+$0xFFFFFF20] =	vst v1;
	v1 =	vmul.f32 v8, v9;
	v8 =	vld [tilespmem:s30+$0xFFFFFF90]  }
0xe3: {  	[tilespmem:s30+$0xFFFFFF30] =	vst v5;
	v5 =	vmul.f32 v12, v9;
	v12 =	vld [tilespmem:s30+$0xFFFFFFA0]  }
0xe4: {  	[tilespmem:s30+$0xFFFFFF40] =	vst v1;
	v1 =	vmul.f32 v7, v9;
	v7 =	vld [tilespmem:s30+$0xFFFFFFB0]  }
0xe5: {  	[tilespmem:s30+$0xFFFFFF50] =	vst v5;
	v5 =	vmul.f32 v10, v9;
	v9 =	vld [tilespmem:s30+$0xFFFFFFC0]  }
0xe6: {  	[tilespmem:s30+$0xFFFFFF60] =	vst v1;
	v1 =	vmul.f32 v6, v11;
	v6 =	vld [tilespmem:s30+$0xFFFFFFD0]  }
0xe7: {  	[tilespmem:s30+$0xFFFFFF70] =	vst v5;
	v5 =	vmul.f32 v8, v11;
	v8 =	vld [tilespmem:s30+$0xFFFFFFE0]  }
0xe8: {  	v10 =	vld [tilespmem:s30+$0xFFFFFFF0];
	[tilespmem:s30+$0xFFFFFF80] =	vst v1;
	v1 =	vmul.f32 v12, v11  }
0xe9: {  	[tilespmem:s30+$0xFFFFFF90] =	vst v5;
	v5 =	vmul.f32 v7, v11;
	v7 =	vld [tilespmem:s30+$0x0]  }
0xea: {  	[tilespmem:s30+$0xFFFFFFA0] =	vst v1;
	v1 =	vmul.f32 v9, v11;
	v9 =	vld [tilespmem:s30+$0x10]  }
0xeb: {  	[tilespmem:s30+$0xFFFFFFB0] =	vst v5;
	v5 =	vmul.f32 v6, v11;
	v6 =	vld [tilespmem:s30+$0x20]  }
0xec: {  	[tilespmem:s30+$0xFFFFFFC0] =	vst v1;
	v1 =	vmul.f32 v8, v11;
	v8 =	vld [tilespmem:s30+$0x30]  }
0xed: {  	[tilespmem:s30+$0xFFFFFFD0] =	vst v5;
	v5 =	vmul.f32 v10, v11;
	v10 =	vld [tilespmem:s30+$0x40]  }
0xee: {  	[tilespmem:s30+$0xFFFFFFE0] =	vst v1;
	v1 =	vmul.f32 v7, v4;
	v7 =	vld [tilespmem:s30+$0x50]  }
0xef: {  	[tilespmem:s30+$0xFFFFFFF0] =	vst v5;
	v5 =	vmul.f32 v9, v4;
	v9 =	vld [tilespmem:s30+$0x60]  }
0xf0: {  	[tilespmem:s30+$0x0] =	vst v1;
	v1 =	vmul.f32 v6, v4;
	v6 =	vld [tilespmem:s30+$0x70]  }
0xf1: {  	[tilespmem:s30+$0x10] =	vst v5;
	v5 =	vmul.f32 v8, v4;
	v8 =	vld [tilespmem:s30+$0x80]  }
0xf2: {  	[tilespmem:s30+$0x20] =	vst v1;
	v1 =	vmul.f32 v10, v4;
	v10 =	vld [tilespmem:s30+$0x90]  }
0xf3: {  	[tilespmem:s30+$0x30] =	vst v5;
	v5 =	vmul.f32 v7, v4;
	v7 =	vld [tilespmem:s30+$0xA0]  }
0xf4: {  	[tilespmem:s30+$0x40] =	vst v1;
	v1 =	vmul.f32 v9, v4;
	v9 =	vld [tilespmem:s30+$0xB0]  }
0xf5: {  	[tilespmem:s30+$0x50] =	vst v5;
	v4 =	vmul.f32 v6, v4;
	v5 =	vld [tilespmem:s30+$0xC0]  }
0xf6: {  	v6 =	vld [tilespmem:s30+$0xD0];
	[tilespmem:s30+$0x60] =	vst v1;
	v1 =	vmul.f32 v8, v3  }
0xf7: {  	v8 =	vld [tilespmem:s30+$0xE0];
	[tilespmem:s30+$0x70] =	vst v4;
	v4 =	vmul.f32 v10, v3  }
0xf8: {  	[tilespmem:s30+$0x80] =	vst v1;
	v1 =	vmul.f32 v7, v3;
	v7 =	vld [tilespmem:s30+$0xF0]  }
0xf9: {  	[tilespmem:s30+$0x90] =	vst v4;
	v4 =	vmul.f32 v9, v3;
	v9 =	vld [tilespmem:s30+$0x100]  }
0xfa: {  	[tilespmem:s30+$0xA0] =	vst v1;
	v1 =	vmul.f32 v5, v3;
	v5 =	vld [tilespmem:s30+$0x110]  }
0xfb: {  	[tilespmem:s30+$0xB0] =	vst v4;
	v4 =	vmul.f32 v6, v3;
	v6 =	vld [tilespmem:s30+$0x120]  }
0xfc: {  	[tilespmem:s30+$0xC0] =	vst v1;
	v1 =	vmul.f32 v8, v3;
	v8 =	vld [tilespmem:s30+$0x130]  }
0xfd: {  	[tilespmem:s30+$0xD0] =	vst v4;
	v3 =	vmul.f32 v7, v3;
	v4 =	vld [tilespmem:s30+$0x140]  }
0xfe: {  	v7 =	vld [tilespmem:s30+$0x150];
	[tilespmem:s30+$0xE0] =	vst v1;
	v1 =	vmul.f32 v9, v2  }
0xff: {  	[tilespmem:s30+$0xF0] =	vst v3;
	v3 =	vmul.f32 v5, v2;
	v5 =	vld [tilespmem:s30+$0x160]  }
0x100: {  	[tilespmem:s30+$0x100] =	vst v1;
	v1 =	vmul.f32 v6, v2;
	v6 =	vld [tilespmem:s30+$0x170]  }
0x101: {  	[tilespmem:s30+$0x110] =	vst v3;
	v3 =	vmul.f32 v8, v2;
	v8 =	vld [tilespmem:s30+$0x180]  }
0x102: {  	[tilespmem:s30+$0x120] =	vst v1;
	v1 =	vmul.f32 v4, v2;
	v4 =	vld [tilespmem:s30+$0x190]  }
0x103: {  	[tilespmem:s30+$0x130] =	vst v3;
	v3 =	vmul.f32 v7, v2;
	v7 =	vld [tilespmem:s30+$0x1A0]  }
0x104: {  	[tilespmem:s30+$0x140] =	vst v1;
	v1 =	vmul.f32 v5, v2;
	v5 =	vld [tilespmem:s30+$0x1B0]  }
0x105: {  	[tilespmem:s30+$0x150] =	vst v3;
	v2 =	vmul.f32 v6, v2;
	v3 =	vld [tilespmem:s30+$0x1C0]  }
0x106: {  	v6 =	vld [tilespmem:s30+$0x1D0];
	[tilespmem:s30+$0x160] =	vst v1;
	v1 =	vmul.f32 v8, v0  }
0x107: {  	[tilespmem:s30+$0x170] =	vst v2;
	v2 =	vmul.f32 v4, v0;
	v4 =	vld [tilespmem:s30+$0x1E0]  }
0x108: {  	[tilespmem:s30+$0x180] =	vst v1;
	v1 =	vmul.f32 v7, v0  }
0x109: {  	[tilespmem:s30+$0x190] =	vst v2;
	v2 =	vmul.f32 v5, v0  }
0x10a: {  	[tilespmem:s30+$0x1A0] =	vst v1;
	v1 =	vmul.f32 v3, v0  }
0x10b: {  	[tilespmem:s30+$0x1B0] =	vst v2;
	v2 =	vmul.f32 v6, v0  }
0x10c: {  	[tilespmem:s30+$0x1C0] =	vst v1;
	v0 =	vmul.f32 v4, v0  }
0x10d: {  	s0 =	sand.u32 $0x3FFFFF00, s28;
	[tilespmem:s30+$0x1D0] =	vst v2  }
0x10e: {  	s28 =	sadd.s32 $0x1000, s0;
	[tilespmem:s30+$0x1E0] =	vst v0  }
0x10f: {  	[spmem:s3] =	stream.indirect.scatter.add.f32 [tilespmem:s18], [sflag:$0x3], $0x80, s28, s17, $0xb8;
	[tilespmem:$0x1F000] =	vst v63  }
0x110: {  	_ =	swait.ge [sflag:s14], $0x4000  }
0x111: {  	[sflag:s14] =	ssyncset.done $0x0  }
0x112: {  	s0 =	sadd.s32 $0x100, s0;
	s28 =	simm.s32 $0x0;
	[sflag:s14] =	ssyncadd.s32 $0xFFFFC000  }
0x113: {  	[tilespmem:s18], [sflag:$0x1] =	stream.indirect.gather [hbm4b:s5+s17], $0x80, s0, s17, $0xb8;
	[tilespmem:$0x1F000] =	vst v63  }
0x114: {  	v1 =	vmov s28;
	s28 =	simm.s32 $0x1;
	_ =	swait.ge [sflag:s21], $0x4000  }
0x115: {  	v2 =	vmov s28;
	s28 =	simm.s32 $0x7;
	[sflag:s21] =	ssyncset.done $0x0  }
0x116: {  	v3 =	vmov s28;
	s28 =	simm.s32 $0x7200;
	[sflag:s21] =	ssyncadd.s32 $0xFFFFC000  }
0x117: {  	v0 =	vmov s26;
	v1 =	vand.u32 $0x78, v1;
	v5 =	vld [tilespmem:s28+$0xFFFFFE10]  }
0x118: {  	v1 =	vor.u32 v0, v1;
	v3 =	vand.u32 $0x7F, v3;
	v6 =	vld [tilespmem:s28+$0xFFFFFE20]  }
0x119: {  	v1 =	vbroadcast v1, $0x0;
	v3 =	vor.u32 v0, v3;
	v7 =	vld [tilespmem:s28+$0xFFFFFE30]  }
0x11a: {  	v3 =	vbroadcast v3, $0x0;
	v8 =	vld [tilespmem:s28+$0xFFFFFE40]  }
0x11b: {  	v9 =	vld [tilespmem:s28+$0xFFFFFE50]  }
0x11c: {  	v10 =	vld [tilespmem:s28+$0xFFFFFE60]  }
0x11d: {  	v2 =	vand.u32 $0x79, v2;
	v12 =	vld [tilespmem:s28+$0x1F0]  }
0x11e: {  	v2 =	vor.u32 v0, v2;
	v13 =	vld [tilespmem:s28+$0xFFFFFE80]  }
0x11f: {  	v2 =	vbroadcast v2, $0x0;
	v4 =	vld.idx.msk [tilespmem:v1+s16+$0x0], $0xffff  }
0x120: {  	v1 =	vld.idx.msk [tilespmem:v3+s16+$0x0], $0xffff  }
0x121: {  	v3 =	vld [tilespmem:s28+$0xFFFFFE00]  }
0x122: {  	v14 =	vld [tilespmem:s28+$0xFFFFFE90]  }
0x123: {  	v15 =	vld [tilespmem:s28+$0xFFFFFEA0]  }
0x124: {  	v16 =	vld [tilespmem:s28+$0xFFFFFEB0];
	v5 =	vmul.f32 v5, v4  }
0x125: {  	v2 =	vld.idx.msk [tilespmem:v2+s16+$0x0], $0xffff;
	v6 =	vmul.f32 v6, v4  }
0x126: {  	s31 =	simm.s32 $0x2;
	v17 =	vld [tilespmem:s28+$0xFFFFFEC0];
	v3 =	vmul.f32 v3, v4;
	[tilespmem:s28+$0xFFFFFE10] =	vst v5  }
0x127: {  	v11 =	vmov s31;
	v7 =	vmul.f32 v7, v4;
	v5 =	vld [tilespmem:s28+$0xFFFFFEE0];
	[tilespmem:s28+$0xFFFFFE20] =	vst v6  }
0x128: {  	v12 =	vmul.f32 v12, v1;
	v6 =	vmul.f32 v8, v4;
	v8 =	vld [tilespmem:s28+$0xFFFFFEF0];
	[tilespmem:s28+$0xFFFFFE00] =	vst v3;
	v3 =	vand.u32 $0x7A, v11  }
0x129: {  	[tilespmem:s28+$0xFFFFFE30] =	vst v7;
	v7 =	vmul.f32 v9, v4;
	v11 =	vld [tilespmem:s28+$0xFFFFFE70];
	v3 =	vor.u32 v0, v3  }
0x12a: {  	v9 =	vld [tilespmem:s28+$0xFFFFFF00];
	[tilespmem:s28+$0x1F0] =	vst v12;
	v12 =	vmul.f32 v13, v2;
	v3 =	vbroadcast v3, $0x0  }
0x12b: {  	s31 =	simm.s32 $0x3;
	v13 =	vld [tilespmem:s28+$0xFFFFFED0];
	[tilespmem:s28+$0xFFFFFE40] =	vst v6  }
0x12c: {  	v6 =	vmul.f32 v10, v4;
	v10 =	vld [tilespmem:s28+$0xFFFFFF10];
	[tilespmem:s28+$0xFFFFFE80] =	vst v12;
	v12 =	vmov s31  }
0x12d: {  	v17 =	vmul.f32 v17, v2;
	[tilespmem:s28+$0xFFFFFE50] =	vst v7;
	v7 =	vld [tilespmem:s28+$0xFFFFFF20];
	v12 =	vand.u32 $0x7B, v12  }
0x12e: {  	[tilespmem:s28+$0xFFFFFE60] =	vst v6;
	v6 =	vmul.f32 v14, v2;
	v14 =	vld [tilespmem:s28+$0xFFFFFF40];
	v12 =	vor.u32 v0, v12;
	v4 =	vmul.f32 v11, v4  }
0x12f: {  	v5 =	vmul.f32 v5, v2;
	v12 =	vbroadcast v12, $0x0;
	v11 =	vld [tilespmem:s28+$0xFFFFFF30]  }
0x130: {  	v13 =	vmul.f32 v13, v2;
	[tilespmem:s28+$0xFFFFFE70] =	vst v4;
	v4 =	vmul.f32 v15, v2;
	v3 =	vld.idx.msk [tilespmem:v3+s16+$0x0], $0xffff  }
0x131: {  	[tilespmem:s28+$0xFFFFFE90] =	vst v6;
	v15 =	vmul.f32 v16, v2;
	v2 =	vmul.f32 v8, v2;
	v8 =	vld [tilespmem:s28+$0xFFFFFF90]  }
0x132: {  	[tilespmem:s28+$0xFFFFFED0] =	vst v13;
	v13 =	vld [tilespmem:s28+$0xFFFFFFD0]  }
0x133: {  	[tilespmem:s28+$0xFFFFFEA0] =	vst v4;
	v4 =	vld [tilespmem:s28+$0xFFFFFF60]  }
0x134: {  	[tilespmem:s28+$0xFFFFFEB0] =	vst v15;
	v15 =	vld [tilespmem:s28+$0xFFFFFF70]  }
0x135: {  	[tilespmem:s28+$0xFFFFFEE0] =	vst v5;
	v12 =	vld.idx.msk [tilespmem:v12+s16+$0x0], $0xffff;
	v6 =	vmul.f32 v9, v3  }
0x136: {  	s31 =	simm.s32 $0x4;
	[tilespmem:s28+$0xFFFFFEF0] =	vst v2;
	v9 =	vld [tilespmem:s28+$0xFFFFFF50];
	v5 =	vmul.f32 v10, v3  }
0x137: {  	v16 =	vmov s31;
	v10 =	vld [tilespmem:s28+$0xFFFFFFA0];
	v2 =	vmul.f32 v7, v3;
	[tilespmem:s28+$0xFFFFFF00] =	vst v6  }
0x138: {  	v14 =	vmul.f32 v14, v3;
	v6 =	vand.u32 $0x7C, v16;
	v16 =	vld [tilespmem:s28+$0xFFFFFF80];
	[tilespmem:s28+$0xFFFFFF10] =	vst v5  }
0x139: {  	v7 =	vld [tilespmem:s28+$0xFFFFFFB0];
	v4 =	vmul.f32 v4, v3;
	[tilespmem:s28+$0xFFFFFF20] =	vst v2;
	v6 =	vor.u32 v0, v6  }
0x13a: {  	v5 =	vmul.f32 v11, v3;
	v11 =	vld [tilespmem:s28+$0xFFFFFFC0];
	[tilespmem:s28+$0xFFFFFF40] =	vst v14;
	v6 =	vbroadcast v6, $0x0  }
0x13b: {  	v14 =	vld [tilespmem:s28+$0xFFFFFFF0];
	[tilespmem:s28+$0xFFFFFF60] =	vst v4;
	v4 =	vmul.f32 v8, v12  }
0x13c: {  	v8 =	vld [tilespmem:s28+$0x10];
	[tilespmem:s28+$0xFFFFFF30] =	vst v5;
	v9 =	vmul.f32 v9, v3  }
0x13d: {  	s31 =	simm.s32 $0x5;
	v5 =	vld [tilespmem:s28+$0xFFFFFFE0];
	[tilespmem:s28+$0xFFFFFF90] =	vst v4;
	v2 =	vmul.f32 v16, v12  }
0x13e: {  	v3 =	vmul.f32 v15, v3;
	v4 =	vmul.f32 v7, v12;
	v7 =	vld [tilespmem:s28+$0x30];
	v16 =	vmov s31;
	[tilespmem:s28+$0xFFFFFF50] =	vst v9  }
0x13f: {  	v13 =	vmul.f32 v13, v12;
	v9 =	vld [tilespmem:s28+$0x0];
	[tilespmem:s28+$0xFFFFFF80] =	vst v2;
	v2 =	vand.u32 $0x7D, v16  }
0x140: {  	[tilespmem:s28+$0xFFFFFF70] =	vst v3;
	v3 =	vmul.f32 v10, v12;
	v6 =	vld.idx.msk [tilespmem:v6+s16+$0x0], $0xffff;
	v2 =	vor.u32 v0, v2  }
0x141: {  	[tilespmem:s28+$0xFFFFFFD0] =	vst v13;
	v13 =	vld [tilespmem:s28+$0x70];
	v2 =	vbroadcast v2, $0x0  }
0x142: {  	v10 =	vld [tilespmem:s28+$0x20];
	[tilespmem:s28+$0xFFFFFFA0] =	vst v3;
	v3 =	vmul.f32 v11, v12  }
0x143: {  	[tilespmem:s28+$0xFFFFFFB0] =	vst v4;
	v11 =	vld [tilespmem:s28+$0x40];
	v5 =	vmul.f32 v5, v12;
	v12 =	vmul.f32 v14, v12  }
0x144: {  	[tilespmem:s28+$0xFFFFFFC0] =	vst v3;
	v3 =	vld [tilespmem:s28+$0x60]  }
0x145: {  	s31 =	simm.s32 $0x6;
	[tilespmem:s28+$0xFFFFFFF0] =	vst v12;
	v12 =	vld [tilespmem:s28+$0x90];
	v4 =	vmul.f32 v9, v6  }
0x146: {  	v15 =	vmov s31;
	[tilespmem:s28+$0xFFFFFFE0] =	vst v5;
	v9 =	vld [tilespmem:s28+$0x50];
	v5 =	vmul.f32 v8, v6  }
0x147: {  	v10 =	vmul.f32 v10, v6;
	v2 =	vld.idx.msk [tilespmem:v2+s16+$0x0], $0xffff;
	[tilespmem:s28+$0x0] =	vst v4;
	v4 =	vand.u32 $0x7E, v15  }
0x148: {  	v8 =	vld [tilespmem:s28+$0x80];
	[tilespmem:s28+$0x10] =	vst v5;
	v5 =	vmul.f32 v7, v6;
	v4 =	vor.u32 v0, v4  }
0x149: {  	[tilespmem:s28+$0x20] =	vst v10;
	v10 =	vmul.f32 v11, v6;
	v11 =	vld [tilespmem:s28+$0xB0];
	v4 =	vbroadcast v4, $0x0  }
0x14a: {  	v3 =	vmul.f32 v3, v6;
	v7 =	vld [tilespmem:s28+$0xA0];
	[tilespmem:s28+$0x30] =	vst v5  }
0x14b: {  	[tilespmem:s28+$0x40] =	vst v10;
	v10 =	vld [tilespmem:s28+$0xD0];
	v5 =	vmul.f32 v9, v6  }
0x14c: {  	[tilespmem:s28+$0x60] =	vst v3;
	v9 =	vld [tilespmem:s28+$0xC0];
	v3 =	vmul.f32 v12, v2  }
0x14d: {  	[tilespmem:s28+$0x50] =	vst v5;
	v5 =	vld [tilespmem:s28+$0xE0]  }
0x14e: {  	v8 =	vmul.f32 v8, v2;
	[tilespmem:s28+$0x90] =	vst v3;
	v3 =	vmul.f32 v11, v2;
	v11 =	vld [tilespmem:s28+$0x110]  }
0x14f: {  	[tilespmem:s28+$0xFFFFFEC0] =	vst v17;
	v16 =	vld.idx.msk [tilespmem:v4+s16+$0x0], $0xffff;
	v4 =	vmul.f32 v13, v6  }
0x150: {  	s31 =	simm.s32 $0x8;
	[tilespmem:s28+$0x80] =	vst v8;
	v6 =	vld [tilespmem:s28+$0xF0]  }
0x151: {  	s29 =	simm.s32 $0xB;
	v8 =	vmov s31;
	s31 =	simm.s32 $0x9;
	[tilespmem:s28+$0x70] =	vst v4;
	v4 =	vmul.f32 v7, v2;
	v7 =	vld [tilespmem:s28+$0x100]  }
0x152: {  	v14 =	vmov s29;
	s29 =	simm.s32 $0xD;
	v12 =	vmov s31;
	s31 =	simm.s32 $0xA;
	[tilespmem:s28+$0xB0] =	vst v3;
	v3 =	vmul.f32 v10, v2  }
0x153: {  	v17 =	vmov s29;
	v13 =	vmov s31;
	s31 =	simm.s32 $0xC;
	[tilespmem:s28+$0xA0] =	vst v4;
	v4 =	vmul.f32 v9, v2;
	v9 =	vld [tilespmem:s28+$0x120]  }
0x154: {  	v8 =	vand.u32 $0x78, v8;
	v10 =	vld [tilespmem:s28+$0x130];
	v15 =	vmov s31;
	[tilespmem:s28+$0xD0] =	vst v3;
	v11 =	vmul.f32 v11, v16  }
0x155: {  	v18 =	vld [tilespmem:s28+$0x140];
	s31 =	simm.s32 $0xE;
	[tilespmem:s28+$0xC0] =	vst v4;
	v4 =	vmul.f32 v5, v2;
	v5 =	vor.u32 v0, v8;
	v2 =	vmul.f32 v6, v2  }
0x156: {  	v6 =	vmov s31;
	v8 =	vand.u32 $0x79, v12;
	v3 =	vmul.f32 v7, v16;
	v7 =	vld [tilespmem:s28+$0x150];
	[tilespmem:s28+$0x110] =	vst v11  }
0x157: {  	v19 =	vld [tilespmem:s28+$0x160];
	v12 =	vand.u32 $0x7A, v13;
	v13 =	vand.u32 $0x7C, v15;
	[tilespmem:s28+$0xE0] =	vst v4;
	v4 =	vand.u32 $0x7B, v14  }
0x158: {  	[tilespmem:s28+$0xF0] =	vst v2;
	v2 =	vand.u32 $0x7D, v17;
	v14 =	vand.u32 $0x7E, v6;
	v17 =	vld [tilespmem:s28+$0x170];
	v6 =	vmul.f32 v9, v16  }
0x159: {  	v8 =	vor.u32 v0, v8;
	[tilespmem:s28+$0x100] =	vst v3;
	v3 =	vbroadcast v5, $0x0;
	v9 =	vmul.f32 v10, v16;
	v5 =	vld [tilespmem:s28+$0x180]  }
0x15a: {  	v13 =	vor.u32 v0, v13;
	v10 =	vor.u32 v0, v12;
	v12 =	vmul.f32 v18, v16;
	[tilespmem:s28+$0x120] =	vst v6;
	v6 =	vld [tilespmem:s28+$0x190]  }
0x15b: {  	v11 =	vor.u32 v0, v4;
	v4 =	vbroadcast v8, $0x0;
	[tilespmem:s28+$0x130] =	vst v9;
	v18 =	vmul.f32 v7, v16;
	v7 =	vld [tilespmem:s28+$0x1A0]  }
0x15c: {  	v15 =	vor.u32 v0, v2;
	v8 =	vld [tilespmem:s28+$0x1B0];
	v9 =	vbroadcast v10, $0x0;
	[tilespmem:s28+$0x140] =	vst v12;
	v12 =	vmul.f32 v19, v16  }
0x15d: {  	s30 =	simm.s32 $0xF;
	s29 =	simm.s32 $0x10;
	v14 =	vor.u32 v0, v14;
	v11 =	vbroadcast v11, $0x0;
	v10 =	vld [tilespmem:s28+$0x1C0];
	v16 =	vmul.f32 v17, v16;
	[tilespmem:s28+$0x150] =	vst v18  }
.LBB2_6:
0x15e: {  	p0 =	slt.u32 s29, $0x78;
	v2 =	vbroadcast v13, $0x0;
	v13 =	vmov s30;
	[tilespmem:s28+$0x160] =	vst v12;
	v5 =	vmul.f32 v5, v1;
	v12 =	vld [tilespmem:s28+$0x1D0]  }
0x15f: {  	v15 =	vbroadcast v15, $0x0;
	v13 =	vand.u32 $0x7F, v13;
	[tilespmem:s28+$0x170] =	vst v16;
	v6 =	vmul.f32 v6, v1;
	v16 =	vld [tilespmem:s28+$0x1E0]  }
0x160: {  	v14 =	vbroadcast v14, $0x0;
	v17 =	vld.idx.msk [tilespmem:v3+s16+$0x0], $0xffff;
	v3 =	vor.u32 v0, v13;
	[tilespmem:s28+$0x180] =	vst v5;
	v5 =	vmul.f32 v7, v1  }
0x161: {  	v7 =	vld.idx.msk [tilespmem:v4+s16+$0x0], $0xffff;
	v13 =	vbroadcast v3, $0x0;
	[tilespmem:s28+$0x190] =	vst v6;
	v3 =	vmul.f32 v8, v1  }
0x162: {  	v6 =	vld.idx.msk [tilespmem:v9+s16+$0x0], $0xffff;
	[tilespmem:s28+$0x1A0] =	vst v5;
	v8 =	vmul.f32 v10, v1  }
0x163: {  	v5 =	vld.idx.msk [tilespmem:v11+s16+$0x0], $0xffff;
	[tilespmem:s28+$0x1B0] =	vst v3;
	v9 =	vmul.f32 v12, v1  }
0x164: {  	v4 =	vld.idx.msk [tilespmem:v2+s16+$0x0], $0xffff;
	[tilespmem:s28+$0x1C0] =	vst v8;
	v1 =	vmul.f32 v16, v1  }
0x165: {  	v3 =	vld.idx.msk [tilespmem:v15+s16+$0x0], $0xffff;
	[tilespmem:s28+$0x1D0] =	vst v9  }
0x166: {  	v2 =	vld.idx.msk [tilespmem:v14+s16+$0x0], $0xffff;
	[tilespmem:s28+$0x1E0] =	vst v1  }
0x167: {  	s28 =	sadd.s32 $0x400, s28;
	v1 =	vld.idx.msk [tilespmem:v13+s16+$0x0], $0xffff  }
0x168: {  	v8 =	vld [tilespmem:s28+$0x1F0]  }
0x169: {  	v9 =	vld [tilespmem:s28+$0xFFFFFE00]  }
0x16a: {  	v10 =	vld [tilespmem:s28+$0xFFFFFE10]  }
0x16b: {  	v11 =	vld [tilespmem:s28+$0xFFFFFE20]  }
0x16c: {  	v12 =	vld [tilespmem:s28+$0xFFFFFE30]  }
0x16d: {  	v13 =	vld [tilespmem:s28+$0xFFFFFE40];
	v8 =	vmul.f32 v8, v1  }
0x16e: {  	v9 =	vmul.f32 v9, v17;
	v14 =	vld [tilespmem:s28+$0xFFFFFE50]  }
0x16f: {  	v10 =	vmul.f32 v10, v17;
	v15 =	vld [tilespmem:s28+$0xFFFFFE60];
	[tilespmem:s28+$0x1F0] =	vst v8  }
0x170: {  	[tilespmem:s28+$0xFFFFFE00] =	vst v9;
	v8 =	vmul.f32 v11, v17;
	v9 =	vld [tilespmem:s28+$0xFFFFFE70]  }
0x171: {  	[tilespmem:s28+$0xFFFFFE10] =	vst v10;
	v10 =	vmul.f32 v12, v17;
	v11 =	vld [tilespmem:s28+$0xFFFFFE80]  }
0x172: {  	[tilespmem:s28+$0xFFFFFE20] =	vst v8;
	v8 =	vmul.f32 v13, v17;
	v12 =	vld [tilespmem:s28+$0xFFFFFE90]  }
0x173: {  	[tilespmem:s28+$0xFFFFFE30] =	vst v10;
	v10 =	vmul.f32 v14, v17;
	v13 =	vld [tilespmem:s28+$0xFFFFFEA0]  }
0x174: {  	[tilespmem:s28+$0xFFFFFE40] =	vst v8;
	v8 =	vmul.f32 v15, v17;
	v14 =	vld [tilespmem:s28+$0xFFFFFEB0]  }
0x175: {  	[tilespmem:s28+$0xFFFFFE50] =	vst v10;
	v9 =	vmul.f32 v9, v17;
	v10 =	vld [tilespmem:s28+$0xFFFFFEC0]  }
0x176: {  	[tilespmem:s28+$0xFFFFFE60] =	vst v8;
	v8 =	vmul.f32 v11, v7;
	v11 =	vld [tilespmem:s28+$0xFFFFFED0]  }
0x177: {  	[tilespmem:s28+$0xFFFFFE70] =	vst v9;
	v9 =	vmul.f32 v12, v7;
	v12 =	vld [tilespmem:s28+$0xFFFFFEE0]  }
0x178: {  	[tilespmem:s28+$0xFFFFFE80] =	vst v8;
	v8 =	vmul.f32 v13, v7;
	v13 =	vld [tilespmem:s28+$0xFFFFFEF0]  }
0x179: {  	[tilespmem:s28+$0xFFFFFE90] =	vst v9;
	v9 =	vmul.f32 v14, v7;
	v14 =	vld [tilespmem:s28+$0xFFFFFF00]  }
0x17a: {  	[tilespmem:s28+$0xFFFFFEA0] =	vst v8;
	v8 =	vmul.f32 v10, v7;
	v10 =	vld [tilespmem:s28+$0xFFFFFF10]  }
0x17b: {  	[tilespmem:s28+$0xFFFFFEB0] =	vst v9;
	v9 =	vmul.f32 v11, v7;
	v11 =	vld [tilespmem:s28+$0xFFFFFF20]  }
0x17c: {  	[tilespmem:s28+$0xFFFFFEC0] =	vst v8;
	v8 =	vmul.f32 v12, v7;
	v12 =	vld [tilespmem:s28+$0xFFFFFF30]  }
0x17d: {  	[tilespmem:s28+$0xFFFFFED0] =	vst v9;
	v7 =	vmul.f32 v13, v7;
	v9 =	vld [tilespmem:s28+$0xFFFFFF40]  }
0x17e: {  	[tilespmem:s28+$0xFFFFFEE0] =	vst v8;
	v8 =	vmul.f32 v14, v6;
	v13 =	vld [tilespmem:s28+$0xFFFFFF50]  }
0x17f: {  	[tilespmem:s28+$0xFFFFFEF0] =	vst v7;
	v7 =	vmul.f32 v10, v6;
	v10 =	vld [tilespmem:s28+$0xFFFFFF60]  }
0x180: {  	[tilespmem:s28+$0xFFFFFF00] =	vst v8;
	v8 =	vmul.f32 v11, v6;
	v11 =	vld [tilespmem:s28+$0xFFFFFF70]  }
0x181: {  	[tilespmem:s28+$0xFFFFFF10] =	vst v7;
	v7 =	vmul.f32 v12, v6;
	v12 =	vld [tilespmem:s28+$0xFFFFFF80]  }
0x182: {  	[tilespmem:s28+$0xFFFFFF20] =	vst v8;
	v8 =	vmul.f32 v9, v6;
	v9 =	vld [tilespmem:s28+$0xFFFFFF90]  }
0x183: {  	[tilespmem:s28+$0xFFFFFF30] =	vst v7;
	v7 =	vmul.f32 v13, v6;
	v13 =	vld [tilespmem:s28+$0xFFFFFFA0]  }
0x184: {  	[tilespmem:s28+$0xFFFFFF40] =	vst v8;
	v8 =	vmul.f32 v10, v6;
	v10 =	vld [tilespmem:s28+$0xFFFFFFB0]  }
0x185: {  	[tilespmem:s28+$0xFFFFFF50] =	vst v7;
	v6 =	vmul.f32 v11, v6;
	v7 =	vld [tilespmem:s28+$0xFFFFFFC0]  }
0x186: {  	[tilespmem:s28+$0xFFFFFF60] =	vst v8;
	v8 =	vmul.f32 v12, v5;
	v11 =	vld [tilespmem:s28+$0xFFFFFFD0]  }
0x187: {  	[tilespmem:s28+$0xFFFFFF70] =	vst v6;
	v6 =	vmul.f32 v9, v5;
	v9 =	vld [tilespmem:s28+$0xFFFFFFE0]  }
0x188: {  	[tilespmem:s28+$0xFFFFFF80] =	vst v8;
	v8 =	vmul.f32 v13, v5;
	v12 =	vld [tilespmem:s28+$0xFFFFFFF0]  }
0x189: {  	[tilespmem:s28+$0xFFFFFF90] =	vst v6;
	v6 =	vmul.f32 v10, v5;
	v10 =	vld [tilespmem:s28+$0x0]  }
0x18a: {  	[tilespmem:s28+$0xFFFFFFA0] =	vst v8;
	v7 =	vmul.f32 v7, v5;
	v8 =	vld [tilespmem:s28+$0x10]  }
0x18b: {  	[tilespmem:s28+$0xFFFFFFB0] =	vst v6;
	v6 =	vmul.f32 v11, v5;
	v11 =	vld [tilespmem:s28+$0x20]  }
0x18c: {  	[tilespmem:s28+$0xFFFFFFC0] =	vst v7;
	v7 =	vmul.f32 v9, v5;
	v9 =	vld [tilespmem:s28+$0x30]  }
0x18d: {  	[tilespmem:s28+$0xFFFFFFD0] =	vst v6;
	v5 =	vmul.f32 v12, v5;
	v6 =	vld [tilespmem:s28+$0x40]  }
0x18e: {  	[tilespmem:s28+$0xFFFFFFE0] =	vst v7;
	v7 =	vmul.f32 v10, v4;
	v10 =	vld [tilespmem:s28+$0x50]  }
0x18f: {  	[tilespmem:s28+$0xFFFFFFF0] =	vst v5;
	v5 =	vmul.f32 v8, v4;
	v8 =	vld [tilespmem:s28+$0x60]  }
0x190: {  	[tilespmem:s28+$0x0] =	vst v7;
	v7 =	vmul.f32 v11, v4;
	v11 =	vld [tilespmem:s28+$0x70]  }
0x191: {  	[tilespmem:s28+$0x10] =	vst v5;
	v5 =	vmul.f32 v9, v4;
	v9 =	vld [tilespmem:s28+$0x80]  }
0x192: {  	[tilespmem:s28+$0x20] =	vst v7;
	v6 =	vmul.f32 v6, v4;
	v7 =	vld [tilespmem:s28+$0x90]  }
0x193: {  	[tilespmem:s28+$0x30] =	vst v5;
	v5 =	vmul.f32 v10, v4;
	v10 =	vld [tilespmem:s28+$0xA0]  }
0x194: {  	[tilespmem:s28+$0x40] =	vst v6;
	v6 =	vmul.f32 v8, v4;
	v8 =	vld [tilespmem:s28+$0xB0]  }
0x195: {  	[tilespmem:s28+$0x50] =	vst v5;
	v4 =	vmul.f32 v11, v4;
	v5 =	vld [tilespmem:s28+$0xC0]  }
0x196: {  	[tilespmem:s28+$0x60] =	vst v6;
	v6 =	vmul.f32 v9, v3;
	v9 =	vld [tilespmem:s28+$0xD0]  }
0x197: {  	[tilespmem:s28+$0x70] =	vst v4;
	v4 =	vmul.f32 v7, v3;
	v7 =	vld [tilespmem:s28+$0xE0]  }
0x198: {  	[tilespmem:s28+$0x80] =	vst v6;
	v6 =	vmul.f32 v10, v3;
	v10 =	vld [tilespmem:s28+$0xF0]  }
0x199: {  	s0 =	sadd.s32 $0x1, s29;
	v11 =	vmov s29;
	[tilespmem:s28+$0x90] =	vst v4;
	v4 =	vmul.f32 v8, v3;
	v8 =	vld [tilespmem:s28+$0x100]  }
0x19a: {  	s30 =	sadd.s32 $0x3, s29;
	v12 =	vmov s0;
	s0 =	sadd.s32 $0x2, s29;
	v11 =	vand.u32 $0x78, v11;
	[tilespmem:s28+$0xA0] =	vst v6;
	v5 =	vmul.f32 v5, v3;
	v6 =	vld [tilespmem:s28+$0x110]  }
0x19b: {  	v14 =	vmov s30;
	s30 =	sadd.s32 $0x5, s29;
	v13 =	vmov s0;
	s0 =	sadd.s32 $0x4, s29;
	[tilespmem:s28+$0xB0] =	vst v4;
	v4 =	vmul.f32 v9, v3;
	v9 =	vld [tilespmem:s28+$0x120]  }
0x19c: {  	v16 =	vmov s30;
	v15 =	vmov s0;
	s0 =	sadd.s32 $0x6, s29;
	[tilespmem:s28+$0xC0] =	vst v5;
	v5 =	vmul.f32 v7, v3;
	v7 =	vld [tilespmem:s28+$0x130]  }
0x19d: {  	v17 =	vmov s0;
	v11 =	vor.u32 v0, v11;
	[tilespmem:s28+$0xD0] =	vst v4;
	v3 =	vmul.f32 v10, v3;
	v4 =	vld [tilespmem:s28+$0x140]  }
0x19e: {  	v10 =	vand.u32 $0x79, v12;
	v12 =	vand.u32 $0x7A, v13;
	[tilespmem:s28+$0xE0] =	vst v5;
	v5 =	vmul.f32 v8, v2;
	v8 =	vld [tilespmem:s28+$0x150]  }
0x19f: {  	v13 =	vand.u32 $0x7B, v14;
	v14 =	vand.u32 $0x7C, v15;
	[tilespmem:s28+$0xF0] =	vst v3;
	v6 =	vmul.f32 v6, v2;
	v18 =	vld [tilespmem:s28+$0x160]  }
0x1a0: {  	v15 =	vand.u32 $0x7D, v16;
	v16 =	vand.u32 $0x7E, v17;
	[tilespmem:s28+$0x100] =	vst v5;
	v9 =	vmul.f32 v9, v2;
	v17 =	vld [tilespmem:s28+$0x170]  }
.Ltmp1:
0x1a1: {  	v10 =	vor.u32 v0, v10;
	v3 =	vbroadcast v11, $0x0;
	[tilespmem:s28+$0x110] =	vst v6;
	v7 =	vmul.f32 v7, v2;
	v5 =	vld [tilespmem:s28+$0x180];
	(pc) =	sbr.rel @p0 .LBB2_6-.Ltmp1, $4  }
0x1a2: {  	v19 =	vor.u32 v0, v13;
	v11 =	vor.u32 v0, v12;
	[tilespmem:s28+$0x120] =	vst v9;
	v12 =	vmul.f32 v4, v2;
	v6 =	vld [tilespmem:s28+$0x190]  }
0x1a3: {  	v13 =	vor.u32 v0, v14;
	v4 =	vbroadcast v10, $0x0;
	[tilespmem:s28+$0x130] =	vst v7;
	v10 =	vmul.f32 v8, v2;
	v7 =	vld [tilespmem:s28+$0x1A0]  }
0x1a4: {  	v15 =	vor.u32 v0, v15;
	v9 =	vbroadcast v11, $0x0;
	[tilespmem:s28+$0x140] =	vst v12;
	v12 =	vmul.f32 v18, v2;
	v8 =	vld [tilespmem:s28+$0x1B0]  }
0x1a5: {  	s30 =	sadd.s32 $0x7, s29;
	s29 =	sadd.s32 $0x8, s29;
	v14 =	vor.u32 v0, v16;
	v11 =	vbroadcast v19, $0x0;
	[tilespmem:s28+$0x150] =	vst v10;
	v16 =	vmul.f32 v17, v2;
	v10 =	vld [tilespmem:s28+$0x1C0]  }
0x1a6: {  	_ =	sdelay $0x1  }
0x1a7: {  	v17 =	vld [tilespmem:s28+$0x1D0]  }
0x1a8: {  	v18 =	vld [tilespmem:s28+$0x1E0]  }
0x1a9: {  	v36 =	vld.idx.msk [tilespmem:v3+s16+$0x0], $0xffff  }
0x1aa: {  	v19 =	vld.idx.msk [tilespmem:v4+s16+$0x0], $0xffff  }
0x1ab: {  	v9 =	vld.idx.msk [tilespmem:v9+s16+$0x0], $0xffff  }
0x1ac: {  	s29 =	sadd.s32 $0x400, s28;
	v11 =	vld.idx.msk [tilespmem:v11+s16+$0x0], $0xffff  }
0x1ad: {  	v38 =	vld [tilespmem:s29+$0x1F0]  }
0x1ae: {  	v40 =	vld [tilespmem:s29+$0xFFFFFE00]  }
0x1af: {  	[tilespmem:s28+$0x160] =	vst v12;
	v5 =	vmul.f32 v5, v1;
	v42 =	vld [tilespmem:s29+$0xFFFFFE10]  }
0x1b0: {  	[tilespmem:s28+$0x170] =	vst v16;
	v6 =	vmul.f32 v6, v1;
	v44 =	vld [tilespmem:s29+$0xFFFFFE20]  }
0x1b1: {  	v46 =	vld [tilespmem:s29+$0xFFFFFE30];
	[tilespmem:s28+$0x180] =	vst v5;
	v37 =	vmul.f32 v7, v1  }
0x1b2: {  	v47 =	vld [tilespmem:s29+$0xFFFFFE40];
	[tilespmem:s28+$0x190] =	vst v6;
	v39 =	vmul.f32 v8, v1  }
0x1b3: {  	v49 =	vld [tilespmem:s29+$0xFFFFFE50];
	[tilespmem:s28+$0x1A0] =	vst v37;
	v41 =	vmul.f32 v10, v1  }
0x1b4: {  	v50 =	vld [tilespmem:s29+$0xFFFFFE60];
	[tilespmem:s28+$0x1B0] =	vst v39;
	v43 =	vmul.f32 v17, v1  }
0x1b5: {  	v52 =	vld [tilespmem:s29+$0xFFFFFE70];
	v45 =	vmul.f32 v18, v1;
	[tilespmem:s28+$0x1C0] =	vst v41  }
0x1b6: {  	v53 =	vld [tilespmem:s29+$0xFFFFFE80];
	v48 =	vmul.f32 v40, v36;
	[tilespmem:s28+$0x1D0] =	vst v43  }
0x1b7: {  	v55 =	vld [tilespmem:s29+$0xFFFFFE90];
	v10 =	vmul.f32 v42, v36;
	[tilespmem:s28+$0x1E0] =	vst v45  }
0x1b8: {  	v57 =	vld [tilespmem:s29+$0xFFFFFEA0];
	v51 =	vmul.f32 v44, v36;
	[tilespmem:s29+$0xFFFFFE00] =	vst v48  }
0x1b9: {  	v59 =	vld [tilespmem:s29+$0xFFFFFEB0];
	v5 =	vmul.f32 v46, v36;
	[tilespmem:s29+$0xFFFFFE10] =	vst v10  }
0x1ba: {  	v61 =	vld [tilespmem:s29+$0xFFFFFEC0];
	v54 =	vmul.f32 v47, v36;
	[tilespmem:s29+$0xFFFFFE20] =	vst v51  }
0x1bb: {  	v63 =	vld [tilespmem:s29+$0xFFFFFED0];
	v56 =	vmul.f32 v49, v36;
	[tilespmem:s29+$0xFFFFFE30] =	vst v5  }
0x1bc: {  	v20 =	vld [tilespmem:s29+$0xFFFFFEF0];
	v58 =	vmul.f32 v50, v36;
	[tilespmem:s29+$0xFFFFFE40] =	vst v54  }
0x1bd: {  	v22 =	vld [tilespmem:s29+$0xFFFFFF00];
	v60 =	vmul.f32 v52, v36;
	[tilespmem:s29+$0xFFFFFE50] =	vst v56  }
0x1be: {  	v24 =	vld [tilespmem:s29+$0xFFFFFF10];
	v62 =	vmul.f32 v53, v19;
	[tilespmem:s29+$0xFFFFFE60] =	vst v58  }
0x1bf: {  	v26 =	vld [tilespmem:s29+$0xFFFFFF20];
	v16 =	vmul.f32 v55, v19;
	[tilespmem:s29+$0xFFFFFE70] =	vst v60  }
0x1c0: {  	v2 =	vbroadcast v13, $0x0;
	v28 =	vld [tilespmem:s29+$0xFFFFFF30];
	v18 =	vmul.f32 v57, v19;
	[tilespmem:s29+$0xFFFFFE80] =	vst v62  }
0x1c1: {  	v15 =	vbroadcast v15, $0x0;
	v30 =	vld [tilespmem:s29+$0xFFFFFF40];
	v21 =	vmul.f32 v59, v19;
	[tilespmem:s29+$0xFFFFFE90] =	vst v16  }
0x1c2: {  	v32 =	vld [tilespmem:s29+$0xFFFFFF50];
	v23 =	vmul.f32 v61, v19;
	[tilespmem:s29+$0xFFFFFEA0] =	vst v18  }
0x1c3: {  	v34 =	vld [tilespmem:s29+$0xFFFFFF60];
	v25 =	vmul.f32 v63, v19;
	[tilespmem:s29+$0xFFFFFEB0] =	vst v21  }
0x1c4: {  	v12 =	vld [tilespmem:s29+$0x50];
	v29 =	vmul.f32 v20, v19;
	[tilespmem:s29+$0xFFFFFEC0] =	vst v23  }
0x1c5: {  	v17 =	vld [tilespmem:s29+$0xFFFFFEE0];
	v31 =	vmul.f32 v22, v9;
	[tilespmem:s29+$0xFFFFFED0] =	vst v25  }
0x1c6: {  	v35 =	vmov s30;
	v4 =	vld.idx.msk [tilespmem:v2+s16+$0x0], $0xffff;
	v33 =	vmul.f32 v24, v9;
	[tilespmem:s29+$0xFFFFFEF0] =	vst v29  }
0x1c7: {  	v13 =	vand.u32 $0x7F, v35;
	v3 =	vld.idx.msk [tilespmem:v15+s16+$0x0], $0xffff;
	v35 =	vmul.f32 v26, v9;
	[tilespmem:s29+$0xFFFFFF00] =	vst v31  }
0x1c8: {  	v36 =	vld [tilespmem:s29+$0xFFFFFF70];
	v37 =	vmul.f32 v28, v9;
	[tilespmem:s29+$0xFFFFFF10] =	vst v33  }
0x1c9: {  	v14 =	vbroadcast v14, $0x0;
	v39 =	vmul.f32 v30, v9;
	v40 =	vld [tilespmem:s29+$0xFFFFFF90];
	[tilespmem:s29+$0xFFFFFF20] =	vst v35  }
0x1ca: {  	v41 =	vmul.f32 v32, v9;
	v42 =	vld [tilespmem:s29+$0xFFFFFFA0];
	[tilespmem:s29+$0xFFFFFF30] =	vst v37  }
0x1cb: {  	v44 =	vld [tilespmem:s29+$0xFFFFFFB0];
	v43 =	vmul.f32 v34, v9;
	[tilespmem:s29+$0xFFFFFF40] =	vst v39  }
0x1cc: {  	v46 =	vld [tilespmem:s29+$0xFFFFFFC0];
	[tilespmem:s29+$0xFFFFFF50] =	vst v41;
	v27 =	vmul.f32 v17, v19  }
0x1cd: {  	v50 =	vld [tilespmem:s29+$0xFFFFFFE0];
	[tilespmem:s29+$0xFFFFFF60] =	vst v43;
	v45 =	vmul.f32 v36, v9  }
0x1ce: {  	v52 =	vld [tilespmem:s29+$0xFFFFFFF0];
	v49 =	vmul.f32 v40, v11;
	[tilespmem:s29+$0xFFFFFEE0] =	vst v27  }
0x1cf: {  	v2 =	vld.idx.msk [tilespmem:v14+s16+$0x0], $0xffff;
	v51 =	vmul.f32 v42, v11;
	[tilespmem:s29+$0xFFFFFF70] =	vst v45  }
0x1d0: {  	v14 =	vld [tilespmem:s29+$0x60];
	v53 =	vmul.f32 v44, v11;
	[tilespmem:s29+$0xFFFFFF90] =	vst v49  }
0x1d1: {  	v20 =	vld [tilespmem:s29+$0x90];
	v55 =	vmul.f32 v46, v11;
	[tilespmem:s29+$0xFFFFFFA0] =	vst v51  }
0x1d2: {  	v22 =	vld [tilespmem:s29+$0xA0];
	v59 =	vmul.f32 v50, v11;
	[tilespmem:s29+$0xFFFFFFB0] =	vst v53  }
0x1d3: {  	v24 =	vld [tilespmem:s29+$0xB0];
	v61 =	vmul.f32 v52, v11;
	[tilespmem:s29+$0xFFFFFFC0] =	vst v55  }
0x1d4: {  	v48 =	vld [tilespmem:s29+$0xFFFFFFD0];
	v21 =	vmul.f32 v12, v4;
	[tilespmem:s29+$0xFFFFFFE0] =	vst v59  }
0x1d5: {  	v54 =	vld [tilespmem:s29+$0x0];
	v23 =	vmul.f32 v14, v4;
	[tilespmem:s29+$0xFFFFFFF0] =	vst v61  }
0x1d6: {  	v56 =	vld [tilespmem:s29+$0x10];
	v28 =	vmul.f32 v20, v3;
	[tilespmem:s29+$0x50] =	vst v21  }
0x1d7: {  	v58 =	vld [tilespmem:s29+$0x20];
	v30 =	vmul.f32 v22, v3;
	[tilespmem:s29+$0x60] =	vst v23  }
0x1d8: {  	v60 =	vld [tilespmem:s29+$0x30];
	v32 =	vmul.f32 v24, v3;
	[tilespmem:s29+$0x90] =	vst v28  }
0x1d9: {  	v0 =	vor.u32 v0, v13;
	v62 =	vld [tilespmem:s29+$0x40];
	v57 =	vmul.f32 v48, v11;
	[tilespmem:s29+$0xA0] =	vst v30  }
0x1da: {  	v0 =	vbroadcast v0, $0x0;
	v16 =	vld [tilespmem:s29+$0x70];
	v63 =	vmul.f32 v54, v4;
	[tilespmem:s29+$0xB0] =	vst v32  }
0x1db: {  	v18 =	vld [tilespmem:s29+$0x80];
	v13 =	vmul.f32 v56, v4;
	[tilespmem:s29+$0xFFFFFFD0] =	vst v57  }
0x1dc: {  	v25 =	vld [tilespmem:s29+$0xC0];
	v15 =	vmul.f32 v58, v4;
	[tilespmem:s29+$0x0] =	vst v63  }
0x1dd: {  	v33 =	vld [tilespmem:s29+$0x100];
	v17 =	vmul.f32 v60, v4;
	[tilespmem:s29+$0x10] =	vst v13  }
0x1de: {  	v35 =	vld [tilespmem:s29+$0x110];
	v19 =	vmul.f32 v62, v4;
	[tilespmem:s29+$0x20] =	vst v15  }
0x1df: {  	v37 =	vld [tilespmem:s29+$0x120];
	v4 =	vmul.f32 v16, v4;
	[tilespmem:s29+$0x30] =	vst v17  }
0x1e0: {  	v0 =	vld.idx.msk [tilespmem:v0+s16+$0x0], $0xffff;
	v26 =	vmul.f32 v18, v3;
	[tilespmem:s29+$0x40] =	vst v19  }
0x1e1: {  	v40 =	vld [tilespmem:s29+$0x140];
	v34 =	vmul.f32 v25, v3;
	[tilespmem:s29+$0x70] =	vst v4  }
0x1e2: {  	v42 =	vld [tilespmem:s29+$0x150];
	v41 =	vmul.f32 v33, v2;
	[tilespmem:s29+$0x80] =	vst v26  }
0x1e3: {  	v44 =	vld [tilespmem:s29+$0x160];
	v43 =	vmul.f32 v35, v2;
	[tilespmem:s29+$0xC0] =	vst v34  }
0x1e4: {  	v50 =	vld [tilespmem:s29+$0x190];
	v45 =	vmul.f32 v37, v2;
	[tilespmem:s29+$0x100] =	vst v41  }
0x1e5: {  	v52 =	vld [tilespmem:s29+$0x1A0];
	v7 =	vmul.f32 v38, v0;
	[tilespmem:s29+$0x110] =	vst v43  }
0x1e6: {  	v27 =	vld [tilespmem:s29+$0xD0];
	[tilespmem:s29+$0x120] =	vst v45;
	v49 =	vmul.f32 v40, v2  }
0x1e7: {  	v48 =	vld [tilespmem:s29+$0x180];
	[tilespmem:s29+$0x1F0] =	vst v7;
	v51 =	vmul.f32 v42, v2  }
0x1e8: {  	v54 =	vld [tilespmem:s29+$0x1B0];
	v53 =	vmul.f32 v44, v2;
	[tilespmem:s29+$0x140] =	vst v49  }
0x1e9: {  	v55 =	vld [tilespmem:s29+$0x1C0];
	v58 =	vmul.f32 v50, v0;
	[tilespmem:s29+$0x150] =	vst v51  }
0x1ea: {  	v38 =	vld [tilespmem:s29+$0xFFFFFF80];
	v60 =	vmul.f32 v52, v0;
	[tilespmem:s29+$0x160] =	vst v53  }
0x1eb: {  	v29 =	vld [tilespmem:s29+$0xE0];
	v36 =	vmul.f32 v27, v3;
	[tilespmem:s29+$0x190] =	vst v58  }
0x1ec: {  	v31 =	vld [tilespmem:s29+$0xF0];
	v56 =	vmul.f32 v48, v0;
	[tilespmem:s29+$0x1A0] =	vst v60  }
0x1ed: {  	v57 =	vld [tilespmem:s29+$0x1D0];
	v61 =	vmul.f32 v54, v0;
	[tilespmem:s29+$0xD0] =	vst v36  }
0x1ee: {  	v59 =	vld [tilespmem:s29+$0x1E0];
	v62 =	vmul.f32 v55, v0;
	[tilespmem:s29+$0x180] =	vst v56  }
0x1ef: {  	v39 =	vld [tilespmem:s29+$0x130];
	v47 =	vmul.f32 v38, v11;
	[tilespmem:s29+$0x1B0] =	vst v61  }
0x1f0: {  	v46 =	vld [tilespmem:s29+$0x170];
	v38 =	vmul.f32 v29, v3;
	[tilespmem:s29+$0x1C0] =	vst v62  }
0x1f1: {  	v3 =	vmul.f32 v31, v3;
	[tilespmem:s29+$0xFFFFFF80] =	vst v47  }
0x1f2: {  	v63 =	vmul.f32 v57, v0;
	[tilespmem:s29+$0xE0] =	vst v38  }
0x1f3: {  	v0 =	vmul.f32 v59, v0;
	[tilespmem:s29+$0xF0] =	vst v3  }
0x1f4: {  	v47 =	vmul.f32 v39, v2;
	[tilespmem:s29+$0x1D0] =	vst v63  }
0x1f5: {  	s25 =	sadd.s32 $0x1, s25;
	v2 =	vmul.f32 v46, v2;
	[tilespmem:s29+$0x1E0] =	vst v0  }
0x1f6: {  	p0 =	sne.s32 s25, $0xD;
	[tilespmem:s29+$0x130] =	vst v47  }
.Ltmp2:
0x1f7: {  	s0 =	sadd.s32 $0x1000, s26;
	[tilespmem:s29+$0x170] =	vst v2;
	(pc) =	sbr.rel @p0 .LBB2_3-.Ltmp2, $4  }
0x1f8: {  	[spmem:s3] =	stream.indirect.scatter.add.f32 [tilespmem:s19], [sflag:$0x3], $0x80, s0, s17, $0xb8;
	[tilespmem:$0x1F000] =	vst v63  }
0x1f9: {  	_ =	swait.ge [sflag:s14], $0x4000  }
0x1fa: {  	[sflag:s14] =	ssyncset.done $0x0  }
0x1fb: {  	[sflag:s14] =	ssyncadd.s32 $0xFFFFC000  }
0x1fc: {  	s0 =	simm.s32 $0x0  }
0x1fd: {  	s25 =	simm.s32 $0x7;
	_ =	swait.ge [sflag:s20], $0x4000;
	v0 =	vmov s0  }
0x1fe: {  	s24 =	simm.s32 $0x1;
	v2 =	vmov s25;
	[sflag:s20] =	ssyncset.done $0x0;
	v0 =	vand.u32 $0x78, v0  }
0x1ff: {  	v1 =	vmov s24;
	s24 =	simm.s32 $0x3200;
	v2 =	vand.u32 $0x7F, v2;
	[sflag:s20] =	ssyncadd.s32 $0xFFFFC000;
	v0 =	vor.u32 $0xD00, v0  }
0x200: {  	v2 =	vor.u32 $0xD00, v2;
	v4 =	vld [tilespmem:s24+$0xFFFFFE10];
	v0 =	vbroadcast v0, $0x0  }
0x201: {  	v5 =	vld [tilespmem:s24+$0xFFFFFE20];
	v2 =	vbroadcast v2, $0x0  }
0x202: {  	v6 =	vld [tilespmem:s24+$0xFFFFFE30]  }
0x203: {  	v7 =	vld [tilespmem:s24+$0xFFFFFE40]  }
0x204: {  	v1 =	vand.u32 $0x79, v1;
	v8 =	vld [tilespmem:s24+$0xFFFFFE50]  }
0x205: {  	v1 =	vor.u32 $0xD00, v1;
	v9 =	vld [tilespmem:s24+$0xFFFFFE60]  }
0x206: {  	v1 =	vbroadcast v1, $0x0;
	v3 =	vld.idx.msk [tilespmem:v0+s16+$0x0], $0xffff  }
0x207: {  	v0 =	vld.idx.msk [tilespmem:v2+s16+$0x0], $0xffff  }
0x208: {  	v2 =	vld [tilespmem:s24+$0xFFFFFE00]  }
0x209: {  	v11 =	vld [tilespmem:s24+$0x1F0]  }
0x20a: {  	v12 =	vld [tilespmem:s24+$0xFFFFFE80]  }
0x20b: {  	v13 =	vld [tilespmem:s24+$0xFFFFFE90]  }
0x20c: {  	v1 =	vld.idx.msk [tilespmem:v1+s16+$0x0], $0xffff  }
0x20d: {  	v14 =	vld [tilespmem:s24+$0xFFFFFEA0];
	v2 =	vmul.f32 v2, v3  }
0x20e: {  	s26 =	simm.s32 $0x2;
	v15 =	vld [tilespmem:s24+$0xFFFFFEB0];
	v11 =	vmul.f32 v11, v0  }
0x20f: {  	v10 =	vmov s26;
	v16 =	vld [tilespmem:s24+$0xFFFFFEC0];
	v4 =	vmul.f32 v4, v3;
	[tilespmem:s24+$0xFFFFFE00] =	vst v2  }
0x210: {  	v5 =	vmul.f32 v5, v3;
	v2 =	vand.u32 $0x7A, v10;
	v10 =	vld [tilespmem:s24+$0xFFFFFE70];
	[tilespmem:s24+$0x1F0] =	vst v11  }
0x211: {  	v6 =	vmul.f32 v6, v3;
	v11 =	vmul.f32 v12, v1;
	v12 =	vld [tilespmem:s24+$0xFFFFFED0];
	[tilespmem:s24+$0xFFFFFE10] =	vst v4  }
0x212: {  	v4 =	vld [tilespmem:s24+$0xFFFFFEE0];
	[tilespmem:s24+$0xFFFFFE20] =	vst v5;
	v2 =	vor.u32 $0xD00, v2  }
0x213: {  	v5 =	vmul.f32 v7, v3;
	v7 =	vld [tilespmem:s24+$0xFFFFFEF0];
	[tilespmem:s24+$0xFFFFFE30] =	vst v6;
	v2 =	vbroadcast v2, $0x0  }
0x214: {  	s28 =	simm.s32 $0x3;
	v6 =	vmul.f32 v8, v3;
	v8 =	vld [tilespmem:s24+$0xFFFFFF00];
	[tilespmem:s24+$0xFFFFFE80] =	vst v11  }
0x215: {  	v11 =	vmov s28;
	[tilespmem:s24+$0xFFFFFE40] =	vst v5;
	v5 =	vmul.f32 v9, v3;
	v9 =	vld [tilespmem:s24+$0xFFFFFF10]  }
0x216: {  	v16 =	vmul.f32 v16, v1;
	[tilespmem:s24+$0xFFFFFE50] =	vst v6;
	v6 =	vld [tilespmem:s24+$0xFFFFFF20];
	v11 =	vand.u32 $0x7B, v11  }
0x217: {  	v11 =	vor.u32 $0xD00, v11;
	[tilespmem:s24+$0xFFFFFE60] =	vst v5;
	v5 =	vmul.f32 v13, v1;
	v13 =	vld [tilespmem:s24+$0xFFFFFF40];
	v3 =	vmul.f32 v10, v3  }
0x218: {  	v11 =	vbroadcast v11, $0x0;
	v10 =	vld [tilespmem:s24+$0xFFFFFF30];
	v12 =	vmul.f32 v12, v1  }
0x219: {  	v4 =	vmul.f32 v4, v1;
	[tilespmem:s24+$0xFFFFFE70] =	vst v3;
	v3 =	vmul.f32 v14, v1;
	v2 =	vld.idx.msk [tilespmem:v2+s16+$0x0], $0xffff  }
0x21a: {  	[tilespmem:s24+$0xFFFFFE90] =	vst v5;
	v14 =	vmul.f32 v15, v1;
	v1 =	vmul.f32 v7, v1;
	v7 =	vld [tilespmem:s24+$0xFFFFFF90]  }
0x21b: {  	[tilespmem:s24+$0xFFFFFED0] =	vst v12;
	v12 =	vld [tilespmem:s24+$0xFFFFFFD0]  }
0x21c: {  	[tilespmem:s24+$0xFFFFFEA0] =	vst v3;
	v3 =	vld [tilespmem:s24+$0xFFFFFF60]  }
0x21d: {  	[tilespmem:s24+$0xFFFFFEB0] =	vst v14;
	v14 =	vld [tilespmem:s24+$0xFFFFFF70]  }
0x21e: {  	[tilespmem:s24+$0xFFFFFEE0] =	vst v4;
	v11 =	vld.idx.msk [tilespmem:v11+s16+$0x0], $0xffff;
	v5 =	vmul.f32 v8, v2  }
0x21f: {  	s29 =	simm.s32 $0x4;
	[tilespmem:s24+$0xFFFFFEF0] =	vst v1;
	v8 =	vld [tilespmem:s24+$0xFFFFFF50];
	v4 =	vmul.f32 v9, v2  }
0x220: {  	v15 =	vmov s29;
	v9 =	vld [tilespmem:s24+$0xFFFFFFA0];
	v1 =	vmul.f32 v6, v2;
	[tilespmem:s24+$0xFFFFFF00] =	vst v5  }
0x221: {  	v13 =	vmul.f32 v13, v2;
	v5 =	vand.u32 $0x7C, v15;
	v15 =	vld [tilespmem:s24+$0xFFFFFF80];
	[tilespmem:s24+$0xFFFFFF10] =	vst v4  }
0x222: {  	v6 =	vld [tilespmem:s24+$0xFFFFFFB0];
	v3 =	vmul.f32 v3, v2;
	[tilespmem:s24+$0xFFFFFF20] =	vst v1;
	v5 =	vor.u32 $0xD00, v5  }
0x223: {  	v4 =	vmul.f32 v10, v2;
	v10 =	vld [tilespmem:s24+$0xFFFFFFC0];
	[tilespmem:s24+$0xFFFFFF40] =	vst v13;
	v5 =	vbroadcast v5, $0x0  }
0x224: {  	v13 =	vld [tilespmem:s24+$0xFFFFFFF0];
	[tilespmem:s24+$0xFFFFFF60] =	vst v3;
	v3 =	vmul.f32 v7, v11  }
0x225: {  	v7 =	vld [tilespmem:s24+$0x10];
	[tilespmem:s24+$0xFFFFFF30] =	vst v4;
	v8 =	vmul.f32 v8, v2  }
0x226: {  	s30 =	simm.s32 $0x5;
	v4 =	vld [tilespmem:s24+$0xFFFFFFE0];
	[tilespmem:s24+$0xFFFFFF90] =	vst v3;
	v1 =	vmul.f32 v15, v11  }
0x227: {  	v2 =	vmul.f32 v14, v2;
	v3 =	vmul.f32 v6, v11;
	v6 =	vld [tilespmem:s24+$0x30];
	v15 =	vmov s30;
	[tilespmem:s24+$0xFFFFFF50] =	vst v8  }
0x228: {  	v12 =	vmul.f32 v12, v11;
	v8 =	vld [tilespmem:s24+$0x0];
	[tilespmem:s24+$0xFFFFFF80] =	vst v1;
	v1 =	vand.u32 $0x7D, v15  }
0x229: {  	[tilespmem:s24+$0xFFFFFF70] =	vst v2;
	v2 =	vmul.f32 v9, v11;
	v5 =	vld.idx.msk [tilespmem:v5+s16+$0x0], $0xffff;
	v1 =	vor.u32 $0xD00, v1  }
0x22a: {  	[tilespmem:s24+$0xFFFFFFD0] =	vst v12;
	v12 =	vld [tilespmem:s24+$0x70];
	v1 =	vbroadcast v1, $0x0  }
0x22b: {  	v9 =	vld [tilespmem:s24+$0x20];
	[tilespmem:s24+$0xFFFFFFA0] =	vst v2;
	v2 =	vmul.f32 v10, v11  }
0x22c: {  	[tilespmem:s24+$0xFFFFFFB0] =	vst v3;
	v10 =	vld [tilespmem:s24+$0x40];
	v4 =	vmul.f32 v4, v11;
	v11 =	vmul.f32 v13, v11  }
0x22d: {  	[tilespmem:s24+$0xFFFFFFC0] =	vst v2;
	v2 =	vld [tilespmem:s24+$0x60]  }
0x22e: {  	s31 =	simm.s32 $0x6;
	[tilespmem:s24+$0xFFFFFFF0] =	vst v11;
	v11 =	vld [tilespmem:s24+$0x90];
	v3 =	vmul.f32 v8, v5  }
0x22f: {  	v14 =	vmov s31;
	[tilespmem:s24+$0xFFFFFFE0] =	vst v4;
	v8 =	vld [tilespmem:s24+$0x50];
	v4 =	vmul.f32 v7, v5  }
0x230: {  	v9 =	vmul.f32 v9, v5;
	v1 =	vld.idx.msk [tilespmem:v1+s16+$0x0], $0xffff;
	[tilespmem:s24+$0x0] =	vst v3;
	v3 =	vand.u32 $0x7E, v14  }
0x231: {  	v7 =	vld [tilespmem:s24+$0x80];
	[tilespmem:s24+$0x10] =	vst v4;
	v4 =	vmul.f32 v6, v5;
	v3 =	vor.u32 $0xD00, v3  }
0x232: {  	[tilespmem:s24+$0x20] =	vst v9;
	v9 =	vmul.f32 v10, v5;
	v10 =	vld [tilespmem:s24+$0xB0];
	v3 =	vbroadcast v3, $0x0  }
0x233: {  	v2 =	vmul.f32 v2, v5;
	v6 =	vld [tilespmem:s24+$0xA0];
	[tilespmem:s24+$0x30] =	vst v4  }
0x234: {  	[tilespmem:s24+$0x40] =	vst v9;
	v9 =	vld [tilespmem:s24+$0xD0];
	v4 =	vmul.f32 v8, v5  }
0x235: {  	[tilespmem:s24+$0x60] =	vst v2;
	v8 =	vld [tilespmem:s24+$0xC0];
	v2 =	vmul.f32 v11, v1  }
0x236: {  	[tilespmem:s24+$0x50] =	vst v4;
	v4 =	vld [tilespmem:s24+$0xE0]  }
0x237: {  	[tilespmem:s24+$0x90] =	vst v2;
	v2 =	vmul.f32 v10, v1;
	v10 =	vld [tilespmem:s24+$0x110]  }
0x238: {  	v15 =	vld.idx.msk [tilespmem:v3+s16+$0x0], $0xffff  }
0x239: {  	[tilespmem:s24+$0xFFFFFEC0] =	vst v16;
	v3 =	vmul.f32 v12, v5;
	v5 =	vld [tilespmem:s24+$0xF0]  }
0x23a: {  	v7 =	vmul.f32 v7, v1;
	[tilespmem:s24+$0xB0] =	vst v2;
	v2 =	vmul.f32 v9, v1;
	v9 =	vld [tilespmem:s24+$0x130]  }
0x23b: {  	s25 =	simm.s32 $0x8;
	s29 =	simm.s32 $0xC;
	s30 =	simm.s32 $0xD;
	[tilespmem:s24+$0x70] =	vst v3;
	v3 =	vmul.f32 v6, v1;
	v6 =	vld [tilespmem:s24+$0x100]  }
0x23c: {  	s26 =	simm.s32 $0x9;
	v62 =	vmov s30;
	v14 =	vmov s29;
	[tilespmem:s24+$0x80] =	vst v7;
	v7 =	vmov s25  }
0x23d: {  	s28 =	simm.s32 $0xA;
	v11 =	vmov s26;
	s25 =	simm.s32 $0xB;
	v7 =	vand.u32 $0x78, v7;
	[tilespmem:s24+$0xA0] =	vst v3;
	v3 =	vmul.f32 v8, v1;
	v8 =	vld [tilespmem:s24+$0x120]  }
0x23e: {  	v12 =	vmov s28;
	v13 =	vmov s25;
	[tilespmem:s24+$0xD0] =	vst v2;
	v10 =	vmul.f32 v10, v15  }
0x23f: {  	s31 =	simm.s32 $0xE;
	v7 =	vor.u32 $0xD00, v7;
	[tilespmem:s24+$0xC0] =	vst v3;
	v3 =	vmul.f32 v4, v1;
	v4 =	vld [tilespmem:s24+$0x140];
	v1 =	vmul.f32 v5, v1  }
0x240: {  	v17 =	vld [tilespmem:s24+$0x150];
	v5 =	vmov s31;
	v9 =	vmul.f32 v9, v15;
	v2 =	vmul.f32 v6, v15;
	[tilespmem:s24+$0x110] =	vst v10  }
0x241: {  	v18 =	vld [tilespmem:s24+$0x160];
	v6 =	vand.u32 $0x79, v11;
	v11 =	vand.u32 $0x7A, v12;
	v12 =	vand.u32 $0x7C, v14;
	[tilespmem:s24+$0xE0] =	vst v3  }
0x242: {  	v63 =	vld [tilespmem:s24+$0x170];
	v14 =	vand.u32 $0x7E, v5;
	v3 =	vand.u32 $0x7B, v13;
	[tilespmem:s24+$0xF0] =	vst v1;
	v8 =	vmul.f32 v8, v15  }
0x243: {  	v5 =	vld [tilespmem:s24+$0x180];
	v1 =	vand.u32 $0x7D, v62;
	v10 =	vor.u32 $0xD00, v11;
	v12 =	vor.u32 $0xD00, v12;
	[tilespmem:s24+$0x100] =	vst v2  }
0x244: {  	v2 =	vbroadcast v7, $0x0;
	v7 =	vor.u32 $0xD00, v6;
	v6 =	vld [tilespmem:s24+$0x190];
	[tilespmem:s24+$0x120] =	vst v8;
	v8 =	vmul.f32 v4, v15  }
0x245: {  	[tilespmem:s24+$0x130] =	vst v9;
	v9 =	vmul.f32 v17, v15;
	v19 =	vor.u32 $0xD00, v3;
	v3 =	vbroadcast v7, $0x0;
	v7 =	vld [tilespmem:s24+$0x1A0]  }
0x246: {  	v11 =	vmul.f32 v18, v15;
	v14 =	vor.u32 $0xD00, v14;
	v4 =	vbroadcast v10, $0x0;
	[tilespmem:s24+$0x140] =	vst v8;
	v8 =	vld [tilespmem:s24+$0x1B0]  }
0x247: {  	s26 =	simm.s32 $0xF;
	s25 =	simm.s32 $0x10;
	v13 =	vor.u32 $0xD00, v1;
	v1 =	vmul.f32 v63, v15;
	[tilespmem:s24+$0x150] =	vst v9;
	v9 =	vld [tilespmem:s24+$0x1C0];
	v10 =	vbroadcast v19, $0x0  }
.LBB2_9:
0x248: {  	p0 =	slt.u32 s25, $0x78;
	v12 =	vbroadcast v12, $0x0;
	v15 =	vmov s26;
	[tilespmem:s24+$0x160] =	vst v11;
	v5 =	vmul.f32 v5, v0;
	v11 =	vld [tilespmem:s24+$0x1D0]  }
0x249: {  	v13 =	vbroadcast v13, $0x0;
	v15 =	vand.u32 $0x7F, v15;
	[tilespmem:s24+$0x170] =	vst v1;
	v1 =	vmul.f32 v6, v0;
	v6 =	vld [tilespmem:s24+$0x1E0]  }
0x24a: {  	v14 =	vbroadcast v14, $0x0;
	v16 =	vld.idx.msk [tilespmem:v2+s16+$0x0], $0xffff;
	v2 =	vor.u32 $0xD00, v15;
	[tilespmem:s24+$0x180] =	vst v5;
	v5 =	vmul.f32 v7, v0  }
0x24b: {  	v7 =	vld.idx.msk [tilespmem:v3+s16+$0x0], $0xffff;
	v15 =	vbroadcast v2, $0x0;
	[tilespmem:s24+$0x190] =	vst v1;
	v1 =	vmul.f32 v8, v0  }
0x24c: {  	v8 =	vld.idx.msk [tilespmem:v4+s16+$0x0], $0xffff;
	[tilespmem:s24+$0x1A0] =	vst v5;
	v2 =	vmul.f32 v9, v0  }
0x24d: {  	v4 =	vld.idx.msk [tilespmem:v10+s16+$0x0], $0xffff;
	[tilespmem:s24+$0x1B0] =	vst v1;
	v1 =	vmul.f32 v11, v0  }
0x24e: {  	v3 =	vld.idx.msk [tilespmem:v12+s16+$0x0], $0xffff;
	[tilespmem:s24+$0x1C0] =	vst v2;
	v0 =	vmul.f32 v6, v0  }
0x24f: {  	v2 =	vld.idx.msk [tilespmem:v13+s16+$0x0], $0xffff;
	[tilespmem:s24+$0x1D0] =	vst v1  }
0x250: {  	v1 =	vld.idx.msk [tilespmem:v14+s16+$0x0], $0xffff;
	[tilespmem:s24+$0x1E0] =	vst v0  }
0x251: {  	s24 =	sadd.s32 $0x400, s24;
	v0 =	vld.idx.msk [tilespmem:v15+s16+$0x0], $0xffff  }
0x252: {  	v5 =	vld [tilespmem:s24+$0x1F0]  }
0x253: {  	v6 =	vld [tilespmem:s24+$0xFFFFFE00]  }
0x254: {  	v9 =	vld [tilespmem:s24+$0xFFFFFE10]  }
0x255: {  	v10 =	vld [tilespmem:s24+$0xFFFFFE20]  }
0x256: {  	v11 =	vld [tilespmem:s24+$0xFFFFFE30]  }
0x257: {  	v12 =	vld [tilespmem:s24+$0xFFFFFE40];
	v5 =	vmul.f32 v5, v0  }
0x258: {  	v6 =	vmul.f32 v6, v16;
	v13 =	vld [tilespmem:s24+$0xFFFFFE50]  }
0x259: {  	v9 =	vmul.f32 v9, v16;
	v14 =	vld [tilespmem:s24+$0xFFFFFE60];
	[tilespmem:s24+$0x1F0] =	vst v5  }
0x25a: {  	[tilespmem:s24+$0xFFFFFE00] =	vst v6;
	v5 =	vmul.f32 v10, v16;
	v6 =	vld [tilespmem:s24+$0xFFFFFE70]  }
0x25b: {  	[tilespmem:s24+$0xFFFFFE10] =	vst v9;
	v9 =	vmul.f32 v11, v16;
	v10 =	vld [tilespmem:s24+$0xFFFFFE80]  }
0x25c: {  	[tilespmem:s24+$0xFFFFFE20] =	vst v5;
	v5 =	vmul.f32 v12, v16;
	v11 =	vld [tilespmem:s24+$0xFFFFFE90]  }
0x25d: {  	[tilespmem:s24+$0xFFFFFE30] =	vst v9;
	v9 =	vmul.f32 v13, v16;
	v12 =	vld [tilespmem:s24+$0xFFFFFEA0]  }
0x25e: {  	[tilespmem:s24+$0xFFFFFE40] =	vst v5;
	v5 =	vmul.f32 v14, v16;
	v13 =	vld [tilespmem:s24+$0xFFFFFEB0]  }
0x25f: {  	[tilespmem:s24+$0xFFFFFE50] =	vst v9;
	v6 =	vmul.f32 v6, v16;
	v9 =	vld [tilespmem:s24+$0xFFFFFEC0]  }
0x260: {  	[tilespmem:s24+$0xFFFFFE60] =	vst v5;
	v5 =	vmul.f32 v10, v7;
	v10 =	vld [tilespmem:s24+$0xFFFFFED0]  }
0x261: {  	[tilespmem:s24+$0xFFFFFE70] =	vst v6;
	v6 =	vmul.f32 v11, v7;
	v11 =	vld [tilespmem:s24+$0xFFFFFEE0]  }
0x262: {  	[tilespmem:s24+$0xFFFFFE80] =	vst v5;
	v5 =	vmul.f32 v12, v7;
	v12 =	vld [tilespmem:s24+$0xFFFFFEF0]  }
0x263: {  	[tilespmem:s24+$0xFFFFFE90] =	vst v6;
	v6 =	vmul.f32 v13, v7;
	v13 =	vld [tilespmem:s24+$0xFFFFFF00]  }
0x264: {  	[tilespmem:s24+$0xFFFFFEA0] =	vst v5;
	v5 =	vmul.f32 v9, v7;
	v9 =	vld [tilespmem:s24+$0xFFFFFF10]  }
0x265: {  	[tilespmem:s24+$0xFFFFFEB0] =	vst v6;
	v6 =	vmul.f32 v10, v7;
	v10 =	vld [tilespmem:s24+$0xFFFFFF20]  }
0x266: {  	[tilespmem:s24+$0xFFFFFEC0] =	vst v5;
	v5 =	vmul.f32 v11, v7;
	v11 =	vld [tilespmem:s24+$0xFFFFFF30]  }
0x267: {  	[tilespmem:s24+$0xFFFFFED0] =	vst v6;
	v6 =	vmul.f32 v12, v7;
	v7 =	vld [tilespmem:s24+$0xFFFFFF40]  }
0x268: {  	[tilespmem:s24+$0xFFFFFEE0] =	vst v5;
	v5 =	vmul.f32 v13, v8;
	v12 =	vld [tilespmem:s24+$0xFFFFFF50]  }
0x269: {  	[tilespmem:s24+$0xFFFFFEF0] =	vst v6;
	v6 =	vmul.f32 v9, v8;
	v9 =	vld [tilespmem:s24+$0xFFFFFF60]  }
0x26a: {  	[tilespmem:s24+$0xFFFFFF00] =	vst v5;
	v5 =	vmul.f32 v10, v8;
	v10 =	vld [tilespmem:s24+$0xFFFFFF70]  }
0x26b: {  	[tilespmem:s24+$0xFFFFFF10] =	vst v6;
	v6 =	vmul.f32 v11, v8;
	v11 =	vld [tilespmem:s24+$0xFFFFFF80]  }
0x26c: {  	[tilespmem:s24+$0xFFFFFF20] =	vst v5;
	v5 =	vmul.f32 v7, v8;
	v7 =	vld [tilespmem:s24+$0xFFFFFF90]  }
0x26d: {  	[tilespmem:s24+$0xFFFFFF30] =	vst v6;
	v6 =	vmul.f32 v12, v8;
	v12 =	vld [tilespmem:s24+$0xFFFFFFA0]  }
0x26e: {  	[tilespmem:s24+$0xFFFFFF40] =	vst v5;
	v5 =	vmul.f32 v9, v8;
	v9 =	vld [tilespmem:s24+$0xFFFFFFB0]  }
0x26f: {  	[tilespmem:s24+$0xFFFFFF50] =	vst v6;
	v6 =	vmul.f32 v10, v8;
	v8 =	vld [tilespmem:s24+$0xFFFFFFC0]  }
0x270: {  	[tilespmem:s24+$0xFFFFFF60] =	vst v5;
	v5 =	vmul.f32 v11, v4;
	v10 =	vld [tilespmem:s24+$0xFFFFFFD0]  }
0x271: {  	[tilespmem:s24+$0xFFFFFF70] =	vst v6;
	v6 =	vmul.f32 v7, v4;
	v7 =	vld [tilespmem:s24+$0xFFFFFFE0]  }
0x272: {  	[tilespmem:s24+$0xFFFFFF80] =	vst v5;
	v5 =	vmul.f32 v12, v4;
	v11 =	vld [tilespmem:s24+$0xFFFFFFF0]  }
0x273: {  	[tilespmem:s24+$0xFFFFFF90] =	vst v6;
	v6 =	vmul.f32 v9, v4;
	v9 =	vld [tilespmem:s24+$0x0]  }
0x274: {  	[tilespmem:s24+$0xFFFFFFA0] =	vst v5;
	v5 =	vmul.f32 v8, v4;
	v8 =	vld [tilespmem:s24+$0x10]  }
0x275: {  	[tilespmem:s24+$0xFFFFFFB0] =	vst v6;
	v6 =	vmul.f32 v10, v4;
	v10 =	vld [tilespmem:s24+$0x20]  }
0x276: {  	[tilespmem:s24+$0xFFFFFFC0] =	vst v5;
	v5 =	vmul.f32 v7, v4;
	v7 =	vld [tilespmem:s24+$0x30]  }
0x277: {  	[tilespmem:s24+$0xFFFFFFD0] =	vst v6;
	v4 =	vmul.f32 v11, v4;
	v6 =	vld [tilespmem:s24+$0x40]  }
0x278: {  	[tilespmem:s24+$0xFFFFFFE0] =	vst v5;
	v5 =	vmul.f32 v9, v3;
	v9 =	vld [tilespmem:s24+$0x50]  }
0x279: {  	[tilespmem:s24+$0xFFFFFFF0] =	vst v4;
	v4 =	vmul.f32 v8, v3;
	v8 =	vld [tilespmem:s24+$0x60]  }
0x27a: {  	[tilespmem:s24+$0x0] =	vst v5;
	v5 =	vmul.f32 v10, v3;
	v10 =	vld [tilespmem:s24+$0x70]  }
0x27b: {  	[tilespmem:s24+$0x10] =	vst v4;
	v4 =	vmul.f32 v7, v3;
	v7 =	vld [tilespmem:s24+$0x80]  }
0x27c: {  	[tilespmem:s24+$0x20] =	vst v5;
	v5 =	vmul.f32 v6, v3;
	v6 =	vld [tilespmem:s24+$0x90]  }
0x27d: {  	[tilespmem:s24+$0x30] =	vst v4;
	v4 =	vmul.f32 v9, v3;
	v9 =	vld [tilespmem:s24+$0xA0]  }
0x27e: {  	[tilespmem:s24+$0x40] =	vst v5;
	v5 =	vmul.f32 v8, v3;
	v8 =	vld [tilespmem:s24+$0xB0]  }
0x27f: {  	[tilespmem:s24+$0x50] =	vst v4;
	v3 =	vmul.f32 v10, v3;
	v4 =	vld [tilespmem:s24+$0xC0]  }
0x280: {  	[tilespmem:s24+$0x60] =	vst v5;
	v5 =	vmul.f32 v7, v2;
	v7 =	vld [tilespmem:s24+$0xD0]  }
0x281: {  	[tilespmem:s24+$0x70] =	vst v3;
	v3 =	vmul.f32 v6, v2;
	v6 =	vld [tilespmem:s24+$0xE0]  }
0x282: {  	[tilespmem:s24+$0x80] =	vst v5;
	v5 =	vmul.f32 v9, v2;
	v9 =	vld [tilespmem:s24+$0xF0]  }
0x283: {  	s0 =	sadd.s32 $0x1, s25;
	v10 =	vmov s25;
	[tilespmem:s24+$0x90] =	vst v3;
	v3 =	vmul.f32 v8, v2;
	v8 =	vld [tilespmem:s24+$0x100]  }
0x284: {  	s26 =	sadd.s32 $0x3, s25;
	v11 =	vmov s0;
	s0 =	sadd.s32 $0x2, s25;
	v10 =	vand.u32 $0x78, v10;
	[tilespmem:s24+$0xA0] =	vst v5;
	v4 =	vmul.f32 v4, v2;
	v5 =	vld [tilespmem:s24+$0x110]  }
0x285: {  	v13 =	vmov s26;
	s26 =	sadd.s32 $0x5, s25;
	v12 =	vmov s0;
	s0 =	sadd.s32 $0x4, s25;
	[tilespmem:s24+$0xB0] =	vst v3;
	v3 =	vmul.f32 v7, v2;
	v7 =	vld [tilespmem:s24+$0x120]  }
0x286: {  	v15 =	vmov s26;
	v14 =	vmov s0;
	s0 =	sadd.s32 $0x6, s25;
	[tilespmem:s24+$0xC0] =	vst v4;
	v4 =	vmul.f32 v6, v2;
	v6 =	vld [tilespmem:s24+$0x130]  }
0x287: {  	v16 =	vmov s0;
	v10 =	vor.u32 $0xD00, v10;
	[tilespmem:s24+$0xD0] =	vst v3;
	v2 =	vmul.f32 v9, v2;
	v3 =	vld [tilespmem:s24+$0x140]  }
0x288: {  	v9 =	vand.u32 $0x79, v11;
	v11 =	vand.u32 $0x7A, v12;
	[tilespmem:s24+$0xE0] =	vst v4;
	v4 =	vmul.f32 v8, v1;
	v8 =	vld [tilespmem:s24+$0x150]  }
0x289: {  	v12 =	vand.u32 $0x7B, v13;
	v13 =	vand.u32 $0x7C, v14;
	[tilespmem:s24+$0xF0] =	vst v2;
	v5 =	vmul.f32 v5, v1;
	v14 =	vld [tilespmem:s24+$0x160]  }
0x28a: {  	v15 =	vand.u32 $0x7D, v15;
	v16 =	vand.u32 $0x7E, v16;
	[tilespmem:s24+$0x100] =	vst v4;
	v4 =	vmul.f32 v7, v1;
	v17 =	vld [tilespmem:s24+$0x170]  }
.Ltmp3:
0x28b: {  	v2 =	vbroadcast v10, $0x0;
	v7 =	vor.u32 $0xD00, v9;
	[tilespmem:s24+$0x110] =	vst v5;
	v9 =	vmul.f32 v6, v1;
	v5 =	vld [tilespmem:s24+$0x180];
	(pc) =	sbr.rel @p0 .LBB2_9-.Ltmp3, $4  }
0x28c: {  	v18 =	vor.u32 $0xD00, v12;
	v10 =	vor.u32 $0xD00, v11;
	[tilespmem:s24+$0x120] =	vst v4;
	v11 =	vmul.f32 v3, v1;
	v6 =	vld [tilespmem:s24+$0x190]  }
0x28d: {  	v12 =	vor.u32 $0xD00, v13;
	v3 =	vbroadcast v7, $0x0;
	[tilespmem:s24+$0x130] =	vst v9;
	v9 =	vmul.f32 v8, v1;
	v7 =	vld [tilespmem:s24+$0x1A0]  }
0x28e: {  	v13 =	vor.u32 $0xD00, v15;
	v4 =	vbroadcast v10, $0x0;
	[tilespmem:s24+$0x140] =	vst v11;
	v11 =	vmul.f32 v14, v1;
	v8 =	vld [tilespmem:s24+$0x1B0]  }
0x28f: {  	s26 =	sadd.s32 $0x7, s25;
	s25 =	sadd.s32 $0x8, s25;
	v10 =	vbroadcast v18, $0x0;
	v14 =	vor.u32 $0xD00, v16;
	[tilespmem:s24+$0x150] =	vst v9;
	v1 =	vmul.f32 v17, v1;
	v9 =	vld [tilespmem:s24+$0x1C0]  }
0x290: {  	_ =	sdelay $0x1  }
0x291: {  	v16 =	vld [tilespmem:s24+$0x1D0]  }
0x292: {  	v17 =	vld [tilespmem:s24+$0x1E0]  }
0x293: {  	v18 =	vld.idx.msk [tilespmem:v2+s16+$0x0], $0xffff  }
0x294: {  	v38 =	vld.idx.msk [tilespmem:v3+s16+$0x0], $0xffff  }
0x295: {  	v19 =	vld.idx.msk [tilespmem:v4+s16+$0x0], $0xffff  }
0x296: {  	s25 =	sadd.s32 $0x400, s24;
	v10 =	vld.idx.msk [tilespmem:v10+s16+$0x0], $0xffff  }
0x297: {  	v42 =	vld [tilespmem:s25+$0xFFFFFE00]  }
0x298: {  	v44 =	vld [tilespmem:s25+$0xFFFFFE10]  }
0x299: {  	[tilespmem:s24+$0x160] =	vst v11;
	v5 =	vmul.f32 v5, v0;
	v46 =	vld [tilespmem:s25+$0xFFFFFE20]  }
0x29a: {  	[tilespmem:s24+$0x170] =	vst v1;
	v6 =	vmul.f32 v6, v0;
	v48 =	vld [tilespmem:s25+$0xFFFFFE30]  }
0x29b: {  	v49 =	vld [tilespmem:s25+$0xFFFFFE40];
	[tilespmem:s24+$0x180] =	vst v5;
	v39 =	vmul.f32 v7, v0  }
0x29c: {  	v51 =	vld [tilespmem:s25+$0xFFFFFE50];
	[tilespmem:s24+$0x190] =	vst v6;
	v41 =	vmul.f32 v8, v0  }
0x29d: {  	v52 =	vld [tilespmem:s25+$0xFFFFFE60];
	[tilespmem:s24+$0x1A0] =	vst v39;
	v43 =	vmul.f32 v9, v0  }
0x29e: {  	v54 =	vld [tilespmem:s25+$0xFFFFFE70];
	[tilespmem:s24+$0x1B0] =	vst v41;
	v45 =	vmul.f32 v16, v0  }
0x29f: {  	v55 =	vld [tilespmem:s25+$0xFFFFFE80];
	v47 =	vmul.f32 v17, v0;
	[tilespmem:s24+$0x1C0] =	vst v43  }
0x2a0: {  	v57 =	vld [tilespmem:s25+$0xFFFFFE90];
	v50 =	vmul.f32 v42, v18;
	[tilespmem:s24+$0x1D0] =	vst v45  }
0x2a1: {  	v59 =	vld [tilespmem:s25+$0xFFFFFEA0];
	v9 =	vmul.f32 v44, v18;
	[tilespmem:s24+$0x1E0] =	vst v47  }
0x2a2: {  	v12 =	vbroadcast v12, $0x0;
	v61 =	vld [tilespmem:s25+$0xFFFFFEB0];
	v53 =	vmul.f32 v46, v18;
	[tilespmem:s25+$0xFFFFFE00] =	vst v50  }
0x2a3: {  	v63 =	vld [tilespmem:s25+$0xFFFFFEC0];
	v5 =	vmul.f32 v48, v18;
	[tilespmem:s25+$0xFFFFFE10] =	vst v9  }
0x2a4: {  	v21 =	vld [tilespmem:s25+$0xFFFFFF00];
	v56 =	vmul.f32 v49, v18;
	[tilespmem:s25+$0xFFFFFE20] =	vst v53  }
0x2a5: {  	v23 =	vld [tilespmem:s25+$0xFFFFFF10];
	v58 =	vmul.f32 v51, v18;
	[tilespmem:s25+$0xFFFFFE30] =	vst v5  }
0x2a6: {  	v25 =	vld [tilespmem:s25+$0xFFFFFF20];
	v60 =	vmul.f32 v52, v18;
	[tilespmem:s25+$0xFFFFFE40] =	vst v56  }
0x2a7: {  	v27 =	vld [tilespmem:s25+$0xFFFFFF30];
	v62 =	vmul.f32 v54, v18;
	[tilespmem:s25+$0xFFFFFE50] =	vst v58  }
0x2a8: {  	v15 =	vmov s26;
	v4 =	vld.idx.msk [tilespmem:v12+s16+$0x0], $0xffff;
	v12 =	vmul.f32 v55, v38;
	[tilespmem:s25+$0xFFFFFE60] =	vst v60  }
0x2a9: {  	v36 =	vbroadcast v14, $0x0;
	v15 =	vand.u32 $0x7F, v15;
	v33 =	vld [tilespmem:s25+$0xFFFFFF60];
	v17 =	vmul.f32 v59, v38;
	[tilespmem:s25+$0xFFFFFE70] =	vst v62  }
0x2aa: {  	v13 =	vbroadcast v13, $0x0;
	v35 =	vld [tilespmem:s25+$0xFFFFFF70];
	v37 =	vor.u32 $0xD00, v15;
	v20 =	vmul.f32 v61, v38;
	[tilespmem:s25+$0xFFFFFE80] =	vst v12  }
0x2ab: {  	v14 =	vbroadcast v37, $0x0;
	v37 =	vld [tilespmem:s25+$0xFFFFFF80];
	v22 =	vmul.f32 v63, v38;
	[tilespmem:s25+$0xFFFFFEA0] =	vst v17  }
0x2ac: {  	v39 =	vld [tilespmem:s25+$0xFFFFFF90];
	v30 =	vmul.f32 v21, v19;
	[tilespmem:s25+$0xFFFFFEB0] =	vst v20  }
0x2ad: {  	v16 =	vld [tilespmem:s25+$0xFFFFFEE0];
	v32 =	vmul.f32 v23, v19;
	[tilespmem:s25+$0xFFFFFEC0] =	vst v22  }
0x2ae: {  	v41 =	vld [tilespmem:s25+$0xFFFFFFA0];
	v34 =	vmul.f32 v25, v19;
	[tilespmem:s25+$0xFFFFFF00] =	vst v30  }
0x2af: {  	v2 =	vld.idx.msk [tilespmem:v36+s16+$0x0], $0xffff;
	v36 =	vmul.f32 v27, v19;
	[tilespmem:s25+$0xFFFFFF10] =	vst v32  }
0x2b0: {  	v3 =	vld.idx.msk [tilespmem:v13+s16+$0x0], $0xffff;
	v42 =	vmul.f32 v33, v19;
	[tilespmem:s25+$0xFFFFFF20] =	vst v34  }
0x2b1: {  	v13 =	vld [tilespmem:s25+$0xFFFFFED0];
	v44 =	vmul.f32 v35, v19;
	[tilespmem:s25+$0xFFFFFF30] =	vst v36  }
0x2b2: {  	v18 =	vld [tilespmem:s25+$0xFFFFFEF0];
	[tilespmem:s25+$0xFFFFFF60] =	vst v42;
	v46 =	vmul.f32 v37, v10  }
0x2b3: {  	[tilespmem:s25+$0xFFFFFF70] =	vst v44;
	v1 =	vld.idx.msk [tilespmem:v14+s16+$0x0], $0xffff;
	v14 =	vmul.f32 v57, v38  }
0x2b4: {  	v29 =	vld [tilespmem:s25+$0xFFFFFF40];
	v48 =	vmul.f32 v39, v10;
	[tilespmem:s25+$0xFFFFFF80] =	vst v46  }
0x2b5: {  	v43 =	vld [tilespmem:s25+$0xFFFFFFB0];
	v26 =	vmul.f32 v16, v38;
	[tilespmem:s25+$0xFFFFFE90] =	vst v14  }
0x2b6: {  	v49 =	vld [tilespmem:s25+$0xFFFFFFE0];
	v50 =	vmul.f32 v41, v10;
	[tilespmem:s25+$0xFFFFFF90] =	vst v48  }
0x2b7: {  	v51 =	vld [tilespmem:s25+$0xFFFFFFF0];
	v24 =	vmul.f32 v13, v38;
	[tilespmem:s25+$0xFFFFFEE0] =	vst v26  }
0x2b8: {  	v55 =	vld [tilespmem:s25+$0x10];
	v28 =	vmul.f32 v18, v38;
	[tilespmem:s25+$0xFFFFFFA0] =	vst v50  }
0x2b9: {  	v59 =	vld [tilespmem:s25+$0x30];
	v38 =	vmul.f32 v29, v19;
	[tilespmem:s25+$0xFFFFFED0] =	vst v24  }
0x2ba: {  	v61 =	vld [tilespmem:s25+$0x40];
	v52 =	vmul.f32 v43, v10;
	[tilespmem:s25+$0xFFFFFEF0] =	vst v28  }
0x2bb: {  	v63 =	vld [tilespmem:s25+$0x50];
	v58 =	vmul.f32 v49, v10;
	[tilespmem:s25+$0xFFFFFF40] =	vst v38  }
0x2bc: {  	v21 =	vld [tilespmem:s25+$0xA0];
	v60 =	vmul.f32 v51, v10;
	[tilespmem:s25+$0xFFFFFFB0] =	vst v52  }
0x2bd: {  	v45 =	vld [tilespmem:s25+$0xFFFFFFC0];
	v12 =	vmul.f32 v55, v4;
	[tilespmem:s25+$0xFFFFFFE0] =	vst v58  }
0x2be: {  	v47 =	vld [tilespmem:s25+$0xFFFFFFD0];
	v16 =	vmul.f32 v59, v4;
	[tilespmem:s25+$0xFFFFFFF0] =	vst v60  }
0x2bf: {  	v53 =	vld [tilespmem:s25+$0x0];
	v18 =	vmul.f32 v61, v4;
	[tilespmem:s25+$0x10] =	vst v12  }
0x2c0: {  	v17 =	vld [tilespmem:s25+$0x80];
	v20 =	vmul.f32 v63, v4;
	[tilespmem:s25+$0x30] =	vst v16  }
0x2c1: {  	v34 =	vld [tilespmem:s25+$0x110];
	v29 =	vmul.f32 v21, v3;
	[tilespmem:s25+$0x40] =	vst v18  }
0x2c2: {  	v36 =	vld [tilespmem:s25+$0x120];
	v54 =	vmul.f32 v45, v10;
	[tilespmem:s25+$0x50] =	vst v20  }
0x2c3: {  	v40 =	vld [tilespmem:s25+$0x1F0];
	v56 =	vmul.f32 v47, v10;
	[tilespmem:s25+$0xA0] =	vst v29  }
0x2c4: {  	v31 =	vld [tilespmem:s25+$0xFFFFFF50];
	v62 =	vmul.f32 v53, v4;
	[tilespmem:s25+$0xFFFFFFC0] =	vst v54  }
0x2c5: {  	v57 =	vld [tilespmem:s25+$0x20];
	v25 =	vmul.f32 v17, v3;
	[tilespmem:s25+$0xFFFFFFD0] =	vst v56  }
0x2c6: {  	v23 =	vld [tilespmem:s25+$0xB0];
	v42 =	vmul.f32 v34, v2;
	[tilespmem:s25+$0x0] =	vst v62  }
0x2c7: {  	v39 =	vld [tilespmem:s25+$0x140];
	v44 =	vmul.f32 v36, v2;
	[tilespmem:s25+$0x80] =	vst v25  }
0x2c8: {  	v41 =	vld [tilespmem:s25+$0x150];
	v7 =	vmul.f32 v40, v1;
	[tilespmem:s25+$0x110] =	vst v42  }
0x2c9: {  	v13 =	vld [tilespmem:s25+$0x60];
	v40 =	vmul.f32 v31, v19;
	[tilespmem:s25+$0x120] =	vst v44  }
0x2ca: {  	v15 =	vld [tilespmem:s25+$0x70];
	v14 =	vmul.f32 v57, v4;
	[tilespmem:s25+$0x1F0] =	vst v7  }
0x2cb: {  	v32 =	vld [tilespmem:s25+$0x100];
	v31 =	vmul.f32 v23, v3;
	[tilespmem:s25+$0xFFFFFF50] =	vst v40  }
0x2cc: {  	v43 =	vld [tilespmem:s25+$0x160];
	v48 =	vmul.f32 v39, v2;
	[tilespmem:s25+$0x20] =	vst v14  }
0x2cd: {  	v49 =	vld [tilespmem:s25+$0x190];
	v50 =	vmul.f32 v41, v2;
	[tilespmem:s25+$0xB0] =	vst v31  }
0x2ce: {  	v51 =	vld [tilespmem:s25+$0x1A0];
	v22 =	vmul.f32 v13, v4;
	[tilespmem:s25+$0x140] =	vst v48  }
0x2cf: {  	v26 =	vld [tilespmem:s25+$0xD0];
	v4 =	vmul.f32 v15, v4;
	[tilespmem:s25+$0x150] =	vst v50  }
0x2d0: {  	v47 =	vld [tilespmem:s25+$0x180];
	v40 =	vmul.f32 v32, v2;
	[tilespmem:s25+$0x60] =	vst v22  }
0x2d1: {  	v24 =	vld [tilespmem:s25+$0xC0];
	v52 =	vmul.f32 v43, v2;
	[tilespmem:s25+$0x70] =	vst v4  }
0x2d2: {  	v28 =	vld [tilespmem:s25+$0xE0];
	v57 =	vmul.f32 v49, v1;
	[tilespmem:s25+$0x100] =	vst v40  }
0x2d3: {  	v38 =	vld [tilespmem:s25+$0x130];
	v59 =	vmul.f32 v51, v1;
	[tilespmem:s25+$0x160] =	vst v52  }
0x2d4: {  	v45 =	vld [tilespmem:s25+$0x170];
	v35 =	vmul.f32 v26, v3;
	[tilespmem:s25+$0x190] =	vst v57  }
0x2d5: {  	v53 =	vld [tilespmem:s25+$0x1B0];
	v55 =	vmul.f32 v47, v1;
	[tilespmem:s25+$0x1A0] =	vst v59  }
0x2d6: {  	v58 =	vld [tilespmem:s25+$0x1E0];
	v33 =	vmul.f32 v24, v3;
	[tilespmem:s25+$0xD0] =	vst v35  }
0x2d7: {  	v19 =	vld [tilespmem:s25+$0x90];
	v37 =	vmul.f32 v28, v3;
	[tilespmem:s25+$0x180] =	vst v55  }
0x2d8: {  	v30 =	vld [tilespmem:s25+$0xF0];
	v46 =	vmul.f32 v38, v2;
	[tilespmem:s25+$0xC0] =	vst v33  }
0x2d9: {  	v54 =	vld [tilespmem:s25+$0x1C0];
	v2 =	vmul.f32 v45, v2;
	[tilespmem:s25+$0xE0] =	vst v37  }
0x2da: {  	v56 =	vld [tilespmem:s25+$0x1D0];
	v60 =	vmul.f32 v53, v1;
	[tilespmem:s25+$0x130] =	vst v46  }
0x2db: {  	v63 =	vmul.f32 v58, v1;
	[tilespmem:s25+$0x170] =	vst v2  }
0x2dc: {  	v27 =	vmul.f32 v19, v3;
	[tilespmem:s25+$0x1B0] =	vst v60  }
0x2dd: {  	v3 =	vmul.f32 v30, v3;
	[tilespmem:s25+$0x1E0] =	vst v63  }
0x2de: {  	v61 =	vmul.f32 v54, v1;
	[tilespmem:s25+$0x90] =	vst v27  }
0x2df: {  	s23 =	sadd.s32 $0x1, s23;
	v62 =	vmul.f32 v56, v1;
	[tilespmem:s25+$0xF0] =	vst v3  }
0x2e0: {  	p0 =	sne.s32 s23, $0x3;
	[tilespmem:s25+$0x1C0] =	vst v61  }
.Ltmp4:
0x2e1: {  	[tilespmem:s25+$0x1D0] =	vst v62;
	(pc) =	sbr.rel @p0 .LBB2_2-.Ltmp4, $4  }
0x2e2: {  	[spmem:s3] =	stream.indirect.scatter.add.f32 [tilespmem:s18], [sflag:$0x3], $0x80, s22, s17, $0xb8;
	[tilespmem:$0x1F000] =	vst v63  }
0x2e3: {  	_ =	swait.ge [sflag:s14], $0x4000  }
0x2e4: {  	[sflag:s14] =	ssyncset.done $0x0  }
0x2e5: {  	[sflag:s14] =	ssyncadd.s32 $0xFFFFC000  }
0x2e6: {  	s4 =	sadd.s32 $0x1, s4  }
0x2e7: {  	p0 =	sne.s32 s4, s12  }
.Ltmp5:
0x2e8: {  	[bflag:$0x0] =	sbarrier.arrive $0xFFFF;
	(pc) =	sbr.rel @p0 .LBB2_1-.Ltmp5, $4  }
0x2e9: {  	[hbm:s11], [sflag:s9] =	dma.local [spmem:s13], $0x2800  }
0x2ea: {  	_ =	swait.ge [sflag:s14], $0x2800  }
0x2eb: {  	[sflag:s14] =	ssyncset.done $0x0  }
0x2ec: {  	[sflag:s14] =	ssyncadd.s32 $0xFFFFD800  }
0x2ed: {  	_ =	sfence.sel $0x180000  }
0x2ee: {  	[bflag:$0x0] =	sbarrier.arrive $0xFFFF  }
0x2ef: {  	_ =	strace $0x9000004A  }
0x2f0: {  	[bflag:$0x2] =	sbarrier.arrive $0xFFFF  }
0x2f1: {  	p0 =	sne.s32 s1, $0x0;
	s0 =	rddreg [dreg:$0x3]  }
0x2f2: {  	s0 =	sadd.s32 @!p0 $0x100000, s0  }
0x2f3: {  	[sflag:s0] =	ssyncadd.tile.s32 @!p0 $0x1;
	_ =	shalt  }
.Lfunc_end2:
_tile_overlayer_lowered:
.L_overlay_start_2:
0x2f4: {  	(tag) =	ssettag $0x2  }
0x2f5: {  	s0 =	rddreg [dreg:$0x0];
	s2 =	stileid.u32  }
0x2f6: {  	s1 =	rddreg [dreg:$0x1];
	p0 =	sne.s32 s2, $0x0  }
0x2f7: {  	s3 =	rddreg [dreg:$0x2];
	[bflag:$0x3] =	sbarrier.arrive $0xFFFF;
	s2 =	simm.s32 @!p0 $0x1C03  }
0x2f8: {  	[timem:s3], [sflag:s2] =	dma.local @!p0 [hbm:s0], s1  }
0x2f9: {  	s0 =	simm.s32 @!p0 $0x3  }
0x2fa: {  	_ =	swait.ge @!p0 [sflag:s0], s1  }
0x2fb: {  	s1 =	ssub.s32 @!p0 $0x0, s1;
	[sflag:s0] =	ssyncset.done @!p0 $0x0  }
0x2fc: {  	[sflag:s0] =	ssyncadd.s32 @!p0 s1  }
0x2fd: {  	[bflag:$0x3] =	sbarrier.arrive $0xFFFF  }
0x2fe: {  	_ =	shalt  }

// kernel: kernel.15.cloned.1.call-start
scs
__scs_entry_jumppad:
0x0: {  	(pc) =	sbr.rel $0x88, $3  }
0x1: {  	(tag) =	ssettag $0x0;
	lr =	simm.s32 $0x1  }
0x2: {  	[smem:$0x3F97] =	sst lr;
	_ =	strace $0xD0000000  }
0x3: {  	_ = 	snop  }
0x4: {  	_ = 	snop  }
0x5: {  	_ = 	snop  }
0x6: {  	_ = 	snop  }
0x7: {  	_ = 	snop  }
__scs_overlays_trampoline_lowered:
0x8: {  	[smem:$0x3FA6] =	sst s0  }
0x9: {  	[smem:$0x3FA7] =	sst s1  }
0xa: {  	[smem:$0x3FA8] =	sst s2  }
0xb: {  	[smem:$0x3FA9] =	sst s3  }
0xc: {  	[smem:$0x3FAA] =	sst s4  }
0xd: {  	[smem:$0x3FAB] =	sst s5  }
0xe: {  	[smem:$0x3FAC] =	sst s6  }
0xf: {  	[smem:$0x3FAD] =	sst s7  }
0x10: {  	[smem:$0x3FAE] =	sst s8  }
0x11: {  	[smem:$0x3FAF] =	sst s9;
	s0 =	simm.s32 @!p0 $0x0  }
0x12: {  	s1 =	sld [smem:$0x3F95];
	s0 =	simm.s32 @p0 $0x1  }
0x13: {  	[smem:$0x3FB0] =	sst s0;
	s0 =	simm.s32 @!p1 $0x0  }
0x14: {  	s2 =	sld [smem:$0x3F94];
	s0 =	simm.s32 @p1 $0x1  }
0x15: {  	[smem:$0x3FB1] =	sst s0;
	s0 =	simm.s32 @!p2 $0x0  }
0x16: {  	s3 =	sld [smem:$0x3FDB];
	s0 =	simm.s32 @p2 $0x1  }
0x17: {  	s4 =	simm.s32 $0x1BF5;
	[smem:$0x3FB3] =	sst s0  }
0x18: {  	s0 =	sld [smem:$0x3F96];
	_ =	swait.ge [sflag:s4], $0x0  }
0x19: {  	s7 =	sld [smem:$0x3F97]  }
0x1a: {  	s8 =	sadd.s32 $0xFFFFE003, lr  }
0x1b: {  	s9 =	sadd.s32 $0xFFFFFEF7, lr;
	s5 =	simm.s32 $0xFFFFFFFF;
	p2 =	slt.u32 s8, $0xFFFFF086  }
0x1c: {  	p1 =	slt.u32 s9, $0xF7A;
	s5 =	simm.s32 @!p2 $0x0  }
0x1d: {  	s5 =	simm.s32 @p1 $0x1;
	p0 =	seq.s32 s7, s2  }
0x1e: {  	s7 =	smul.u32 @!p0 $0xF7A, s2;
	p2 =	seq.s32 @!p0 s5, $0x0  }
0x1f: {  	s9 =	smul.u32 $0xF7A, s1;
	s8 =	simm.s32 @!p0 $0x1BF5;
	p2 =	por !p2, p0  }
0x20: {  	[sflag:s8] =	ssyncset.s32 @!p0 $0xFFFFF086;
	s6 =	sadd.s32 @!p0 s3, s7;
	s7 =	simm.s32 @!p0 $0x108  }
0x21: {  	s3 =	sadd.s32 s3, s9;
	s6 =	sadd.s32 @!p0 $0x88, s6;
	s7 =	simm.s32 @p2 $0x1082  }
0x22: {  	[simem:s7], [sflag:s8] =	dma.local @!p0 [hbm:s6], $0xF7A  }
0x23: {  	s9 =	sor.u32 $0xD0000000, s2;
	s6 =	simm.s32 $0x108;
	_ =	swait.ge @!p0 [sflag:s8], $0x0  }
0x24: {  	s3 =	sadd.s32 $0x88, s3;
	s6 =	simm.s32 @!p1 $0x1082;
	[sflag:s4] =	ssyncset.s32 $0xFFFFF086  }
0x25: {  	[simem:s6], [sflag:s4] =	dma.local [hbm:s3], $0xF7A  }
0x26: {  	[smem:$0x3F97] =	sst s1;
	(tag) =	ssettag s2;
	_ =	strace s9  }
0x27: {  	s1 =	sld [smem:$0x3FA7]  }
0x28: {  	s2 =	sld [smem:$0x3FA8]  }
0x29: {  	s4 =	sld [smem:$0x3FAA]  }
0x2a: {  	p0 =	seq.s32 s5, $0x0;
	s5 =	sld [smem:$0x3FAB]  }
0x2b: {  	s6 =	sld [smem:$0x3FAC]  }
0x2c: {  	s7 =	sld [smem:$0x3FAD]  }
0x2d: {  	s3 =	simm.s32 $0x108;
	s8 =	sld [smem:$0x3FAE]  }
0x2e: {  	s3 =	simm.s32 @!p0 $0x1082;
	s9 =	sld [smem:$0x3FAF]  }
0x2f: {  	lr =	sadd.s32 s0, s3;
	s0 =	sld [smem:$0x3FA6]  }
0x30: {  	s3 =	sld [smem:$0x3FA9]  }
0x31: {  	[smem:$0x3FB2] =	sst s10  }
0x32: {  	s10 =	sld [smem:$0x3FB0];
	_ =	sdelay $0x3  }
0x33: {  	p0 =	seq.s32 s10, $0x1;
	s10 =	sld [smem:$0x3FB2];
	_ =	sdelay $0x3  }
0x34: {  	[smem:$0x3FB2] =	sst s10  }
0x35: {  	s10 =	sld [smem:$0x3FB1];
	_ =	sdelay $0x3  }
0x36: {  	p1 =	seq.s32 s10, $0x1;
	s10 =	sld [smem:$0x3FB2];
	_ =	sdelay $0x3  }
0x37: {  	[smem:$0x3FB2] =	sst s10  }
0x38: {  	s10 =	sld [smem:$0x3FB3]  }
0x39: {  	_ = 	snop;
	(pc) =	sbr.ind lr, $3  }
0x3a: {  	_ = 	snop  }
0x3b: {  	_ = 	snop  }
0x3c: {  	p2 =	seq.s32 s10, $0x1;
	s10 =	sld [smem:$0x3FB2]  }
0x3d: {  	_ =	shalt  }
0x3e: {  	_ =	shalt  }
0x3f: {  	_ =	shalt  }
0x40: {  	_ =	shalt  }
0x41: {  	_ =	shalt  }
0x42: {  	_ =	shalt  }
0x43: {  	_ =	shalt  }
0x44: {  	_ =	shalt  }
0x45: {  	_ =	shalt  }
0x46: {  	_ =	shalt  }
0x47: {  	_ =	shalt  }
0x48: {  	_ =	shalt  }
0x49: {  	_ =	shalt  }
0x4a: {  	_ =	shalt  }
0x4b: {  	_ =	shalt  }
0x4c: {  	_ =	shalt  }
0x4d: {  	_ =	shalt  }
0x4e: {  	_ =	shalt  }
0x4f: {  	_ =	shalt  }
0x50: {  	_ =	shalt  }
0x51: {  	_ =	shalt  }
0x52: {  	_ =	shalt  }
0x53: {  	_ =	shalt  }
0x54: {  	_ =	shalt  }
0x55: {  	_ =	shalt  }
0x56: {  	_ =	shalt  }
0x57: {  	_ =	shalt  }
0x58: {  	_ =	shalt  }
0x59: {  	_ =	shalt  }
0x5a: {  	_ =	shalt  }
0x5b: {  	_ =	shalt  }
0x5c: {  	_ =	shalt  }
0x5d: {  	_ =	shalt  }
0x5e: {  	_ =	shalt  }
0x5f: {  	_ =	shalt  }
0x60: {  	_ =	shalt  }
0x61: {  	_ =	shalt  }
0x62: {  	_ =	shalt  }
0x63: {  	_ =	shalt  }
0x64: {  	_ =	shalt  }
0x65: {  	_ =	shalt  }
0x66: {  	_ =	shalt  }
0x67: {  	_ =	shalt  }
0x68: {  	_ =	shalt  }
0x69: {  	_ =	shalt  }
0x6a: {  	_ =	shalt  }
0x6b: {  	_ =	shalt  }
0x6c: {  	_ =	shalt  }
0x6d: {  	_ =	shalt  }
0x6e: {  	_ =	shalt  }
0x6f: {  	_ =	shalt  }
0x70: {  	_ =	shalt  }
0x71: {  	_ =	shalt  }
0x72: {  	_ =	shalt  }
0x73: {  	_ =	shalt  }
0x74: {  	_ =	shalt  }
0x75: {  	_ =	shalt  }
0x76: {  	_ =	shalt  }
0x77: {  	_ =	shalt  }
0x78: {  	_ =	shalt  }
0x79: {  	_ =	shalt  }
0x7a: {  	_ =	shalt  }
0x7b: {  	_ =	shalt  }
0x7c: {  	_ =	shalt  }
0x7d: {  	_ =	shalt  }
0x7e: {  	_ =	shalt  }
0x7f: {  	_ =	shalt  }
0x80: {  	_ =	shalt  }
0x81: {  	_ =	shalt  }
0x82: {  	_ =	shalt  }
0x83: {  	_ =	shalt  }
0x84: {  	_ =	shalt  }
0x85: {  	_ =	shalt  }
0x86: {  	_ =	shalt  }
0x87: {  	_ =	shalt  }
.Lfunc_end0:
.L_simem_size_0:
called_computation.2_lowered:
.L_overlay_start_0:
0x88: {  	s2 =	sld [smem:$0x3FD9]  }
0x89: {  	s3 =	sld [smem:$0x3FFE];
	_ =	sdelay $0x1  }
0x8a: {  	s1 =	srdreg.scid  }
0x8b: {  	s0 =	sand.u32 $0x1, s1  }
0x8c: {  	s16 =	sshll.u32 s0, $0xA;
	s2 =	sadd.s32 s3, s2  }
0x8d: {  	s2 =	sadd.s32 s2, s16  }
0x8e: {  	[smem:$0x3FBE] =	sst s2  }
0x8f: {  	_ = 	snop  }
0x90: {  	(tm) =	ssettm $0x1  }
0x91: {  	s17 =	sld [smem:$0x3FFB];
	_ =	sdelay $0x3  }
0x92: {  	_ =	strace s17  }
0x93: {  	s2 =	sld [smem:$0x3FFC];
	_ =	sdelay $0x3  }
0x94: {  	_ =	strace s2  }
0x95: {  	s2 =	sld [smem:$0x3FFD];
	_ =	sdelay $0x3  }
0x96: {  	_ =	strace s2  }
0x97: {  	_ =	strace $0x8FFFFFFF  }
0x98: {  	s18 =	sld [smem:$0x3FDB];
	_ =	sdelay $0x1  }
0x99: {  	s19 =	simm.s32 $_scs_section_size  }
0x9a: {  	s4 =	simm.s32 $_size__tile_overlayer_lowered;
	s5 =	simm.s32 $_tile_overlayer_lowered  }
0x9b: {  	s22 =	simm.s32 $0x1BFF;
	s21 =	sshll.u32 s5, $0x1;
	s2 =	sadd.s32 s19, s18  }
0x9c: {  	s6 =	simm.s32 $0x0;
	s20 =	sshll.u32 s4, $0x1;
	s4 =	sadd.s32 s21, s2  }
0x9d: {  	[timem:s6], [sflag:s22] =	dma.local [hbm:s4], s20  }
0x9e: {  	_ =	swait.ge [sflag:s22], s20  }
0x9f: {  	s3 =	ssub.s32 $0x0, s20;
	[sflag:s22] =	ssyncset.done $0x0  }
0xa0: {  	[sflag:s22] =	ssyncadd.s32 s3;
	_ =	sdelay $0x1  }
0xa1: {  	s23 =	simm.s32 $0x1B8B  }
0xa2: {  	_ =	swait.ge [sflag:s23], $0x1  }
0xa3: {  	[sflag:s23] =	ssyncset.done $0x0  }
0xa4: {  	s25 =	simm.s32 $0x1B8E;
	s24 =	sld [smem:$0x3FFE];
	[sflag:s23] =	ssyncadd.s32 $0xFFFFFFFF  }
0xa5: {  	s26 =	simm.s32 $execute0_lowered;
	[smem:$0x3FD2] =	sst s25  }
0xa6: {  	s4 =	sshll.u32 s26, $0x1;
	_ =	strace $0x8000004C;
	[dreg:$0x1] =	wrdreg $0xFFFFFFFF  }
0xa7: {  	s28 =	simm.s32 $_size_execute0_lowered;
	s2 =	sadd.s32 s2, s4;
	[dreg:$0x0] =	wrdreg $0x0  }
0xa8: {  	s4 =	sshll.u32 s28, $0x1;
	[dreg:$0x2] =	wrdreg s2  }
0xa9: {  	[dreg:$0x3] =	wrdreg s4  }
0xaa: {  	[dreg:$0x4] =	wrdreg $0xC0  }
0xab: {  	_ =	task [dreg:s6], $0x5FFFF  }
0xac: {  	[dreg:$0x1] =	wrdreg $0xFFFFFFFF  }
0xad: {  	[dreg:$0x0] =	wrdreg $0x60  }
0xae: {  	[dreg:$0x2] =	wrdreg s24  }
0xaf: {  	[dreg:$0x3] =	wrdreg $0x9  }
0xb0: {  	_ =	task.clear_ibuf [dreg:s6], $0x4FFFF;
	_ =	strace $0x9000004C  }
0xb1: {  	s29 =	simm.s32 $0x9;
	_ =	strace $0x8000004E  }
0xb2: {  	_ =	swait.ge [sflag:s29], $0x1  }
0xb3: {  	[sflag:s29] =	ssyncadd.s32 $0xFFFFFFFF  }
0xb4: {  	_ =	strace $0x9000004E  }
0xb5: {  	_ =	sfence  }
0xb6: {  	s30 =	sld [smem:$0x0];
	_ =	sdelay $0x2  }
0xb7: {  	s31 =	sshll.u32 s1, $0xD;
	s1 =	sshrl.u32 s1, $0x2  }
0xb8: {  	s3 =	sand.u32 $0x4000, s31;
	s1 =	sadd.s32 s1, s30  }
0xb9: {  	s0 =	sor.u32 s3, s0;
	s1 =	sshll.u32 s1, $0x11  }
0xba: {  	s0 =	sor.u32 s1, s0  }
0xbb: {  	s0 =	sadd.s32 $0x8F2B, s0  }
0xbc: {  	[sflag:s0] =	ssyncadd.remote.s32 $0x1  }
0xbd: {  	_ =	sfence.sel $0xFFFF  }
0xbe: {  	[dreg:$0x0] =	wrdreg $0xFFFFFFFF;
	(pc) =	sbr.abs _section_cstart, $3  }
0xbf: {  	[dreg:$0x1] =	wrdreg $0xFFFFFFFF  }
0xc0: {  	_ =	task.clear_ibuf [dreg:s6], $0x2FFFF;
	_ =	strace $0x9FFFFFFF  }
0xc1: {  	(tm) =	ssettm $0x7FFFFFFF  }
tec
execute0_lowered:
.L_overlay_start_1:
0x0: {  	(tag) =	ssettag $0x1  }
0x1: {  	s6 =	rddreg [dreg:$0x0]  }
0x2: {  	s0 =	rddreg [dreg:$0x1];
	s3 =	srdreg.scid  }
0x3: {  	s2 =	simm.s32 $0x0;
	s1 =	stileid.u32;
	s12 =	simm.s32 $0x2800  }
0x4: {  	s13 =	simm.s32 $0x5000;
	s14 =	simm.s32 $0x5080;
	s15 =	simm.s32 $0x7C80  }
0x5: {  	s16 =	simm.s32 $0xD480;
	s17 =	simm.s32 $0xA880;
	s18 =	simm.s32 $0x0  }
0x6: {  	s7 =	sand.u32 $0x1, s3;
	[smem:$0x7FF] =	sst s2;
	s9 =	smul.u32 $0x2800, s1  }
0x7: {  	s29 =	sshll.u32 s1, $0x1;
	s3 =	sadd.s32 $0x63E00, s6;
	s8 =	smul.u32 $0x28000, s7  }
0x8: {  	v0 =	vimm.f32 $0.0e+00;
	s4 =	sadd.s32 $0x64400, s6;
	_ =	strace $0x8000004D;
	s5 =	sor.u32 s7, s29  }
0x9: {  	vm0 =	vcmask $0x704;
	vm1 =	vcmask $0xB08;
	vm2 =	vcmask $0xF0C;
	s7 =	ssub.s32 $0x2, s7;
	s10 =	smul.u32 $0x580, s5;
	s8 =	sadd.s32 s9, s8  }
0xa: {  	vm3 =	vcmask $0x1310;
	vm4 =	vcmask $0x1714;
	vm5 =	vcmask $0x1B18;
	s5 =	sadd.s32 $0x64A00, s6;
	s31 =	sshrl.u32 s7, $0x1;
	s8 =	sshrl.u32 s8, $0x3  }
0xb: {  	vm6 =	vcmask $0x1F1C;
	vm7 =	vcmask $0x2320;
	vm8 =	vcmask $0x2724;
	s30 =	sadd.s32 s10, s6;
	s10 =	ssub.s32 s7, s31;
	s11 =	sadd.s32 s8, s6  }
0xc: {  	vm9 =	vcmask $0x2B28;
	vm10 =	vcmask $0x2F2C;
	vm11 =	vcmask $0x3330;
	s6 =	sadd.s32 $0x4000, s30;
	s7 =	sadd.s32 $0xF000, s30;
	s8 =	sadd.s32 $0x64C00, s30  }
0xd: {  	vm12 =	vcmask $0x3734;
	vm13 =	vcmask $0x3B38;
	vm14 =	vcmask $0x3F3C;
	s10 =	smax.u32 s10, $0x1;
	s9 =	sadd.s32 $0x42000, s11;
	s11 =	simm.s32 $0x1  }
.LBB2_1:
0xe: {  	[tilespmem:s2], [sflag:$0x1] =	stream.linear.gather [hbm4b:s3+s2], $0x2800, $0x38;
	[tilespmem:$0xFC80] =	vst v63  }
0xf: {  	_ =	swait.ge [sflag:s11], $0x2800  }
0x10: {  	[sflag:s11] =	ssyncset.done $0x0  }
0x11: {  	[sflag:s11] =	ssyncadd.s32 $0xFFFFD800  }
0x12: {  	[tilespmem:s12], [sflag:$0x1] =	stream.linear.gather [hbm4b:s4+s2], $0x2800, $0x38;
	[tilespmem:$0xFC80] =	vst v63  }
0x13: {  	_ =	swait.ge [sflag:s11], $0x2800  }
0x14: {  	[sflag:s11] =	ssyncset.done $0x0  }
0x15: {  	[sflag:s11] =	ssyncadd.s32 $0xFFFFD800  }
0x16: {  	[tilespmem:s13], [sflag:$0x1] =	stream.linear.gather [hbm4b:s5+s2], $0x80, $0x38;
	[tilespmem:$0xFC80] =	vst v63  }
0x17: {  	_ =	swait.ge [sflag:s11], $0x80  }
0x18: {  	[sflag:s11] =	ssyncset.done $0x0  }
0x19: {  	[sflag:s11] =	ssyncadd.s32 $0xFFFFFF80  }
0x1a: {  	[tilespmem:s14], [sflag:$0x1] =	stream.linear.gather [hbm4b:s6+s2], $0x2880, $0x38;
	[tilespmem:$0xFC80] =	vst v63  }
0x1b: {  	_ =	swait.ge [sflag:s11], $0x2880  }
0x1c: {  	[sflag:s11] =	ssyncset.done $0x0  }
0x1d: {  	[sflag:s11] =	ssyncadd.s32 $0xFFFFD780  }
0x1e: {  	[tilespmem:s15], [sflag:$0x1] =	stream.linear.gather [hbm4b:s7+s2], $0x2880, $0x38;
	[tilespmem:$0xFC80] =	vst v63  }
0x1f: {  	_ =	swait.ge [sflag:s11], $0x2880  }
0x20: {  	[sflag:s11] =	ssyncset.done $0x0  }
0x21: {  	s19 =	simm.s32 $0x0;
	s20 =	simm.s32 $0x200;
	[sflag:s11] =	ssyncadd.s32 $0xFFFFD780  }
.LBB2_2:
0x22: {  	p0 =	sne.s32 s20, $0x9E00;
	[tilespmem:s19+$0xD4F0] =	vst v0  }
0x23: {  	[tilespmem:s19+$0xD480] =	vst v0  }
0x24: {  	[tilespmem:s19+$0xD490] =	vst v0  }
.Ltmp0:
0x25: {  	[tilespmem:s19+$0xD4A0] =	vst v0;
	(pc) =	sbr.rel @p0 .LBB2_2-.Ltmp0, $4  }
0x26: {  	[tilespmem:s19+$0xD4B0] =	vst v0  }
0x27: {  	[tilespmem:s19+$0xD4C0] =	vst v0  }
0x28: {  	[tilespmem:s19+$0xD4D0] =	vst v0  }
0x29: {  	[tilespmem:s19+$0xD4E0] =	vst v0;
	s19 =	sshra.s32 s20, $0x2;
	s20 =	sadd.s32 $0x200, s20  }
0x2a: {  	[tilespmem:s19+$0xD4F0] =	vst v0  }
0x2b: {  	[tilespmem:s19+$0xD480] =	vst v0  }
0x2c: {  	[tilespmem:s19+$0xD490] =	vst v0  }
0x2d: {  	[tilespmem:s19+$0xD4A0] =	vst v0  }
0x2e: {  	[tilespmem:s19+$0xD4B0] =	vst v0  }
0x2f: {  	[tilespmem:s19+$0xD4C0] =	vst v0  }
0x30: {  	[tilespmem:s19+$0xD4D0] =	vst v0  }
0x31: {  	[tilespmem:s19+$0xD4E0] =	vst v0  }
0x32: {  	s22 =	simm.s32 $0x0;
	v1 =	vld [tilespmem:$0x5000]  }
0x33: {  	s19 =	simm.s32 $0xA880;
	s20 =	simm.s32 $0x7C80;
	s21 =	simm.s32 $0x5080  }
.LBB2_4:
0x34: {  	v3 =	vmov s21  }
0x35: {  	v4 =	vmov s20;
	_ =	sdelay $0x2  }
0x36: {  	s24 =	simm.s32 $0x0  }
0x37: {  	v5 =	vld.idx.msk [tilespmem:v3+s24+$0x0 ss:$0x1], $0xffff  }
0x38: {  	s25 =	simm.s32 $0x10;
	v6 =	vld.idx.msk [tilespmem:v4+s24+$0x0 ss:$0x1], $0xffff  }
0x39: {  	v7 =	vld.idx.msk [tilespmem:v3+s25+$0x0 ss:$0x1], $0xffff  }
0x3a: {  	v8 =	vld.idx.msk [tilespmem:v4+s25+$0x0 ss:$0x1], $0xffff;
	_ =	sdelay $0x4  }
0x3b: {  	v5 =	vld.idx.msk [tilespmem:v5+s2+$0x0], $0xffff  }
0x3c: {  	v6 =	vld.idx.msk [tilespmem:v6+s12+$0x0], $0xffff  }
0x3d: {  	v7 =	vld.idx.msk [tilespmem:v7+s2+$0x0], $0xffff  }
0x3e: {  	v8 =	vld.idx.msk [tilespmem:v8+s12+$0x0], $0xffff;
	_ =	sdelay $0x2  }
0x3f: {  	s26 =	simm.s32 $0x20;
	v5 =	vadd.f32 v6, v5  }
0x40: {  	v9 =	vld.idx.msk [tilespmem:v3+s26+$0x0 ss:$0x1], $0xffff  }
0x41: {  	v6 =	vadd.f32 v8, v7;
	v7 =	vmul.f32 $2.000000030e-01, v5  }
0x42: {  	v10 =	vld.idx.msk [tilespmem:v4+s26+$0x0 ss:$0x1], $0xffff;
	vm15 =	vgt.f32 v5, $0.0e+00  }
0x43: {  	v5 =	vsel vm15, v5, v7  }
0x44: {  	v5 =	vsub.f32 v5, v1;
	_ =	sdelay $0x1  }
0x45: {  	s28 =	simm.s32 $0x30;
	v5 =	vmul.f32 $1.442695020e+00, v5  }
0x46: {  	v11 =	vld.idx.msk [tilespmem:v3+s28+$0x0 ss:$0x1], $0xffff  }
0x47: {  	v12 =	vld.idx.msk [tilespmem:v9+s2+$0x0], $0xffff;
	v8 =	vmul.f32 $2.000000030e-01, v6;
	(erf) = vpow2.f32 v5  }
0x48: {  	v9 =	vld.idx.msk [tilespmem:v4+s28+$0x0 ss:$0x1], $0xffff;
	vm15 =	vgt.f32 v6, $0.0e+00  }
0x49: {  	v10 =	vld.idx.msk [tilespmem:v10+s12+$0x0], $0xffff;
	v6 =	vsel vm15, v6, v8  }
0x4a: {  	v7 =	vsub.f32 v6, v1;
	_ =	sdelay $0x1  }
0x4b: {  	v2 =	vmov s19;
	s29 =	simm.s32 $0x40;
	v13 =	vmul.f32 $1.442695020e+00, v7  }
0x4c: {  	v6 =	vld.idx.msk [tilespmem:v3+s29+$0x0 ss:$0x1], $0xffff  }
0x4d: {  	v8 =	vadd.f32 v10, v12;
	v7 =	vld.idx.msk [tilespmem:v4+s29+$0x0 ss:$0x1], $0xffff;
	(erf) = vpow2.f32 v13  }
0x4e: {  	s23 =	sshll.u32 s22, $0x7;
	s30 =	simm.s32 $0x140;
	v5 =	vld.idx.msk [tilespmem:v11+s2+$0x0], $0xffff  }
.LBB2_5:
0x4f: {  	p0 =	seq.s32 s30, $0x1C0;
	v10 =	vld.idx.msk [tilespmem:v9+s12+$0x0], $0xffff;
	v12 =	vmul.f32 $2.000000030e-01, v8;
	v11 =	vpop (erf)  }
0x50: {  	vm15 =	vgt.f32 v8, $0.0e+00;
	[tilespmem:v2+s24+$0x0 ss:$0x1] =	vst.idx.msk $0xffff, v11;
	s24 =	smov.u32 s25;
	s25 =	smov.u32 s26;
	s26 =	smov.u32 s28  }
0x51: {  	s28 =	smov.u32 s29;
	v8 =	vsel vm15, v8, v12;
	v11 =	vmov v6  }
.Ltmp1:
0x52: {  	v8 =	vsub.f32 v8, v1;
	v9 =	vmov v7;
	(pc) =	sbr.rel @!p0 .LBB2_5-.Ltmp1, $4  }
0x53: {  	s29 =	sshra.s32 s30, $0x2  }
0x54: {  	v6 =	vld.idx.msk [tilespmem:v3+s29+$0x0 ss:$0x1], $0xffff;
	v12 =	vmul.f32 $1.442695020e+00, v8  }
0x55: {  	v8 =	vadd.f32 v10, v5;
	v7 =	vld.idx.msk [tilespmem:v4+s29+$0x0 ss:$0x1], $0xffff  }
0x56: {  	s30 =	sadd.s32 $0x40, s30;
	v5 =	vld.idx.msk [tilespmem:v11+s2+$0x0], $0xffff;
	(erf) = vpow2.f32 v12  }
0x57: {  	_ =	sdelay $0x4  }
0x58: {  	v3 =	vld.idx.msk [tilespmem:v9+s12+$0x0], $0xffff  }
0x59: {  	v4 =	vld.idx.msk [tilespmem:v6+s2+$0x0], $0xffff  }
0x5a: {  	v52 =	vld.idx.msk [tilespmem:v7+s12+$0x0], $0xffff;
	_ =	sdelay $0x3  }
0x5b: {  	v3 =	vadd.f32 v3, v5  }
0x5c: {  	v53 =	vmul.f32 $2.000000030e-01, v8;
	v4 =	vadd.f32 v52, v4  }
0x5d: {  	vm15 =	vgt.f32 v8, $0.0e+00;
	v54 =	vmul.f32 $2.000000030e-01, v3  }
0x5e: {  	v5 =	vsel vm15, v8, v53;
	vm15 =	vgt.f32 v3, $0.0e+00;
	v55 =	vmul.f32 $2.000000030e-01, v4  }
0x5f: {  	v5 =	vsub.f32 v5, v1;
	v3 =	vsel vm15, v3, v54;
	vm15 =	vgt.f32 v4, $0.0e+00  }
0x60: {  	v3 =	vsub.f32 v3, v1;
	v4 =	vsel vm15, v4, v55  }
0x61: {  	v5 =	vmul.f32 $1.442695020e+00, v5;
	v4 =	vsub.f32 v4, v1  }
0x62: {  	v3 =	vmul.f32 $1.442695020e+00, v3  }
0x63: {  	(erf) = vpow2.f32 v5;
	v4 =	vmul.f32 $1.442695020e+00, v4  }
0x64: {  	(erf) = vpow2.f32 v3  }
0x65: {  	(erf) = vpow2.f32 v4;
	_ =	sdelay $0x4  }
0x66: {  	v3 =	vpop (erf)  }
0x67: {  	v56 =	vpop (erf);
	[tilespmem:v2+s24+$0x0 ss:$0x1] =	vst.idx.msk $0xffff, v3  }
0x68: {  	[tilespmem:v2+s25+$0x0 ss:$0x1] =	vst.idx.msk $0xffff, v56;
	v3 =	vpop (erf)  }
0x69: {  	[tilespmem:v2+s26+$0x0 ss:$0x1] =	vst.idx.msk $0xffff, v3;
	v3 =	vpop (erf)  }
0x6a: {  	[tilespmem:v2+s28+$0x0 ss:$0x1] =	vst.idx.msk $0xffff, v3;
	v3 =	vpop (erf)  }
0x6b: {  	[tilespmem:v2+s29+$0x0 ss:$0x1] =	vst.idx.msk $0xffff, v3;
	v2 =	vld [tilespmem:s23+$0x5100]  }
0x6c: {  	v3 =	vld [tilespmem:s23+$0x7D00];
	_ =	sdelay $0x6  }
0x6d: {  	v2 =	vld.idx.msk [tilespmem:v2+s2+$0x0], $0xffff  }
0x6e: {  	v3 =	vld.idx.msk [tilespmem:v3+s12+$0x0], $0xffff;
	_ =	sdelay $0x4  }
0x6f: {  	v2 =	vadd.f32 v3, v2;
	_ =	sdelay $0x1  }
0x70: {  	v3 =	vmul.f32 $2.000000030e-01, v2  }
0x71: {  	vm15 =	vgt.f32 v2, $0.0e+00  }
0x72: {  	v2 =	vsel vm15, v2, v3  }
0x73: {  	v2 =	vsub.f32 v2, v1;
	_ =	sdelay $0x1  }
0x74: {  	v2 =	vmul.f32 $1.442695020e+00, v2;
	_ =	sdelay $0x1  }
0x75: {  	(erf) = vpow2.f32 v2;
	_ =	sdelay $0x2  }
0x76: {  	v2 =	vld [tilespmem:s23+$0x5110]  }
0x77: {  	v3 =	vld [tilespmem:s23+$0x7D10];
	_ =	sdelay $0x4  }
0x78: {  	v57 =	vpop (erf)  }
0x79: {  	[tilespmem:s23+$0xA900] =	vst v57  }
0x7a: {  	v2 =	vld.idx.msk [tilespmem:v2+s2+$0x0], $0xffff  }
0x7b: {  	v3 =	vld.idx.msk [tilespmem:v3+s12+$0x0], $0xffff;
	_ =	sdelay $0x4  }
0x7c: {  	v2 =	vadd.f32 v3, v2;
	_ =	sdelay $0x1  }
0x7d: {  	v3 =	vmul.f32 $2.000000030e-01, v2  }
0x7e: {  	vm15 =	vgt.f32 v2, $0.0e+00  }
0x7f: {  	v2 =	vsel vm15, v2, v3  }
0x80: {  	v2 =	vsub.f32 v2, v1;
	_ =	sdelay $0x1  }
0x81: {  	v2 =	vmul.f32 $1.442695020e+00, v2;
	_ =	sdelay $0x1  }
0x82: {  	(erf) = vpow2.f32 v2;
	_ =	sdelay $0x2  }
0x83: {  	v2 =	vld [tilespmem:s23+$0x5120]  }
0x84: {  	v3 =	vld [tilespmem:s23+$0x7D20];
	_ =	sdelay $0x4  }
0x85: {  	v58 =	vpop (erf)  }
0x86: {  	[tilespmem:s23+$0xA910] =	vst v58  }
0x87: {  	v2 =	vld.idx.msk [tilespmem:v2+s2+$0x0], $0xffff  }
0x88: {  	v3 =	vld.idx.msk [tilespmem:v3+s12+$0x0], $0xffff;
	_ =	sdelay $0x4  }
0x89: {  	v2 =	vadd.f32 v3, v2;
	_ =	sdelay $0x1  }
0x8a: {  	v3 =	vmul.f32 $2.000000030e-01, v2  }
0x8b: {  	vm15 =	vgt.f32 v2, $0.0e+00  }
0x8c: {  	v2 =	vsel vm15, v2, v3  }
0x8d: {  	v2 =	vsub.f32 v2, v1;
	_ =	sdelay $0x1  }
0x8e: {  	v2 =	vmul.f32 $1.442695020e+00, v2;
	_ =	sdelay $0x1  }
0x8f: {  	(erf) = vpow2.f32 v2;
	_ =	sdelay $0x2  }
0x90: {  	v2 =	vld [tilespmem:s23+$0x5130]  }
0x91: {  	v3 =	vld [tilespmem:s23+$0x7D30];
	_ =	sdelay $0x4  }
0x92: {  	v59 =	vpop (erf)  }
0x93: {  	[tilespmem:s23+$0xA920] =	vst v59  }
0x94: {  	v2 =	vld.idx.msk [tilespmem:v2+s2+$0x0], $0xffff  }
0x95: {  	v3 =	vld.idx.msk [tilespmem:v3+s12+$0x0], $0xffff;
	_ =	sdelay $0x4  }
0x96: {  	v2 =	vadd.f32 v3, v2;
	_ =	sdelay $0x1  }
0x97: {  	v3 =	vmul.f32 $2.000000030e-01, v2  }
0x98: {  	vm15 =	vgt.f32 v2, $0.0e+00  }
0x99: {  	v2 =	vsel vm15, v2, v3  }
0x9a: {  	v2 =	vsub.f32 v2, v1;
	_ =	sdelay $0x1  }
0x9b: {  	v2 =	vmul.f32 $1.442695020e+00, v2;
	_ =	sdelay $0x1  }
0x9c: {  	(erf) = vpow2.f32 v2;
	_ =	sdelay $0x2  }
0x9d: {  	v2 =	vld [tilespmem:s23+$0x5140]  }
0x9e: {  	v3 =	vld [tilespmem:s23+$0x7D40];
	_ =	sdelay $0x4  }
0x9f: {  	v60 =	vpop (erf)  }
0xa0: {  	[tilespmem:s23+$0xA930] =	vst v60  }
0xa1: {  	v2 =	vld.idx.msk [tilespmem:v2+s2+$0x0], $0xffff  }
0xa2: {  	v3 =	vld.idx.msk [tilespmem:v3+s12+$0x0], $0xffff;
	_ =	sdelay $0x4  }
0xa3: {  	v2 =	vadd.f32 v3, v2;
	_ =	sdelay $0x1  }
0xa4: {  	v3 =	vmul.f32 $2.000000030e-01, v2  }
0xa5: {  	vm15 =	vgt.f32 v2, $0.0e+00  }
0xa6: {  	v2 =	vsel vm15, v2, v3  }
0xa7: {  	v2 =	vsub.f32 v2, v1;
	_ =	sdelay $0x1  }
0xa8: {  	v2 =	vmul.f32 $1.442695020e+00, v2;
	_ =	sdelay $0x1  }
0xa9: {  	(erf) = vpow2.f32 v2;
	_ =	sdelay $0x2  }
0xaa: {  	v2 =	vld [tilespmem:s23+$0x5150]  }
0xab: {  	v3 =	vld [tilespmem:s23+$0x7D50];
	_ =	sdelay $0x4  }
0xac: {  	v61 =	vpop (erf)  }
0xad: {  	[tilespmem:s23+$0xA940] =	vst v61  }
0xae: {  	v2 =	vld.idx.msk [tilespmem:v2+s2+$0x0], $0xffff  }
0xaf: {  	v3 =	vld.idx.msk [tilespmem:v3+s12+$0x0], $0xffff;
	_ =	sdelay $0x4  }
0xb0: {  	v2 =	vadd.f32 v3, v2;
	_ =	sdelay $0x1  }
0xb1: {  	v3 =	vmul.f32 $2.000000030e-01, v2  }
0xb2: {  	vm15 =	vgt.f32 v2, $0.0e+00  }
0xb3: {  	v2 =	vsel vm15, v2, v3  }
0xb4: {  	v2 =	vsub.f32 v2, v1;
	_ =	sdelay $0x1  }
0xb5: {  	v2 =	vmul.f32 $1.442695020e+00, v2;
	_ =	sdelay $0x1  }
0xb6: {  	(erf) = vpow2.f32 v2;
	_ =	sdelay $0x2  }
0xb7: {  	v2 =	vld [tilespmem:s23+$0x5160]  }
0xb8: {  	v3 =	vld [tilespmem:s23+$0x7D60];
	_ =	sdelay $0x4  }
0xb9: {  	v62 =	vpop (erf)  }
0xba: {  	[tilespmem:s23+$0xA950] =	vst v62  }
0xbb: {  	v2 =	vld.idx.msk [tilespmem:v2+s2+$0x0], $0xffff  }
0xbc: {  	v3 =	vld.idx.msk [tilespmem:v3+s12+$0x0], $0xffff;
	_ =	sdelay $0x4  }
0xbd: {  	v2 =	vadd.f32 v3, v2;
	_ =	sdelay $0x1  }
0xbe: {  	v3 =	vmul.f32 $2.000000030e-01, v2  }
0xbf: {  	vm15 =	vgt.f32 v2, $0.0e+00  }
0xc0: {  	v2 =	vsel vm15, v2, v3  }
0xc1: {  	v2 =	vsub.f32 v2, v1;
	_ =	sdelay $0x1  }
0xc2: {  	v2 =	vmul.f32 $1.442695020e+00, v2;
	_ =	sdelay $0x1  }
0xc3: {  	(erf) = vpow2.f32 v2;
	_ =	sdelay $0x2  }
0xc4: {  	v2 =	vld [tilespmem:s23+$0x5170]  }
0xc5: {  	v3 =	vld [tilespmem:s23+$0x7D70];
	_ =	sdelay $0x4  }
0xc6: {  	v63 =	vpop (erf)  }
0xc7: {  	[tilespmem:s23+$0xA960] =	vst v63  }
0xc8: {  	v2 =	vld.idx.msk [tilespmem:v2+s2+$0x0], $0xffff  }
0xc9: {  	v3 =	vld.idx.msk [tilespmem:v3+s12+$0x0], $0xffff;
	_ =	sdelay $0x4  }
0xca: {  	v2 =	vadd.f32 v3, v2;
	_ =	sdelay $0x1  }
0xcb: {  	v3 =	vmul.f32 $2.000000030e-01, v2  }
0xcc: {  	vm15 =	vgt.f32 v2, $0.0e+00  }
0xcd: {  	v2 =	vsel vm15, v2, v3  }
0xce: {  	v2 =	vsub.f32 v2, v1;
	_ =	sdelay $0x1  }
0xcf: {  	v2 =	vmul.f32 $1.442695020e+00, v2;
	_ =	sdelay $0x1  }
0xd0: {  	(erf) = vpow2.f32 v2;
	_ =	sdelay $0x4  }
0xd1: {  	p0 =	slt.u32 s22, $0x4E  }
.Ltmp2:
0xd2: {  	_ = 	snop;
	(pc) =	sbr.rel @p0 .LBB2_4-.Ltmp2, $3  }
0xd3: {  	_ =	sdelay $0x1  }
0xd4: {  	s22 =	sadd.s32 $0x2, s22;
	v2 =	vpop (erf)  }
0xd5: {  	s19 =	sadd.s32 $0x100, s19;
	s20 =	sadd.s32 $0x100, s20;
	s21 =	sadd.s32 $0x100, s21;
	[tilespmem:s23+$0xA970] =	vst v2  }
0xd6: {  	v2 =	vld [tilespmem:$0x7880]  }
0xd7: {  	v3 =	vld [tilespmem:$0xA480];
	_ =	sdelay $0x5  }
0xd8: {  	s19 =	simm.s32 $0x0  }
0xd9: {  	v2 =	vld.idx.msk [tilespmem:v2+s19+$0x0], $0xffff  }
0xda: {  	v3 =	vld.idx.msk [tilespmem:v3+s12+$0x0], $0xffff;
	_ =	sdelay $0x4  }
0xdb: {  	v2 =	vadd.f32 v3, v2;
	_ =	sdelay $0x1  }
0xdc: {  	v3 =	vmul.f32 $2.000000030e-01, v2  }
0xdd: {  	vm15 =	vgt.f32 v2, $0.0e+00  }
0xde: {  	v2 =	vsel vm15, v2, v3  }
0xdf: {  	v2 =	vsub.f32 v2, v1;
	_ =	sdelay $0x1  }
0xe0: {  	v2 =	vmul.f32 $1.442695020e+00, v2;
	_ =	sdelay $0x1  }
0xe1: {  	(erf) = vpow2.f32 v2;
	_ =	sdelay $0x2  }
0xe2: {  	v2 =	vld [tilespmem:$0x7890]  }
0xe3: {  	v3 =	vld [tilespmem:$0xA490];
	_ =	sdelay $0x4  }
0xe4: {  	v4 =	vpop (erf)  }
0xe5: {  	[tilespmem:$0xD080] =	vst v4  }
0xe6: {  	v2 =	vld.idx.msk [tilespmem:v2+s19+$0x0], $0xffff  }
0xe7: {  	v3 =	vld.idx.msk [tilespmem:v3+s12+$0x0], $0xffff;
	_ =	sdelay $0x4  }
0xe8: {  	v2 =	vadd.f32 v3, v2;
	_ =	sdelay $0x1  }
0xe9: {  	v3 =	vmul.f32 $2.000000030e-01, v2  }
0xea: {  	vm15 =	vgt.f32 v2, $0.0e+00  }
0xeb: {  	v2 =	vsel vm15, v2, v3  }
0xec: {  	v2 =	vsub.f32 v2, v1;
	_ =	sdelay $0x1  }
0xed: {  	v2 =	vmul.f32 $1.442695020e+00, v2;
	_ =	sdelay $0x1  }
0xee: {  	(erf) = vpow2.f32 v2;
	_ =	sdelay $0x2  }
0xef: {  	v2 =	vld [tilespmem:$0x78A0]  }
0xf0: {  	v3 =	vld [tilespmem:$0xA4A0];
	_ =	sdelay $0x4  }
0xf1: {  	v58 =	vpop (erf)  }
0xf2: {  	[tilespmem:$0xD090] =	vst v58  }
0xf3: {  	v2 =	vld.idx.msk [tilespmem:v2+s19+$0x0], $0xffff  }
0xf4: {  	v3 =	vld.idx.msk [tilespmem:v3+s12+$0x0], $0xffff;
	_ =	sdelay $0x4  }
0xf5: {  	v2 =	vadd.f32 v3, v2;
	_ =	sdelay $0x1  }
0xf6: {  	v3 =	vmul.f32 $2.000000030e-01, v2  }
0xf7: {  	vm15 =	vgt.f32 v2, $0.0e+00  }
0xf8: {  	v2 =	vsel vm15, v2, v3  }
0xf9: {  	v2 =	vsub.f32 v2, v1;
	_ =	sdelay $0x1  }
0xfa: {  	v2 =	vmul.f32 $1.442695020e+00, v2;
	_ =	sdelay $0x1  }
0xfb: {  	(erf) = vpow2.f32 v2;
	_ =	sdelay $0x2  }
0xfc: {  	v2 =	vld [tilespmem:$0x78B0]  }
0xfd: {  	v3 =	vld [tilespmem:$0xA4B0];
	_ =	sdelay $0x4  }
0xfe: {  	v59 =	vpop (erf)  }
0xff: {  	[tilespmem:$0xD0A0] =	vst v59  }
0x100: {  	v2 =	vld.idx.msk [tilespmem:v2+s19+$0x0], $0xffff  }
0x101: {  	v3 =	vld.idx.msk [tilespmem:v3+s12+$0x0], $0xffff;
	_ =	sdelay $0x4  }
0x102: {  	v2 =	vadd.f32 v3, v2;
	_ =	sdelay $0x1  }
0x103: {  	v3 =	vmul.f32 $2.000000030e-01, v2  }
0x104: {  	vm15 =	vgt.f32 v2, $0.0e+00  }
0x105: {  	v2 =	vsel vm15, v2, v3  }
0x106: {  	v2 =	vsub.f32 v2, v1;
	_ =	sdelay $0x1  }
0x107: {  	v2 =	vmul.f32 $1.442695020e+00, v2;
	_ =	sdelay $0x1  }
0x108: {  	(erf) = vpow2.f32 v2;
	_ =	sdelay $0x2  }
0x109: {  	v2 =	vld [tilespmem:$0x78C0]  }
0x10a: {  	v3 =	vld [tilespmem:$0xA4C0];
	_ =	sdelay $0x4  }
0x10b: {  	v60 =	vpop (erf)  }
0x10c: {  	[tilespmem:$0xD0B0] =	vst v60  }
0x10d: {  	v2 =	vld.idx.msk [tilespmem:v2+s19+$0x0], $0xffff  }
0x10e: {  	v3 =	vld.idx.msk [tilespmem:v3+s12+$0x0], $0xffff;
	_ =	sdelay $0x4  }
0x10f: {  	v2 =	vadd.f32 v3, v2;
	_ =	sdelay $0x1  }
0x110: {  	v3 =	vmul.f32 $2.000000030e-01, v2  }
0x111: {  	vm15 =	vgt.f32 v2, $0.0e+00  }
0x112: {  	v2 =	vsel vm15, v2, v3  }
0x113: {  	v2 =	vsub.f32 v2, v1;
	_ =	sdelay $0x1  }
0x114: {  	v2 =	vmul.f32 $1.442695020e+00, v2;
	_ =	sdelay $0x1  }
0x115: {  	(erf) = vpow2.f32 v2;
	_ =	sdelay $0x2  }
0x116: {  	v2 =	vld [tilespmem:$0x78D0]  }
0x117: {  	v3 =	vld [tilespmem:$0xA4D0];
	_ =	sdelay $0x4  }
0x118: {  	v61 =	vpop (erf)  }
0x119: {  	[tilespmem:$0xD0C0] =	vst v61  }
0x11a: {  	v2 =	vld.idx.msk [tilespmem:v2+s19+$0x0], $0xffff  }
0x11b: {  	v3 =	vld.idx.msk [tilespmem:v3+s12+$0x0], $0xffff;
	_ =	sdelay $0x4  }
0x11c: {  	v2 =	vadd.f32 v3, v2;
	_ =	sdelay $0x1  }
0x11d: {  	v3 =	vmul.f32 $2.000000030e-01, v2  }
0x11e: {  	vm15 =	vgt.f32 v2, $0.0e+00  }
0x11f: {  	v2 =	vsel vm15, v2, v3  }
0x120: {  	v2 =	vsub.f32 v2, v1;
	_ =	sdelay $0x1  }
0x121: {  	v2 =	vmul.f32 $1.442695020e+00, v2;
	_ =	sdelay $0x1  }
0x122: {  	(erf) = vpow2.f32 v2;
	_ =	sdelay $0x2  }
0x123: {  	v2 =	vld [tilespmem:$0x78E0]  }
0x124: {  	v3 =	vld [tilespmem:$0xA4E0];
	_ =	sdelay $0x4  }
0x125: {  	v62 =	vpop (erf)  }
0x126: {  	[tilespmem:$0xD0D0] =	vst v62  }
0x127: {  	v2 =	vld.idx.msk [tilespmem:v2+s19+$0x0], $0xffff  }
0x128: {  	v3 =	vld.idx.msk [tilespmem:v3+s12+$0x0], $0xffff;
	_ =	sdelay $0x4  }
0x129: {  	v2 =	vadd.f32 v3, v2;
	_ =	sdelay $0x1  }
0x12a: {  	v3 =	vmul.f32 $2.000000030e-01, v2  }
0x12b: {  	vm15 =	vgt.f32 v2, $0.0e+00  }
0x12c: {  	v2 =	vsel vm15, v2, v3  }
0x12d: {  	v2 =	vsub.f32 v2, v1;
	_ =	sdelay $0x1  }
0x12e: {  	v2 =	vmul.f32 $1.442695020e+00, v2;
	_ =	sdelay $0x1  }
0x12f: {  	(erf) = vpow2.f32 v2;
	_ =	sdelay $0x2  }
0x130: {  	v2 =	vld [tilespmem:$0x78F0]  }
0x131: {  	v3 =	vld [tilespmem:$0xA4F0];
	_ =	sdelay $0x4  }
0x132: {  	v63 =	vpop (erf)  }
0x133: {  	[tilespmem:$0xD0E0] =	vst v63  }
0x134: {  	v2 =	vld.idx.msk [tilespmem:v2+s19+$0x0], $0xffff  }
0x135: {  	v3 =	vld.idx.msk [tilespmem:v3+s12+$0x0], $0xffff;
	_ =	sdelay $0x4  }
0x136: {  	v2 =	vadd.f32 v3, v2;
	_ =	sdelay $0x1  }
0x137: {  	v3 =	vmul.f32 $2.000000030e-01, v2  }
0x138: {  	vm15 =	vgt.f32 v2, $0.0e+00  }
0x139: {  	v2 =	vsel vm15, v2, v3  }
0x13a: {  	v1 =	vsub.f32 v2, v1;
	_ =	sdelay $0x1  }
0x13b: {  	v1 =	vmul.f32 $1.442695020e+00, v1;
	_ =	sdelay $0x1  }
0x13c: {  	(erf) = vpow2.f32 v1;
	_ =	sdelay $0x8  }
0x13d: {  	v1 =	vpop (erf)  }
0x13e: {  	[tilespmem:$0xD0F0] =	vst v1  }
.LBB2_8:
0x13f: {  	s20 =	sshra.s32 s19, $0x2  }
0x140: {  	v1 =	vld [tilespmem:s20+$0x7C80];
	_ =	sdelay $0x2  }
0x141: {  	v2 =	vld [tilespmem:s20+$0xA880];
	_ =	sdelay $0x4  }
0x142: {  	[tilespmem:v1+s16+$0x0] =	vst.idx.add.f32.msk $0x1, v2  }
0x143: {  	[tilespmem:v1+s16+$0x0] =	vst.idx.add.f32.msk vm0, v2  }
0x144: {  	[tilespmem:v1+s16+$0x0] =	vst.idx.add.f32.msk vm1, v2  }
0x145: {  	[tilespmem:v1+s16+$0x0] =	vst.idx.add.f32.msk vm2, v2  }
0x146: {  	[tilespmem:v1+s16+$0x0] =	vst.idx.add.f32.msk vm3, v2  }
0x147: {  	[tilespmem:v1+s16+$0x0] =	vst.idx.add.f32.msk vm4, v2  }
0x148: {  	[tilespmem:v1+s16+$0x0] =	vst.idx.add.f32.msk vm5, v2  }
0x149: {  	[tilespmem:v1+s16+$0x0] =	vst.idx.add.f32.msk vm6, v2  }
0x14a: {  	[tilespmem:v1+s16+$0x0] =	vst.idx.add.f32.msk vm7, v2  }
0x14b: {  	[tilespmem:v1+s16+$0x0] =	vst.idx.add.f32.msk vm8, v2  }
0x14c: {  	[tilespmem:v1+s16+$0x0] =	vst.idx.add.f32.msk vm9, v2  }
0x14d: {  	[tilespmem:v1+s16+$0x0] =	vst.idx.add.f32.msk vm10, v2  }
0x14e: {  	[tilespmem:v1+s16+$0x0] =	vst.idx.add.f32.msk vm11, v2  }
0x14f: {  	[tilespmem:v1+s16+$0x0] =	vst.idx.add.f32.msk vm12, v2  }
0x150: {  	[tilespmem:v1+s16+$0x0] =	vst.idx.add.f32.msk vm13, v2  }
0x151: {  	[tilespmem:v1+s16+$0x0] =	vst.idx.add.f32.msk vm14, v2  }
0x152: {  	v1 =	vld [tilespmem:s20+$0x7C90];
	_ =	sdelay $0x2  }
0x153: {  	v2 =	vld [tilespmem:s20+$0xA890];
	_ =	sdelay $0x4  }
0x154: {  	[tilespmem:v1+s16+$0x0] =	vst.idx.add.f32.msk $0x1, v2  }
0x155: {  	[tilespmem:v1+s16+$0x0] =	vst.idx.add.f32.msk vm0, v2  }
0x156: {  	[tilespmem:v1+s16+$0x0] =	vst.idx.add.f32.msk vm1, v2  }
0x157: {  	[tilespmem:v1+s16+$0x0] =	vst.idx.add.f32.msk vm2, v2  }
0x158: {  	[tilespmem:v1+s16+$0x0] =	vst.idx.add.f32.msk vm3, v2  }
0x159: {  	[tilespmem:v1+s16+$0x0] =	vst.idx.add.f32.msk vm4, v2  }
0x15a: {  	[tilespmem:v1+s16+$0x0] =	vst.idx.add.f32.msk vm5, v2  }
0x15b: {  	[tilespmem:v1+s16+$0x0] =	vst.idx.add.f32.msk vm6, v2  }
0x15c: {  	[tilespmem:v1+s16+$0x0] =	vst.idx.add.f32.msk vm7, v2  }
0x15d: {  	[tilespmem:v1+s16+$0x0] =	vst.idx.add.f32.msk vm8, v2  }
0x15e: {  	[tilespmem:v1+s16+$0x0] =	vst.idx.add.f32.msk vm9, v2  }
0x15f: {  	[tilespmem:v1+s16+$0x0] =	vst.idx.add.f32.msk vm10, v2  }
0x160: {  	[tilespmem:v1+s16+$0x0] =	vst.idx.add.f32.msk vm11, v2  }
0x161: {  	[tilespmem:v1+s16+$0x0] =	vst.idx.add.f32.msk vm12, v2  }
0x162: {  	[tilespmem:v1+s16+$0x0] =	vst.idx.add.f32.msk vm13, v2  }
0x163: {  	[tilespmem:v1+s16+$0x0] =	vst.idx.add.f32.msk vm14, v2  }
0x164: {  	v1 =	vld [tilespmem:s20+$0x7CA0];
	_ =	sdelay $0x2  }
0x165: {  	v2 =	vld [tilespmem:s20+$0xA8A0];
	_ =	sdelay $0x4  }
0x166: {  	[tilespmem:v1+s16+$0x0] =	vst.idx.add.f32.msk $0x1, v2  }
0x167: {  	[tilespmem:v1+s16+$0x0] =	vst.idx.add.f32.msk vm0, v2  }
0x168: {  	[tilespmem:v1+s16+$0x0] =	vst.idx.add.f32.msk vm1, v2  }
0x169: {  	[tilespmem:v1+s16+$0x0] =	vst.idx.add.f32.msk vm2, v2  }
0x16a: {  	[tilespmem:v1+s16+$0x0] =	vst.idx.add.f32.msk vm3, v2  }
0x16b: {  	[tilespmem:v1+s16+$0x0] =	vst.idx.add.f32.msk vm4, v2  }
0x16c: {  	[tilespmem:v1+s16+$0x0] =	vst.idx.add.f32.msk vm5, v2  }
0x16d: {  	[tilespmem:v1+s16+$0x0] =	vst.idx.add.f32.msk vm6, v2  }
0x16e: {  	[tilespmem:v1+s16+$0x0] =	vst.idx.add.f32.msk vm7, v2  }
0x16f: {  	[tilespmem:v1+s16+$0x0] =	vst.idx.add.f32.msk vm8, v2  }
0x170: {  	[tilespmem:v1+s16+$0x0] =	vst.idx.add.f32.msk vm9, v2  }
0x171: {  	[tilespmem:v1+s16+$0x0] =	vst.idx.add.f32.msk vm10, v2  }
0x172: {  	[tilespmem:v1+s16+$0x0] =	vst.idx.add.f32.msk vm11, v2  }
0x173: {  	[tilespmem:v1+s16+$0x0] =	vst.idx.add.f32.msk vm12, v2  }
0x174: {  	[tilespmem:v1+s16+$0x0] =	vst.idx.add.f32.msk vm13, v2  }
0x175: {  	[tilespmem:v1+s16+$0x0] =	vst.idx.add.f32.msk vm14, v2  }
0x176: {  	v1 =	vld [tilespmem:s20+$0x7CB0];
	_ =	sdelay $0x2  }
0x177: {  	v2 =	vld [tilespmem:s20+$0xA8B0];
	_ =	sdelay $0x4  }
0x178: {  	[tilespmem:v1+s16+$0x0] =	vst.idx.add.f32.msk $0x1, v2  }
0x179: {  	[tilespmem:v1+s16+$0x0] =	vst.idx.add.f32.msk vm0, v2  }
0x17a: {  	[tilespmem:v1+s16+$0x0] =	vst.idx.add.f32.msk vm1, v2  }
0x17b: {  	[tilespmem:v1+s16+$0x0] =	vst.idx.add.f32.msk vm2, v2  }
0x17c: {  	[tilespmem:v1+s16+$0x0] =	vst.idx.add.f32.msk vm3, v2  }
0x17d: {  	[tilespmem:v1+s16+$0x0] =	vst.idx.add.f32.msk vm4, v2  }
0x17e: {  	[tilespmem:v1+s16+$0x0] =	vst.idx.add.f32.msk vm5, v2  }
0x17f: {  	[tilespmem:v1+s16+$0x0] =	vst.idx.add.f32.msk vm6, v2  }
0x180: {  	[tilespmem:v1+s16+$0x0] =	vst.idx.add.f32.msk vm7, v2  }
0x181: {  	[tilespmem:v1+s16+$0x0] =	vst.idx.add.f32.msk vm8, v2  }
0x182: {  	[tilespmem:v1+s16+$0x0] =	vst.idx.add.f32.msk vm9, v2  }
0x183: {  	[tilespmem:v1+s16+$0x0] =	vst.idx.add.f32.msk vm10, v2  }
0x184: {  	[tilespmem:v1+s16+$0x0] =	vst.idx.add.f32.msk vm11, v2  }
0x185: {  	[tilespmem:v1+s16+$0x0] =	vst.idx.add.f32.msk vm12, v2  }
0x186: {  	[tilespmem:v1+s16+$0x0] =	vst.idx.add.f32.msk vm13, v2  }
0x187: {  	[tilespmem:v1+s16+$0x0] =	vst.idx.add.f32.msk vm14, v2  }
0x188: {  	v1 =	vld [tilespmem:s20+$0x7CC0];
	_ =	sdelay $0x2  }
0x189: {  	v2 =	vld [tilespmem:s20+$0xA8C0];
	_ =	sdelay $0x4  }
0x18a: {  	[tilespmem:v1+s16+$0x0] =	vst.idx.add.f32.msk $0x1, v2  }
0x18b: {  	[tilespmem:v1+s16+$0x0] =	vst.idx.add.f32.msk vm0, v2  }
0x18c: {  	[tilespmem:v1+s16+$0x0] =	vst.idx.add.f32.msk vm1, v2  }
0x18d: {  	[tilespmem:v1+s16+$0x0] =	vst.idx.add.f32.msk vm2, v2  }
0x18e: {  	[tilespmem:v1+s16+$0x0] =	vst.idx.add.f32.msk vm3, v2  }
0x18f: {  	[tilespmem:v1+s16+$0x0] =	vst.idx.add.f32.msk vm4, v2  }
0x190: {  	[tilespmem:v1+s16+$0x0] =	vst.idx.add.f32.msk vm5, v2  }
0x191: {  	[tilespmem:v1+s16+$0x0] =	vst.idx.add.f32.msk vm6, v2  }
0x192: {  	[tilespmem:v1+s16+$0x0] =	vst.idx.add.f32.msk vm7, v2  }
0x193: {  	[tilespmem:v1+s16+$0x0] =	vst.idx.add.f32.msk vm8, v2  }
0x194: {  	[tilespmem:v1+s16+$0x0] =	vst.idx.add.f32.msk vm9, v2  }
0x195: {  	[tilespmem:v1+s16+$0x0] =	vst.idx.add.f32.msk vm10, v2  }
0x196: {  	[tilespmem:v1+s16+$0x0] =	vst.idx.add.f32.msk vm11, v2  }
0x197: {  	[tilespmem:v1+s16+$0x0] =	vst.idx.add.f32.msk vm12, v2  }
0x198: {  	[tilespmem:v1+s16+$0x0] =	vst.idx.add.f32.msk vm13, v2  }
0x199: {  	[tilespmem:v1+s16+$0x0] =	vst.idx.add.f32.msk vm14, v2  }
0x19a: {  	v1 =	vld [tilespmem:s20+$0x7CD0];
	_ =	sdelay $0x2  }
0x19b: {  	v2 =	vld [tilespmem:s20+$0xA8D0];
	_ =	sdelay $0x4  }
0x19c: {  	[tilespmem:v1+s16+$0x0] =	vst.idx.add.f32.msk $0x1, v2  }
0x19d: {  	[tilespmem:v1+s16+$0x0] =	vst.idx.add.f32.msk vm0, v2  }
0x19e: {  	[tilespmem:v1+s16+$0x0] =	vst.idx.add.f32.msk vm1, v2  }
0x19f: {  	[tilespmem:v1+s16+$0x0] =	vst.idx.add.f32.msk vm2, v2  }
0x1a0: {  	[tilespmem:v1+s16+$0x0] =	vst.idx.add.f32.msk vm3, v2  }
0x1a1: {  	[tilespmem:v1+s16+$0x0] =	vst.idx.add.f32.msk vm4, v2  }
0x1a2: {  	[tilespmem:v1+s16+$0x0] =	vst.idx.add.f32.msk vm5, v2  }
0x1a3: {  	[tilespmem:v1+s16+$0x0] =	vst.idx.add.f32.msk vm6, v2  }
0x1a4: {  	[tilespmem:v1+s16+$0x0] =	vst.idx.add.f32.msk vm7, v2  }
0x1a5: {  	[tilespmem:v1+s16+$0x0] =	vst.idx.add.f32.msk vm8, v2  }
0x1a6: {  	[tilespmem:v1+s16+$0x0] =	vst.idx.add.f32.msk vm9, v2  }
0x1a7: {  	[tilespmem:v1+s16+$0x0] =	vst.idx.add.f32.msk vm10, v2  }
0x1a8: {  	[tilespmem:v1+s16+$0x0] =	vst.idx.add.f32.msk vm11, v2  }
0x1a9: {  	[tilespmem:v1+s16+$0x0] =	vst.idx.add.f32.msk vm12, v2  }
0x1aa: {  	[tilespmem:v1+s16+$0x0] =	vst.idx.add.f32.msk vm13, v2  }
0x1ab: {  	[tilespmem:v1+s16+$0x0] =	vst.idx.add.f32.msk vm14, v2  }
0x1ac: {  	v1 =	vld [tilespmem:s20+$0x7CE0];
	_ =	sdelay $0x2  }
0x1ad: {  	v2 =	vld [tilespmem:s20+$0xA8E0];
	_ =	sdelay $0x4  }
0x1ae: {  	[tilespmem:v1+s16+$0x0] =	vst.idx.add.f32.msk $0x1, v2  }
0x1af: {  	[tilespmem:v1+s16+$0x0] =	vst.idx.add.f32.msk vm0, v2  }
0x1b0: {  	[tilespmem:v1+s16+$0x0] =	vst.idx.add.f32.msk vm1, v2  }
0x1b1: {  	[tilespmem:v1+s16+$0x0] =	vst.idx.add.f32.msk vm2, v2  }
0x1b2: {  	[tilespmem:v1+s16+$0x0] =	vst.idx.add.f32.msk vm3, v2  }
0x1b3: {  	[tilespmem:v1+s16+$0x0] =	vst.idx.add.f32.msk vm4, v2  }
0x1b4: {  	[tilespmem:v1+s16+$0x0] =	vst.idx.add.f32.msk vm5, v2  }
0x1b5: {  	[tilespmem:v1+s16+$0x0] =	vst.idx.add.f32.msk vm6, v2  }
0x1b6: {  	[tilespmem:v1+s16+$0x0] =	vst.idx.add.f32.msk vm7, v2  }
0x1b7: {  	[tilespmem:v1+s16+$0x0] =	vst.idx.add.f32.msk vm8, v2  }
0x1b8: {  	[tilespmem:v1+s16+$0x0] =	vst.idx.add.f32.msk vm9, v2  }
0x1b9: {  	[tilespmem:v1+s16+$0x0] =	vst.idx.add.f32.msk vm10, v2  }
0x1ba: {  	[tilespmem:v1+s16+$0x0] =	vst.idx.add.f32.msk vm11, v2  }
0x1bb: {  	[tilespmem:v1+s16+$0x0] =	vst.idx.add.f32.msk vm12, v2  }
0x1bc: {  	[tilespmem:v1+s16+$0x0] =	vst.idx.add.f32.msk vm13, v2  }
0x1bd: {  	[tilespmem:v1+s16+$0x0] =	vst.idx.add.f32.msk vm14, v2  }
0x1be: {  	v1 =	vld [tilespmem:s20+$0x7CF0];
	_ =	sdelay $0x2  }
0x1bf: {  	v2 =	vld [tilespmem:s20+$0xA8F0];
	_ =	sdelay $0x4  }
0x1c0: {  	[tilespmem:v1+s16+$0x0] =	vst.idx.add.f32.msk $0x1, v2  }
0x1c1: {  	[tilespmem:v1+s16+$0x0] =	vst.idx.add.f32.msk vm0, v2  }
0x1c2: {  	[tilespmem:v1+s16+$0x0] =	vst.idx.add.f32.msk vm1, v2  }
0x1c3: {  	[tilespmem:v1+s16+$0x0] =	vst.idx.add.f32.msk vm2, v2  }
0x1c4: {  	[tilespmem:v1+s16+$0x0] =	vst.idx.add.f32.msk vm3, v2  }
0x1c5: {  	[tilespmem:v1+s16+$0x0] =	vst.idx.add.f32.msk vm4, v2  }
0x1c6: {  	[tilespmem:v1+s16+$0x0] =	vst.idx.add.f32.msk vm5, v2  }
0x1c7: {  	[tilespmem:v1+s16+$0x0] =	vst.idx.add.f32.msk vm6, v2  }
0x1c8: {  	[tilespmem:v1+s16+$0x0] =	vst.idx.add.f32.msk vm7, v2  }
0x1c9: {  	[tilespmem:v1+s16+$0x0] =	vst.idx.add.f32.msk vm8, v2  }
0x1ca: {  	p0 =	sne.s32 s19, $0xA000;
	[tilespmem:v1+s16+$0x0] =	vst.idx.add.f32.msk vm9, v2  }
.Ltmp3:
0x1cb: {  	[tilespmem:v1+s16+$0x0] =	vst.idx.add.f32.msk vm10, v2;
	(pc) =	sbr.rel @p0 .LBB2_8-.Ltmp3, $4  }
0x1cc: {  	[tilespmem:v1+s16+$0x0] =	vst.idx.add.f32.msk vm11, v2  }
0x1cd: {  	[tilespmem:v1+s16+$0x0] =	vst.idx.add.f32.msk vm12, v2  }
0x1ce: {  	[tilespmem:v1+s16+$0x0] =	vst.idx.add.f32.msk vm13, v2  }
0x1cf: {  	s19 =	sadd.s32 $0x200, s19;
	[tilespmem:v1+s16+$0x0] =	vst.idx.add.f32.msk vm14, v2  }
0x1d0: {  	[hbm4b:s8+s2] =	stream.linear.scatter [tilespmem:s17], [sflag:$0x1], $0x2880, $0x38;
	[tilespmem:$0xFC80] =	vst v63  }
0x1d1: {  	s18 =	sadd.s32 $0x1, s18;
	_ =	swait.ge [sflag:s11], $0x2880  }
0x1d2: {  	p0 =	sne.s32 s18, s10;
	[sflag:s11] =	ssyncset.done $0x0  }
.Ltmp4:
0x1d3: {  	[sflag:s11] =	ssyncadd.s32 $0xFFFFD780;
	(pc) =	sbr.rel @p0 .LBB2_1-.Ltmp4, $4  }
0x1d4: {  	[hbm4b:s9+s2] =	stream.linear.scatter [tilespmem:s16], [sflag:$0x1], $0x2800, $0x38;
	[tilespmem:$0xFC80] =	vst v63  }
0x1d5: {  	_ =	swait.ge [sflag:s11], $0x2800  }
0x1d6: {  	[sflag:s11] =	ssyncset.done $0x0  }
0x1d7: {  	[sflag:s11] =	ssyncadd.s32 $0xFFFFD800  }
0x1d8: {  	_ =	sfence.sel $0x180000  }
0x1d9: {  	[bflag:$0x0] =	sbarrier.arrive $0xFFFF  }
0x1da: {  	p0 =	sne.s32 s1, $0x0;
	_ =	strace $0x9000004D  }
0x1db: {  	s0 =	sadd.s32 @!p0 $0x100000, s0;
	[bflag:$0x2] =	sbarrier.arrive $0xFFFF  }
0x1dc: {  	[sflag:s0] =	ssyncadd.tile.s32 @!p0 $0x1;
	_ =	shalt  }
.Lfunc_end2:
_tile_overlayer_lowered:
.L_overlay_start_2:
0x1dd: {  	(tag) =	ssettag $0x2  }
0x1de: {  	s0 =	rddreg [dreg:$0x0];
	s2 =	stileid.u32  }
0x1df: {  	s1 =	rddreg [dreg:$0x1];
	p0 =	sne.s32 s2, $0x0  }
0x1e0: {  	s3 =	rddreg [dreg:$0x2];
	[bflag:$0x3] =	sbarrier.arrive $0xFFFF;
	s2 =	simm.s32 @!p0 $0x1C01  }
0x1e1: {  	[timem:s3], [sflag:s2] =	dma.local @!p0 [hbm:s0], s1  }
0x1e2: {  	s0 =	simm.s32 @!p0 $0x1  }
0x1e3: {  	_ =	swait.ge @!p0 [sflag:s0], s1  }
0x1e4: {  	s1 =	ssub.s32 @!p0 $0x0, s1;
	[sflag:s0] =	ssyncset.done @!p0 $0x0  }
0x1e5: {  	[sflag:s0] =	ssyncadd.s32 @!p0 s1  }
0x1e6: {  	[bflag:$0x3] =	sbarrier.arrive $0xFFFF  }
0x1e7: {  	_ =	shalt  }

// kernel: kernel.18.cloned.1.call-start
scs
__scs_entry_jumppad:
0x0: {  	(pc) =	sbr.rel $0x88, $3  }
0x1: {  	(tag) =	ssettag $0x0;
	lr =	simm.s32 $0x1  }
0x2: {  	[smem:$0x3F97] =	sst lr;
	_ =	strace $0xD0000000  }
0x3: {  	_ = 	snop  }
0x4: {  	_ = 	snop  }
0x5: {  	_ = 	snop  }
0x6: {  	_ = 	snop  }
0x7: {  	_ = 	snop  }
__scs_overlays_trampoline_lowered:
0x8: {  	[smem:$0x3FA6] =	sst s0  }
0x9: {  	[smem:$0x3FA7] =	sst s1  }
0xa: {  	[smem:$0x3FA8] =	sst s2  }
0xb: {  	[smem:$0x3FA9] =	sst s3  }
0xc: {  	[smem:$0x3FAA] =	sst s4  }
0xd: {  	[smem:$0x3FAB] =	sst s5  }
0xe: {  	[smem:$0x3FAC] =	sst s6  }
0xf: {  	[smem:$0x3FAD] =	sst s7  }
0x10: {  	[smem:$0x3FAE] =	sst s8  }
0x11: {  	[smem:$0x3FAF] =	sst s9;
	s0 =	simm.s32 @!p0 $0x0  }
0x12: {  	s1 =	sld [smem:$0x3F95];
	s0 =	simm.s32 @p0 $0x1  }
0x13: {  	[smem:$0x3FB0] =	sst s0;
	s0 =	simm.s32 @!p1 $0x0  }
0x14: {  	s2 =	sld [smem:$0x3F94];
	s0 =	simm.s32 @p1 $0x1  }
0x15: {  	[smem:$0x3FB1] =	sst s0;
	s0 =	simm.s32 @!p2 $0x0  }
0x16: {  	s3 =	sld [smem:$0x3FDB];
	s0 =	simm.s32 @p2 $0x1  }
0x17: {  	s4 =	simm.s32 $0x1BF5;
	[smem:$0x3FB3] =	sst s0  }
0x18: {  	s0 =	sld [smem:$0x3F96];
	_ =	swait.ge [sflag:s4], $0x0  }
0x19: {  	s7 =	sld [smem:$0x3F97]  }
0x1a: {  	s8 =	sadd.s32 $0xFFFFE003, lr  }
0x1b: {  	s9 =	sadd.s32 $0xFFFFFEF7, lr;
	s5 =	simm.s32 $0xFFFFFFFF;
	p2 =	slt.u32 s8, $0xFFFFF086  }
0x1c: {  	p1 =	slt.u32 s9, $0xF7A;
	s5 =	simm.s32 @!p2 $0x0  }
0x1d: {  	s5 =	simm.s32 @p1 $0x1;
	p0 =	seq.s32 s7, s2  }
0x1e: {  	s7 =	smul.u32 @!p0 $0xF7A, s2;
	p2 =	seq.s32 @!p0 s5, $0x0  }
0x1f: {  	s9 =	smul.u32 $0xF7A, s1;
	s8 =	simm.s32 @!p0 $0x1BF5;
	p2 =	por !p2, p0  }
0x20: {  	[sflag:s8] =	ssyncset.s32 @!p0 $0xFFFFF086;
	s6 =	sadd.s32 @!p0 s3, s7;
	s7 =	simm.s32 @!p0 $0x108  }
0x21: {  	s3 =	sadd.s32 s3, s9;
	s6 =	sadd.s32 @!p0 $0x88, s6;
	s7 =	simm.s32 @p2 $0x1082  }
0x22: {  	[simem:s7], [sflag:s8] =	dma.local @!p0 [hbm:s6], $0xF7A  }
0x23: {  	s9 =	sor.u32 $0xD0000000, s2;
	s6 =	simm.s32 $0x108;
	_ =	swait.ge @!p0 [sflag:s8], $0x0  }
0x24: {  	s3 =	sadd.s32 $0x88, s3;
	s6 =	simm.s32 @!p1 $0x1082;
	[sflag:s4] =	ssyncset.s32 $0xFFFFF086  }
0x25: {  	[simem:s6], [sflag:s4] =	dma.local [hbm:s3], $0xF7A  }
0x26: {  	[smem:$0x3F97] =	sst s1;
	(tag) =	ssettag s2;
	_ =	strace s9  }
0x27: {  	s1 =	sld [smem:$0x3FA7]  }
0x28: {  	s2 =	sld [smem:$0x3FA8]  }
0x29: {  	s4 =	sld [smem:$0x3FAA]  }
0x2a: {  	p0 =	seq.s32 s5, $0x0;
	s5 =	sld [smem:$0x3FAB]  }
0x2b: {  	s6 =	sld [smem:$0x3FAC]  }
0x2c: {  	s7 =	sld [smem:$0x3FAD]  }
0x2d: {  	s3 =	simm.s32 $0x108;
	s8 =	sld [smem:$0x3FAE]  }
0x2e: {  	s3 =	simm.s32 @!p0 $0x1082;
	s9 =	sld [smem:$0x3FAF]  }
0x2f: {  	lr =	sadd.s32 s0, s3;
	s0 =	sld [smem:$0x3FA6]  }
0x30: {  	s3 =	sld [smem:$0x3FA9]  }
0x31: {  	[smem:$0x3FB2] =	sst s10  }
0x32: {  	s10 =	sld [smem:$0x3FB0];
	_ =	sdelay $0x3  }
0x33: {  	p0 =	seq.s32 s10, $0x1;
	s10 =	sld [smem:$0x3FB2];
	_ =	sdelay $0x3  }
0x34: {  	[smem:$0x3FB2] =	sst s10  }
0x35: {  	s10 =	sld [smem:$0x3FB1];
	_ =	sdelay $0x3  }
0x36: {  	p1 =	seq.s32 s10, $0x1;
	s10 =	sld [smem:$0x3FB2];
	_ =	sdelay $0x3  }
0x37: {  	[smem:$0x3FB2] =	sst s10  }
0x38: {  	s10 =	sld [smem:$0x3FB3]  }
0x39: {  	_ = 	snop;
	(pc) =	sbr.ind lr, $3  }
0x3a: {  	_ = 	snop  }
0x3b: {  	_ = 	snop  }
0x3c: {  	p2 =	seq.s32 s10, $0x1;
	s10 =	sld [smem:$0x3FB2]  }
0x3d: {  	_ =	shalt  }
0x3e: {  	_ =	shalt  }
0x3f: {  	_ =	shalt  }
0x40: {  	_ =	shalt  }
0x41: {  	_ =	shalt  }
0x42: {  	_ =	shalt  }
0x43: {  	_ =	shalt  }
0x44: {  	_ =	shalt  }
0x45: {  	_ =	shalt  }
0x46: {  	_ =	shalt  }
0x47: {  	_ =	shalt  }
0x48: {  	_ =	shalt  }
0x49: {  	_ =	shalt  }
0x4a: {  	_ =	shalt  }
0x4b: {  	_ =	shalt  }
0x4c: {  	_ =	shalt  }
0x4d: {  	_ =	shalt  }
0x4e: {  	_ =	shalt  }
0x4f: {  	_ =	shalt  }
0x50: {  	_ =	shalt  }
0x51: {  	_ =	shalt  }
0x52: {  	_ =	shalt  }
0x53: {  	_ =	shalt  }
0x54: {  	_ =	shalt  }
0x55: {  	_ =	shalt  }
0x56: {  	_ =	shalt  }
0x57: {  	_ =	shalt  }
0x58: {  	_ =	shalt  }
0x59: {  	_ =	shalt  }
0x5a: {  	_ =	shalt  }
0x5b: {  	_ =	shalt  }
0x5c: {  	_ =	shalt  }
0x5d: {  	_ =	shalt  }
0x5e: {  	_ =	shalt  }
0x5f: {  	_ =	shalt  }
0x60: {  	_ =	shalt  }
0x61: {  	_ =	shalt  }
0x62: {  	_ =	shalt  }
0x63: {  	_ =	shalt  }
0x64: {  	_ =	shalt  }
0x65: {  	_ =	shalt  }
0x66: {  	_ =	shalt  }
0x67: {  	_ =	shalt  }
0x68: {  	_ =	shalt  }
0x69: {  	_ =	shalt  }
0x6a: {  	_ =	shalt  }
0x6b: {  	_ =	shalt  }
0x6c: {  	_ =	shalt  }
0x6d: {  	_ =	shalt  }
0x6e: {  	_ =	shalt  }
0x6f: {  	_ =	shalt  }
0x70: {  	_ =	shalt  }
0x71: {  	_ =	shalt  }
0x72: {  	_ =	shalt  }
0x73: {  	_ =	shalt  }
0x74: {  	_ =	shalt  }
0x75: {  	_ =	shalt  }
0x76: {  	_ =	shalt  }
0x77: {  	_ =	shalt  }
0x78: {  	_ =	shalt  }
0x79: {  	_ =	shalt  }
0x7a: {  	_ =	shalt  }
0x7b: {  	_ =	shalt  }
0x7c: {  	_ =	shalt  }
0x7d: {  	_ =	shalt  }
0x7e: {  	_ =	shalt  }
0x7f: {  	_ =	shalt  }
0x80: {  	_ =	shalt  }
0x81: {  	_ =	shalt  }
0x82: {  	_ =	shalt  }
0x83: {  	_ =	shalt  }
0x84: {  	_ =	shalt  }
0x85: {  	_ =	shalt  }
0x86: {  	_ =	shalt  }
0x87: {  	_ =	shalt  }
.Lfunc_end0:
.L_simem_size_0:
called_computation.3_lowered:
.L_overlay_start_0:
0x88: {  	s2 =	sld [smem:$0x3FD9]  }
0x89: {  	s3 =	sld [smem:$0x3FFE];
	_ =	sdelay $0x1  }
0x8a: {  	s1 =	srdreg.scid  }
0x8b: {  	s0 =	sand.u32 $0x1, s1  }
0x8c: {  	s17 =	sshll.u32 s0, $0xA;
	s2 =	sadd.s32 s3, s2  }
0x8d: {  	s2 =	sadd.s32 s2, s17  }
0x8e: {  	[smem:$0x3FBE] =	sst s2  }
0x8f: {  	_ = 	snop  }
0x90: {  	s2 =	sld [smem:$0x3FD0];
	(tm) =	ssettm $0x1  }
0x91: {  	s18 =	sld [smem:$0x3FFB];
	_ =	sdelay $0x3  }
0x92: {  	_ =	strace s18  }
0x93: {  	s3 =	sld [smem:$0x3FFC];
	_ =	sdelay $0x3  }
0x94: {  	_ =	strace s3  }
0x95: {  	s3 =	sld [smem:$0x3FFD];
	_ =	sdelay $0x3  }
0x96: {  	_ =	strace s3  }
0x97: {  	_ =	strace $0x8FFFFFFF  }
0x98: {  	s19 =	sld [smem:$0x3FDB];
	_ =	sdelay $0x1  }
0x99: {  	s4 =	simm.s32 $_scs_section_size  }
0x9a: {  	s5 =	simm.s32 $_size__tile_overlayer_lowered;
	s6 =	simm.s32 $_tile_overlayer_lowered  }
0x9b: {  	s22 =	simm.s32 $0x1BFF;
	s21 =	sshll.u32 s6, $0x1;
	s3 =	sadd.s32 s4, s19  }
0x9c: {  	s7 =	simm.s32 $0x0;
	s20 =	sshll.u32 s5, $0x1;
	s5 =	sadd.s32 s21, s3  }
0x9d: {  	[timem:s7], [sflag:s22] =	dma.local [hbm:s5], s20  }
0x9e: {  	_ =	swait.ge [sflag:s22], s20  }
0x9f: {  	s4 =	ssub.s32 $0x0, s20;
	[sflag:s22] =	ssyncset.done $0x0  }
0xa0: {  	[sflag:s22] =	ssyncadd.s32 s4;
	_ =	sdelay $0x1  }
0xa1: {  	s23 =	simm.s32 $0x1B8B  }
0xa2: {  	_ =	swait.ge [sflag:s23], $0x1  }
0xa3: {  	[sflag:s23] =	ssyncset.done $0x0  }
0xa4: {  	s25 =	simm.s32 $0x1B8E;
	s24 =	sld [smem:$0x3FFE];
	[sflag:s23] =	ssyncadd.s32 $0xFFFFFFFF  }
0xa5: {  	s26 =	simm.s32 $execute0_lowered;
	[smem:$0x3FD2] =	sst s25  }
0xa6: {  	s5 =	sshll.u32 s26, $0x1;
	_ =	strace $0x8000004F;
	[dreg:$0x1] =	wrdreg $0xFFFFFFFF  }
0xa7: {  	s28 =	simm.s32 $_size_execute0_lowered;
	s3 =	sadd.s32 s3, s5;
	[dreg:$0x0] =	wrdreg $0x0  }
0xa8: {  	s5 =	sshll.u32 s28, $0x1;
	[dreg:$0x2] =	wrdreg s3  }
0xa9: {  	[dreg:$0x3] =	wrdreg s5  }
0xaa: {  	[dreg:$0x4] =	wrdreg $0xC0  }
0xab: {  	_ =	task [dreg:s7], $0x5FFFF  }
0xac: {  	[dreg:$0x1] =	wrdreg $0xFFFFFFFF  }
0xad: {  	[dreg:$0x0] =	wrdreg $0x60  }
0xae: {  	[dreg:$0x2] =	wrdreg s24  }
0xaf: {  	[dreg:$0x3] =	wrdreg s2  }
0xb0: {  	[dreg:$0x4] =	wrdreg $0xB0000  }
0xb1: {  	[dreg:$0x5] =	wrdreg $0x9  }
0xb2: {  	_ =	task.clear_ibuf [dreg:s7], $0x6FFFF;
	_ =	strace $0x9000004F  }
0xb3: {  	s29 =	simm.s32 $0x9;
	_ =	strace $0x80000051  }
0xb4: {  	_ =	swait.ge [sflag:s29], $0x1  }
0xb5: {  	[sflag:s29] =	ssyncadd.s32 $0xFFFFFFFF  }
0xb6: {  	_ =	strace $0x90000051  }
0xb7: {  	_ =	sfence  }
0xb8: {  	s30 =	sld [smem:$0x0];
	_ =	sdelay $0x2  }
0xb9: {  	s31 =	sshll.u32 s1, $0xD;
	s1 =	sshrl.u32 s1, $0x2  }
0xba: {  	s3 =	sand.u32 $0x4000, s31;
	s1 =	sadd.s32 s1, s30  }
0xbb: {  	s0 =	sor.u32 s3, s0;
	s1 =	sshll.u32 s1, $0x11  }
0xbc: {  	s0 =	sor.u32 s1, s0  }
0xbd: {  	s0 =	sadd.s32 $0x8F2B, s0  }
0xbe: {  	[sflag:s0] =	ssyncadd.remote.s32 $0x1  }
0xbf: {  	_ =	sfence.sel $0xFFFF  }
0xc0: {  	[dreg:$0x0] =	wrdreg $0xFFFFFFFF;
	(pc) =	sbr.abs _section_cstart, $3  }
0xc1: {  	[dreg:$0x1] =	wrdreg $0xFFFFFFFF  }
0xc2: {  	_ =	task.clear_ibuf [dreg:s7], $0x2FFFF;
	_ =	strace $0x9FFFFFFF  }
0xc3: {  	(tm) =	ssettm $0x7FFFFFFF  }
tec
execute0_lowered:
.L_overlay_start_1:
0x0: {  	(tag) =	ssettag $0x1  }
0x1: {  	s8 =	rddreg [dreg:$0x0]  }
0x2: {  	s2 =	rddreg [dreg:$0x1]  }
0x3: {  	s3 =	rddreg [dreg:$0x2];
	s1 =	stileid.u32  }
0x4: {  	s5 =	srdreg.scid;
	s4 =	simm.s32 $0x0;
	s16 =	simm.s32 $0x2000  }
0x5: {  	s17 =	simm.s32 $0x80;
	s18 =	simm.s32 $0x3000;
	s19 =	simm.s32 $0x7000  }
0x6: {  	s20 =	simm.s32 $0x1;
	s21 =	simm.s32 $0x2;
	s22 =	simm.s32 $0x1D00  }
0x7: {  	s9 =	smul.u32 $0x14000, s1;
	s10 =	sand.u32 $0x1, s5;
	[smem:$0x7FF] =	sst s4  }
0x8: {  	s5 =	sadd.s32 $0x1A000, s8;
	s6 =	sadd.s32 $0x57E00, s8;
	s7 =	sadd.s32 $0x63E00, s8  }
0x9: {  	s13 =	smul.u32 $0x50000, s1;
	s29 =	sshll.u32 s1, $0x1;
	s31 =	sshll.u32 s1, $0x6  }
0xa: {  	s11 =	smul.u32 $0x140000, s10;
	_ =	strace $0x80000050;
	s26 =	ssub.s32 $0x2, s10  }
0xb: {  	s10 =	sor.u32 s10, s29;
	s12 =	sshrl.u32 s9, $0x3;
	s28 =	sshrl.u32 s26, $0x1  }
0xc: {  	s30 =	sshrl.u32 s13, $0x2;
	s10 =	smul.u32 $0x3000, s10;
	s9 =	sadd.s32 s9, s11  }
0xd: {  	s12 =	sadd.s32 s12, s8;
	s13 =	sadd.s32 s30, s3;
	s9 =	sshrl.u32 s9, $0x3  }
0xe: {  	s15 =	ssub.s32 s26, s28;
	s13 =	sshrl.u32 s13, $0x3;
	s14 =	sadd.s32 s9, s8  }
0xf: {  	s8 =	sadd.s32 $0x6FE00, s12;
	s9 =	sor.u32 $0x1C03, s31;
	s12 =	smax.u32 s15, $0x1  }
0x10: {  	s15 =	simm.s32 $0x1000;
	s11 =	sadd.s32 $0x97E00, s14;
	s14 =	simm.s32 $0x3  }
.LBB2_1:
0x11: {  	[spmem:s13], [sflag:s9] =	dma.local [hbm:s8], $0x2800  }
0x12: {  	_ =	swait.ge [sflag:s14], $0x2800  }
0x13: {  	[sflag:s14] =	ssyncset.done $0x0  }
0x14: {  	[sflag:s14] =	ssyncadd.s32 $0xFFFFD800  }
0x15: {  	s23 =	simm.s32 $0x0;
	[bflag:$0x0] =	sbarrier.arrive $0xFFFF  }
.LBB2_2:
0x16: {  	s24 =	sshll.u32 s23, $0xC  }
0x17: {  	s24 =	sadd.s32 s10, s24  }
0x18: {  	s25 =	sshrl.u32 s24, $0x3  }
0x19: {  	s24 =	simm.s32 $0x0;
	s26 =	sadd.s32 s2, s25  }
0x1a: {  	[tilespmem:s24], [sflag:$0x3] =	stream.linear.gather [hbm4b:s26+s24], $0xD80, $0x38;
	[tilespmem:$0x1F000] =	vst v63  }
0x1b: {  	_ =	swait.ge [sflag:s14], $0xD80  }
0x1c: {  	[sflag:s14] =	ssyncset.done $0x0  }
0x1d: {  	s31 =	sadd.s32 s6, s25;
	[sflag:s14] =	ssyncadd.s32 $0xFFFFF280  }
0x1e: {  	[tilespmem:s15], [sflag:$0x3] =	stream.linear.gather [hbm4b:s31+s24], $0xD80, $0x38;
	[tilespmem:$0x1F000] =	vst v63  }
0x1f: {  	_ =	swait.ge [sflag:s14], $0xD80  }
0x20: {  	[sflag:s14] =	ssyncset.done $0x0  }
0x21: {  	s25 =	sadd.s32 s7, s25;
	[sflag:s14] =	ssyncadd.s32 $0xFFFFF280  }
0x22: {  	[tilespmem:s16], [sflag:$0x3] =	stream.linear.gather [hbm4b:s25+s24], $0xD80, $0x38;
	[tilespmem:$0x1F000] =	vst v63  }
0x23: {  	_ =	swait.ge [sflag:s14], $0xD80  }
0x24: {  	[sflag:s14] =	ssyncset.done $0x0  }
0x25: {  	s25 =	simm.s32 $0x0;
	[sflag:s14] =	ssyncadd.s32 $0xFFFFF280  }
0x26: {  	[tilespmem:s18], [sflag:$0x1] =	stream.indirect.gather [hbm4b:s5+s17], $0x80, s24, s17, $0xb8;
	[tilespmem:$0x1F000] =	vst v63  }
.LBB2_3:
0x27: {  	s0 =	simm.s32 $0x7  }
0x28: {  	s26 =	simm.s32 $0x1;
	v3 =	vmov s0;
	s0 =	sshllo.u32 s25, $0x1  }
0x29: {  	v2 =	vmov s26;
	s26 =	sshll.u32 s0, $0x7  }
0x2a: {  	[tilespmem:s19], [sflag:$0x2] =	stream.indirect.gather [hbm4b:s5+s17], $0x80, s26, s17, $0xb8;
	[tilespmem:$0x1F000] =	vst v63  }
0x2b: {  	_ =	swait.ge [sflag:s20], $0x4000  }
0x2c: {  	[sflag:s20] =	ssyncset.done $0x0  }
0x2d: {  	s28 =	sshll.u32 s25, $0x8;
	v1 =	vmov s24;
	s29 =	simm.s32 $0x3200;
	[sflag:s20] =	ssyncadd.s32 $0xFFFFC000  }
0x2e: {  	v0 =	vmov s28;
	v1 =	vand.u32 $0x78, v1;
	v5 =	vld [tilespmem:s29+$0xFFFFFE10]  }
0x2f: {  	v1 =	vor.u32 v0, v1;
	v3 =	vand.u32 $0x7F, v3;
	v6 =	vld [tilespmem:s29+$0xFFFFFE20]  }
0x30: {  	v1 =	vbroadcast v1, $0x0;
	v3 =	vor.u32 v0, v3;
	v7 =	vld [tilespmem:s29+$0xFFFFFE30]  }
0x31: {  	v3 =	vbroadcast v3, $0x0;
	v8 =	vld [tilespmem:s29+$0xFFFFFE40]  }
0x32: {  	v9 =	vld [tilespmem:s29+$0xFFFFFE50]  }
0x33: {  	v10 =	vld [tilespmem:s29+$0xFFFFFE60]  }
0x34: {  	v2 =	vand.u32 $0x79, v2;
	v12 =	vld [tilespmem:s29+$0x1F0]  }
0x35: {  	v2 =	vor.u32 v0, v2;
	v13 =	vld [tilespmem:s29+$0xFFFFFE80]  }
0x36: {  	v2 =	vbroadcast v2, $0x0;
	v4 =	vld.idx.msk [tilespmem:v1+s16+$0x0], $0xffff  }
0x37: {  	v1 =	vld.idx.msk [tilespmem:v3+s16+$0x0], $0xffff  }
0x38: {  	v3 =	vld [tilespmem:s29+$0xFFFFFE00]  }
0x39: {  	v14 =	vld [tilespmem:s29+$0xFFFFFE90]  }
0x3a: {  	v15 =	vld [tilespmem:s29+$0xFFFFFEA0]  }
0x3b: {  	v16 =	vld [tilespmem:s29+$0xFFFFFEB0];
	v5 =	vmul.f32 v5, v4  }
0x3c: {  	v2 =	vld.idx.msk [tilespmem:v2+s16+$0x0], $0xffff;
	v6 =	vmul.f32 v6, v4  }
0x3d: {  	s30 =	simm.s32 $0x2;
	v17 =	vld [tilespmem:s29+$0xFFFFFEC0];
	v3 =	vmul.f32 v3, v4;
	[tilespmem:s29+$0xFFFFFE10] =	vst v5  }
0x3e: {  	v11 =	vmov s30;
	v7 =	vmul.f32 v7, v4;
	v5 =	vld [tilespmem:s29+$0xFFFFFEE0];
	[tilespmem:s29+$0xFFFFFE20] =	vst v6  }
0x3f: {  	v12 =	vmul.f32 v12, v1;
	v6 =	vmul.f32 v8, v4;
	v8 =	vld [tilespmem:s29+$0xFFFFFEF0];
	[tilespmem:s29+$0xFFFFFE00] =	vst v3;
	v3 =	vand.u32 $0x7A, v11  }
0x40: {  	[tilespmem:s29+$0xFFFFFE30] =	vst v7;
	v7 =	vmul.f32 v9, v4;
	v11 =	vld [tilespmem:s29+$0xFFFFFE70];
	v3 =	vor.u32 v0, v3  }
0x41: {  	v9 =	vld [tilespmem:s29+$0xFFFFFF00];
	[tilespmem:s29+$0x1F0] =	vst v12;
	v12 =	vmul.f32 v13, v2;
	v3 =	vbroadcast v3, $0x0  }
0x42: {  	s30 =	simm.s32 $0x3;
	v13 =	vld [tilespmem:s29+$0xFFFFFED0];
	[tilespmem:s29+$0xFFFFFE40] =	vst v6  }
0x43: {  	v6 =	vmul.f32 v10, v4;
	v10 =	vld [tilespmem:s29+$0xFFFFFF10];
	[tilespmem:s29+$0xFFFFFE80] =	vst v12;
	v12 =	vmov s30  }
0x44: {  	v17 =	vmul.f32 v17, v2;
	[tilespmem:s29+$0xFFFFFE50] =	vst v7;
	v7 =	vld [tilespmem:s29+$0xFFFFFF20];
	v12 =	vand.u32 $0x7B, v12  }
0x45: {  	[tilespmem:s29+$0xFFFFFE60] =	vst v6;
	v6 =	vmul.f32 v14, v2;
	v14 =	vld [tilespmem:s29+$0xFFFFFF40];
	v12 =	vor.u32 v0, v12;
	v4 =	vmul.f32 v11, v4  }
0x46: {  	v5 =	vmul.f32 v5, v2;
	v12 =	vbroadcast v12, $0x0;
	v11 =	vld [tilespmem:s29+$0xFFFFFF30]  }
0x47: {  	v13 =	vmul.f32 v13, v2;
	[tilespmem:s29+$0xFFFFFE70] =	vst v4;
	v4 =	vmul.f32 v15, v2;
	v3 =	vld.idx.msk [tilespmem:v3+s16+$0x0], $0xffff  }
0x48: {  	[tilespmem:s29+$0xFFFFFE90] =	vst v6;
	v15 =	vmul.f32 v16, v2;
	v2 =	vmul.f32 v8, v2;
	v8 =	vld [tilespmem:s29+$0xFFFFFF90]  }
0x49: {  	[tilespmem:s29+$0xFFFFFED0] =	vst v13;
	v13 =	vld [tilespmem:s29+$0xFFFFFFD0]  }
0x4a: {  	[tilespmem:s29+$0xFFFFFEA0] =	vst v4;
	v4 =	vld [tilespmem:s29+$0xFFFFFF60]  }
0x4b: {  	[tilespmem:s29+$0xFFFFFEB0] =	vst v15;
	v15 =	vld [tilespmem:s29+$0xFFFFFF70]  }
0x4c: {  	[tilespmem:s29+$0xFFFFFEE0] =	vst v5;
	v12 =	vld.idx.msk [tilespmem:v12+s16+$0x0], $0xffff;
	v6 =	vmul.f32 v9, v3  }
0x4d: {  	s30 =	simm.s32 $0x4;
	[tilespmem:s29+$0xFFFFFEF0] =	vst v2;
	v9 =	vld [tilespmem:s29+$0xFFFFFF50];
	v5 =	vmul.f32 v10, v3  }
0x4e: {  	v16 =	vmov s30;
	v10 =	vld [tilespmem:s29+$0xFFFFFFA0];
	v2 =	vmul.f32 v7, v3;
	[tilespmem:s29+$0xFFFFFF00] =	vst v6  }
0x4f: {  	v14 =	vmul.f32 v14, v3;
	v6 =	vand.u32 $0x7C, v16;
	v16 =	vld [tilespmem:s29+$0xFFFFFF80];
	[tilespmem:s29+$0xFFFFFF10] =	vst v5  }
0x50: {  	v7 =	vld [tilespmem:s29+$0xFFFFFFB0];
	v4 =	vmul.f32 v4, v3;
	[tilespmem:s29+$0xFFFFFF20] =	vst v2;
	v6 =	vor.u32 v0, v6  }
0x51: {  	v5 =	vmul.f32 v11, v3;
	v11 =	vld [tilespmem:s29+$0xFFFFFFC0];
	[tilespmem:s29+$0xFFFFFF40] =	vst v14;
	v6 =	vbroadcast v6, $0x0  }
0x52: {  	v14 =	vld [tilespmem:s29+$0xFFFFFFF0];
	[tilespmem:s29+$0xFFFFFF60] =	vst v4;
	v4 =	vmul.f32 v8, v12  }
0x53: {  	v8 =	vld [tilespmem:s29+$0x10];
	[tilespmem:s29+$0xFFFFFF30] =	vst v5;
	v9 =	vmul.f32 v9, v3  }
0x54: {  	s30 =	simm.s32 $0x5;
	v5 =	vld [tilespmem:s29+$0xFFFFFFE0];
	[tilespmem:s29+$0xFFFFFF90] =	vst v4;
	v2 =	vmul.f32 v16, v12  }
0x55: {  	v3 =	vmul.f32 v15, v3;
	v4 =	vmul.f32 v7, v12;
	v7 =	vld [tilespmem:s29+$0x30];
	v16 =	vmov s30;
	[tilespmem:s29+$0xFFFFFF50] =	vst v9  }
0x56: {  	v13 =	vmul.f32 v13, v12;
	v9 =	vld [tilespmem:s29+$0x0];
	[tilespmem:s29+$0xFFFFFF80] =	vst v2;
	v2 =	vand.u32 $0x7D, v16  }
0x57: {  	[tilespmem:s29+$0xFFFFFF70] =	vst v3;
	v3 =	vmul.f32 v10, v12;
	v6 =	vld.idx.msk [tilespmem:v6+s16+$0x0], $0xffff;
	v2 =	vor.u32 v0, v2  }
0x58: {  	[tilespmem:s29+$0xFFFFFFD0] =	vst v13;
	v13 =	vld [tilespmem:s29+$0x70];
	v2 =	vbroadcast v2, $0x0  }
0x59: {  	v10 =	vld [tilespmem:s29+$0x20];
	[tilespmem:s29+$0xFFFFFFA0] =	vst v3;
	v3 =	vmul.f32 v11, v12  }
0x5a: {  	[tilespmem:s29+$0xFFFFFFB0] =	vst v4;
	v11 =	vld [tilespmem:s29+$0x40];
	v5 =	vmul.f32 v5, v12;
	v12 =	vmul.f32 v14, v12  }
0x5b: {  	[tilespmem:s29+$0xFFFFFFC0] =	vst v3;
	v3 =	vld [tilespmem:s29+$0x60]  }
0x5c: {  	s30 =	simm.s32 $0x6;
	[tilespmem:s29+$0xFFFFFFF0] =	vst v12;
	v12 =	vld [tilespmem:s29+$0x90];
	v4 =	vmul.f32 v9, v6  }
0x5d: {  	v15 =	vmov s30;
	[tilespmem:s29+$0xFFFFFFE0] =	vst v5;
	v9 =	vld [tilespmem:s29+$0x50];
	v5 =	vmul.f32 v8, v6  }
0x5e: {  	v10 =	vmul.f32 v10, v6;
	v2 =	vld.idx.msk [tilespmem:v2+s16+$0x0], $0xffff;
	[tilespmem:s29+$0x0] =	vst v4;
	v4 =	vand.u32 $0x7E, v15  }
0x5f: {  	v8 =	vld [tilespmem:s29+$0x80];
	[tilespmem:s29+$0x10] =	vst v5;
	v5 =	vmul.f32 v7, v6;
	v4 =	vor.u32 v0, v4  }
0x60: {  	[tilespmem:s29+$0x20] =	vst v10;
	v10 =	vmul.f32 v11, v6;
	v11 =	vld [tilespmem:s29+$0xB0];
	v4 =	vbroadcast v4, $0x0  }
0x61: {  	v3 =	vmul.f32 v3, v6;
	v7 =	vld [tilespmem:s29+$0xA0];
	[tilespmem:s29+$0x30] =	vst v5  }
0x62: {  	[tilespmem:s29+$0x40] =	vst v10;
	v10 =	vld [tilespmem:s29+$0xD0];
	v5 =	vmul.f32 v9, v6  }
0x63: {  	[tilespmem:s29+$0x60] =	vst v3;
	v9 =	vld [tilespmem:s29+$0xC0];
	v3 =	vmul.f32 v12, v2  }
0x64: {  	[tilespmem:s29+$0x50] =	vst v5;
	v5 =	vld [tilespmem:s29+$0xE0]  }
0x65: {  	v8 =	vmul.f32 v8, v2;
	[tilespmem:s29+$0x90] =	vst v3;
	v3 =	vmul.f32 v11, v2;
	v11 =	vld [tilespmem:s29+$0x110]  }
0x66: {  	[tilespmem:s29+$0xFFFFFEC0] =	vst v17;
	v16 =	vld.idx.msk [tilespmem:v4+s16+$0x0], $0xffff;
	v4 =	vmul.f32 v13, v6  }
0x67: {  	s30 =	simm.s32 $0x8;
	[tilespmem:s29+$0x80] =	vst v8;
	v6 =	vld [tilespmem:s29+$0xF0]  }
0x68: {  	s31 =	simm.s32 $0xB;
	v8 =	vmov s30;
	s30 =	simm.s32 $0x9;
	[tilespmem:s29+$0x70] =	vst v4;
	v4 =	vmul.f32 v7, v2;
	v7 =	vld [tilespmem:s29+$0x100]  }
0x69: {  	v14 =	vmov s31;
	s31 =	simm.s32 $0xD;
	v12 =	vmov s30;
	s30 =	simm.s32 $0xA;
	[tilespmem:s29+$0xB0] =	vst v3;
	v3 =	vmul.f32 v10, v2  }
0x6a: {  	v17 =	vmov s31;
	v13 =	vmov s30;
	s30 =	simm.s32 $0xC;
	[tilespmem:s29+$0xA0] =	vst v4;
	v4 =	vmul.f32 v9, v2;
	v9 =	vld [tilespmem:s29+$0x120]  }
0x6b: {  	v8 =	vand.u32 $0x78, v8;
	v10 =	vld [tilespmem:s29+$0x130];
	v15 =	vmov s30;
	[tilespmem:s29+$0xD0] =	vst v3;
	v11 =	vmul.f32 v11, v16  }
0x6c: {  	v18 =	vld [tilespmem:s29+$0x140];
	s30 =	simm.s32 $0xE;
	[tilespmem:s29+$0xC0] =	vst v4;
	v4 =	vmul.f32 v5, v2;
	v5 =	vor.u32 v0, v8;
	v2 =	vmul.f32 v6, v2  }
0x6d: {  	v6 =	vmov s30;
	v8 =	vand.u32 $0x79, v12;
	v3 =	vmul.f32 v7, v16;
	v7 =	vld [tilespmem:s29+$0x150];
	[tilespmem:s29+$0x110] =	vst v11  }
0x6e: {  	v19 =	vld [tilespmem:s29+$0x160];
	v12 =	vand.u32 $0x7A, v13;
	v13 =	vand.u32 $0x7C, v15;
	[tilespmem:s29+$0xE0] =	vst v4;
	v4 =	vand.u32 $0x7B, v14  }
0x6f: {  	[tilespmem:s29+$0xF0] =	vst v2;
	v2 =	vand.u32 $0x7D, v17;
	v14 =	vand.u32 $0x7E, v6;
	v17 =	vld [tilespmem:s29+$0x170];
	v6 =	vmul.f32 v9, v16  }
0x70: {  	v8 =	vor.u32 v0, v8;
	[tilespmem:s29+$0x100] =	vst v3;
	v3 =	vbroadcast v5, $0x0;
	v9 =	vmul.f32 v10, v16;
	v5 =	vld [tilespmem:s29+$0x180]  }
0x71: {  	v13 =	vor.u32 v0, v13;
	v10 =	vor.u32 v0, v12;
	v12 =	vmul.f32 v18, v16;
	[tilespmem:s29+$0x120] =	vst v6;
	v6 =	vld [tilespmem:s29+$0x190]  }
0x72: {  	v11 =	vor.u32 v0, v4;
	v4 =	vbroadcast v8, $0x0;
	[tilespmem:s29+$0x130] =	vst v9;
	v18 =	vmul.f32 v7, v16;
	v7 =	vld [tilespmem:s29+$0x1A0]  }
0x73: {  	v15 =	vor.u32 v0, v2;
	v8 =	vld [tilespmem:s29+$0x1B0];
	v9 =	vbroadcast v10, $0x0;
	[tilespmem:s29+$0x140] =	vst v12;
	v12 =	vmul.f32 v19, v16  }
0x74: {  	s31 =	simm.s32 $0xF;
	s30 =	simm.s32 $0x10;
	v14 =	vor.u32 v0, v14;
	v11 =	vbroadcast v11, $0x0;
	v10 =	vld [tilespmem:s29+$0x1C0];
	v16 =	vmul.f32 v17, v16;
	[tilespmem:s29+$0x150] =	vst v18  }
.LBB2_4:
0x75: {  	p0 =	slt.u32 s30, $0x78;
	v2 =	vbroadcast v13, $0x0;
	v13 =	vmov s31;
	[tilespmem:s29+$0x160] =	vst v12;
	v5 =	vmul.f32 v5, v1;
	v12 =	vld [tilespmem:s29+$0x1D0]  }
0x76: {  	v15 =	vbroadcast v15, $0x0;
	v13 =	vand.u32 $0x7F, v13;
	[tilespmem:s29+$0x170] =	vst v16;
	v6 =	vmul.f32 v6, v1;
	v16 =	vld [tilespmem:s29+$0x1E0]  }
0x77: {  	v14 =	vbroadcast v14, $0x0;
	v17 =	vld.idx.msk [tilespmem:v3+s16+$0x0], $0xffff;
	v3 =	vor.u32 v0, v13;
	[tilespmem:s29+$0x180] =	vst v5;
	v5 =	vmul.f32 v7, v1  }
0x78: {  	v7 =	vld.idx.msk [tilespmem:v4+s16+$0x0], $0xffff;
	v13 =	vbroadcast v3, $0x0;
	[tilespmem:s29+$0x190] =	vst v6;
	v3 =	vmul.f32 v8, v1  }
0x79: {  	v6 =	vld.idx.msk [tilespmem:v9+s16+$0x0], $0xffff;
	[tilespmem:s29+$0x1A0] =	vst v5;
	v8 =	vmul.f32 v10, v1  }
0x7a: {  	v5 =	vld.idx.msk [tilespmem:v11+s16+$0x0], $0xffff;
	[tilespmem:s29+$0x1B0] =	vst v3;
	v9 =	vmul.f32 v12, v1  }
0x7b: {  	v4 =	vld.idx.msk [tilespmem:v2+s16+$0x0], $0xffff;
	[tilespmem:s29+$0x1C0] =	vst v8;
	v1 =	vmul.f32 v16, v1  }
0x7c: {  	v3 =	vld.idx.msk [tilespmem:v15+s16+$0x0], $0xffff;
	[tilespmem:s29+$0x1D0] =	vst v9  }
0x7d: {  	v2 =	vld.idx.msk [tilespmem:v14+s16+$0x0], $0xffff;
	[tilespmem:s29+$0x1E0] =	vst v1  }
0x7e: {  	s29 =	sadd.s32 $0x400, s29;
	v1 =	vld.idx.msk [tilespmem:v13+s16+$0x0], $0xffff  }
0x7f: {  	v8 =	vld [tilespmem:s29+$0x1F0]  }
0x80: {  	v9 =	vld [tilespmem:s29+$0xFFFFFE00]  }
0x81: {  	v10 =	vld [tilespmem:s29+$0xFFFFFE10]  }
0x82: {  	v11 =	vld [tilespmem:s29+$0xFFFFFE20]  }
0x83: {  	v12 =	vld [tilespmem:s29+$0xFFFFFE30]  }
0x84: {  	v13 =	vld [tilespmem:s29+$0xFFFFFE40];
	v8 =	vmul.f32 v8, v1  }
0x85: {  	v9 =	vmul.f32 v9, v17;
	v14 =	vld [tilespmem:s29+$0xFFFFFE50]  }
0x86: {  	v10 =	vmul.f32 v10, v17;
	v15 =	vld [tilespmem:s29+$0xFFFFFE60];
	[tilespmem:s29+$0x1F0] =	vst v8  }
0x87: {  	[tilespmem:s29+$0xFFFFFE00] =	vst v9;
	v8 =	vmul.f32 v11, v17;
	v9 =	vld [tilespmem:s29+$0xFFFFFE70]  }
0x88: {  	[tilespmem:s29+$0xFFFFFE10] =	vst v10;
	v10 =	vmul.f32 v12, v17;
	v11 =	vld [tilespmem:s29+$0xFFFFFE80]  }
0x89: {  	[tilespmem:s29+$0xFFFFFE20] =	vst v8;
	v8 =	vmul.f32 v13, v17;
	v12 =	vld [tilespmem:s29+$0xFFFFFE90]  }
0x8a: {  	[tilespmem:s29+$0xFFFFFE30] =	vst v10;
	v10 =	vmul.f32 v14, v17;
	v13 =	vld [tilespmem:s29+$0xFFFFFEA0]  }
0x8b: {  	[tilespmem:s29+$0xFFFFFE40] =	vst v8;
	v8 =	vmul.f32 v15, v17;
	v14 =	vld [tilespmem:s29+$0xFFFFFEB0]  }
0x8c: {  	[tilespmem:s29+$0xFFFFFE50] =	vst v10;
	v9 =	vmul.f32 v9, v17;
	v10 =	vld [tilespmem:s29+$0xFFFFFEC0]  }
0x8d: {  	[tilespmem:s29+$0xFFFFFE60] =	vst v8;
	v8 =	vmul.f32 v11, v7;
	v11 =	vld [tilespmem:s29+$0xFFFFFED0]  }
0x8e: {  	[tilespmem:s29+$0xFFFFFE70] =	vst v9;
	v9 =	vmul.f32 v12, v7;
	v12 =	vld [tilespmem:s29+$0xFFFFFEE0]  }
0x8f: {  	[tilespmem:s29+$0xFFFFFE80] =	vst v8;
	v8 =	vmul.f32 v13, v7;
	v13 =	vld [tilespmem:s29+$0xFFFFFEF0]  }
0x90: {  	[tilespmem:s29+$0xFFFFFE90] =	vst v9;
	v9 =	vmul.f32 v14, v7;
	v14 =	vld [tilespmem:s29+$0xFFFFFF00]  }
0x91: {  	[tilespmem:s29+$0xFFFFFEA0] =	vst v8;
	v8 =	vmul.f32 v10, v7;
	v10 =	vld [tilespmem:s29+$0xFFFFFF10]  }
0x92: {  	[tilespmem:s29+$0xFFFFFEB0] =	vst v9;
	v9 =	vmul.f32 v11, v7;
	v11 =	vld [tilespmem:s29+$0xFFFFFF20]  }
0x93: {  	[tilespmem:s29+$0xFFFFFEC0] =	vst v8;
	v8 =	vmul.f32 v12, v7;
	v12 =	vld [tilespmem:s29+$0xFFFFFF30]  }
0x94: {  	[tilespmem:s29+$0xFFFFFED0] =	vst v9;
	v7 =	vmul.f32 v13, v7;
	v9 =	vld [tilespmem:s29+$0xFFFFFF40]  }
0x95: {  	[tilespmem:s29+$0xFFFFFEE0] =	vst v8;
	v8 =	vmul.f32 v14, v6;
	v13 =	vld [tilespmem:s29+$0xFFFFFF50]  }
0x96: {  	[tilespmem:s29+$0xFFFFFEF0] =	vst v7;
	v7 =	vmul.f32 v10, v6;
	v10 =	vld [tilespmem:s29+$0xFFFFFF60]  }
0x97: {  	[tilespmem:s29+$0xFFFFFF00] =	vst v8;
	v8 =	vmul.f32 v11, v6;
	v11 =	vld [tilespmem:s29+$0xFFFFFF70]  }
0x98: {  	[tilespmem:s29+$0xFFFFFF10] =	vst v7;
	v7 =	vmul.f32 v12, v6;
	v12 =	vld [tilespmem:s29+$0xFFFFFF80]  }
0x99: {  	[tilespmem:s29+$0xFFFFFF20] =	vst v8;
	v8 =	vmul.f32 v9, v6;
	v9 =	vld [tilespmem:s29+$0xFFFFFF90]  }
0x9a: {  	[tilespmem:s29+$0xFFFFFF30] =	vst v7;
	v7 =	vmul.f32 v13, v6;
	v13 =	vld [tilespmem:s29+$0xFFFFFFA0]  }
0x9b: {  	[tilespmem:s29+$0xFFFFFF40] =	vst v8;
	v8 =	vmul.f32 v10, v6;
	v10 =	vld [tilespmem:s29+$0xFFFFFFB0]  }
0x9c: {  	[tilespmem:s29+$0xFFFFFF50] =	vst v7;
	v6 =	vmul.f32 v11, v6;
	v7 =	vld [tilespmem:s29+$0xFFFFFFC0]  }
0x9d: {  	[tilespmem:s29+$0xFFFFFF60] =	vst v8;
	v8 =	vmul.f32 v12, v5;
	v11 =	vld [tilespmem:s29+$0xFFFFFFD0]  }
0x9e: {  	[tilespmem:s29+$0xFFFFFF70] =	vst v6;
	v6 =	vmul.f32 v9, v5;
	v9 =	vld [tilespmem:s29+$0xFFFFFFE0]  }
0x9f: {  	[tilespmem:s29+$0xFFFFFF80] =	vst v8;
	v8 =	vmul.f32 v13, v5;
	v12 =	vld [tilespmem:s29+$0xFFFFFFF0]  }
0xa0: {  	[tilespmem:s29+$0xFFFFFF90] =	vst v6;
	v6 =	vmul.f32 v10, v5;
	v10 =	vld [tilespmem:s29+$0x0]  }
0xa1: {  	[tilespmem:s29+$0xFFFFFFA0] =	vst v8;
	v7 =	vmul.f32 v7, v5;
	v8 =	vld [tilespmem:s29+$0x10]  }
0xa2: {  	[tilespmem:s29+$0xFFFFFFB0] =	vst v6;
	v6 =	vmul.f32 v11, v5;
	v11 =	vld [tilespmem:s29+$0x20]  }
0xa3: {  	[tilespmem:s29+$0xFFFFFFC0] =	vst v7;
	v7 =	vmul.f32 v9, v5;
	v9 =	vld [tilespmem:s29+$0x30]  }
0xa4: {  	[tilespmem:s29+$0xFFFFFFD0] =	vst v6;
	v5 =	vmul.f32 v12, v5;
	v6 =	vld [tilespmem:s29+$0x40]  }
0xa5: {  	[tilespmem:s29+$0xFFFFFFE0] =	vst v7;
	v7 =	vmul.f32 v10, v4;
	v10 =	vld [tilespmem:s29+$0x50]  }
0xa6: {  	[tilespmem:s29+$0xFFFFFFF0] =	vst v5;
	v5 =	vmul.f32 v8, v4;
	v8 =	vld [tilespmem:s29+$0x60]  }
0xa7: {  	[tilespmem:s29+$0x0] =	vst v7;
	v7 =	vmul.f32 v11, v4;
	v11 =	vld [tilespmem:s29+$0x70]  }
0xa8: {  	[tilespmem:s29+$0x10] =	vst v5;
	v5 =	vmul.f32 v9, v4;
	v9 =	vld [tilespmem:s29+$0x80]  }
0xa9: {  	[tilespmem:s29+$0x20] =	vst v7;
	v6 =	vmul.f32 v6, v4;
	v7 =	vld [tilespmem:s29+$0x90]  }
0xaa: {  	[tilespmem:s29+$0x30] =	vst v5;
	v5 =	vmul.f32 v10, v4;
	v10 =	vld [tilespmem:s29+$0xA0]  }
0xab: {  	[tilespmem:s29+$0x40] =	vst v6;
	v6 =	vmul.f32 v8, v4;
	v8 =	vld [tilespmem:s29+$0xB0]  }
0xac: {  	[tilespmem:s29+$0x50] =	vst v5;
	v4 =	vmul.f32 v11, v4;
	v5 =	vld [tilespmem:s29+$0xC0]  }
0xad: {  	[tilespmem:s29+$0x60] =	vst v6;
	v6 =	vmul.f32 v9, v3;
	v9 =	vld [tilespmem:s29+$0xD0]  }
0xae: {  	[tilespmem:s29+$0x70] =	vst v4;
	v4 =	vmul.f32 v7, v3;
	v7 =	vld [tilespmem:s29+$0xE0]  }
0xaf: {  	[tilespmem:s29+$0x80] =	vst v6;
	v6 =	vmul.f32 v10, v3;
	v10 =	vld [tilespmem:s29+$0xF0]  }
0xb0: {  	s31 =	sadd.s32 $0x1, s30;
	v11 =	vmov s30;
	[tilespmem:s29+$0x90] =	vst v4;
	v4 =	vmul.f32 v8, v3;
	v8 =	vld [tilespmem:s29+$0x100]  }
0xb1: {  	s0 =	sadd.s32 $0x3, s30;
	v12 =	vmov s31;
	s31 =	sadd.s32 $0x2, s30;
	v11 =	vand.u32 $0x78, v11;
	[tilespmem:s29+$0xA0] =	vst v6;
	v5 =	vmul.f32 v5, v3;
	v6 =	vld [tilespmem:s29+$0x110]  }
0xb2: {  	v14 =	vmov s0;
	s0 =	sadd.s32 $0x4, s30;
	v13 =	vmov s31;
	s31 =	sadd.s32 $0x5, s30;
	[tilespmem:s29+$0xB0] =	vst v4;
	v4 =	vmul.f32 v9, v3;
	v9 =	vld [tilespmem:s29+$0x120]  }
0xb3: {  	v15 =	vmov s0;
	s0 =	sadd.s32 $0x6, s30;
	v16 =	vmov s31;
	[tilespmem:s29+$0xC0] =	vst v5;
	v5 =	vmul.f32 v7, v3;
	v7 =	vld [tilespmem:s29+$0x130]  }
0xb4: {  	v17 =	vmov s0;
	v11 =	vor.u32 v0, v11;
	[tilespmem:s29+$0xD0] =	vst v4;
	v3 =	vmul.f32 v10, v3;
	v4 =	vld [tilespmem:s29+$0x140]  }
0xb5: {  	v10 =	vand.u32 $0x79, v12;
	v12 =	vand.u32 $0x7A, v13;
	[tilespmem:s29+$0xE0] =	vst v5;
	v5 =	vmul.f32 v8, v2;
	v8 =	vld [tilespmem:s29+$0x150]  }
0xb6: {  	v13 =	vand.u32 $0x7B, v14;
	v14 =	vand.u32 $0x7C, v15;
	[tilespmem:s29+$0xF0] =	vst v3;
	v6 =	vmul.f32 v6, v2;
	v18 =	vld [tilespmem:s29+$0x160]  }
0xb7: {  	v15 =	vand.u32 $0x7D, v16;
	v16 =	vand.u32 $0x7E, v17;
	[tilespmem:s29+$0x100] =	vst v5;
	v9 =	vmul.f32 v9, v2;
	v17 =	vld [tilespmem:s29+$0x170]  }
.Ltmp0:
0xb8: {  	v10 =	vor.u32 v0, v10;
	v3 =	vbroadcast v11, $0x0;
	[tilespmem:s29+$0x110] =	vst v6;
	v7 =	vmul.f32 v7, v2;
	v5 =	vld [tilespmem:s29+$0x180];
	(pc) =	sbr.rel @p0 .LBB2_4-.Ltmp0, $4  }
0xb9: {  	v19 =	vor.u32 v0, v13;
	v11 =	vor.u32 v0, v12;
	[tilespmem:s29+$0x120] =	vst v9;
	v12 =	vmul.f32 v4, v2;
	v6 =	vld [tilespmem:s29+$0x190]  }
0xba: {  	v13 =	vor.u32 v0, v14;
	v4 =	vbroadcast v10, $0x0;
	[tilespmem:s29+$0x130] =	vst v7;
	v10 =	vmul.f32 v8, v2;
	v7 =	vld [tilespmem:s29+$0x1A0]  }
0xbb: {  	v15 =	vor.u32 v0, v15;
	v9 =	vbroadcast v11, $0x0;
	[tilespmem:s29+$0x140] =	vst v12;
	v12 =	vmul.f32 v18, v2;
	v8 =	vld [tilespmem:s29+$0x1B0]  }
0xbc: {  	s31 =	sadd.s32 $0x7, s30;
	s30 =	sadd.s32 $0x8, s30;
	v14 =	vor.u32 v0, v16;
	v11 =	vbroadcast v19, $0x0;
	[tilespmem:s29+$0x150] =	vst v10;
	v16 =	vmul.f32 v17, v2;
	v10 =	vld [tilespmem:s29+$0x1C0]  }
0xbd: {  	_ =	sdelay $0x1  }
0xbe: {  	v17 =	vld [tilespmem:s29+$0x1D0]  }
0xbf: {  	v18 =	vld [tilespmem:s29+$0x1E0]  }
0xc0: {  	v2 =	vbroadcast v13, $0x0;
	v13 =	vmov s31;
	v19 =	vld.idx.msk [tilespmem:v4+s16+$0x0], $0xffff  }
0xc1: {  	v9 =	vld.idx.msk [tilespmem:v9+s16+$0x0], $0xffff;
	v13 =	vand.u32 $0x7F, v13  }
0xc2: {  	s30 =	sadd.s32 $0x400, s29;
	v11 =	vld.idx.msk [tilespmem:v11+s16+$0x0], $0xffff;
	v0 =	vor.u32 v0, v13  }
0xc3: {  	[tilespmem:s29+$0x160] =	vst v12;
	v5 =	vmul.f32 v5, v1;
	v12 =	vld [tilespmem:s30+$0xFFFFFE20];
	v0 =	vbroadcast v0, $0x0  }
0xc4: {  	v15 =	vbroadcast v15, $0x0;
	v6 =	vmul.f32 v6, v1;
	v13 =	vld.idx.msk [tilespmem:v3+s16+$0x0], $0xffff  }
0xc5: {  	v14 =	vbroadcast v14, $0x0;
	[tilespmem:s29+$0x180] =	vst v5;
	v5 =	vmul.f32 v7, v1;
	v7 =	vld [tilespmem:s30+$0x1F0]  }
0xc6: {  	[tilespmem:s29+$0x190] =	vst v6;
	v6 =	vmul.f32 v8, v1;
	v8 =	vld [tilespmem:s30+$0xFFFFFE00]  }
0xc7: {  	[tilespmem:s29+$0x1A0] =	vst v5;
	v5 =	vmul.f32 v10, v1;
	v10 =	vld [tilespmem:s30+$0xFFFFFE10]  }
0xc8: {  	v4 =	vld.idx.msk [tilespmem:v2+s16+$0x0], $0xffff  }
0xc9: {  	v0 =	vld.idx.msk [tilespmem:v0+s16+$0x0], $0xffff  }
0xca: {  	[tilespmem:s29+$0x1B0] =	vst v6;
	v6 =	vmul.f32 v17, v1;
	v3 =	vld.idx.msk [tilespmem:v15+s16+$0x0], $0xffff  }
0xcb: {  	v1 =	vmul.f32 v18, v1;
	v2 =	vld.idx.msk [tilespmem:v14+s16+$0x0], $0xffff;
	[tilespmem:s29+$0x1C0] =	vst v5  }
0xcc: {  	v5 =	vld [tilespmem:s30+$0xFFFFFE30];
	[tilespmem:s29+$0x1D0] =	vst v6  }
0xcd: {  	v6 =	vld [tilespmem:s30+$0xFFFFFE40];
	[tilespmem:s29+$0x1E0] =	vst v1;
	v1 =	vmul.f32 v8, v13  }
0xce: {  	[tilespmem:s29+$0x170] =	vst v16;
	v8 =	vld [tilespmem:s30+$0xFFFFFE50];
	v7 =	vmul.f32 v7, v0  }
0xcf: {  	v14 =	vld [tilespmem:s30+$0xFFFFFE60];
	v10 =	vmul.f32 v10, v13;
	[tilespmem:s30+$0xFFFFFE00] =	vst v1  }
0xd0: {  	v1 =	vmul.f32 v12, v13;
	[tilespmem:s30+$0x1F0] =	vst v7;
	v7 =	vld [tilespmem:s30+$0xFFFFFE70]  }
0xd1: {  	[tilespmem:s30+$0xFFFFFE10] =	vst v10;
	v5 =	vmul.f32 v5, v13;
	v10 =	vld [tilespmem:s30+$0xFFFFFE80]  }
0xd2: {  	[tilespmem:s30+$0xFFFFFE20] =	vst v1;
	v1 =	vmul.f32 v6, v13;
	v6 =	vld [tilespmem:s30+$0xFFFFFE90]  }
0xd3: {  	[tilespmem:s30+$0xFFFFFE30] =	vst v5;
	v5 =	vmul.f32 v8, v13;
	v8 =	vld [tilespmem:s30+$0xFFFFFEA0]  }
0xd4: {  	v12 =	vld [tilespmem:s30+$0xFFFFFEB0];
	[tilespmem:s30+$0xFFFFFE40] =	vst v1;
	v1 =	vmul.f32 v14, v13  }
0xd5: {  	[tilespmem:s30+$0xFFFFFE50] =	vst v5;
	v5 =	vmul.f32 v7, v13;
	v7 =	vld [tilespmem:s30+$0xFFFFFEC0]  }
0xd6: {  	[tilespmem:s30+$0xFFFFFE60] =	vst v1;
	v1 =	vmul.f32 v10, v19;
	v10 =	vld [tilespmem:s30+$0xFFFFFED0]  }
0xd7: {  	[tilespmem:s30+$0xFFFFFE70] =	vst v5;
	v5 =	vmul.f32 v6, v19;
	v6 =	vld [tilespmem:s30+$0xFFFFFEE0]  }
0xd8: {  	[tilespmem:s30+$0xFFFFFE80] =	vst v1;
	v1 =	vmul.f32 v8, v19;
	v8 =	vld [tilespmem:s30+$0xFFFFFEF0]  }
0xd9: {  	[tilespmem:s30+$0xFFFFFE90] =	vst v5;
	v5 =	vmul.f32 v12, v19;
	v12 =	vld [tilespmem:s30+$0xFFFFFF00]  }
0xda: {  	[tilespmem:s30+$0xFFFFFEA0] =	vst v1;
	v1 =	vmul.f32 v7, v19;
	v7 =	vld [tilespmem:s30+$0xFFFFFF10]  }
0xdb: {  	[tilespmem:s30+$0xFFFFFEB0] =	vst v5;
	v5 =	vmul.f32 v10, v19;
	v10 =	vld [tilespmem:s30+$0xFFFFFF20]  }
0xdc: {  	[tilespmem:s30+$0xFFFFFEC0] =	vst v1;
	v1 =	vmul.f32 v6, v19;
	v6 =	vld [tilespmem:s30+$0xFFFFFF30]  }
0xdd: {  	[tilespmem:s30+$0xFFFFFED0] =	vst v5;
	v5 =	vmul.f32 v8, v19;
	v8 =	vld [tilespmem:s30+$0xFFFFFF40]  }
0xde: {  	[tilespmem:s30+$0xFFFFFEE0] =	vst v1;
	v1 =	vmul.f32 v12, v9;
	v12 =	vld [tilespmem:s30+$0xFFFFFF50]  }
0xdf: {  	[tilespmem:s30+$0xFFFFFEF0] =	vst v5;
	v5 =	vmul.f32 v7, v9;
	v7 =	vld [tilespmem:s30+$0xFFFFFF60]  }
0xe0: {  	[tilespmem:s30+$0xFFFFFF00] =	vst v1;
	v1 =	vmul.f32 v10, v9;
	v10 =	vld [tilespmem:s30+$0xFFFFFF70]  }
0xe1: {  	[tilespmem:s30+$0xFFFFFF10] =	vst v5;
	v5 =	vmul.f32 v6, v9;
	v6 =	vld [tilespmem:s30+$0xFFFFFF80]  }
0xe2: {  	[tilespmem:s30+$0xFFFFFF20] =	vst v1;
	v1 =	vmul.f32 v8, v9;
	v8 =	vld [tilespmem:s30+$0xFFFFFF90]  }
0xe3: {  	[tilespmem:s30+$0xFFFFFF30] =	vst v5;
	v5 =	vmul.f32 v12, v9;
	v12 =	vld [tilespmem:s30+$0xFFFFFFA0]  }
0xe4: {  	[tilespmem:s30+$0xFFFFFF40] =	vst v1;
	v1 =	vmul.f32 v7, v9;
	v7 =	vld [tilespmem:s30+$0xFFFFFFB0]  }
0xe5: {  	[tilespmem:s30+$0xFFFFFF50] =	vst v5;
	v5 =	vmul.f32 v10, v9;
	v9 =	vld [tilespmem:s30+$0xFFFFFFC0]  }
0xe6: {  	[tilespmem:s30+$0xFFFFFF60] =	vst v1;
	v1 =	vmul.f32 v6, v11;
	v6 =	vld [tilespmem:s30+$0xFFFFFFD0]  }
0xe7: {  	[tilespmem:s30+$0xFFFFFF70] =	vst v5;
	v5 =	vmul.f32 v8, v11;
	v8 =	vld [tilespmem:s30+$0xFFFFFFE0]  }
0xe8: {  	v10 =	vld [tilespmem:s30+$0xFFFFFFF0];
	[tilespmem:s30+$0xFFFFFF80] =	vst v1;
	v1 =	vmul.f32 v12, v11  }
0xe9: {  	[tilespmem:s30+$0xFFFFFF90] =	vst v5;
	v5 =	vmul.f32 v7, v11;
	v7 =	vld [tilespmem:s30+$0x0]  }
0xea: {  	[tilespmem:s30+$0xFFFFFFA0] =	vst v1;
	v1 =	vmul.f32 v9, v11;
	v9 =	vld [tilespmem:s30+$0x10]  }
0xeb: {  	[tilespmem:s30+$0xFFFFFFB0] =	vst v5;
	v5 =	vmul.f32 v6, v11;
	v6 =	vld [tilespmem:s30+$0x20]  }
0xec: {  	[tilespmem:s30+$0xFFFFFFC0] =	vst v1;
	v1 =	vmul.f32 v8, v11;
	v8 =	vld [tilespmem:s30+$0x30]  }
0xed: {  	[tilespmem:s30+$0xFFFFFFD0] =	vst v5;
	v5 =	vmul.f32 v10, v11;
	v10 =	vld [tilespmem:s30+$0x40]  }
0xee: {  	[tilespmem:s30+$0xFFFFFFE0] =	vst v1;
	v1 =	vmul.f32 v7, v4;
	v7 =	vld [tilespmem:s30+$0x50]  }
0xef: {  	[tilespmem:s30+$0xFFFFFFF0] =	vst v5;
	v5 =	vmul.f32 v9, v4;
	v9 =	vld [tilespmem:s30+$0x60]  }
0xf0: {  	[tilespmem:s30+$0x0] =	vst v1;
	v1 =	vmul.f32 v6, v4;
	v6 =	vld [tilespmem:s30+$0x70]  }
0xf1: {  	[tilespmem:s30+$0x10] =	vst v5;
	v5 =	vmul.f32 v8, v4;
	v8 =	vld [tilespmem:s30+$0x80]  }
0xf2: {  	[tilespmem:s30+$0x20] =	vst v1;
	v1 =	vmul.f32 v10, v4;
	v10 =	vld [tilespmem:s30+$0x90]  }
0xf3: {  	[tilespmem:s30+$0x30] =	vst v5;
	v5 =	vmul.f32 v7, v4;
	v7 =	vld [tilespmem:s30+$0xA0]  }
0xf4: {  	[tilespmem:s30+$0x40] =	vst v1;
	v1 =	vmul.f32 v9, v4;
	v9 =	vld [tilespmem:s30+$0xB0]  }
0xf5: {  	[tilespmem:s30+$0x50] =	vst v5;
	v4 =	vmul.f32 v6, v4;
	v5 =	vld [tilespmem:s30+$0xC0]  }
0xf6: {  	v6 =	vld [tilespmem:s30+$0xD0];
	[tilespmem:s30+$0x60] =	vst v1;
	v1 =	vmul.f32 v8, v3  }
0xf7: {  	v8 =	vld [tilespmem:s30+$0xE0];
	[tilespmem:s30+$0x70] =	vst v4;
	v4 =	vmul.f32 v10, v3  }
0xf8: {  	[tilespmem:s30+$0x80] =	vst v1;
	v1 =	vmul.f32 v7, v3;
	v7 =	vld [tilespmem:s30+$0xF0]  }
0xf9: {  	[tilespmem:s30+$0x90] =	vst v4;
	v4 =	vmul.f32 v9, v3;
	v9 =	vld [tilespmem:s30+$0x100]  }
0xfa: {  	[tilespmem:s30+$0xA0] =	vst v1;
	v1 =	vmul.f32 v5, v3;
	v5 =	vld [tilespmem:s30+$0x110]  }
0xfb: {  	[tilespmem:s30+$0xB0] =	vst v4;
	v4 =	vmul.f32 v6, v3;
	v6 =	vld [tilespmem:s30+$0x120]  }
0xfc: {  	[tilespmem:s30+$0xC0] =	vst v1;
	v1 =	vmul.f32 v8, v3;
	v8 =	vld [tilespmem:s30+$0x130]  }
0xfd: {  	[tilespmem:s30+$0xD0] =	vst v4;
	v3 =	vmul.f32 v7, v3;
	v4 =	vld [tilespmem:s30+$0x140]  }
0xfe: {  	v7 =	vld [tilespmem:s30+$0x150];
	[tilespmem:s30+$0xE0] =	vst v1;
	v1 =	vmul.f32 v9, v2  }
0xff: {  	[tilespmem:s30+$0xF0] =	vst v3;
	v3 =	vmul.f32 v5, v2;
	v5 =	vld [tilespmem:s30+$0x160]  }
0x100: {  	[tilespmem:s30+$0x100] =	vst v1;
	v1 =	vmul.f32 v6, v2;
	v6 =	vld [tilespmem:s30+$0x170]  }
0x101: {  	[tilespmem:s30+$0x110] =	vst v3;
	v3 =	vmul.f32 v8, v2;
	v8 =	vld [tilespmem:s30+$0x180]  }
0x102: {  	[tilespmem:s30+$0x120] =	vst v1;
	v1 =	vmul.f32 v4, v2;
	v4 =	vld [tilespmem:s30+$0x190]  }
0x103: {  	[tilespmem:s30+$0x130] =	vst v3;
	v3 =	vmul.f32 v7, v2;
	v7 =	vld [tilespmem:s30+$0x1A0]  }
0x104: {  	[tilespmem:s30+$0x140] =	vst v1;
	v1 =	vmul.f32 v5, v2;
	v5 =	vld [tilespmem:s30+$0x1B0]  }
0x105: {  	[tilespmem:s30+$0x150] =	vst v3;
	v2 =	vmul.f32 v6, v2;
	v3 =	vld [tilespmem:s30+$0x1C0]  }
0x106: {  	v6 =	vld [tilespmem:s30+$0x1D0];
	[tilespmem:s30+$0x160] =	vst v1;
	v1 =	vmul.f32 v8, v0  }
0x107: {  	[tilespmem:s30+$0x170] =	vst v2;
	v2 =	vmul.f32 v4, v0;
	v4 =	vld [tilespmem:s30+$0x1E0]  }
0x108: {  	[tilespmem:s30+$0x180] =	vst v1;
	v1 =	vmul.f32 v7, v0  }
0x109: {  	[tilespmem:s30+$0x190] =	vst v2;
	v2 =	vmul.f32 v5, v0  }
0x10a: {  	[tilespmem:s30+$0x1A0] =	vst v1;
	v1 =	vmul.f32 v3, v0  }
0x10b: {  	[tilespmem:s30+$0x1B0] =	vst v2;
	v2 =	vmul.f32 v6, v0  }
0x10c: {  	[tilespmem:s30+$0x1C0] =	vst v1;
	v0 =	vmul.f32 v4, v0  }
0x10d: {  	s0 =	sand.u32 $0x3FFFFF00, s28;
	[tilespmem:s30+$0x1D0] =	vst v2  }
0x10e: {  	s28 =	sadd.s32 $0x1000, s0;
	[tilespmem:s30+$0x1E0] =	vst v0  }
0x10f: {  	[spmem:s3] =	stream.indirect.scatter.add.f32 [tilespmem:s18], [sflag:$0x3], $0x80, s28, s17, $0xb8;
	[tilespmem:$0x1F000] =	vst v63  }
0x110: {  	_ =	swait.ge [sflag:s14], $0x4000  }
0x111: {  	[sflag:s14] =	ssyncset.done $0x0  }
0x112: {  	s0 =	sadd.s32 $0x100, s0;
	s28 =	simm.s32 $0x0;
	[sflag:s14] =	ssyncadd.s32 $0xFFFFC000  }
0x113: {  	[tilespmem:s18], [sflag:$0x1] =	stream.indirect.gather [hbm4b:s5+s17], $0x80, s0, s17, $0xb8;
	[tilespmem:$0x1F000] =	vst v63  }
0x114: {  	v1 =	vmov s28;
	s28 =	simm.s32 $0x1;
	_ =	swait.ge [sflag:s21], $0x4000  }
0x115: {  	v2 =	vmov s28;
	s28 =	simm.s32 $0x7;
	[sflag:s21] =	ssyncset.done $0x0  }
0x116: {  	v3 =	vmov s28;
	s28 =	simm.s32 $0x7200;
	[sflag:s21] =	ssyncadd.s32 $0xFFFFC000  }
0x117: {  	v0 =	vmov s26;
	v1 =	vand.u32 $0x78, v1;
	v5 =	vld [tilespmem:s28+$0xFFFFFE10]  }
0x118: {  	v1 =	vor.u32 v0, v1;
	v3 =	vand.u32 $0x7F, v3;
	v6 =	vld [tilespmem:s28+$0xFFFFFE20]  }
0x119: {  	v1 =	vbroadcast v1, $0x0;
	v3 =	vor.u32 v0, v3;
	v7 =	vld [tilespmem:s28+$0xFFFFFE30]  }
0x11a: {  	v3 =	vbroadcast v3, $0x0;
	v8 =	vld [tilespmem:s28+$0xFFFFFE40]  }
0x11b: {  	v9 =	vld [tilespmem:s28+$0xFFFFFE50]  }
0x11c: {  	v10 =	vld [tilespmem:s28+$0xFFFFFE60]  }
0x11d: {  	v2 =	vand.u32 $0x79, v2;
	v12 =	vld [tilespmem:s28+$0x1F0]  }
0x11e: {  	v2 =	vor.u32 v0, v2;
	v13 =	vld [tilespmem:s28+$0xFFFFFE80]  }
0x11f: {  	v2 =	vbroadcast v2, $0x0;
	v4 =	vld.idx.msk [tilespmem:v1+s16+$0x0], $0xffff  }
0x120: {  	v1 =	vld.idx.msk [tilespmem:v3+s16+$0x0], $0xffff  }
0x121: {  	v3 =	vld [tilespmem:s28+$0xFFFFFE00]  }
0x122: {  	v14 =	vld [tilespmem:s28+$0xFFFFFE90]  }
0x123: {  	v15 =	vld [tilespmem:s28+$0xFFFFFEA0]  }
0x124: {  	v16 =	vld [tilespmem:s28+$0xFFFFFEB0];
	v5 =	vmul.f32 v5, v4  }
0x125: {  	v2 =	vld.idx.msk [tilespmem:v2+s16+$0x0], $0xffff;
	v6 =	vmul.f32 v6, v4  }
0x126: {  	s31 =	simm.s32 $0x2;
	v17 =	vld [tilespmem:s28+$0xFFFFFEC0];
	v3 =	vmul.f32 v3, v4;
	[tilespmem:s28+$0xFFFFFE10] =	vst v5  }
0x127: {  	v11 =	vmov s31;
	v7 =	vmul.f32 v7, v4;
	v5 =	vld [tilespmem:s28+$0xFFFFFEE0];
	[tilespmem:s28+$0xFFFFFE20] =	vst v6  }
0x128: {  	v12 =	vmul.f32 v12, v1;
	v6 =	vmul.f32 v8, v4;
	v8 =	vld [tilespmem:s28+$0xFFFFFEF0];
	[tilespmem:s28+$0xFFFFFE00] =	vst v3;
	v3 =	vand.u32 $0x7A, v11  }
0x129: {  	[tilespmem:s28+$0xFFFFFE30] =	vst v7;
	v7 =	vmul.f32 v9, v4;
	v11 =	vld [tilespmem:s28+$0xFFFFFE70];
	v3 =	vor.u32 v0, v3  }
0x12a: {  	v9 =	vld [tilespmem:s28+$0xFFFFFF00];
	[tilespmem:s28+$0x1F0] =	vst v12;
	v12 =	vmul.f32 v13, v2;
	v3 =	vbroadcast v3, $0x0  }
0x12b: {  	s31 =	simm.s32 $0x3;
	v13 =	vld [tilespmem:s28+$0xFFFFFED0];
	[tilespmem:s28+$0xFFFFFE40] =	vst v6  }
0x12c: {  	v6 =	vmul.f32 v10, v4;
	v10 =	vld [tilespmem:s28+$0xFFFFFF10];
	[tilespmem:s28+$0xFFFFFE80] =	vst v12;
	v12 =	vmov s31  }
0x12d: {  	v17 =	vmul.f32 v17, v2;
	[tilespmem:s28+$0xFFFFFE50] =	vst v7;
	v7 =	vld [tilespmem:s28+$0xFFFFFF20];
	v12 =	vand.u32 $0x7B, v12  }
0x12e: {  	[tilespmem:s28+$0xFFFFFE60] =	vst v6;
	v6 =	vmul.f32 v14, v2;
	v14 =	vld [tilespmem:s28+$0xFFFFFF40];
	v12 =	vor.u32 v0, v12;
	v4 =	vmul.f32 v11, v4  }
0x12f: {  	v5 =	vmul.f32 v5, v2;
	v12 =	vbroadcast v12, $0x0;
	v11 =	vld [tilespmem:s28+$0xFFFFFF30]  }
0x130: {  	v13 =	vmul.f32 v13, v2;
	[tilespmem:s28+$0xFFFFFE70] =	vst v4;
	v4 =	vmul.f32 v15, v2;
	v3 =	vld.idx.msk [tilespmem:v3+s16+$0x0], $0xffff  }
0x131: {  	[tilespmem:s28+$0xFFFFFE90] =	vst v6;
	v15 =	vmul.f32 v16, v2;
	v2 =	vmul.f32 v8, v2;
	v8 =	vld [tilespmem:s28+$0xFFFFFF90]  }
0x132: {  	[tilespmem:s28+$0xFFFFFED0] =	vst v13;
	v13 =	vld [tilespmem:s28+$0xFFFFFFD0]  }
0x133: {  	[tilespmem:s28+$0xFFFFFEA0] =	vst v4;
	v4 =	vld [tilespmem:s28+$0xFFFFFF60]  }
0x134: {  	[tilespmem:s28+$0xFFFFFEB0] =	vst v15;
	v15 =	vld [tilespmem:s28+$0xFFFFFF70]  }
0x135: {  	[tilespmem:s28+$0xFFFFFEE0] =	vst v5;
	v12 =	vld.idx.msk [tilespmem:v12+s16+$0x0], $0xffff;
	v6 =	vmul.f32 v9, v3  }
0x136: {  	s31 =	simm.s32 $0x4;
	[tilespmem:s28+$0xFFFFFEF0] =	vst v2;
	v9 =	vld [tilespmem:s28+$0xFFFFFF50];
	v5 =	vmul.f32 v10, v3  }
0x137: {  	v16 =	vmov s31;
	v10 =	vld [tilespmem:s28+$0xFFFFFFA0];
	v2 =	vmul.f32 v7, v3;
	[tilespmem:s28+$0xFFFFFF00] =	vst v6  }
0x138: {  	v14 =	vmul.f32 v14, v3;
	v6 =	vand.u32 $0x7C, v16;
	v16 =	vld [tilespmem:s28+$0xFFFFFF80];
	[tilespmem:s28+$0xFFFFFF10] =	vst v5  }
0x139: {  	v7 =	vld [tilespmem:s28+$0xFFFFFFB0];
	v4 =	vmul.f32 v4, v3;
	[tilespmem:s28+$0xFFFFFF20] =	vst v2;
	v6 =	vor.u32 v0, v6  }
0x13a: {  	v5 =	vmul.f32 v11, v3;
	v11 =	vld [tilespmem:s28+$0xFFFFFFC0];
	[tilespmem:s28+$0xFFFFFF40] =	vst v14;
	v6 =	vbroadcast v6, $0x0  }
0x13b: {  	v14 =	vld [tilespmem:s28+$0xFFFFFFF0];
	[tilespmem:s28+$0xFFFFFF60] =	vst v4;
	v4 =	vmul.f32 v8, v12  }
0x13c: {  	v8 =	vld [tilespmem:s28+$0x10];
	[tilespmem:s28+$0xFFFFFF30] =	vst v5;
	v9 =	vmul.f32 v9, v3  }
0x13d: {  	s31 =	simm.s32 $0x5;
	v5 =	vld [tilespmem:s28+$0xFFFFFFE0];
	[tilespmem:s28+$0xFFFFFF90] =	vst v4;
	v2 =	vmul.f32 v16, v12  }
0x13e: {  	v3 =	vmul.f32 v15, v3;
	v4 =	vmul.f32 v7, v12;
	v7 =	vld [tilespmem:s28+$0x30];
	v16 =	vmov s31;
	[tilespmem:s28+$0xFFFFFF50] =	vst v9  }
0x13f: {  	v13 =	vmul.f32 v13, v12;
	v9 =	vld [tilespmem:s28+$0x0];
	[tilespmem:s28+$0xFFFFFF80] =	vst v2;
	v2 =	vand.u32 $0x7D, v16  }
0x140: {  	[tilespmem:s28+$0xFFFFFF70] =	vst v3;
	v3 =	vmul.f32 v10, v12;
	v6 =	vld.idx.msk [tilespmem:v6+s16+$0x0], $0xffff;
	v2 =	vor.u32 v0, v2  }
0x141: {  	[tilespmem:s28+$0xFFFFFFD0] =	vst v13;
	v13 =	vld [tilespmem:s28+$0x70];
	v2 =	vbroadcast v2, $0x0  }
0x142: {  	v10 =	vld [tilespmem:s28+$0x20];
	[tilespmem:s28+$0xFFFFFFA0] =	vst v3;
	v3 =	vmul.f32 v11, v12  }
0x143: {  	[tilespmem:s28+$0xFFFFFFB0] =	vst v4;
	v11 =	vld [tilespmem:s28+$0x40];
	v5 =	vmul.f32 v5, v12;
	v12 =	vmul.f32 v14, v12  }
0x144: {  	[tilespmem:s28+$0xFFFFFFC0] =	vst v3;
	v3 =	vld [tilespmem:s28+$0x60]  }
0x145: {  	s31 =	simm.s32 $0x6;
	[tilespmem:s28+$0xFFFFFFF0] =	vst v12;
	v12 =	vld [tilespmem:s28+$0x90];
	v4 =	vmul.f32 v9, v6  }
0x146: {  	v15 =	vmov s31;
	[tilespmem:s28+$0xFFFFFFE0] =	vst v5;
	v9 =	vld [tilespmem:s28+$0x50];
	v5 =	vmul.f32 v8, v6  }
0x147: {  	v10 =	vmul.f32 v10, v6;
	v2 =	vld.idx.msk [tilespmem:v2+s16+$0x0], $0xffff;
	[tilespmem:s28+$0x0] =	vst v4;
	v4 =	vand.u32 $0x7E, v15  }
0x148: {  	v8 =	vld [tilespmem:s28+$0x80];
	[tilespmem:s28+$0x10] =	vst v5;
	v5 =	vmul.f32 v7, v6;
	v4 =	vor.u32 v0, v4  }
0x149: {  	[tilespmem:s28+$0x20] =	vst v10;
	v10 =	vmul.f32 v11, v6;
	v11 =	vld [tilespmem:s28+$0xB0];
	v4 =	vbroadcast v4, $0x0  }
0x14a: {  	v3 =	vmul.f32 v3, v6;
	v7 =	vld [tilespmem:s28+$0xA0];
	[tilespmem:s28+$0x30] =	vst v5  }
0x14b: {  	[tilespmem:s28+$0x40] =	vst v10;
	v10 =	vld [tilespmem:s28+$0xD0];
	v5 =	vmul.f32 v9, v6  }
0x14c: {  	[tilespmem:s28+$0x60] =	vst v3;
	v9 =	vld [tilespmem:s28+$0xC0];
	v3 =	vmul.f32 v12, v2  }
0x14d: {  	[tilespmem:s28+$0x50] =	vst v5;
	v5 =	vld [tilespmem:s28+$0xE0]  }
0x14e: {  	v8 =	vmul.f32 v8, v2;
	[tilespmem:s28+$0x90] =	vst v3;
	v3 =	vmul.f32 v11, v2;
	v11 =	vld [tilespmem:s28+$0x110]  }
0x14f: {  	[tilespmem:s28+$0xFFFFFEC0] =	vst v17;
	v16 =	vld.idx.msk [tilespmem:v4+s16+$0x0], $0xffff;
	v4 =	vmul.f32 v13, v6  }
0x150: {  	s31 =	simm.s32 $0x8;
	[tilespmem:s28+$0x80] =	vst v8;
	v6 =	vld [tilespmem:s28+$0xF0]  }
0x151: {  	s29 =	simm.s32 $0xB;
	v8 =	vmov s31;
	s31 =	simm.s32 $0x9;
	[tilespmem:s28+$0x70] =	vst v4;
	v4 =	vmul.f32 v7, v2;
	v7 =	vld [tilespmem:s28+$0x100]  }
0x152: {  	v14 =	vmov s29;
	s29 =	simm.s32 $0xD;
	v12 =	vmov s31;
	s31 =	simm.s32 $0xA;
	[tilespmem:s28+$0xB0] =	vst v3;
	v3 =	vmul.f32 v10, v2  }
0x153: {  	v17 =	vmov s29;
	v13 =	vmov s31;
	s31 =	simm.s32 $0xC;
	[tilespmem:s28+$0xA0] =	vst v4;
	v4 =	vmul.f32 v9, v2;
	v9 =	vld [tilespmem:s28+$0x120]  }
0x154: {  	v8 =	vand.u32 $0x78, v8;
	v10 =	vld [tilespmem:s28+$0x130];
	v15 =	vmov s31;
	[tilespmem:s28+$0xD0] =	vst v3;
	v11 =	vmul.f32 v11, v16  }
0x155: {  	v18 =	vld [tilespmem:s28+$0x140];
	s31 =	simm.s32 $0xE;
	[tilespmem:s28+$0xC0] =	vst v4;
	v4 =	vmul.f32 v5, v2;
	v5 =	vor.u32 v0, v8;
	v2 =	vmul.f32 v6, v2  }
0x156: {  	v6 =	vmov s31;
	v8 =	vand.u32 $0x79, v12;
	v3 =	vmul.f32 v7, v16;
	v7 =	vld [tilespmem:s28+$0x150];
	[tilespmem:s28+$0x110] =	vst v11  }
0x157: {  	v19 =	vld [tilespmem:s28+$0x160];
	v12 =	vand.u32 $0x7A, v13;
	v13 =	vand.u32 $0x7C, v15;
	[tilespmem:s28+$0xE0] =	vst v4;
	v4 =	vand.u32 $0x7B, v14  }
0x158: {  	[tilespmem:s28+$0xF0] =	vst v2;
	v2 =	vand.u32 $0x7D, v17;
	v14 =	vand.u32 $0x7E, v6;
	v17 =	vld [tilespmem:s28+$0x170];
	v6 =	vmul.f32 v9, v16  }
0x159: {  	v8 =	vor.u32 v0, v8;
	[tilespmem:s28+$0x100] =	vst v3;
	v3 =	vbroadcast v5, $0x0;
	v9 =	vmul.f32 v10, v16;
	v5 =	vld [tilespmem:s28+$0x180]  }
0x15a: {  	v13 =	vor.u32 v0, v13;
	v10 =	vor.u32 v0, v12;
	v12 =	vmul.f32 v18, v16;
	[tilespmem:s28+$0x120] =	vst v6;
	v6 =	vld [tilespmem:s28+$0x190]  }
0x15b: {  	v11 =	vor.u32 v0, v4;
	v4 =	vbroadcast v8, $0x0;
	[tilespmem:s28+$0x130] =	vst v9;
	v18 =	vmul.f32 v7, v16;
	v7 =	vld [tilespmem:s28+$0x1A0]  }
0x15c: {  	v15 =	vor.u32 v0, v2;
	v8 =	vld [tilespmem:s28+$0x1B0];
	v9 =	vbroadcast v10, $0x0;
	[tilespmem:s28+$0x140] =	vst v12;
	v12 =	vmul.f32 v19, v16  }
0x15d: {  	s30 =	simm.s32 $0xF;
	s29 =	simm.s32 $0x10;
	v14 =	vor.u32 v0, v14;
	v11 =	vbroadcast v11, $0x0;
	v10 =	vld [tilespmem:s28+$0x1C0];
	v16 =	vmul.f32 v17, v16;
	[tilespmem:s28+$0x150] =	vst v18  }
.LBB2_6:
0x15e: {  	p0 =	slt.u32 s29, $0x78;
	v2 =	vbroadcast v13, $0x0;
	v13 =	vmov s30;
	[tilespmem:s28+$0x160] =	vst v12;
	v5 =	vmul.f32 v5, v1;
	v12 =	vld [tilespmem:s28+$0x1D0]  }
0x15f: {  	v15 =	vbroadcast v15, $0x0;
	v13 =	vand.u32 $0x7F, v13;
	[tilespmem:s28+$0x170] =	vst v16;
	v6 =	vmul.f32 v6, v1;
	v16 =	vld [tilespmem:s28+$0x1E0]  }
0x160: {  	v14 =	vbroadcast v14, $0x0;
	v17 =	vld.idx.msk [tilespmem:v3+s16+$0x0], $0xffff;
	v3 =	vor.u32 v0, v13;
	[tilespmem:s28+$0x180] =	vst v5;
	v5 =	vmul.f32 v7, v1  }
0x161: {  	v7 =	vld.idx.msk [tilespmem:v4+s16+$0x0], $0xffff;
	v13 =	vbroadcast v3, $0x0;
	[tilespmem:s28+$0x190] =	vst v6;
	v3 =	vmul.f32 v8, v1  }
0x162: {  	v6 =	vld.idx.msk [tilespmem:v9+s16+$0x0], $0xffff;
	[tilespmem:s28+$0x1A0] =	vst v5;
	v8 =	vmul.f32 v10, v1  }
0x163: {  	v5 =	vld.idx.msk [tilespmem:v11+s16+$0x0], $0xffff;
	[tilespmem:s28+$0x1B0] =	vst v3;
	v9 =	vmul.f32 v12, v1  }
0x164: {  	v4 =	vld.idx.msk [tilespmem:v2+s16+$0x0], $0xffff;
	[tilespmem:s28+$0x1C0] =	vst v8;
	v1 =	vmul.f32 v16, v1  }
0x165: {  	v3 =	vld.idx.msk [tilespmem:v15+s16+$0x0], $0xffff;
	[tilespmem:s28+$0x1D0] =	vst v9  }
0x166: {  	v2 =	vld.idx.msk [tilespmem:v14+s16+$0x0], $0xffff;
	[tilespmem:s28+$0x1E0] =	vst v1  }
0x167: {  	s28 =	sadd.s32 $0x400, s28;
	v1 =	vld.idx.msk [tilespmem:v13+s16+$0x0], $0xffff  }
0x168: {  	v8 =	vld [tilespmem:s28+$0x1F0]  }
0x169: {  	v9 =	vld [tilespmem:s28+$0xFFFFFE00]  }
0x16a: {  	v10 =	vld [tilespmem:s28+$0xFFFFFE10]  }
0x16b: {  	v11 =	vld [tilespmem:s28+$0xFFFFFE20]  }
0x16c: {  	v12 =	vld [tilespmem:s28+$0xFFFFFE30]  }
0x16d: {  	v13 =	vld [tilespmem:s28+$0xFFFFFE40];
	v8 =	vmul.f32 v8, v1  }
0x16e: {  	v9 =	vmul.f32 v9, v17;
	v14 =	vld [tilespmem:s28+$0xFFFFFE50]  }
0x16f: {  	v10 =	vmul.f32 v10, v17;
	v15 =	vld [tilespmem:s28+$0xFFFFFE60];
	[tilespmem:s28+$0x1F0] =	vst v8  }
0x170: {  	[tilespmem:s28+$0xFFFFFE00] =	vst v9;
	v8 =	vmul.f32 v11, v17;
	v9 =	vld [tilespmem:s28+$0xFFFFFE70]  }
0x171: {  	[tilespmem:s28+$0xFFFFFE10] =	vst v10;
	v10 =	vmul.f32 v12, v17;
	v11 =	vld [tilespmem:s28+$0xFFFFFE80]  }
0x172: {  	[tilespmem:s28+$0xFFFFFE20] =	vst v8;
	v8 =	vmul.f32 v13, v17;
	v12 =	vld [tilespmem:s28+$0xFFFFFE90]  }
0x173: {  	[tilespmem:s28+$0xFFFFFE30] =	vst v10;
	v10 =	vmul.f32 v14, v17;
	v13 =	vld [tilespmem:s28+$0xFFFFFEA0]  }
0x174: {  	[tilespmem:s28+$0xFFFFFE40] =	vst v8;
	v8 =	vmul.f32 v15, v17;
	v14 =	vld [tilespmem:s28+$0xFFFFFEB0]  }
0x175: {  	[tilespmem:s28+$0xFFFFFE50] =	vst v10;
	v9 =	vmul.f32 v9, v17;
	v10 =	vld [tilespmem:s28+$0xFFFFFEC0]  }
0x176: {  	[tilespmem:s28+$0xFFFFFE60] =	vst v8;
	v8 =	vmul.f32 v11, v7;
	v11 =	vld [tilespmem:s28+$0xFFFFFED0]  }
0x177: {  	[tilespmem:s28+$0xFFFFFE70] =	vst v9;
	v9 =	vmul.f32 v12, v7;
	v12 =	vld [tilespmem:s28+$0xFFFFFEE0]  }
0x178: {  	[tilespmem:s28+$0xFFFFFE80] =	vst v8;
	v8 =	vmul.f32 v13, v7;
	v13 =	vld [tilespmem:s28+$0xFFFFFEF0]  }
0x179: {  	[tilespmem:s28+$0xFFFFFE90] =	vst v9;
	v9 =	vmul.f32 v14, v7;
	v14 =	vld [tilespmem:s28+$0xFFFFFF00]  }
0x17a: {  	[tilespmem:s28+$0xFFFFFEA0] =	vst v8;
	v8 =	vmul.f32 v10, v7;
	v10 =	vld [tilespmem:s28+$0xFFFFFF10]  }
0x17b: {  	[tilespmem:s28+$0xFFFFFEB0] =	vst v9;
	v9 =	vmul.f32 v11, v7;
	v11 =	vld [tilespmem:s28+$0xFFFFFF20]  }
0x17c: {  	[tilespmem:s28+$0xFFFFFEC0] =	vst v8;
	v8 =	vmul.f32 v12, v7;
	v12 =	vld [tilespmem:s28+$0xFFFFFF30]  }
0x17d: {  	[tilespmem:s28+$0xFFFFFED0] =	vst v9;
	v7 =	vmul.f32 v13, v7;
	v9 =	vld [tilespmem:s28+$0xFFFFFF40]  }
0x17e: {  	[tilespmem:s28+$0xFFFFFEE0] =	vst v8;
	v8 =	vmul.f32 v14, v6;
	v13 =	vld [tilespmem:s28+$0xFFFFFF50]  }
0x17f: {  	[tilespmem:s28+$0xFFFFFEF0] =	vst v7;
	v7 =	vmul.f32 v10, v6;
	v10 =	vld [tilespmem:s28+$0xFFFFFF60]  }
0x180: {  	[tilespmem:s28+$0xFFFFFF00] =	vst v8;
	v8 =	vmul.f32 v11, v6;
	v11 =	vld [tilespmem:s28+$0xFFFFFF70]  }
0x181: {  	[tilespmem:s28+$0xFFFFFF10] =	vst v7;
	v7 =	vmul.f32 v12, v6;
	v12 =	vld [tilespmem:s28+$0xFFFFFF80]  }
0x182: {  	[tilespmem:s28+$0xFFFFFF20] =	vst v8;
	v8 =	vmul.f32 v9, v6;
	v9 =	vld [tilespmem:s28+$0xFFFFFF90]  }
0x183: {  	[tilespmem:s28+$0xFFFFFF30] =	vst v7;
	v7 =	vmul.f32 v13, v6;
	v13 =	vld [tilespmem:s28+$0xFFFFFFA0]  }
0x184: {  	[tilespmem:s28+$0xFFFFFF40] =	vst v8;
	v8 =	vmul.f32 v10, v6;
	v10 =	vld [tilespmem:s28+$0xFFFFFFB0]  }
0x185: {  	[tilespmem:s28+$0xFFFFFF50] =	vst v7;
	v6 =	vmul.f32 v11, v6;
	v7 =	vld [tilespmem:s28+$0xFFFFFFC0]  }
0x186: {  	[tilespmem:s28+$0xFFFFFF60] =	vst v8;
	v8 =	vmul.f32 v12, v5;
	v11 =	vld [tilespmem:s28+$0xFFFFFFD0]  }
0x187: {  	[tilespmem:s28+$0xFFFFFF70] =	vst v6;
	v6 =	vmul.f32 v9, v5;
	v9 =	vld [tilespmem:s28+$0xFFFFFFE0]  }
0x188: {  	[tilespmem:s28+$0xFFFFFF80] =	vst v8;
	v8 =	vmul.f32 v13, v5;
	v12 =	vld [tilespmem:s28+$0xFFFFFFF0]  }
0x189: {  	[tilespmem:s28+$0xFFFFFF90] =	vst v6;
	v6 =	vmul.f32 v10, v5;
	v10 =	vld [tilespmem:s28+$0x0]  }
0x18a: {  	[tilespmem:s28+$0xFFFFFFA0] =	vst v8;
	v7 =	vmul.f32 v7, v5;
	v8 =	vld [tilespmem:s28+$0x10]  }
0x18b: {  	[tilespmem:s28+$0xFFFFFFB0] =	vst v6;
	v6 =	vmul.f32 v11, v5;
	v11 =	vld [tilespmem:s28+$0x20]  }
0x18c: {  	[tilespmem:s28+$0xFFFFFFC0] =	vst v7;
	v7 =	vmul.f32 v9, v5;
	v9 =	vld [tilespmem:s28+$0x30]  }
0x18d: {  	[tilespmem:s28+$0xFFFFFFD0] =	vst v6;
	v5 =	vmul.f32 v12, v5;
	v6 =	vld [tilespmem:s28+$0x40]  }
0x18e: {  	[tilespmem:s28+$0xFFFFFFE0] =	vst v7;
	v7 =	vmul.f32 v10, v4;
	v10 =	vld [tilespmem:s28+$0x50]  }
0x18f: {  	[tilespmem:s28+$0xFFFFFFF0] =	vst v5;
	v5 =	vmul.f32 v8, v4;
	v8 =	vld [tilespmem:s28+$0x60]  }
0x190: {  	[tilespmem:s28+$0x0] =	vst v7;
	v7 =	vmul.f32 v11, v4;
	v11 =	vld [tilespmem:s28+$0x70]  }
0x191: {  	[tilespmem:s28+$0x10] =	vst v5;
	v5 =	vmul.f32 v9, v4;
	v9 =	vld [tilespmem:s28+$0x80]  }
0x192: {  	[tilespmem:s28+$0x20] =	vst v7;
	v6 =	vmul.f32 v6, v4;
	v7 =	vld [tilespmem:s28+$0x90]  }
0x193: {  	[tilespmem:s28+$0x30] =	vst v5;
	v5 =	vmul.f32 v10, v4;
	v10 =	vld [tilespmem:s28+$0xA0]  }
0x194: {  	[tilespmem:s28+$0x40] =	vst v6;
	v6 =	vmul.f32 v8, v4;
	v8 =	vld [tilespmem:s28+$0xB0]  }
0x195: {  	[tilespmem:s28+$0x50] =	vst v5;
	v4 =	vmul.f32 v11, v4;
	v5 =	vld [tilespmem:s28+$0xC0]  }
0x196: {  	[tilespmem:s28+$0x60] =	vst v6;
	v6 =	vmul.f32 v9, v3;
	v9 =	vld [tilespmem:s28+$0xD0]  }
0x197: {  	[tilespmem:s28+$0x70] =	vst v4;
	v4 =	vmul.f32 v7, v3;
	v7 =	vld [tilespmem:s28+$0xE0]  }
0x198: {  	[tilespmem:s28+$0x80] =	vst v6;
	v6 =	vmul.f32 v10, v3;
	v10 =	vld [tilespmem:s28+$0xF0]  }
0x199: {  	s0 =	sadd.s32 $0x1, s29;
	v11 =	vmov s29;
	[tilespmem:s28+$0x90] =	vst v4;
	v4 =	vmul.f32 v8, v3;
	v8 =	vld [tilespmem:s28+$0x100]  }
0x19a: {  	s30 =	sadd.s32 $0x3, s29;
	v12 =	vmov s0;
	s0 =	sadd.s32 $0x2, s29;
	v11 =	vand.u32 $0x78, v11;
	[tilespmem:s28+$0xA0] =	vst v6;
	v5 =	vmul.f32 v5, v3;
	v6 =	vld [tilespmem:s28+$0x110]  }
0x19b: {  	v14 =	vmov s30;
	s30 =	sadd.s32 $0x5, s29;
	v13 =	vmov s0;
	s0 =	sadd.s32 $0x4, s29;
	[tilespmem:s28+$0xB0] =	vst v4;
	v4 =	vmul.f32 v9, v3;
	v9 =	vld [tilespmem:s28+$0x120]  }
0x19c: {  	v16 =	vmov s30;
	v15 =	vmov s0;
	s0 =	sadd.s32 $0x6, s29;
	[tilespmem:s28+$0xC0] =	vst v5;
	v5 =	vmul.f32 v7, v3;
	v7 =	vld [tilespmem:s28+$0x130]  }
0x19d: {  	v17 =	vmov s0;
	v11 =	vor.u32 v0, v11;
	[tilespmem:s28+$0xD0] =	vst v4;
	v3 =	vmul.f32 v10, v3;
	v4 =	vld [tilespmem:s28+$0x140]  }
0x19e: {  	v10 =	vand.u32 $0x79, v12;
	v12 =	vand.u32 $0x7A, v13;
	[tilespmem:s28+$0xE0] =	vst v5;
	v5 =	vmul.f32 v8, v2;
	v8 =	vld [tilespmem:s28+$0x150]  }
0x19f: {  	v13 =	vand.u32 $0x7B, v14;
	v14 =	vand.u32 $0x7C, v15;
	[tilespmem:s28+$0xF0] =	vst v3;
	v6 =	vmul.f32 v6, v2;
	v18 =	vld [tilespmem:s28+$0x160]  }
0x1a0: {  	v15 =	vand.u32 $0x7D, v16;
	v16 =	vand.u32 $0x7E, v17;
	[tilespmem:s28+$0x100] =	vst v5;
	v9 =	vmul.f32 v9, v2;
	v17 =	vld [tilespmem:s28+$0x170]  }
.Ltmp1:
0x1a1: {  	v10 =	vor.u32 v0, v10;
	v3 =	vbroadcast v11, $0x0;
	[tilespmem:s28+$0x110] =	vst v6;
	v7 =	vmul.f32 v7, v2;
	v5 =	vld [tilespmem:s28+$0x180];
	(pc) =	sbr.rel @p0 .LBB2_6-.Ltmp1, $4  }
0x1a2: {  	v19 =	vor.u32 v0, v13;
	v11 =	vor.u32 v0, v12;
	[tilespmem:s28+$0x120] =	vst v9;
	v12 =	vmul.f32 v4, v2;
	v6 =	vld [tilespmem:s28+$0x190]  }
0x1a3: {  	v13 =	vor.u32 v0, v14;
	v4 =	vbroadcast v10, $0x0;
	[tilespmem:s28+$0x130] =	vst v7;
	v10 =	vmul.f32 v8, v2;
	v7 =	vld [tilespmem:s28+$0x1A0]  }
0x1a4: {  	v15 =	vor.u32 v0, v15;
	v9 =	vbroadcast v11, $0x0;
	[tilespmem:s28+$0x140] =	vst v12;
	v12 =	vmul.f32 v18, v2;
	v8 =	vld [tilespmem:s28+$0x1B0]  }
0x1a5: {  	s30 =	sadd.s32 $0x7, s29;
	s29 =	sadd.s32 $0x8, s29;
	v14 =	vor.u32 v0, v16;
	v11 =	vbroadcast v19, $0x0;
	[tilespmem:s28+$0x150] =	vst v10;
	v16 =	vmul.f32 v17, v2;
	v10 =	vld [tilespmem:s28+$0x1C0]  }
0x1a6: {  	_ =	sdelay $0x1  }
0x1a7: {  	v17 =	vld [tilespmem:s28+$0x1D0]  }
0x1a8: {  	v18 =	vld [tilespmem:s28+$0x1E0]  }
0x1a9: {  	v36 =	vld.idx.msk [tilespmem:v3+s16+$0x0], $0xffff  }
0x1aa: {  	v19 =	vld.idx.msk [tilespmem:v4+s16+$0x0], $0xffff  }
0x1ab: {  	v9 =	vld.idx.msk [tilespmem:v9+s16+$0x0], $0xffff  }
0x1ac: {  	s29 =	sadd.s32 $0x400, s28;
	v11 =	vld.idx.msk [tilespmem:v11+s16+$0x0], $0xffff  }
0x1ad: {  	v38 =	vld [tilespmem:s29+$0x1F0]  }
0x1ae: {  	v40 =	vld [tilespmem:s29+$0xFFFFFE00]  }
0x1af: {  	[tilespmem:s28+$0x160] =	vst v12;
	v5 =	vmul.f32 v5, v1;
	v42 =	vld [tilespmem:s29+$0xFFFFFE10]  }
0x1b0: {  	[tilespmem:s28+$0x170] =	vst v16;
	v6 =	vmul.f32 v6, v1;
	v44 =	vld [tilespmem:s29+$0xFFFFFE20]  }
0x1b1: {  	v46 =	vld [tilespmem:s29+$0xFFFFFE30];
	[tilespmem:s28+$0x180] =	vst v5;
	v37 =	vmul.f32 v7, v1  }
0x1b2: {  	v47 =	vld [tilespmem:s29+$0xFFFFFE40];
	[tilespmem:s28+$0x190] =	vst v6;
	v39 =	vmul.f32 v8, v1  }
0x1b3: {  	v49 =	vld [tilespmem:s29+$0xFFFFFE50];
	[tilespmem:s28+$0x1A0] =	vst v37;
	v41 =	vmul.f32 v10, v1  }
0x1b4: {  	v50 =	vld [tilespmem:s29+$0xFFFFFE60];
	[tilespmem:s28+$0x1B0] =	vst v39;
	v43 =	vmul.f32 v17, v1  }
0x1b5: {  	v52 =	vld [tilespmem:s29+$0xFFFFFE70];
	v45 =	vmul.f32 v18, v1;
	[tilespmem:s28+$0x1C0] =	vst v41  }
0x1b6: {  	v53 =	vld [tilespmem:s29+$0xFFFFFE80];
	v48 =	vmul.f32 v40, v36;
	[tilespmem:s28+$0x1D0] =	vst v43  }
0x1b7: {  	v55 =	vld [tilespmem:s29+$0xFFFFFE90];
	v10 =	vmul.f32 v42, v36;
	[tilespmem:s28+$0x1E0] =	vst v45  }
0x1b8: {  	v57 =	vld [tilespmem:s29+$0xFFFFFEA0];
	v51 =	vmul.f32 v44, v36;
	[tilespmem:s29+$0xFFFFFE00] =	vst v48  }
0x1b9: {  	v59 =	vld [tilespmem:s29+$0xFFFFFEB0];
	v5 =	vmul.f32 v46, v36;
	[tilespmem:s29+$0xFFFFFE10] =	vst v10  }
0x1ba: {  	v61 =	vld [tilespmem:s29+$0xFFFFFEC0];
	v54 =	vmul.f32 v47, v36;
	[tilespmem:s29+$0xFFFFFE20] =	vst v51  }
0x1bb: {  	v63 =	vld [tilespmem:s29+$0xFFFFFED0];
	v56 =	vmul.f32 v49, v36;
	[tilespmem:s29+$0xFFFFFE30] =	vst v5  }
0x1bc: {  	v20 =	vld [tilespmem:s29+$0xFFFFFEF0];
	v58 =	vmul.f32 v50, v36;
	[tilespmem:s29+$0xFFFFFE40] =	vst v54  }
0x1bd: {  	v22 =	vld [tilespmem:s29+$0xFFFFFF00];
	v60 =	vmul.f32 v52, v36;
	[tilespmem:s29+$0xFFFFFE50] =	vst v56  }
0x1be: {  	v24 =	vld [tilespmem:s29+$0xFFFFFF10];
	v62 =	vmul.f32 v53, v19;
	[tilespmem:s29+$0xFFFFFE60] =	vst v58  }
0x1bf: {  	v26 =	vld [tilespmem:s29+$0xFFFFFF20];
	v16 =	vmul.f32 v55, v19;
	[tilespmem:s29+$0xFFFFFE70] =	vst v60  }
0x1c0: {  	v2 =	vbroadcast v13, $0x0;
	v28 =	vld [tilespmem:s29+$0xFFFFFF30];
	v18 =	vmul.f32 v57, v19;
	[tilespmem:s29+$0xFFFFFE80] =	vst v62  }
0x1c1: {  	v15 =	vbroadcast v15, $0x0;
	v30 =	vld [tilespmem:s29+$0xFFFFFF40];
	v21 =	vmul.f32 v59, v19;
	[tilespmem:s29+$0xFFFFFE90] =	vst v16  }
0x1c2: {  	v32 =	vld [tilespmem:s29+$0xFFFFFF50];
	v23 =	vmul.f32 v61, v19;
	[tilespmem:s29+$0xFFFFFEA0] =	vst v18  }
0x1c3: {  	v34 =	vld [tilespmem:s29+$0xFFFFFF60];
	v25 =	vmul.f32 v63, v19;
	[tilespmem:s29+$0xFFFFFEB0] =	vst v21  }
0x1c4: {  	v12 =	vld [tilespmem:s29+$0x50];
	v29 =	vmul.f32 v20, v19;
	[tilespmem:s29+$0xFFFFFEC0] =	vst v23  }
0x1c5: {  	v17 =	vld [tilespmem:s29+$0xFFFFFEE0];
	v31 =	vmul.f32 v22, v9;
	[tilespmem:s29+$0xFFFFFED0] =	vst v25  }
0x1c6: {  	v35 =	vmov s30;
	v4 =	vld.idx.msk [tilespmem:v2+s16+$0x0], $0xffff;
	v33 =	vmul.f32 v24, v9;
	[tilespmem:s29+$0xFFFFFEF0] =	vst v29  }
0x1c7: {  	v13 =	vand.u32 $0x7F, v35;
	v3 =	vld.idx.msk [tilespmem:v15+s16+$0x0], $0xffff;
	v35 =	vmul.f32 v26, v9;
	[tilespmem:s29+$0xFFFFFF00] =	vst v31  }
0x1c8: {  	v36 =	vld [tilespmem:s29+$0xFFFFFF70];
	v37 =	vmul.f32 v28, v9;
	[tilespmem:s29+$0xFFFFFF10] =	vst v33  }
0x1c9: {  	v14 =	vbroadcast v14, $0x0;
	v39 =	vmul.f32 v30, v9;
	v40 =	vld [tilespmem:s29+$0xFFFFFF90];
	[tilespmem:s29+$0xFFFFFF20] =	vst v35  }
0x1ca: {  	v41 =	vmul.f32 v32, v9;
	v42 =	vld [tilespmem:s29+$0xFFFFFFA0];
	[tilespmem:s29+$0xFFFFFF30] =	vst v37  }
0x1cb: {  	v44 =	vld [tilespmem:s29+$0xFFFFFFB0];
	v43 =	vmul.f32 v34, v9;
	[tilespmem:s29+$0xFFFFFF40] =	vst v39  }
0x1cc: {  	v46 =	vld [tilespmem:s29+$0xFFFFFFC0];
	[tilespmem:s29+$0xFFFFFF50] =	vst v41;
	v27 =	vmul.f32 v17, v19  }
0x1cd: {  	v50 =	vld [tilespmem:s29+$0xFFFFFFE0];
	[tilespmem:s29+$0xFFFFFF60] =	vst v43;
	v45 =	vmul.f32 v36, v9  }
0x1ce: {  	v52 =	vld [tilespmem:s29+$0xFFFFFFF0];
	v49 =	vmul.f32 v40, v11;
	[tilespmem:s29+$0xFFFFFEE0] =	vst v27  }
0x1cf: {  	v2 =	vld.idx.msk [tilespmem:v14+s16+$0x0], $0xffff;
	v51 =	vmul.f32 v42, v11;
	[tilespmem:s29+$0xFFFFFF70] =	vst v45  }
0x1d0: {  	v14 =	vld [tilespmem:s29+$0x60];
	v53 =	vmul.f32 v44, v11;
	[tilespmem:s29+$0xFFFFFF90] =	vst v49  }
0x1d1: {  	v20 =	vld [tilespmem:s29+$0x90];
	v55 =	vmul.f32 v46, v11;
	[tilespmem:s29+$0xFFFFFFA0] =	vst v51  }
0x1d2: {  	v22 =	vld [tilespmem:s29+$0xA0];
	v59 =	vmul.f32 v50, v11;
	[tilespmem:s29+$0xFFFFFFB0] =	vst v53  }
0x1d3: {  	v24 =	vld [tilespmem:s29+$0xB0];
	v61 =	vmul.f32 v52, v11;
	[tilespmem:s29+$0xFFFFFFC0] =	vst v55  }
0x1d4: {  	v48 =	vld [tilespmem:s29+$0xFFFFFFD0];
	v21 =	vmul.f32 v12, v4;
	[tilespmem:s29+$0xFFFFFFE0] =	vst v59  }
0x1d5: {  	v54 =	vld [tilespmem:s29+$0x0];
	v23 =	vmul.f32 v14, v4;
	[tilespmem:s29+$0xFFFFFFF0] =	vst v61  }
0x1d6: {  	v56 =	vld [tilespmem:s29+$0x10];
	v28 =	vmul.f32 v20, v3;
	[tilespmem:s29+$0x50] =	vst v21  }
0x1d7: {  	v58 =	vld [tilespmem:s29+$0x20];
	v30 =	vmul.f32 v22, v3;
	[tilespmem:s29+$0x60] =	vst v23  }
0x1d8: {  	v60 =	vld [tilespmem:s29+$0x30];
	v32 =	vmul.f32 v24, v3;
	[tilespmem:s29+$0x90] =	vst v28  }
0x1d9: {  	v0 =	vor.u32 v0, v13;
	v62 =	vld [tilespmem:s29+$0x40];
	v57 =	vmul.f32 v48, v11;
	[tilespmem:s29+$0xA0] =	vst v30  }
0x1da: {  	v0 =	vbroadcast v0, $0x0;
	v16 =	vld [tilespmem:s29+$0x70];
	v63 =	vmul.f32 v54, v4;
	[tilespmem:s29+$0xB0] =	vst v32  }
0x1db: {  	v18 =	vld [tilespmem:s29+$0x80];
	v13 =	vmul.f32 v56, v4;
	[tilespmem:s29+$0xFFFFFFD0] =	vst v57  }
0x1dc: {  	v25 =	vld [tilespmem:s29+$0xC0];
	v15 =	vmul.f32 v58, v4;
	[tilespmem:s29+$0x0] =	vst v63  }
0x1dd: {  	v33 =	vld [tilespmem:s29+$0x100];
	v17 =	vmul.f32 v60, v4;
	[tilespmem:s29+$0x10] =	vst v13  }
0x1de: {  	v35 =	vld [tilespmem:s29+$0x110];
	v19 =	vmul.f32 v62, v4;
	[tilespmem:s29+$0x20] =	vst v15  }
0x1df: {  	v37 =	vld [tilespmem:s29+$0x120];
	v4 =	vmul.f32 v16, v4;
	[tilespmem:s29+$0x30] =	vst v17  }
0x1e0: {  	v0 =	vld.idx.msk [tilespmem:v0+s16+$0x0], $0xffff;
	v26 =	vmul.f32 v18, v3;
	[tilespmem:s29+$0x40] =	vst v19  }
0x1e1: {  	v40 =	vld [tilespmem:s29+$0x140];
	v34 =	vmul.f32 v25, v3;
	[tilespmem:s29+$0x70] =	vst v4  }
0x1e2: {  	v42 =	vld [tilespmem:s29+$0x150];
	v41 =	vmul.f32 v33, v2;
	[tilespmem:s29+$0x80] =	vst v26  }
0x1e3: {  	v44 =	vld [tilespmem:s29+$0x160];
	v43 =	vmul.f32 v35, v2;
	[tilespmem:s29+$0xC0] =	vst v34  }
0x1e4: {  	v50 =	vld [tilespmem:s29+$0x190];
	v45 =	vmul.f32 v37, v2;
	[tilespmem:s29+$0x100] =	vst v41  }
0x1e5: {  	v52 =	vld [tilespmem:s29+$0x1A0];
	v7 =	vmul.f32 v38, v0;
	[tilespmem:s29+$0x110] =	vst v43  }
0x1e6: {  	v27 =	vld [tilespmem:s29+$0xD0];
	[tilespmem:s29+$0x120] =	vst v45;
	v49 =	vmul.f32 v40, v2  }
0x1e7: {  	v48 =	vld [tilespmem:s29+$0x180];
	[tilespmem:s29+$0x1F0] =	vst v7;
	v51 =	vmul.f32 v42, v2  }
0x1e8: {  	v54 =	vld [tilespmem:s29+$0x1B0];
	v53 =	vmul.f32 v44, v2;
	[tilespmem:s29+$0x140] =	vst v49  }
0x1e9: {  	v55 =	vld [tilespmem:s29+$0x1C0];
	v58 =	vmul.f32 v50, v0;
	[tilespmem:s29+$0x150] =	vst v51  }
0x1ea: {  	v38 =	vld [tilespmem:s29+$0xFFFFFF80];
	v60 =	vmul.f32 v52, v0;
	[tilespmem:s29+$0x160] =	vst v53  }
0x1eb: {  	v29 =	vld [tilespmem:s29+$0xE0];
	v36 =	vmul.f32 v27, v3;
	[tilespmem:s29+$0x190] =	vst v58  }
0x1ec: {  	v31 =	vld [tilespmem:s29+$0xF0];
	v56 =	vmul.f32 v48, v0;
	[tilespmem:s29+$0x1A0] =	vst v60  }
0x1ed: {  	v57 =	vld [tilespmem:s29+$0x1D0];
	v61 =	vmul.f32 v54, v0;
	[tilespmem:s29+$0xD0] =	vst v36  }
0x1ee: {  	v59 =	vld [tilespmem:s29+$0x1E0];
	v62 =	vmul.f32 v55, v0;
	[tilespmem:s29+$0x180] =	vst v56  }
0x1ef: {  	v39 =	vld [tilespmem:s29+$0x130];
	v47 =	vmul.f32 v38, v11;
	[tilespmem:s29+$0x1B0] =	vst v61  }
0x1f0: {  	v46 =	vld [tilespmem:s29+$0x170];
	v38 =	vmul.f32 v29, v3;
	[tilespmem:s29+$0x1C0] =	vst v62  }
0x1f1: {  	v3 =	vmul.f32 v31, v3;
	[tilespmem:s29+$0xFFFFFF80] =	vst v47  }
0x1f2: {  	v63 =	vmul.f32 v57, v0;
	[tilespmem:s29+$0xE0] =	vst v38  }
0x1f3: {  	v0 =	vmul.f32 v59, v0;
	[tilespmem:s29+$0xF0] =	vst v3  }
0x1f4: {  	v47 =	vmul.f32 v39, v2;
	[tilespmem:s29+$0x1D0] =	vst v63  }
0x1f5: {  	s25 =	sadd.s32 $0x1, s25;
	v2 =	vmul.f32 v46, v2;
	[tilespmem:s29+$0x1E0] =	vst v0  }
0x1f6: {  	p0 =	sne.s32 s25, $0xD;
	[tilespmem:s29+$0x130] =	vst v47  }
.Ltmp2:
0x1f7: {  	s0 =	sadd.s32 $0x1000, s26;
	[tilespmem:s29+$0x170] =	vst v2;
	(pc) =	sbr.rel @p0 .LBB2_3-.Ltmp2, $4  }
0x1f8: {  	[spmem:s3] =	stream.indirect.scatter.add.f32 [tilespmem:s19], [sflag:$0x3], $0x80, s0, s17, $0xb8;
	[tilespmem:$0x1F000] =	vst v63  }
0x1f9: {  	_ =	swait.ge [sflag:s14], $0x4000  }
0x1fa: {  	[sflag:s14] =	ssyncset.done $0x0  }
0x1fb: {  	[sflag:s14] =	ssyncadd.s32 $0xFFFFC000  }
0x1fc: {  	s0 =	simm.s32 $0x0  }
0x1fd: {  	s25 =	simm.s32 $0x7;
	_ =	swait.ge [sflag:s20], $0x4000;
	v0 =	vmov s0  }
0x1fe: {  	s24 =	simm.s32 $0x1;
	v2 =	vmov s25;
	[sflag:s20] =	ssyncset.done $0x0;
	v0 =	vand.u32 $0x78, v0  }
0x1ff: {  	v1 =	vmov s24;
	s24 =	simm.s32 $0x3200;
	v2 =	vand.u32 $0x7F, v2;
	[sflag:s20] =	ssyncadd.s32 $0xFFFFC000;
	v0 =	vor.u32 $0xD00, v0  }
0x200: {  	v2 =	vor.u32 $0xD00, v2;
	v4 =	vld [tilespmem:s24+$0xFFFFFE10];
	v0 =	vbroadcast v0, $0x0  }
0x201: {  	v5 =	vld [tilespmem:s24+$0xFFFFFE20];
	v2 =	vbroadcast v2, $0x0  }
0x202: {  	v6 =	vld [tilespmem:s24+$0xFFFFFE30]  }
0x203: {  	v7 =	vld [tilespmem:s24+$0xFFFFFE40]  }
0x204: {  	v1 =	vand.u32 $0x79, v1;
	v8 =	vld [tilespmem:s24+$0xFFFFFE50]  }
0x205: {  	v1 =	vor.u32 $0xD00, v1;
	v9 =	vld [tilespmem:s24+$0xFFFFFE60]  }
0x206: {  	v1 =	vbroadcast v1, $0x0;
	v3 =	vld.idx.msk [tilespmem:v0+s16+$0x0], $0xffff  }
0x207: {  	v0 =	vld.idx.msk [tilespmem:v2+s16+$0x0], $0xffff  }
0x208: {  	v2 =	vld [tilespmem:s24+$0xFFFFFE00]  }
0x209: {  	v11 =	vld [tilespmem:s24+$0x1F0]  }
0x20a: {  	v12 =	vld [tilespmem:s24+$0xFFFFFE80]  }
0x20b: {  	v13 =	vld [tilespmem:s24+$0xFFFFFE90]  }
0x20c: {  	v1 =	vld.idx.msk [tilespmem:v1+s16+$0x0], $0xffff  }
0x20d: {  	v14 =	vld [tilespmem:s24+$0xFFFFFEA0];
	v2 =	vmul.f32 v2, v3  }
0x20e: {  	s26 =	simm.s32 $0x2;
	v15 =	vld [tilespmem:s24+$0xFFFFFEB0];
	v11 =	vmul.f32 v11, v0  }
0x20f: {  	v10 =	vmov s26;
	v16 =	vld [tilespmem:s24+$0xFFFFFEC0];
	v4 =	vmul.f32 v4, v3;
	[tilespmem:s24+$0xFFFFFE00] =	vst v2  }
0x210: {  	v5 =	vmul.f32 v5, v3;
	v2 =	vand.u32 $0x7A, v10;
	v10 =	vld [tilespmem:s24+$0xFFFFFE70];
	[tilespmem:s24+$0x1F0] =	vst v11  }
0x211: {  	v6 =	vmul.f32 v6, v3;
	v11 =	vmul.f32 v12, v1;
	v12 =	vld [tilespmem:s24+$0xFFFFFED0];
	[tilespmem:s24+$0xFFFFFE10] =	vst v4  }
0x212: {  	v4 =	vld [tilespmem:s24+$0xFFFFFEE0];
	[tilespmem:s24+$0xFFFFFE20] =	vst v5;
	v2 =	vor.u32 $0xD00, v2  }
0x213: {  	v5 =	vmul.f32 v7, v3;
	v7 =	vld [tilespmem:s24+$0xFFFFFEF0];
	[tilespmem:s24+$0xFFFFFE30] =	vst v6;
	v2 =	vbroadcast v2, $0x0  }
0x214: {  	s28 =	simm.s32 $0x3;
	v6 =	vmul.f32 v8, v3;
	v8 =	vld [tilespmem:s24+$0xFFFFFF00];
	[tilespmem:s24+$0xFFFFFE80] =	vst v11  }
0x215: {  	v11 =	vmov s28;
	[tilespmem:s24+$0xFFFFFE40] =	vst v5;
	v5 =	vmul.f32 v9, v3;
	v9 =	vld [tilespmem:s24+$0xFFFFFF10]  }
0x216: {  	v16 =	vmul.f32 v16, v1;
	[tilespmem:s24+$0xFFFFFE50] =	vst v6;
	v6 =	vld [tilespmem:s24+$0xFFFFFF20];
	v11 =	vand.u32 $0x7B, v11  }
0x217: {  	v11 =	vor.u32 $0xD00, v11;
	[tilespmem:s24+$0xFFFFFE60] =	vst v5;
	v5 =	vmul.f32 v13, v1;
	v13 =	vld [tilespmem:s24+$0xFFFFFF40];
	v3 =	vmul.f32 v10, v3  }
0x218: {  	v11 =	vbroadcast v11, $0x0;
	v10 =	vld [tilespmem:s24+$0xFFFFFF30];
	v12 =	vmul.f32 v12, v1  }
0x219: {  	v4 =	vmul.f32 v4, v1;
	[tilespmem:s24+$0xFFFFFE70] =	vst v3;
	v3 =	vmul.f32 v14, v1;
	v2 =	vld.idx.msk [tilespmem:v2+s16+$0x0], $0xffff  }
0x21a: {  	[tilespmem:s24+$0xFFFFFE90] =	vst v5;
	v14 =	vmul.f32 v15, v1;
	v1 =	vmul.f32 v7, v1;
	v7 =	vld [tilespmem:s24+$0xFFFFFF90]  }
0x21b: {  	[tilespmem:s24+$0xFFFFFED0] =	vst v12;
	v12 =	vld [tilespmem:s24+$0xFFFFFFD0]  }
0x21c: {  	[tilespmem:s24+$0xFFFFFEA0] =	vst v3;
	v3 =	vld [tilespmem:s24+$0xFFFFFF60]  }
0x21d: {  	[tilespmem:s24+$0xFFFFFEB0] =	vst v14;
	v14 =	vld [tilespmem:s24+$0xFFFFFF70]  }
0x21e: {  	[tilespmem:s24+$0xFFFFFEE0] =	vst v4;
	v11 =	vld.idx.msk [tilespmem:v11+s16+$0x0], $0xffff;
	v5 =	vmul.f32 v8, v2  }
0x21f: {  	s29 =	simm.s32 $0x4;
	[tilespmem:s24+$0xFFFFFEF0] =	vst v1;
	v8 =	vld [tilespmem:s24+$0xFFFFFF50];
	v4 =	vmul.f32 v9, v2  }
0x220: {  	v15 =	vmov s29;
	v9 =	vld [tilespmem:s24+$0xFFFFFFA0];
	v1 =	vmul.f32 v6, v2;
	[tilespmem:s24+$0xFFFFFF00] =	vst v5  }
0x221: {  	v13 =	vmul.f32 v13, v2;
	v5 =	vand.u32 $0x7C, v15;
	v15 =	vld [tilespmem:s24+$0xFFFFFF80];
	[tilespmem:s24+$0xFFFFFF10] =	vst v4  }
0x222: {  	v6 =	vld [tilespmem:s24+$0xFFFFFFB0];
	v3 =	vmul.f32 v3, v2;
	[tilespmem:s24+$0xFFFFFF20] =	vst v1;
	v5 =	vor.u32 $0xD00, v5  }
0x223: {  	v4 =	vmul.f32 v10, v2;
	v10 =	vld [tilespmem:s24+$0xFFFFFFC0];
	[tilespmem:s24+$0xFFFFFF40] =	vst v13;
	v5 =	vbroadcast v5, $0x0  }
0x224: {  	v13 =	vld [tilespmem:s24+$0xFFFFFFF0];
	[tilespmem:s24+$0xFFFFFF60] =	vst v3;
	v3 =	vmul.f32 v7, v11  }
0x225: {  	v7 =	vld [tilespmem:s24+$0x10];
	[tilespmem:s24+$0xFFFFFF30] =	vst v4;
	v8 =	vmul.f32 v8, v2  }
0x226: {  	s30 =	simm.s32 $0x5;
	v4 =	vld [tilespmem:s24+$0xFFFFFFE0];
	[tilespmem:s24+$0xFFFFFF90] =	vst v3;
	v1 =	vmul.f32 v15, v11  }
0x227: {  	v2 =	vmul.f32 v14, v2;
	v3 =	vmul.f32 v6, v11;
	v6 =	vld [tilespmem:s24+$0x30];
	v15 =	vmov s30;
	[tilespmem:s24+$0xFFFFFF50] =	vst v8  }
0x228: {  	v12 =	vmul.f32 v12, v11;
	v8 =	vld [tilespmem:s24+$0x0];
	[tilespmem:s24+$0xFFFFFF80] =	vst v1;
	v1 =	vand.u32 $0x7D, v15  }
0x229: {  	[tilespmem:s24+$0xFFFFFF70] =	vst v2;
	v2 =	vmul.f32 v9, v11;
	v5 =	vld.idx.msk [tilespmem:v5+s16+$0x0], $0xffff;
	v1 =	vor.u32 $0xD00, v1  }
0x22a: {  	[tilespmem:s24+$0xFFFFFFD0] =	vst v12;
	v12 =	vld [tilespmem:s24+$0x70];
	v1 =	vbroadcast v1, $0x0  }
0x22b: {  	v9 =	vld [tilespmem:s24+$0x20];
	[tilespmem:s24+$0xFFFFFFA0] =	vst v2;
	v2 =	vmul.f32 v10, v11  }
0x22c: {  	[tilespmem:s24+$0xFFFFFFB0] =	vst v3;
	v10 =	vld [tilespmem:s24+$0x40];
	v4 =	vmul.f32 v4, v11;
	v11 =	vmul.f32 v13, v11  }
0x22d: {  	[tilespmem:s24+$0xFFFFFFC0] =	vst v2;
	v2 =	vld [tilespmem:s24+$0x60]  }
0x22e: {  	s31 =	simm.s32 $0x6;
	[tilespmem:s24+$0xFFFFFFF0] =	vst v11;
	v11 =	vld [tilespmem:s24+$0x90];
	v3 =	vmul.f32 v8, v5  }
0x22f: {  	v14 =	vmov s31;
	[tilespmem:s24+$0xFFFFFFE0] =	vst v4;
	v8 =	vld [tilespmem:s24+$0x50];
	v4 =	vmul.f32 v7, v5  }
0x230: {  	v9 =	vmul.f32 v9, v5;
	v1 =	vld.idx.msk [tilespmem:v1+s16+$0x0], $0xffff;
	[tilespmem:s24+$0x0] =	vst v3;
	v3 =	vand.u32 $0x7E, v14  }
0x231: {  	v7 =	vld [tilespmem:s24+$0x80];
	[tilespmem:s24+$0x10] =	vst v4;
	v4 =	vmul.f32 v6, v5;
	v3 =	vor.u32 $0xD00, v3  }
0x232: {  	[tilespmem:s24+$0x20] =	vst v9;
	v9 =	vmul.f32 v10, v5;
	v10 =	vld [tilespmem:s24+$0xB0];
	v3 =	vbroadcast v3, $0x0  }
0x233: {  	v2 =	vmul.f32 v2, v5;
	v6 =	vld [tilespmem:s24+$0xA0];
	[tilespmem:s24+$0x30] =	vst v4  }
0x234: {  	[tilespmem:s24+$0x40] =	vst v9;
	v9 =	vld [tilespmem:s24+$0xD0];
	v4 =	vmul.f32 v8, v5  }
0x235: {  	[tilespmem:s24+$0x60] =	vst v2;
	v8 =	vld [tilespmem:s24+$0xC0];
	v2 =	vmul.f32 v11, v1  }
0x236: {  	[tilespmem:s24+$0x50] =	vst v4;
	v4 =	vld [tilespmem:s24+$0xE0]  }
0x237: {  	[tilespmem:s24+$0x90] =	vst v2;
	v2 =	vmul.f32 v10, v1;
	v10 =	vld [tilespmem:s24+$0x110]  }
0x238: {  	v15 =	vld.idx.msk [tilespmem:v3+s16+$0x0], $0xffff  }
0x239: {  	[tilespmem:s24+$0xFFFFFEC0] =	vst v16;
	v3 =	vmul.f32 v12, v5;
	v5 =	vld [tilespmem:s24+$0xF0]  }
0x23a: {  	v7 =	vmul.f32 v7, v1;
	[tilespmem:s24+$0xB0] =	vst v2;
	v2 =	vmul.f32 v9, v1;
	v9 =	vld [tilespmem:s24+$0x130]  }
0x23b: {  	s25 =	simm.s32 $0x8;
	s29 =	simm.s32 $0xC;
	s30 =	simm.s32 $0xD;
	[tilespmem:s24+$0x70] =	vst v3;
	v3 =	vmul.f32 v6, v1;
	v6 =	vld [tilespmem:s24+$0x100]  }
0x23c: {  	s26 =	simm.s32 $0x9;
	v62 =	vmov s30;
	v14 =	vmov s29;
	[tilespmem:s24+$0x80] =	vst v7;
	v7 =	vmov s25  }
0x23d: {  	s28 =	simm.s32 $0xA;
	v11 =	vmov s26;
	s25 =	simm.s32 $0xB;
	v7 =	vand.u32 $0x78, v7;
	[tilespmem:s24+$0xA0] =	vst v3;
	v3 =	vmul.f32 v8, v1;
	v8 =	vld [tilespmem:s24+$0x120]  }
0x23e: {  	v12 =	vmov s28;
	v13 =	vmov s25;
	[tilespmem:s24+$0xD0] =	vst v2;
	v10 =	vmul.f32 v10, v15  }
0x23f: {  	s31 =	simm.s32 $0xE;
	v7 =	vor.u32 $0xD00, v7;
	[tilespmem:s24+$0xC0] =	vst v3;
	v3 =	vmul.f32 v4, v1;
	v4 =	vld [tilespmem:s24+$0x140];
	v1 =	vmul.f32 v5, v1  }
0x240: {  	v17 =	vld [tilespmem:s24+$0x150];
	v5 =	vmov s31;
	v9 =	vmul.f32 v9, v15;
	v2 =	vmul.f32 v6, v15;
	[tilespmem:s24+$0x110] =	vst v10  }
0x241: {  	v18 =	vld [tilespmem:s24+$0x160];
	v6 =	vand.u32 $0x79, v11;
	v11 =	vand.u32 $0x7A, v12;
	v12 =	vand.u32 $0x7C, v14;
	[tilespmem:s24+$0xE0] =	vst v3  }
0x242: {  	v63 =	vld [tilespmem:s24+$0x170];
	v14 =	vand.u32 $0x7E, v5;
	v3 =	vand.u32 $0x7B, v13;
	[tilespmem:s24+$0xF0] =	vst v1;
	v8 =	vmul.f32 v8, v15  }
0x243: {  	v5 =	vld [tilespmem:s24+$0x180];
	v1 =	vand.u32 $0x7D, v62;
	v10 =	vor.u32 $0xD00, v11;
	v12 =	vor.u32 $0xD00, v12;
	[tilespmem:s24+$0x100] =	vst v2  }
0x244: {  	v2 =	vbroadcast v7, $0x0;
	v7 =	vor.u32 $0xD00, v6;
	v6 =	vld [tilespmem:s24+$0x190];
	[tilespmem:s24+$0x120] =	vst v8;
	v8 =	vmul.f32 v4, v15  }
0x245: {  	[tilespmem:s24+$0x130] =	vst v9;
	v9 =	vmul.f32 v17, v15;
	v19 =	vor.u32 $0xD00, v3;
	v3 =	vbroadcast v7, $0x0;
	v7 =	vld [tilespmem:s24+$0x1A0]  }
0x246: {  	v11 =	vmul.f32 v18, v15;
	v14 =	vor.u32 $0xD00, v14;
	v4 =	vbroadcast v10, $0x0;
	[tilespmem:s24+$0x140] =	vst v8;
	v8 =	vld [tilespmem:s24+$0x1B0]  }
0x247: {  	s26 =	simm.s32 $0xF;
	s25 =	simm.s32 $0x10;
	v13 =	vor.u32 $0xD00, v1;
	v1 =	vmul.f32 v63, v15;
	[tilespmem:s24+$0x150] =	vst v9;
	v9 =	vld [tilespmem:s24+$0x1C0];
	v10 =	vbroadcast v19, $0x0  }
.LBB2_9:
0x248: {  	p0 =	slt.u32 s25, $0x78;
	v12 =	vbroadcast v12, $0x0;
	v15 =	vmov s26;
	[tilespmem:s24+$0x160] =	vst v11;
	v5 =	vmul.f32 v5, v0;
	v11 =	vld [tilespmem:s24+$0x1D0]  }
0x249: {  	v13 =	vbroadcast v13, $0x0;
	v15 =	vand.u32 $0x7F, v15;
	[tilespmem:s24+$0x170] =	vst v1;
	v1 =	vmul.f32 v6, v0;
	v6 =	vld [tilespmem:s24+$0x1E0]  }
0x24a: {  	v14 =	vbroadcast v14, $0x0;
	v16 =	vld.idx.msk [tilespmem:v2+s16+$0x0], $0xffff;
	v2 =	vor.u32 $0xD00, v15;
	[tilespmem:s24+$0x180] =	vst v5;
	v5 =	vmul.f32 v7, v0  }
0x24b: {  	v7 =	vld.idx.msk [tilespmem:v3+s16+$0x0], $0xffff;
	v15 =	vbroadcast v2, $0x0;
	[tilespmem:s24+$0x190] =	vst v1;
	v1 =	vmul.f32 v8, v0  }
0x24c: {  	v8 =	vld.idx.msk [tilespmem:v4+s16+$0x0], $0xffff;
	[tilespmem:s24+$0x1A0] =	vst v5;
	v2 =	vmul.f32 v9, v0  }
0x24d: {  	v4 =	vld.idx.msk [tilespmem:v10+s16+$0x0], $0xffff;
	[tilespmem:s24+$0x1B0] =	vst v1;
	v1 =	vmul.f32 v11, v0  }
0x24e: {  	v3 =	vld.idx.msk [tilespmem:v12+s16+$0x0], $0xffff;
	[tilespmem:s24+$0x1C0] =	vst v2;
	v0 =	vmul.f32 v6, v0  }
0x24f: {  	v2 =	vld.idx.msk [tilespmem:v13+s16+$0x0], $0xffff;
	[tilespmem:s24+$0x1D0] =	vst v1  }
0x250: {  	v1 =	vld.idx.msk [tilespmem:v14+s16+$0x0], $0xffff;
	[tilespmem:s24+$0x1E0] =	vst v0  }
0x251: {  	s24 =	sadd.s32 $0x400, s24;
	v0 =	vld.idx.msk [tilespmem:v15+s16+$0x0], $0xffff  }
0x252: {  	v5 =	vld [tilespmem:s24+$0x1F0]  }
0x253: {  	v6 =	vld [tilespmem:s24+$0xFFFFFE00]  }
0x254: {  	v9 =	vld [tilespmem:s24+$0xFFFFFE10]  }
0x255: {  	v10 =	vld [tilespmem:s24+$0xFFFFFE20]  }
0x256: {  	v11 =	vld [tilespmem:s24+$0xFFFFFE30]  }
0x257: {  	v12 =	vld [tilespmem:s24+$0xFFFFFE40];
	v5 =	vmul.f32 v5, v0  }
0x258: {  	v6 =	vmul.f32 v6, v16;
	v13 =	vld [tilespmem:s24+$0xFFFFFE50]  }
0x259: {  	v9 =	vmul.f32 v9, v16;
	v14 =	vld [tilespmem:s24+$0xFFFFFE60];
	[tilespmem:s24+$0x1F0] =	vst v5  }
0x25a: {  	[tilespmem:s24+$0xFFFFFE00] =	vst v6;
	v5 =	vmul.f32 v10, v16;
	v6 =	vld [tilespmem:s24+$0xFFFFFE70]  }
0x25b: {  	[tilespmem:s24+$0xFFFFFE10] =	vst v9;
	v9 =	vmul.f32 v11, v16;
	v10 =	vld [tilespmem:s24+$0xFFFFFE80]  }
0x25c: {  	[tilespmem:s24+$0xFFFFFE20] =	vst v5;
	v5 =	vmul.f32 v12, v16;
	v11 =	vld [tilespmem:s24+$0xFFFFFE90]  }
0x25d: {  	[tilespmem:s24+$0xFFFFFE30] =	vst v9;
	v9 =	vmul.f32 v13, v16;
	v12 =	vld [tilespmem:s24+$0xFFFFFEA0]  }
0x25e: {  	[tilespmem:s24+$0xFFFFFE40] =	vst v5;
	v5 =	vmul.f32 v14, v16;
	v13 =	vld [tilespmem:s24+$0xFFFFFEB0]  }
0x25f: {  	[tilespmem:s24+$0xFFFFFE50] =	vst v9;
	v6 =	vmul.f32 v6, v16;
	v9 =	vld [tilespmem:s24+$0xFFFFFEC0]  }
0x260: {  	[tilespmem:s24+$0xFFFFFE60] =	vst v5;
	v5 =	vmul.f32 v10, v7;
	v10 =	vld [tilespmem:s24+$0xFFFFFED0]  }
0x261: {  	[tilespmem:s24+$0xFFFFFE70] =	vst v6;
	v6 =	vmul.f32 v11, v7;
	v11 =	vld [tilespmem:s24+$0xFFFFFEE0]  }
0x262: {  	[tilespmem:s24+$0xFFFFFE80] =	vst v5;
	v5 =	vmul.f32 v12, v7;
	v12 =	vld [tilespmem:s24+$0xFFFFFEF0]  }
0x263: {  	[tilespmem:s24+$0xFFFFFE90] =	vst v6;
	v6 =	vmul.f32 v13, v7;
	v13 =	vld [tilespmem:s24+$0xFFFFFF00]  }
0x264: {  	[tilespmem:s24+$0xFFFFFEA0] =	vst v5;
	v5 =	vmul.f32 v9, v7;
	v9 =	vld [tilespmem:s24+$0xFFFFFF10]  }
0x265: {  	[tilespmem:s24+$0xFFFFFEB0] =	vst v6;
	v6 =	vmul.f32 v10, v7;
	v10 =	vld [tilespmem:s24+$0xFFFFFF20]  }
0x266: {  	[tilespmem:s24+$0xFFFFFEC0] =	vst v5;
	v5 =	vmul.f32 v11, v7;
	v11 =	vld [tilespmem:s24+$0xFFFFFF30]  }
0x267: {  	[tilespmem:s24+$0xFFFFFED0] =	vst v6;
	v6 =	vmul.f32 v12, v7;
	v7 =	vld [tilespmem:s24+$0xFFFFFF40]  }
0x268: {  	[tilespmem:s24+$0xFFFFFEE0] =	vst v5;
	v5 =	vmul.f32 v13, v8;
	v12 =	vld [tilespmem:s24+$0xFFFFFF50]  }
0x269: {  	[tilespmem:s24+$0xFFFFFEF0] =	vst v6;
	v6 =	vmul.f32 v9, v8;
	v9 =	vld [tilespmem:s24+$0xFFFFFF60]  }
0x26a: {  	[tilespmem:s24+$0xFFFFFF00] =	vst v5;
	v5 =	vmul.f32 v10, v8;
	v10 =	vld [tilespmem:s24+$0xFFFFFF70]  }
0x26b: {  	[tilespmem:s24+$0xFFFFFF10] =	vst v6;
	v6 =	vmul.f32 v11, v8;
	v11 =	vld [tilespmem:s24+$0xFFFFFF80]  }
0x26c: {  	[tilespmem:s24+$0xFFFFFF20] =	vst v5;
	v5 =	vmul.f32 v7, v8;
	v7 =	vld [tilespmem:s24+$0xFFFFFF90]  }
0x26d: {  	[tilespmem:s24+$0xFFFFFF30] =	vst v6;
	v6 =	vmul.f32 v12, v8;
	v12 =	vld [tilespmem:s24+$0xFFFFFFA0]  }
0x26e: {  	[tilespmem:s24+$0xFFFFFF40] =	vst v5;
	v5 =	vmul.f32 v9, v8;
	v9 =	vld [tilespmem:s24+$0xFFFFFFB0]  }
0x26f: {  	[tilespmem:s24+$0xFFFFFF50] =	vst v6;
	v6 =	vmul.f32 v10, v8;
	v8 =	vld [tilespmem:s24+$0xFFFFFFC0]  }
0x270: {  	[tilespmem:s24+$0xFFFFFF60] =	vst v5;
	v5 =	vmul.f32 v11, v4;
	v10 =	vld [tilespmem:s24+$0xFFFFFFD0]  }
0x271: {  	[tilespmem:s24+$0xFFFFFF70] =	vst v6;
	v6 =	vmul.f32 v7, v4;
	v7 =	vld [tilespmem:s24+$0xFFFFFFE0]  }
0x272: {  	[tilespmem:s24+$0xFFFFFF80] =	vst v5;
	v5 =	vmul.f32 v12, v4;
	v11 =	vld [tilespmem:s24+$0xFFFFFFF0]  }
0x273: {  	[tilespmem:s24+$0xFFFFFF90] =	vst v6;
	v6 =	vmul.f32 v9, v4;
	v9 =	vld [tilespmem:s24+$0x0]  }
0x274: {  	[tilespmem:s24+$0xFFFFFFA0] =	vst v5;
	v5 =	vmul.f32 v8, v4;
	v8 =	vld [tilespmem:s24+$0x10]  }
0x275: {  	[tilespmem:s24+$0xFFFFFFB0] =	vst v6;
	v6 =	vmul.f32 v10, v4;
	v10 =	vld [tilespmem:s24+$0x20]  }
0x276: {  	[tilespmem:s24+$0xFFFFFFC0] =	vst v5;
	v5 =	vmul.f32 v7, v4;
	v7 =	vld [tilespmem:s24+$0x30]  }
0x277: {  	[tilespmem:s24+$0xFFFFFFD0] =	vst v6;
	v4 =	vmul.f32 v11, v4;
	v6 =	vld [tilespmem:s24+$0x40]  }
0x278: {  	[tilespmem:s24+$0xFFFFFFE0] =	vst v5;
	v5 =	vmul.f32 v9, v3;
	v9 =	vld [tilespmem:s24+$0x50]  }
0x279: {  	[tilespmem:s24+$0xFFFFFFF0] =	vst v4;
	v4 =	vmul.f32 v8, v3;
	v8 =	vld [tilespmem:s24+$0x60]  }
0x27a: {  	[tilespmem:s24+$0x0] =	vst v5;
	v5 =	vmul.f32 v10, v3;
	v10 =	vld [tilespmem:s24+$0x70]  }
0x27b: {  	[tilespmem:s24+$0x10] =	vst v4;
	v4 =	vmul.f32 v7, v3;
	v7 =	vld [tilespmem:s24+$0x80]  }
0x27c: {  	[tilespmem:s24+$0x20] =	vst v5;
	v5 =	vmul.f32 v6, v3;
	v6 =	vld [tilespmem:s24+$0x90]  }
0x27d: {  	[tilespmem:s24+$0x30] =	vst v4;
	v4 =	vmul.f32 v9, v3;
	v9 =	vld [tilespmem:s24+$0xA0]  }
0x27e: {  	[tilespmem:s24+$0x40] =	vst v5;
	v5 =	vmul.f32 v8, v3;
	v8 =	vld [tilespmem:s24+$0xB0]  }
0x27f: {  	[tilespmem:s24+$0x50] =	vst v4;
	v3 =	vmul.f32 v10, v3;
	v4 =	vld [tilespmem:s24+$0xC0]  }
0x280: {  	[tilespmem:s24+$0x60] =	vst v5;
	v5 =	vmul.f32 v7, v2;
	v7 =	vld [tilespmem:s24+$0xD0]  }
0x281: {  	[tilespmem:s24+$0x70] =	vst v3;
	v3 =	vmul.f32 v6, v2;
	v6 =	vld [tilespmem:s24+$0xE0]  }
0x282: {  	[tilespmem:s24+$0x80] =	vst v5;
	v5 =	vmul.f32 v9, v2;
	v9 =	vld [tilespmem:s24+$0xF0]  }
0x283: {  	s0 =	sadd.s32 $0x1, s25;
	v10 =	vmov s25;
	[tilespmem:s24+$0x90] =	vst v3;
	v3 =	vmul.f32 v8, v2;
	v8 =	vld [tilespmem:s24+$0x100]  }
0x284: {  	s26 =	sadd.s32 $0x3, s25;
	v11 =	vmov s0;
	s0 =	sadd.s32 $0x2, s25;
	v10 =	vand.u32 $0x78, v10;
	[tilespmem:s24+$0xA0] =	vst v5;
	v4 =	vmul.f32 v4, v2;
	v5 =	vld [tilespmem:s24+$0x110]  }
0x285: {  	v13 =	vmov s26;
	s26 =	sadd.s32 $0x5, s25;
	v12 =	vmov s0;
	s0 =	sadd.s32 $0x4, s25;
	[tilespmem:s24+$0xB0] =	vst v3;
	v3 =	vmul.f32 v7, v2;
	v7 =	vld [tilespmem:s24+$0x120]  }
0x286: {  	v15 =	vmov s26;
	v14 =	vmov s0;
	s0 =	sadd.s32 $0x6, s25;
	[tilespmem:s24+$0xC0] =	vst v4;
	v4 =	vmul.f32 v6, v2;
	v6 =	vld [tilespmem:s24+$0x130]  }
0x287: {  	v16 =	vmov s0;
	v10 =	vor.u32 $0xD00, v10;
	[tilespmem:s24+$0xD0] =	vst v3;
	v2 =	vmul.f32 v9, v2;
	v3 =	vld [tilespmem:s24+$0x140]  }
0x288: {  	v9 =	vand.u32 $0x79, v11;
	v11 =	vand.u32 $0x7A, v12;
	[tilespmem:s24+$0xE0] =	vst v4;
	v4 =	vmul.f32 v8, v1;
	v8 =	vld [tilespmem:s24+$0x150]  }
0x289: {  	v12 =	vand.u32 $0x7B, v13;
	v13 =	vand.u32 $0x7C, v14;
	[tilespmem:s24+$0xF0] =	vst v2;
	v5 =	vmul.f32 v5, v1;
	v14 =	vld [tilespmem:s24+$0x160]  }
0x28a: {  	v15 =	vand.u32 $0x7D, v15;
	v16 =	vand.u32 $0x7E, v16;
	[tilespmem:s24+$0x100] =	vst v4;
	v4 =	vmul.f32 v7, v1;
	v17 =	vld [tilespmem:s24+$0x170]  }
.Ltmp3:
0x28b: {  	v2 =	vbroadcast v10, $0x0;
	v7 =	vor.u32 $0xD00, v9;
	[tilespmem:s24+$0x110] =	vst v5;
	v9 =	vmul.f32 v6, v1;
	v5 =	vld [tilespmem:s24+$0x180];
	(pc) =	sbr.rel @p0 .LBB2_9-.Ltmp3, $4  }
0x28c: {  	v18 =	vor.u32 $0xD00, v12;
	v10 =	vor.u32 $0xD00, v11;
	[tilespmem:s24+$0x120] =	vst v4;
	v11 =	vmul.f32 v3, v1;
	v6 =	vld [tilespmem:s24+$0x190]  }
0x28d: {  	v12 =	vor.u32 $0xD00, v13;
	v3 =	vbroadcast v7, $0x0;
	[tilespmem:s24+$0x130] =	vst v9;
	v9 =	vmul.f32 v8, v1;
	v7 =	vld [tilespmem:s24+$0x1A0]  }
0x28e: {  	v13 =	vor.u32 $0xD00, v15;
	v4 =	vbroadcast v10, $0x0;
	[tilespmem:s24+$0x140] =	vst v11;
	v11 =	vmul.f32 v14, v1;
	v8 =	vld [tilespmem:s24+$0x1B0]  }
0x28f: {  	s26 =	sadd.s32 $0x7, s25;
	s25 =	sadd.s32 $0x8, s25;
	v10 =	vbroadcast v18, $0x0;
	v14 =	vor.u32 $0xD00, v16;
	[tilespmem:s24+$0x150] =	vst v9;
	v1 =	vmul.f32 v17, v1;
	v9 =	vld [tilespmem:s24+$0x1C0]  }
0x290: {  	_ =	sdelay $0x1  }
0x291: {  	v16 =	vld [tilespmem:s24+$0x1D0]  }
0x292: {  	v17 =	vld [tilespmem:s24+$0x1E0]  }
0x293: {  	v18 =	vld.idx.msk [tilespmem:v2+s16+$0x0], $0xffff  }
0x294: {  	v38 =	vld.idx.msk [tilespmem:v3+s16+$0x0], $0xffff  }
0x295: {  	v19 =	vld.idx.msk [tilespmem:v4+s16+$0x0], $0xffff  }
0x296: {  	s25 =	sadd.s32 $0x400, s24;
	v10 =	vld.idx.msk [tilespmem:v10+s16+$0x0], $0xffff  }
0x297: {  	v42 =	vld [tilespmem:s25+$0xFFFFFE00]  }
0x298: {  	v44 =	vld [tilespmem:s25+$0xFFFFFE10]  }
0x299: {  	[tilespmem:s24+$0x160] =	vst v11;
	v5 =	vmul.f32 v5, v0;
	v46 =	vld [tilespmem:s25+$0xFFFFFE20]  }
0x29a: {  	[tilespmem:s24+$0x170] =	vst v1;
	v6 =	vmul.f32 v6, v0;
	v48 =	vld [tilespmem:s25+$0xFFFFFE30]  }
0x29b: {  	v49 =	vld [tilespmem:s25+$0xFFFFFE40];
	[tilespmem:s24+$0x180] =	vst v5;
	v39 =	vmul.f32 v7, v0  }
0x29c: {  	v51 =	vld [tilespmem:s25+$0xFFFFFE50];
	[tilespmem:s24+$0x190] =	vst v6;
	v41 =	vmul.f32 v8, v0  }
0x29d: {  	v52 =	vld [tilespmem:s25+$0xFFFFFE60];
	[tilespmem:s24+$0x1A0] =	vst v39;
	v43 =	vmul.f32 v9, v0  }
0x29e: {  	v54 =	vld [tilespmem:s25+$0xFFFFFE70];
	[tilespmem:s24+$0x1B0] =	vst v41;
	v45 =	vmul.f32 v16, v0  }
0x29f: {  	v55 =	vld [tilespmem:s25+$0xFFFFFE80];
	v47 =	vmul.f32 v17, v0;
	[tilespmem:s24+$0x1C0] =	vst v43  }
0x2a0: {  	v57 =	vld [tilespmem:s25+$0xFFFFFE90];
	v50 =	vmul.f32 v42, v18;
	[tilespmem:s24+$0x1D0] =	vst v45  }
0x2a1: {  	v59 =	vld [tilespmem:s25+$0xFFFFFEA0];
	v9 =	vmul.f32 v44, v18;
	[tilespmem:s24+$0x1E0] =	vst v47  }
0x2a2: {  	v12 =	vbroadcast v12, $0x0;
	v61 =	vld [tilespmem:s25+$0xFFFFFEB0];
	v53 =	vmul.f32 v46, v18;
	[tilespmem:s25+$0xFFFFFE00] =	vst v50  }
0x2a3: {  	v63 =	vld [tilespmem:s25+$0xFFFFFEC0];
	v5 =	vmul.f32 v48, v18;
	[tilespmem:s25+$0xFFFFFE10] =	vst v9  }
0x2a4: {  	v21 =	vld [tilespmem:s25+$0xFFFFFF00];
	v56 =	vmul.f32 v49, v18;
	[tilespmem:s25+$0xFFFFFE20] =	vst v53  }
0x2a5: {  	v23 =	vld [tilespmem:s25+$0xFFFFFF10];
	v58 =	vmul.f32 v51, v18;
	[tilespmem:s25+$0xFFFFFE30] =	vst v5  }
0x2a6: {  	v25 =	vld [tilespmem:s25+$0xFFFFFF20];
	v60 =	vmul.f32 v52, v18;
	[tilespmem:s25+$0xFFFFFE40] =	vst v56  }
0x2a7: {  	v27 =	vld [tilespmem:s25+$0xFFFFFF30];
	v62 =	vmul.f32 v54, v18;
	[tilespmem:s25+$0xFFFFFE50] =	vst v58  }
0x2a8: {  	v15 =	vmov s26;
	v4 =	vld.idx.msk [tilespmem:v12+s16+$0x0], $0xffff;
	v12 =	vmul.f32 v55, v38;
	[tilespmem:s25+$0xFFFFFE60] =	vst v60  }
0x2a9: {  	v36 =	vbroadcast v14, $0x0;
	v15 =	vand.u32 $0x7F, v15;
	v33 =	vld [tilespmem:s25+$0xFFFFFF60];
	v17 =	vmul.f32 v59, v38;
	[tilespmem:s25+$0xFFFFFE70] =	vst v62  }
0x2aa: {  	v13 =	vbroadcast v13, $0x0;
	v35 =	vld [tilespmem:s25+$0xFFFFFF70];
	v37 =	vor.u32 $0xD00, v15;
	v20 =	vmul.f32 v61, v38;
	[tilespmem:s25+$0xFFFFFE80] =	vst v12  }
0x2ab: {  	v14 =	vbroadcast v37, $0x0;
	v37 =	vld [tilespmem:s25+$0xFFFFFF80];
	v22 =	vmul.f32 v63, v38;
	[tilespmem:s25+$0xFFFFFEA0] =	vst v17  }
0x2ac: {  	v39 =	vld [tilespmem:s25+$0xFFFFFF90];
	v30 =	vmul.f32 v21, v19;
	[tilespmem:s25+$0xFFFFFEB0] =	vst v20  }
0x2ad: {  	v16 =	vld [tilespmem:s25+$0xFFFFFEE0];
	v32 =	vmul.f32 v23, v19;
	[tilespmem:s25+$0xFFFFFEC0] =	vst v22  }
0x2ae: {  	v41 =	vld [tilespmem:s25+$0xFFFFFFA0];
	v34 =	vmul.f32 v25, v19;
	[tilespmem:s25+$0xFFFFFF00] =	vst v30  }
0x2af: {  	v2 =	vld.idx.msk [tilespmem:v36+s16+$0x0], $0xffff;
	v36 =	vmul.f32 v27, v19;
	[tilespmem:s25+$0xFFFFFF10] =	vst v32  }
0x2b0: {  	v3 =	vld.idx.msk [tilespmem:v13+s16+$0x0], $0xffff;
	v42 =	vmul.f32 v33, v19;
	[tilespmem:s25+$0xFFFFFF20] =	vst v34  }
0x2b1: {  	v13 =	vld [tilespmem:s25+$0xFFFFFED0];
	v44 =	vmul.f32 v35, v19;
	[tilespmem:s25+$0xFFFFFF30] =	vst v36  }
0x2b2: {  	v18 =	vld [tilespmem:s25+$0xFFFFFEF0];
	[tilespmem:s25+$0xFFFFFF60] =	vst v42;
	v46 =	vmul.f32 v37, v10  }
0x2b3: {  	[tilespmem:s25+$0xFFFFFF70] =	vst v44;
	v1 =	vld.idx.msk [tilespmem:v14+s16+$0x0], $0xffff;
	v14 =	vmul.f32 v57, v38  }
0x2b4: {  	v29 =	vld [tilespmem:s25+$0xFFFFFF40];
	v48 =	vmul.f32 v39, v10;
	[tilespmem:s25+$0xFFFFFF80] =	vst v46  }
0x2b5: {  	v43 =	vld [tilespmem:s25+$0xFFFFFFB0];
	v26 =	vmul.f32 v16, v38;
	[tilespmem:s25+$0xFFFFFE90] =	vst v14  }
0x2b6: {  	v49 =	vld [tilespmem:s25+$0xFFFFFFE0];
	v50 =	vmul.f32 v41, v10;
	[tilespmem:s25+$0xFFFFFF90] =	vst v48  }
0x2b7: {  	v51 =	vld [tilespmem:s25+$0xFFFFFFF0];
	v24 =	vmul.f32 v13, v38;
	[tilespmem:s25+$0xFFFFFEE0] =	vst v26  }
0x2b8: {  	v55 =	vld [tilespmem:s25+$0x10];
	v28 =	vmul.f32 v18, v38;
	[tilespmem:s25+$0xFFFFFFA0] =	vst v50  }
0x2b9: {  	v59 =	vld [tilespmem:s25+$0x30];
	v38 =	vmul.f32 v29, v19;
	[tilespmem:s25+$0xFFFFFED0] =	vst v24  }
0x2ba: {  	v61 =	vld [tilespmem:s25+$0x40];
	v52 =	vmul.f32 v43, v10;
	[tilespmem:s25+$0xFFFFFEF0] =	vst v28  }
0x2bb: {  	v63 =	vld [tilespmem:s25+$0x50];
	v58 =	vmul.f32 v49, v10;
	[tilespmem:s25+$0xFFFFFF40] =	vst v38  }
0x2bc: {  	v21 =	vld [tilespmem:s25+$0xA0];
	v60 =	vmul.f32 v51, v10;
	[tilespmem:s25+$0xFFFFFFB0] =	vst v52  }
0x2bd: {  	v45 =	vld [tilespmem:s25+$0xFFFFFFC0];
	v12 =	vmul.f32 v55, v4;
	[tilespmem:s25+$0xFFFFFFE0] =	vst v58  }
0x2be: {  	v47 =	vld [tilespmem:s25+$0xFFFFFFD0];
	v16 =	vmul.f32 v59, v4;
	[tilespmem:s25+$0xFFFFFFF0] =	vst v60  }
0x2bf: {  	v53 =	vld [tilespmem:s25+$0x0];
	v18 =	vmul.f32 v61, v4;
	[tilespmem:s25+$0x10] =	vst v12  }
0x2c0: {  	v17 =	vld [tilespmem:s25+$0x80];
	v20 =	vmul.f32 v63, v4;
	[tilespmem:s25+$0x30] =	vst v16  }
0x2c1: {  	v34 =	vld [tilespmem:s25+$0x110];
	v29 =	vmul.f32 v21, v3;
	[tilespmem:s25+$0x40] =	vst v18  }
0x2c2: {  	v36 =	vld [tilespmem:s25+$0x120];
	v54 =	vmul.f32 v45, v10;
	[tilespmem:s25+$0x50] =	vst v20  }
0x2c3: {  	v40 =	vld [tilespmem:s25+$0x1F0];
	v56 =	vmul.f32 v47, v10;
	[tilespmem:s25+$0xA0] =	vst v29  }
0x2c4: {  	v31 =	vld [tilespmem:s25+$0xFFFFFF50];
	v62 =	vmul.f32 v53, v4;
	[tilespmem:s25+$0xFFFFFFC0] =	vst v54  }
0x2c5: {  	v57 =	vld [tilespmem:s25+$0x20];
	v25 =	vmul.f32 v17, v3;
	[tilespmem:s25+$0xFFFFFFD0] =	vst v56  }
0x2c6: {  	v23 =	vld [tilespmem:s25+$0xB0];
	v42 =	vmul.f32 v34, v2;
	[tilespmem:s25+$0x0] =	vst v62  }
0x2c7: {  	v39 =	vld [tilespmem:s25+$0x140];
	v44 =	vmul.f32 v36, v2;
	[tilespmem:s25+$0x80] =	vst v25  }
0x2c8: {  	v41 =	vld [tilespmem:s25+$0x150];
	v7 =	vmul.f32 v40, v1;
	[tilespmem:s25+$0x110] =	vst v42  }
0x2c9: {  	v13 =	vld [tilespmem:s25+$0x60];
	v40 =	vmul.f32 v31, v19;
	[tilespmem:s25+$0x120] =	vst v44  }
0x2ca: {  	v15 =	vld [tilespmem:s25+$0x70];
	v14 =	vmul.f32 v57, v4;
	[tilespmem:s25+$0x1F0] =	vst v7  }
0x2cb: {  	v32 =	vld [tilespmem:s25+$0x100];
	v31 =	vmul.f32 v23, v3;
	[tilespmem:s25+$0xFFFFFF50] =	vst v40  }
0x2cc: {  	v43 =	vld [tilespmem:s25+$0x160];
	v48 =	vmul.f32 v39, v2;
	[tilespmem:s25+$0x20] =	vst v14  }
0x2cd: {  	v49 =	vld [tilespmem:s25+$0x190];
	v50 =	vmul.f32 v41, v2;
	[tilespmem:s25+$0xB0] =	vst v31  }
0x2ce: {  	v51 =	vld [tilespmem:s25+$0x1A0];
	v22 =	vmul.f32 v13, v4;
	[tilespmem:s25+$0x140] =	vst v48  }
0x2cf: {  	v26 =	vld [tilespmem:s25+$0xD0];
	v4 =	vmul.f32 v15, v4;
	[tilespmem:s25+$0x150] =	vst v50  }
0x2d0: {  	v47 =	vld [tilespmem:s25+$0x180];
	v40 =	vmul.f32 v32, v2;
	[tilespmem:s25+$0x60] =	vst v22  }
0x2d1: {  	v24 =	vld [tilespmem:s25+$0xC0];
	v52 =	vmul.f32 v43, v2;
	[tilespmem:s25+$0x70] =	vst v4  }
0x2d2: {  	v28 =	vld [tilespmem:s25+$0xE0];
	v57 =	vmul.f32 v49, v1;
	[tilespmem:s25+$0x100] =	vst v40  }
0x2d3: {  	v38 =	vld [tilespmem:s25+$0x130];
	v59 =	vmul.f32 v51, v1;
	[tilespmem:s25+$0x160] =	vst v52  }
0x2d4: {  	v45 =	vld [tilespmem:s25+$0x170];
	v35 =	vmul.f32 v26, v3;
	[tilespmem:s25+$0x190] =	vst v57  }
0x2d5: {  	v53 =	vld [tilespmem:s25+$0x1B0];
	v55 =	vmul.f32 v47, v1;
	[tilespmem:s25+$0x1A0] =	vst v59  }
0x2d6: {  	v58 =	vld [tilespmem:s25+$0x1E0];
	v33 =	vmul.f32 v24, v3;
	[tilespmem:s25+$0xD0] =	vst v35  }
0x2d7: {  	v19 =	vld [tilespmem:s25+$0x90];
	v37 =	vmul.f32 v28, v3;
	[tilespmem:s25+$0x180] =	vst v55  }
0x2d8: {  	v30 =	vld [tilespmem:s25+$0xF0];
	v46 =	vmul.f32 v38, v2;
	[tilespmem:s25+$0xC0] =	vst v33  }
0x2d9: {  	v54 =	vld [tilespmem:s25+$0x1C0];
	v2 =	vmul.f32 v45, v2;
	[tilespmem:s25+$0xE0] =	vst v37  }
0x2da: {  	v56 =	vld [tilespmem:s25+$0x1D0];
	v60 =	vmul.f32 v53, v1;
	[tilespmem:s25+$0x130] =	vst v46  }
0x2db: {  	v63 =	vmul.f32 v58, v1;
	[tilespmem:s25+$0x170] =	vst v2  }
0x2dc: {  	v27 =	vmul.f32 v19, v3;
	[tilespmem:s25+$0x1B0] =	vst v60  }
0x2dd: {  	v3 =	vmul.f32 v30, v3;
	[tilespmem:s25+$0x1E0] =	vst v63  }
0x2de: {  	v61 =	vmul.f32 v54, v1;
	[tilespmem:s25+$0x90] =	vst v27  }
0x2df: {  	s23 =	sadd.s32 $0x1, s23;
	v62 =	vmul.f32 v56, v1;
	[tilespmem:s25+$0xF0] =	vst v3  }
0x2e0: {  	p0 =	sne.s32 s23, $0x3;
	[tilespmem:s25+$0x1C0] =	vst v61  }
.Ltmp4:
0x2e1: {  	[tilespmem:s25+$0x1D0] =	vst v62;
	(pc) =	sbr.rel @p0 .LBB2_2-.Ltmp4, $4  }
0x2e2: {  	[spmem:s3] =	stream.indirect.scatter.add.f32 [tilespmem:s18], [sflag:$0x3], $0x80, s22, s17, $0xb8;
	[tilespmem:$0x1F000] =	vst v63  }
0x2e3: {  	_ =	swait.ge [sflag:s14], $0x4000  }
0x2e4: {  	[sflag:s14] =	ssyncset.done $0x0  }
0x2e5: {  	[sflag:s14] =	ssyncadd.s32 $0xFFFFC000  }
0x2e6: {  	s4 =	sadd.s32 $0x1, s4  }
0x2e7: {  	p0 =	sne.s32 s4, s12  }
.Ltmp5:
0x2e8: {  	[bflag:$0x0] =	sbarrier.arrive $0xFFFF;
	(pc) =	sbr.rel @p0 .LBB2_1-.Ltmp5, $4  }
0x2e9: {  	[hbm:s11], [sflag:s9] =	dma.local [spmem:s13], $0x2800  }
0x2ea: {  	_ =	swait.ge [sflag:s14], $0x2800  }
0x2eb: {  	[sflag:s14] =	ssyncset.done $0x0  }
0x2ec: {  	[sflag:s14] =	ssyncadd.s32 $0xFFFFD800  }
0x2ed: {  	_ =	sfence.sel $0x180000  }
0x2ee: {  	[bflag:$0x0] =	sbarrier.arrive $0xFFFF  }
0x2ef: {  	_ =	strace $0x90000050  }
0x2f0: {  	[bflag:$0x2] =	sbarrier.arrive $0xFFFF  }
0x2f1: {  	p0 =	sne.s32 s1, $0x0;
	s0 =	rddreg [dreg:$0x3]  }
0x2f2: {  	s0 =	sadd.s32 @!p0 $0x100000, s0  }
0x2f3: {  	[sflag:s0] =	ssyncadd.tile.s32 @!p0 $0x1;
	_ =	shalt  }
.Lfunc_end2:
_tile_overlayer_lowered:
.L_overlay_start_2:
0x2f4: {  	(tag) =	ssettag $0x2  }
0x2f5: {  	s0 =	rddreg [dreg:$0x0];
	s2 =	stileid.u32  }
0x2f6: {  	s1 =	rddreg [dreg:$0x1];
	p0 =	sne.s32 s2, $0x0  }
0x2f7: {  	s3 =	rddreg [dreg:$0x2];
	[bflag:$0x3] =	sbarrier.arrive $0xFFFF;
	s2 =	simm.s32 @!p0 $0x1C03  }
0x2f8: {  	[timem:s3], [sflag:s2] =	dma.local @!p0 [hbm:s0], s1  }
0x2f9: {  	s0 =	simm.s32 @!p0 $0x3  }
0x2fa: {  	_ =	swait.ge @!p0 [sflag:s0], s1  }
0x2fb: {  	s1 =	ssub.s32 @!p0 $0x0, s1;
	[sflag:s0] =	ssyncset.done @!p0 $0x0  }
0x2fc: {  	[sflag:s0] =	ssyncadd.s32 @!p0 s1  }
0x2fd: {  	[bflag:$0x3] =	sbarrier.arrive $0xFFFF  }
0x2fe: {  	_ =	shalt  }

// kernel: kernel.9.cloned.1.call-start
scs
__scs_entry_jumppad:
0x0: {  	(pc) =	sbr.rel $0x88, $3  }
0x1: {  	(tag) =	ssettag $0x0;
	lr =	simm.s32 $0x1  }
0x2: {  	[smem:$0x3F97] =	sst lr;
	_ =	strace $0xD0000000  }
0x3: {  	_ = 	snop  }
0x4: {  	_ = 	snop  }
0x5: {  	_ = 	snop  }
0x6: {  	_ = 	snop  }
0x7: {  	_ = 	snop  }
__scs_overlays_trampoline_lowered:
0x8: {  	[smem:$0x3FA6] =	sst s0  }
0x9: {  	[smem:$0x3FA7] =	sst s1  }
0xa: {  	[smem:$0x3FA8] =	sst s2  }
0xb: {  	[smem:$0x3FA9] =	sst s3  }
0xc: {  	[smem:$0x3FAA] =	sst s4  }
0xd: {  	[smem:$0x3FAB] =	sst s5  }
0xe: {  	[smem:$0x3FAC] =	sst s6  }
0xf: {  	[smem:$0x3FAD] =	sst s7  }
0x10: {  	[smem:$0x3FAE] =	sst s8  }
0x11: {  	[smem:$0x3FAF] =	sst s9;
	s0 =	simm.s32 @!p0 $0x0  }
0x12: {  	s1 =	sld [smem:$0x3F95];
	s0 =	simm.s32 @p0 $0x1  }
0x13: {  	[smem:$0x3FB0] =	sst s0;
	s0 =	simm.s32 @!p1 $0x0  }
0x14: {  	s2 =	sld [smem:$0x3F94];
	s0 =	simm.s32 @p1 $0x1  }
0x15: {  	[smem:$0x3FB1] =	sst s0;
	s0 =	simm.s32 @!p2 $0x0  }
0x16: {  	s3 =	sld [smem:$0x3FDB];
	s0 =	simm.s32 @p2 $0x1  }
0x17: {  	s4 =	simm.s32 $0x1BF5;
	[smem:$0x3FB3] =	sst s0  }
0x18: {  	s0 =	sld [smem:$0x3F96];
	_ =	swait.ge [sflag:s4], $0x0  }
0x19: {  	s7 =	sld [smem:$0x3F97]  }
0x1a: {  	s8 =	sadd.s32 $0xFFFFE003, lr  }
0x1b: {  	s9 =	sadd.s32 $0xFFFFFEF7, lr;
	s5 =	simm.s32 $0xFFFFFFFF;
	p2 =	slt.u32 s8, $0xFFFFF086  }
0x1c: {  	p1 =	slt.u32 s9, $0xF7A;
	s5 =	simm.s32 @!p2 $0x0  }
0x1d: {  	s5 =	simm.s32 @p1 $0x1;
	p0 =	seq.s32 s7, s2  }
0x1e: {  	s7 =	smul.u32 @!p0 $0xF7A, s2;
	p2 =	seq.s32 @!p0 s5, $0x0  }
0x1f: {  	s9 =	smul.u32 $0xF7A, s1;
	s8 =	simm.s32 @!p0 $0x1BF5;
	p2 =	por !p2, p0  }
0x20: {  	[sflag:s8] =	ssyncset.s32 @!p0 $0xFFFFF086;
	s6 =	sadd.s32 @!p0 s3, s7;
	s7 =	simm.s32 @!p0 $0x108  }
0x21: {  	s3 =	sadd.s32 s3, s9;
	s6 =	sadd.s32 @!p0 $0x88, s6;
	s7 =	simm.s32 @p2 $0x1082  }
0x22: {  	[simem:s7], [sflag:s8] =	dma.local @!p0 [hbm:s6], $0xF7A  }
0x23: {  	s9 =	sor.u32 $0xD0000000, s2;
	s6 =	simm.s32 $0x108;
	_ =	swait.ge @!p0 [sflag:s8], $0x0  }
0x24: {  	s3 =	sadd.s32 $0x88, s3;
	s6 =	simm.s32 @!p1 $0x1082;
	[sflag:s4] =	ssyncset.s32 $0xFFFFF086  }
0x25: {  	[simem:s6], [sflag:s4] =	dma.local [hbm:s3], $0xF7A  }
0x26: {  	[smem:$0x3F97] =	sst s1;
	(tag) =	ssettag s2;
	_ =	strace s9  }
0x27: {  	s1 =	sld [smem:$0x3FA7]  }
0x28: {  	s2 =	sld [smem:$0x3FA8]  }
0x29: {  	s4 =	sld [smem:$0x3FAA]  }
0x2a: {  	p0 =	seq.s32 s5, $0x0;
	s5 =	sld [smem:$0x3FAB]  }
0x2b: {  	s6 =	sld [smem:$0x3FAC]  }
0x2c: {  	s7 =	sld [smem:$0x3FAD]  }
0x2d: {  	s3 =	simm.s32 $0x108;
	s8 =	sld [smem:$0x3FAE]  }
0x2e: {  	s3 =	simm.s32 @!p0 $0x1082;
	s9 =	sld [smem:$0x3FAF]  }
0x2f: {  	lr =	sadd.s32 s0, s3;
	s0 =	sld [smem:$0x3FA6]  }
0x30: {  	s3 =	sld [smem:$0x3FA9]  }
0x31: {  	[smem:$0x3FB2] =	sst s10  }
0x32: {  	s10 =	sld [smem:$0x3FB0];
	_ =	sdelay $0x3  }
0x33: {  	p0 =	seq.s32 s10, $0x1;
	s10 =	sld [smem:$0x3FB2];
	_ =	sdelay $0x3  }
0x34: {  	[smem:$0x3FB2] =	sst s10  }
0x35: {  	s10 =	sld [smem:$0x3FB1];
	_ =	sdelay $0x3  }
0x36: {  	p1 =	seq.s32 s10, $0x1;
	s10 =	sld [smem:$0x3FB2];
	_ =	sdelay $0x3  }
0x37: {  	[smem:$0x3FB2] =	sst s10  }
0x38: {  	s10 =	sld [smem:$0x3FB3]  }
0x39: {  	_ = 	snop;
	(pc) =	sbr.ind lr, $3  }
0x3a: {  	_ = 	snop  }
0x3b: {  	_ = 	snop  }
0x3c: {  	p2 =	seq.s32 s10, $0x1;
	s10 =	sld [smem:$0x3FB2]  }
0x3d: {  	_ =	shalt  }
0x3e: {  	_ =	shalt  }
0x3f: {  	_ =	shalt  }
0x40: {  	_ =	shalt  }
0x41: {  	_ =	shalt  }
0x42: {  	_ =	shalt  }
0x43: {  	_ =	shalt  }
0x44: {  	_ =	shalt  }
0x45: {  	_ =	shalt  }
0x46: {  	_ =	shalt  }
0x47: {  	_ =	shalt  }
0x48: {  	_ =	shalt  }
0x49: {  	_ =	shalt  }
0x4a: {  	_ =	shalt  }
0x4b: {  	_ =	shalt  }
0x4c: {  	_ =	shalt  }
0x4d: {  	_ =	shalt  }
0x4e: {  	_ =	shalt  }
0x4f: {  	_ =	shalt  }
0x50: {  	_ =	shalt  }
0x51: {  	_ =	shalt  }
0x52: {  	_ =	shalt  }
0x53: {  	_ =	shalt  }
0x54: {  	_ =	shalt  }
0x55: {  	_ =	shalt  }
0x56: {  	_ =	shalt  }
0x57: {  	_ =	shalt  }
0x58: {  	_ =	shalt  }
0x59: {  	_ =	shalt  }
0x5a: {  	_ =	shalt  }
0x5b: {  	_ =	shalt  }
0x5c: {  	_ =	shalt  }
0x5d: {  	_ =	shalt  }
0x5e: {  	_ =	shalt  }
0x5f: {  	_ =	shalt  }
0x60: {  	_ =	shalt  }
0x61: {  	_ =	shalt  }
0x62: {  	_ =	shalt  }
0x63: {  	_ =	shalt  }
0x64: {  	_ =	shalt  }
0x65: {  	_ =	shalt  }
0x66: {  	_ =	shalt  }
0x67: {  	_ =	shalt  }
0x68: {  	_ =	shalt  }
0x69: {  	_ =	shalt  }
0x6a: {  	_ =	shalt  }
0x6b: {  	_ =	shalt  }
0x6c: {  	_ =	shalt  }
0x6d: {  	_ =	shalt  }
0x6e: {  	_ =	shalt  }
0x6f: {  	_ =	shalt  }
0x70: {  	_ =	shalt  }
0x71: {  	_ =	shalt  }
0x72: {  	_ =	shalt  }
0x73: {  	_ =	shalt  }
0x74: {  	_ =	shalt  }
0x75: {  	_ =	shalt  }
0x76: {  	_ =	shalt  }
0x77: {  	_ =	shalt  }
0x78: {  	_ =	shalt  }
0x79: {  	_ =	shalt  }
0x7a: {  	_ =	shalt  }
0x7b: {  	_ =	shalt  }
0x7c: {  	_ =	shalt  }
0x7d: {  	_ =	shalt  }
0x7e: {  	_ =	shalt  }
0x7f: {  	_ =	shalt  }
0x80: {  	_ =	shalt  }
0x81: {  	_ =	shalt  }
0x82: {  	_ =	shalt  }
0x83: {  	_ =	shalt  }
0x84: {  	_ =	shalt  }
0x85: {  	_ =	shalt  }
0x86: {  	_ =	shalt  }
0x87: {  	_ =	shalt  }
.Lfunc_end0:
.L_simem_size_0:
called_computation_lowered:
.L_overlay_start_0:
0x88: {  	s2 =	sld [smem:$0x3FD9]  }
0x89: {  	s3 =	sld [smem:$0x3FFE];
	_ =	sdelay $0x1  }
0x8a: {  	s1 =	srdreg.scid  }
0x8b: {  	s0 =	sand.u32 $0x1, s1  }
0x8c: {  	s16 =	sshll.u32 s0, $0xA;
	s2 =	sadd.s32 s3, s2  }
0x8d: {  	s2 =	sadd.s32 s2, s16  }
0x8e: {  	[smem:$0x3FBE] =	sst s2  }
0x8f: {  	_ = 	snop  }
0x90: {  	(tm) =	ssettm $0x1  }
0x91: {  	s17 =	sld [smem:$0x3FFB];
	_ =	sdelay $0x3  }
0x92: {  	_ =	strace s17  }
0x93: {  	s2 =	sld [smem:$0x3FFC];
	_ =	sdelay $0x3  }
0x94: {  	_ =	strace s2  }
0x95: {  	s2 =	sld [smem:$0x3FFD];
	_ =	sdelay $0x3  }
0x96: {  	_ =	strace s2  }
0x97: {  	_ =	strace $0x8FFFFFFF  }
0x98: {  	s18 =	sld [smem:$0x3FDB];
	_ =	sdelay $0x1  }
0x99: {  	s19 =	simm.s32 $_scs_section_size  }
0x9a: {  	s4 =	simm.s32 $_size__tile_overlayer_lowered;
	s5 =	simm.s32 $_tile_overlayer_lowered  }
0x9b: {  	s22 =	simm.s32 $0x1BFF;
	s21 =	sshll.u32 s5, $0x1;
	s2 =	sadd.s32 s19, s18  }
0x9c: {  	s6 =	simm.s32 $0x0;
	s20 =	sshll.u32 s4, $0x1;
	s4 =	sadd.s32 s21, s2  }
0x9d: {  	[timem:s6], [sflag:s22] =	dma.local [hbm:s4], s20  }
0x9e: {  	_ =	swait.ge [sflag:s22], s20  }
0x9f: {  	s3 =	ssub.s32 $0x0, s20;
	[sflag:s22] =	ssyncset.done $0x0  }
0xa0: {  	[sflag:s22] =	ssyncadd.s32 s3;
	_ =	sdelay $0x1  }
0xa1: {  	s23 =	simm.s32 $0x1B8B  }
0xa2: {  	_ =	swait.ge [sflag:s23], $0x1  }
0xa3: {  	[sflag:s23] =	ssyncset.done $0x0  }
0xa4: {  	s25 =	simm.s32 $0x1B8E;
	s24 =	sld [smem:$0x3FFE];
	[sflag:s23] =	ssyncadd.s32 $0xFFFFFFFF  }
0xa5: {  	s26 =	simm.s32 $execute0_lowered;
	[smem:$0x3FD2] =	sst s25  }
0xa6: {  	s4 =	sshll.u32 s26, $0x1;
	_ =	strace $0x80000046;
	[dreg:$0x1] =	wrdreg $0xFFFFFFFF  }
0xa7: {  	s28 =	simm.s32 $_size_execute0_lowered;
	s2 =	sadd.s32 s2, s4;
	[dreg:$0x0] =	wrdreg $0x0  }
0xa8: {  	s4 =	sshll.u32 s28, $0x1;
	[dreg:$0x2] =	wrdreg s2  }
0xa9: {  	[dreg:$0x3] =	wrdreg s4  }
0xaa: {  	[dreg:$0x4] =	wrdreg $0xC0  }
0xab: {  	_ =	task [dreg:s6], $0x5FFFF  }
0xac: {  	[dreg:$0x1] =	wrdreg $0xFFFFFFFF  }
0xad: {  	[dreg:$0x0] =	wrdreg $0x60  }
0xae: {  	[dreg:$0x2] =	wrdreg s24  }
0xaf: {  	[dreg:$0x3] =	wrdreg $0x9  }
0xb0: {  	_ =	task.clear_ibuf [dreg:s6], $0x4FFFF;
	_ =	strace $0x90000046  }
0xb1: {  	s29 =	simm.s32 $0x9;
	_ =	strace $0x80000048  }
0xb2: {  	_ =	swait.ge [sflag:s29], $0x1  }
0xb3: {  	[sflag:s29] =	ssyncadd.s32 $0xFFFFFFFF  }
0xb4: {  	_ =	strace $0x90000048  }
0xb5: {  	_ =	sfence  }
0xb6: {  	s30 =	sld [smem:$0x0];
	_ =	sdelay $0x2  }
0xb7: {  	s31 =	sshll.u32 s1, $0xD;
	s1 =	sshrl.u32 s1, $0x2  }
0xb8: {  	s3 =	sand.u32 $0x4000, s31;
	s1 =	sadd.s32 s1, s30  }
0xb9: {  	s0 =	sor.u32 s3, s0;
	s1 =	sshll.u32 s1, $0x11  }
0xba: {  	s0 =	sor.u32 s1, s0  }
0xbb: {  	s0 =	sadd.s32 $0x8F2B, s0  }
0xbc: {  	[sflag:s0] =	ssyncadd.remote.s32 $0x1  }
0xbd: {  	_ =	sfence.sel $0xFFFF  }
0xbe: {  	[dreg:$0x0] =	wrdreg $0xFFFFFFFF;
	(pc) =	sbr.abs _section_cstart, $3  }
0xbf: {  	[dreg:$0x1] =	wrdreg $0xFFFFFFFF  }
0xc0: {  	_ =	task.clear_ibuf [dreg:s6], $0x2FFFF;
	_ =	strace $0x9FFFFFFF  }
0xc1: {  	(tm) =	ssettm $0x7FFFFFFF  }
tec
execute0_lowered:
.L_overlay_start_1:
0x0: {  	(tag) =	ssettag $0x1  }
0x1: {  	s6 =	rddreg [dreg:$0x0]  }
0x2: {  	s0 =	rddreg [dreg:$0x1];
	s3 =	srdreg.scid  }
0x3: {  	s2 =	simm.s32 $0x0;
	s1 =	stileid.u32;
	s12 =	simm.s32 $0x2800  }
0x4: {  	s13 =	simm.s32 $0x5000;
	s14 =	simm.s32 $0x5080;
	s15 =	simm.s32 $0x7C80  }
0x5: {  	s16 =	simm.s32 $0xD480;
	s17 =	simm.s32 $0xA880;
	s18 =	simm.s32 $0x0  }
0x6: {  	s7 =	sand.u32 $0x1, s3;
	[smem:$0x7FF] =	sst s2;
	s9 =	smul.u32 $0x2800, s1  }
0x7: {  	s29 =	sshll.u32 s1, $0x1;
	s3 =	sadd.s32 $0x1A000, s6;
	s8 =	smul.u32 $0x28000, s7  }
0x8: {  	v0 =	vimm.f32 $0.0e+00;
	s4 =	sadd.s32 $0x1A600, s6;
	_ =	strace $0x80000047;
	s5 =	sor.u32 s7, s29  }
0x9: {  	vm0 =	vcmask $0x704;
	vm1 =	vcmask $0xB08;
	vm2 =	vcmask $0xF0C;
	s7 =	ssub.s32 $0x2, s7;
	s10 =	smul.u32 $0x580, s5;
	s8 =	sadd.s32 s9, s8  }
0xa: {  	vm3 =	vcmask $0x1310;
	vm4 =	vcmask $0x1714;
	vm5 =	vcmask $0x1B18;
	s5 =	sadd.s32 $0x42C00, s6;
	s31 =	sshrl.u32 s7, $0x1;
	s8 =	sshrl.u32 s8, $0x3  }
0xb: {  	vm6 =	vcmask $0x1F1C;
	vm7 =	vcmask $0x2320;
	vm8 =	vcmask $0x2724;
	s30 =	sadd.s32 s10, s6;
	s10 =	ssub.s32 s7, s31;
	s11 =	sadd.s32 s8, s6  }
0xc: {  	vm9 =	vcmask $0x2B28;
	vm10 =	vcmask $0x2F2C;
	vm11 =	vcmask $0x3330;
	s6 =	sadd.s32 $0x4000, s30;
	s7 =	sadd.s32 $0xF000, s30;
	s8 =	sadd.s32 $0x42E00, s30  }
0xd: {  	vm12 =	vcmask $0x3734;
	vm13 =	vcmask $0x3B38;
	vm14 =	vcmask $0x3F3C;
	s10 =	smax.u32 s10, $0x1;
	s9 =	sadd.s32 $0x4DE00, s11;
	s11 =	simm.s32 $0x1  }
.LBB2_1:
0xe: {  	[tilespmem:s2], [sflag:$0x1] =	stream.linear.gather [hbm4b:s3+s2], $0x2800, $0x38;
	[tilespmem:$0xFC80] =	vst v63  }
0xf: {  	_ =	swait.ge [sflag:s11], $0x2800  }
0x10: {  	[sflag:s11] =	ssyncset.done $0x0  }
0x11: {  	[sflag:s11] =	ssyncadd.s32 $0xFFFFD800  }
0x12: {  	[tilespmem:s12], [sflag:$0x1] =	stream.linear.gather [hbm4b:s4+s2], $0x2800, $0x38;
	[tilespmem:$0xFC80] =	vst v63  }
0x13: {  	_ =	swait.ge [sflag:s11], $0x2800  }
0x14: {  	[sflag:s11] =	ssyncset.done $0x0  }
0x15: {  	[sflag:s11] =	ssyncadd.s32 $0xFFFFD800  }
0x16: {  	[tilespmem:s13], [sflag:$0x1] =	stream.linear.gather [hbm4b:s5+s2], $0x80, $0x38;
	[tilespmem:$0xFC80] =	vst v63  }
0x17: {  	_ =	swait.ge [sflag:s11], $0x80  }
0x18: {  	[sflag:s11] =	ssyncset.done $0x0  }
0x19: {  	[sflag:s11] =	ssyncadd.s32 $0xFFFFFF80  }
0x1a: {  	[tilespmem:s14], [sflag:$0x1] =	stream.linear.gather [hbm4b:s6+s2], $0x2880, $0x38;
	[tilespmem:$0xFC80] =	vst v63  }
0x1b: {  	_ =	swait.ge [sflag:s11], $0x2880  }
0x1c: {  	[sflag:s11] =	ssyncset.done $0x0  }
0x1d: {  	[sflag:s11] =	ssyncadd.s32 $0xFFFFD780  }
0x1e: {  	[tilespmem:s15], [sflag:$0x1] =	stream.linear.gather [hbm4b:s7+s2], $0x2880, $0x38;
	[tilespmem:$0xFC80] =	vst v63  }
0x1f: {  	_ =	swait.ge [sflag:s11], $0x2880  }
0x20: {  	[sflag:s11] =	ssyncset.done $0x0  }
0x21: {  	s19 =	simm.s32 $0x0;
	s20 =	simm.s32 $0x200;
	[sflag:s11] =	ssyncadd.s32 $0xFFFFD780  }
.LBB2_2:
0x22: {  	p0 =	sne.s32 s20, $0x9E00;
	[tilespmem:s19+$0xD4F0] =	vst v0  }
0x23: {  	[tilespmem:s19+$0xD480] =	vst v0  }
0x24: {  	[tilespmem:s19+$0xD490] =	vst v0  }
.Ltmp0:
0x25: {  	[tilespmem:s19+$0xD4A0] =	vst v0;
	(pc) =	sbr.rel @p0 .LBB2_2-.Ltmp0, $4  }
0x26: {  	[tilespmem:s19+$0xD4B0] =	vst v0  }
0x27: {  	[tilespmem:s19+$0xD4C0] =	vst v0  }
0x28: {  	[tilespmem:s19+$0xD4D0] =	vst v0  }
0x29: {  	[tilespmem:s19+$0xD4E0] =	vst v0;
	s19 =	sshra.s32 s20, $0x2;
	s20 =	sadd.s32 $0x200, s20  }
0x2a: {  	[tilespmem:s19+$0xD4F0] =	vst v0  }
0x2b: {  	[tilespmem:s19+$0xD480] =	vst v0  }
0x2c: {  	[tilespmem:s19+$0xD490] =	vst v0  }
0x2d: {  	[tilespmem:s19+$0xD4A0] =	vst v0  }
0x2e: {  	[tilespmem:s19+$0xD4B0] =	vst v0  }
0x2f: {  	[tilespmem:s19+$0xD4C0] =	vst v0  }
0x30: {  	[tilespmem:s19+$0xD4D0] =	vst v0  }
0x31: {  	[tilespmem:s19+$0xD4E0] =	vst v0  }
0x32: {  	s22 =	simm.s32 $0x0;
	v1 =	vld [tilespmem:$0x5000]  }
0x33: {  	s19 =	simm.s32 $0xA880;
	s20 =	simm.s32 $0x7C80;
	s21 =	simm.s32 $0x5080  }
.LBB2_4:
0x34: {  	v3 =	vmov s21  }
0x35: {  	v4 =	vmov s20;
	_ =	sdelay $0x2  }
0x36: {  	s24 =	simm.s32 $0x0  }
0x37: {  	v5 =	vld.idx.msk [tilespmem:v3+s24+$0x0 ss:$0x1], $0xffff  }
0x38: {  	s25 =	simm.s32 $0x10;
	v6 =	vld.idx.msk [tilespmem:v4+s24+$0x0 ss:$0x1], $0xffff  }
0x39: {  	v7 =	vld.idx.msk [tilespmem:v3+s25+$0x0 ss:$0x1], $0xffff  }
0x3a: {  	v8 =	vld.idx.msk [tilespmem:v4+s25+$0x0 ss:$0x1], $0xffff;
	_ =	sdelay $0x4  }
0x3b: {  	v5 =	vld.idx.msk [tilespmem:v5+s2+$0x0], $0xffff  }
0x3c: {  	v6 =	vld.idx.msk [tilespmem:v6+s12+$0x0], $0xffff  }
0x3d: {  	v7 =	vld.idx.msk [tilespmem:v7+s2+$0x0], $0xffff  }
0x3e: {  	v8 =	vld.idx.msk [tilespmem:v8+s12+$0x0], $0xffff;
	_ =	sdelay $0x2  }
0x3f: {  	s26 =	simm.s32 $0x20;
	v5 =	vadd.f32 v6, v5  }
0x40: {  	v9 =	vld.idx.msk [tilespmem:v3+s26+$0x0 ss:$0x1], $0xffff  }
0x41: {  	v6 =	vadd.f32 v8, v7;
	v7 =	vmul.f32 $2.000000030e-01, v5  }
0x42: {  	v10 =	vld.idx.msk [tilespmem:v4+s26+$0x0 ss:$0x1], $0xffff;
	vm15 =	vgt.f32 v5, $0.0e+00  }
0x43: {  	v5 =	vsel vm15, v5, v7  }
0x44: {  	v5 =	vsub.f32 v5, v1;
	_ =	sdelay $0x1  }
0x45: {  	s28 =	simm.s32 $0x30;
	v5 =	vmul.f32 $1.442695020e+00, v5  }
0x46: {  	v11 =	vld.idx.msk [tilespmem:v3+s28+$0x0 ss:$0x1], $0xffff  }
0x47: {  	v12 =	vld.idx.msk [tilespmem:v9+s2+$0x0], $0xffff;
	v8 =	vmul.f32 $2.000000030e-01, v6;
	(erf) = vpow2.f32 v5  }
0x48: {  	v9 =	vld.idx.msk [tilespmem:v4+s28+$0x0 ss:$0x1], $0xffff;
	vm15 =	vgt.f32 v6, $0.0e+00  }
0x49: {  	v10 =	vld.idx.msk [tilespmem:v10+s12+$0x0], $0xffff;
	v6 =	vsel vm15, v6, v8  }
0x4a: {  	v7 =	vsub.f32 v6, v1;
	_ =	sdelay $0x1  }
0x4b: {  	v2 =	vmov s19;
	s29 =	simm.s32 $0x40;
	v13 =	vmul.f32 $1.442695020e+00, v7  }
0x4c: {  	v6 =	vld.idx.msk [tilespmem:v3+s29+$0x0 ss:$0x1], $0xffff  }
0x4d: {  	v8 =	vadd.f32 v10, v12;
	v7 =	vld.idx.msk [tilespmem:v4+s29+$0x0 ss:$0x1], $0xffff;
	(erf) = vpow2.f32 v13  }
0x4e: {  	s23 =	sshll.u32 s22, $0x7;
	s30 =	simm.s32 $0x140;
	v5 =	vld.idx.msk [tilespmem:v11+s2+$0x0], $0xffff  }
.LBB2_5:
0x4f: {  	p0 =	seq.s32 s30, $0x1C0;
	v10 =	vld.idx.msk [tilespmem:v9+s12+$0x0], $0xffff;
	v12 =	vmul.f32 $2.000000030e-01, v8;
	v11 =	vpop (erf)  }
0x50: {  	vm15 =	vgt.f32 v8, $0.0e+00;
	[tilespmem:v2+s24+$0x0 ss:$0x1] =	vst.idx.msk $0xffff, v11;
	s24 =	smov.u32 s25;
	s25 =	smov.u32 s26;
	s26 =	smov.u32 s28  }
0x51: {  	s28 =	smov.u32 s29;
	v8 =	vsel vm15, v8, v12;
	v11 =	vmov v6  }
.Ltmp1:
0x52: {  	v8 =	vsub.f32 v8, v1;
	v9 =	vmov v7;
	(pc) =	sbr.rel @!p0 .LBB2_5-.Ltmp1, $4  }
0x53: {  	s29 =	sshra.s32 s30, $0x2  }
0x54: {  	v6 =	vld.idx.msk [tilespmem:v3+s29+$0x0 ss:$0x1], $0xffff;
	v12 =	vmul.f32 $1.442695020e+00, v8  }
0x55: {  	v8 =	vadd.f32 v10, v5;
	v7 =	vld.idx.msk [tilespmem:v4+s29+$0x0 ss:$0x1], $0xffff  }
0x56: {  	s30 =	sadd.s32 $0x40, s30;
	v5 =	vld.idx.msk [tilespmem:v11+s2+$0x0], $0xffff;
	(erf) = vpow2.f32 v12  }
0x57: {  	_ =	sdelay $0x4  }
0x58: {  	v3 =	vld.idx.msk [tilespmem:v9+s12+$0x0], $0xffff  }
0x59: {  	v4 =	vld.idx.msk [tilespmem:v6+s2+$0x0], $0xffff  }
0x5a: {  	v52 =	vld.idx.msk [tilespmem:v7+s12+$0x0], $0xffff;
	_ =	sdelay $0x3  }
0x5b: {  	v3 =	vadd.f32 v3, v5  }
0x5c: {  	v53 =	vmul.f32 $2.000000030e-01, v8;
	v4 =	vadd.f32 v52, v4  }
0x5d: {  	vm15 =	vgt.f32 v8, $0.0e+00;
	v54 =	vmul.f32 $2.000000030e-01, v3  }
0x5e: {  	v5 =	vsel vm15, v8, v53;
	vm15 =	vgt.f32 v3, $0.0e+00;
	v55 =	vmul.f32 $2.000000030e-01, v4  }
0x5f: {  	v5 =	vsub.f32 v5, v1;
	v3 =	vsel vm15, v3, v54;
	vm15 =	vgt.f32 v4, $0.0e+00  }
0x60: {  	v3 =	vsub.f32 v3, v1;
	v4 =	vsel vm15, v4, v55  }
0x61: {  	v5 =	vmul.f32 $1.442695020e+00, v5;
	v4 =	vsub.f32 v4, v1  }
0x62: {  	v3 =	vmul.f32 $1.442695020e+00, v3  }
0x63: {  	(erf) = vpow2.f32 v5;
	v4 =	vmul.f32 $1.442695020e+00, v4  }
0x64: {  	(erf) = vpow2.f32 v3  }
0x65: {  	(erf) = vpow2.f32 v4;
	_ =	sdelay $0x4  }
0x66: {  	v3 =	vpop (erf)  }
0x67: {  	v56 =	vpop (erf);
	[tilespmem:v2+s24+$0x0 ss:$0x1] =	vst.idx.msk $0xffff, v3  }
0x68: {  	[tilespmem:v2+s25+$0x0 ss:$0x1] =	vst.idx.msk $0xffff, v56;
	v3 =	vpop (erf)  }
0x69: {  	[tilespmem:v2+s26+$0x0 ss:$0x1] =	vst.idx.msk $0xffff, v3;
	v3 =	vpop (erf)  }
0x6a: {  	[tilespmem:v2+s28+$0x0 ss:$0x1] =	vst.idx.msk $0xffff, v3;
	v3 =	vpop (erf)  }
0x6b: {  	[tilespmem:v2+s29+$0x0 ss:$0x1] =	vst.idx.msk $0xffff, v3;
	v2 =	vld [tilespmem:s23+$0x5100]  }
0x6c: {  	v3 =	vld [tilespmem:s23+$0x7D00];
	_ =	sdelay $0x6  }
0x6d: {  	v2 =	vld.idx.msk [tilespmem:v2+s2+$0x0], $0xffff  }
0x6e: {  	v3 =	vld.idx.msk [tilespmem:v3+s12+$0x0], $0xffff;
	_ =	sdelay $0x4  }
0x6f: {  	v2 =	vadd.f32 v3, v2;
	_ =	sdelay $0x1  }
0x70: {  	v3 =	vmul.f32 $2.000000030e-01, v2  }
0x71: {  	vm15 =	vgt.f32 v2, $0.0e+00  }
0x72: {  	v2 =	vsel vm15, v2, v3  }
0x73: {  	v2 =	vsub.f32 v2, v1;
	_ =	sdelay $0x1  }
0x74: {  	v2 =	vmul.f32 $1.442695020e+00, v2;
	_ =	sdelay $0x1  }
0x75: {  	(erf) = vpow2.f32 v2;
	_ =	sdelay $0x2  }
0x76: {  	v2 =	vld [tilespmem:s23+$0x5110]  }
0x77: {  	v3 =	vld [tilespmem:s23+$0x7D10];
	_ =	sdelay $0x4  }
0x78: {  	v57 =	vpop (erf)  }
0x79: {  	[tilespmem:s23+$0xA900] =	vst v57  }
0x7a: {  	v2 =	vld.idx.msk [tilespmem:v2+s2+$0x0], $0xffff  }
0x7b: {  	v3 =	vld.idx.msk [tilespmem:v3+s12+$0x0], $0xffff;
	_ =	sdelay $0x4  }
0x7c: {  	v2 =	vadd.f32 v3, v2;
	_ =	sdelay $0x1  }
0x7d: {  	v3 =	vmul.f32 $2.000000030e-01, v2  }
0x7e: {  	vm15 =	vgt.f32 v2, $0.0e+00  }
0x7f: {  	v2 =	vsel vm15, v2, v3  }
0x80: {  	v2 =	vsub.f32 v2, v1;
	_ =	sdelay $0x1  }
0x81: {  	v2 =	vmul.f32 $1.442695020e+00, v2;
	_ =	sdelay $0x1  }
0x82: {  	(erf) = vpow2.f32 v2;
	_ =	sdelay $0x2  }
0x83: {  	v2 =	vld [tilespmem:s23+$0x5120]  }
0x84: {  	v3 =	vld [tilespmem:s23+$0x7D20];
	_ =	sdelay $0x4  }
0x85: {  	v58 =	vpop (erf)  }
0x86: {  	[tilespmem:s23+$0xA910] =	vst v58  }
0x87: {  	v2 =	vld.idx.msk [tilespmem:v2+s2+$0x0], $0xffff  }
0x88: {  	v3 =	vld.idx.msk [tilespmem:v3+s12+$0x0], $0xffff;
	_ =	sdelay $0x4  }
0x89: {  	v2 =	vadd.f32 v3, v2;
	_ =	sdelay $0x1  }
0x8a: {  	v3 =	vmul.f32 $2.000000030e-01, v2  }
0x8b: {  	vm15 =	vgt.f32 v2, $0.0e+00  }
0x8c: {  	v2 =	vsel vm15, v2, v3  }
0x8d: {  	v2 =	vsub.f32 v2, v1;
	_ =	sdelay $0x1  }
0x8e: {  	v2 =	vmul.f32 $1.442695020e+00, v2;
	_ =	sdelay $0x1  }
0x8f: {  	(erf) = vpow2.f32 v2;
	_ =	sdelay $0x2  }
0x90: {  	v2 =	vld [tilespmem:s23+$0x5130]  }
0x91: {  	v3 =	vld [tilespmem:s23+$0x7D30];
	_ =	sdelay $0x4  }
0x92: {  	v59 =	vpop (erf)  }
0x93: {  	[tilespmem:s23+$0xA920] =	vst v59  }
0x94: {  	v2 =	vld.idx.msk [tilespmem:v2+s2+$0x0], $0xffff  }
0x95: {  	v3 =	vld.idx.msk [tilespmem:v3+s12+$0x0], $0xffff;
	_ =	sdelay $0x4  }
0x96: {  	v2 =	vadd.f32 v3, v2;
	_ =	sdelay $0x1  }
0x97: {  	v3 =	vmul.f32 $2.000000030e-01, v2  }
0x98: {  	vm15 =	vgt.f32 v2, $0.0e+00  }
0x99: {  	v2 =	vsel vm15, v2, v3  }
0x9a: {  	v2 =	vsub.f32 v2, v1;
	_ =	sdelay $0x1  }
0x9b: {  	v2 =	vmul.f32 $1.442695020e+00, v2;
	_ =	sdelay $0x1  }
0x9c: {  	(erf) = vpow2.f32 v2;
	_ =	sdelay $0x2  }
0x9d: {  	v2 =	vld [tilespmem:s23+$0x5140]  }
0x9e: {  	v3 =	vld [tilespmem:s23+$0x7D40];
	_ =	sdelay $0x4  }
0x9f: {  	v60 =	vpop (erf)  }
0xa0: {  	[tilespmem:s23+$0xA930] =	vst v60  }
0xa1: {  	v2 =	vld.idx.msk [tilespmem:v2+s2+$0x0], $0xffff  }
0xa2: {  	v3 =	vld.idx.msk [tilespmem:v3+s12+$0x0], $0xffff;
	_ =	sdelay $0x4  }
0xa3: {  	v2 =	vadd.f32 v3, v2;
	_ =	sdelay $0x1  }
0xa4: {  	v3 =	vmul.f32 $2.000000030e-01, v2  }
0xa5: {  	vm15 =	vgt.f32 v2, $0.0e+00  }
0xa6: {  	v2 =	vsel vm15, v2, v3  }
0xa7: {  	v2 =	vsub.f32 v2, v1;
	_ =	sdelay $0x1  }
0xa8: {  	v2 =	vmul.f32 $1.442695020e+00, v2;
	_ =	sdelay $0x1  }
0xa9: {  	(erf) = vpow2.f32 v2;
	_ =	sdelay $0x2  }
0xaa: {  	v2 =	vld [tilespmem:s23+$0x5150]  }
0xab: {  	v3 =	vld [tilespmem:s23+$0x7D50];
	_ =	sdelay $0x4  }
0xac: {  	v61 =	vpop (erf)  }
0xad: {  	[tilespmem:s23+$0xA940] =	vst v61  }
0xae: {  	v2 =	vld.idx.msk [tilespmem:v2+s2+$0x0], $0xffff  }
0xaf: {  	v3 =	vld.idx.msk [tilespmem:v3+s12+$0x0], $0xffff;
	_ =	sdelay $0x4  }
0xb0: {  	v2 =	vadd.f32 v3, v2;
	_ =	sdelay $0x1  }
0xb1: {  	v3 =	vmul.f32 $2.000000030e-01, v2  }
0xb2: {  	vm15 =	vgt.f32 v2, $0.0e+00  }
0xb3: {  	v2 =	vsel vm15, v2, v3  }
0xb4: {  	v2 =	vsub.f32 v2, v1;
	_ =	sdelay $0x1  }
0xb5: {  	v2 =	vmul.f32 $1.442695020e+00, v2;
	_ =	sdelay $0x1  }
0xb6: {  	(erf) = vpow2.f32 v2;
	_ =	sdelay $0x2  }
0xb7: {  	v2 =	vld [tilespmem:s23+$0x5160]  }
0xb8: {  	v3 =	vld [tilespmem:s23+$0x7D60];
	_ =	sdelay $0x4  }
0xb9: {  	v62 =	vpop (erf)  }
0xba: {  	[tilespmem:s23+$0xA950] =	vst v62  }
0xbb: {  	v2 =	vld.idx.msk [tilespmem:v2+s2+$0x0], $0xffff  }
0xbc: {  	v3 =	vld.idx.msk [tilespmem:v3+s12+$0x0], $0xffff;
	_ =	sdelay $0x4  }
0xbd: {  	v2 =	vadd.f32 v3, v2;
	_ =	sdelay $0x1  }
0xbe: {  	v3 =	vmul.f32 $2.000000030e-01, v2  }
0xbf: {  	vm15 =	vgt.f32 v2, $0.0e+00  }
0xc0: {  	v2 =	vsel vm15, v2, v3  }
0xc1: {  	v2 =	vsub.f32 v2, v1;
	_ =	sdelay $0x1  }
0xc2: {  	v2 =	vmul.f32 $1.442695020e+00, v2;
	_ =	sdelay $0x1  }
0xc3: {  	(erf) = vpow2.f32 v2;
	_ =	sdelay $0x2  }
0xc4: {  	v2 =	vld [tilespmem:s23+$0x5170]  }
0xc5: {  	v3 =	vld [tilespmem:s23+$0x7D70];
	_ =	sdelay $0x4  }
0xc6: {  	v63 =	vpop (erf)  }
0xc7: {  	[tilespmem:s23+$0xA960] =	vst v63  }
0xc8: {  	v2 =	vld.idx.msk [tilespmem:v2+s2+$0x0], $0xffff  }
0xc9: {  	v3 =	vld.idx.msk [tilespmem:v3+s12+$0x0], $0xffff;
	_ =	sdelay $0x4  }
0xca: {  	v2 =	vadd.f32 v3, v2;
	_ =	sdelay $0x1  }
0xcb: {  	v3 =	vmul.f32 $2.000000030e-01, v2  }
0xcc: {  	vm15 =	vgt.f32 v2, $0.0e+00  }
0xcd: {  	v2 =	vsel vm15, v2, v3  }
0xce: {  	v2 =	vsub.f32 v2, v1;
	_ =	sdelay $0x1  }
0xcf: {  	v2 =	vmul.f32 $1.442695020e+00, v2;
	_ =	sdelay $0x1  }
0xd0: {  	(erf) = vpow2.f32 v2;
	_ =	sdelay $0x4  }
0xd1: {  	p0 =	slt.u32 s22, $0x4E  }
.Ltmp2:
0xd2: {  	_ = 	snop;
	(pc) =	sbr.rel @p0 .LBB2_4-.Ltmp2, $3  }
0xd3: {  	_ =	sdelay $0x1  }
0xd4: {  	s22 =	sadd.s32 $0x2, s22;
	v2 =	vpop (erf)  }
0xd5: {  	s19 =	sadd.s32 $0x100, s19;
	s20 =	sadd.s32 $0x100, s20;
	s21 =	sadd.s32 $0x100, s21;
	[tilespmem:s23+$0xA970] =	vst v2  }
0xd6: {  	v2 =	vld [tilespmem:$0x7880]  }
0xd7: {  	v3 =	vld [tilespmem:$0xA480];
	_ =	sdelay $0x5  }
0xd8: {  	s19 =	simm.s32 $0x0  }
0xd9: {  	v2 =	vld.idx.msk [tilespmem:v2+s19+$0x0], $0xffff  }
0xda: {  	v3 =	vld.idx.msk [tilespmem:v3+s12+$0x0], $0xffff;
	_ =	sdelay $0x4  }
0xdb: {  	v2 =	vadd.f32 v3, v2;
	_ =	sdelay $0x1  }
0xdc: {  	v3 =	vmul.f32 $2.000000030e-01, v2  }
0xdd: {  	vm15 =	vgt.f32 v2, $0.0e+00  }
0xde: {  	v2 =	vsel vm15, v2, v3  }
0xdf: {  	v2 =	vsub.f32 v2, v1;
	_ =	sdelay $0x1  }
0xe0: {  	v2 =	vmul.f32 $1.442695020e+00, v2;
	_ =	sdelay $0x1  }
0xe1: {  	(erf) = vpow2.f32 v2;
	_ =	sdelay $0x2  }
0xe2: {  	v2 =	vld [tilespmem:$0x7890]  }
0xe3: {  	v3 =	vld [tilespmem:$0xA490];
	_ =	sdelay $0x4  }
0xe4: {  	v4 =	vpop (erf)  }
0xe5: {  	[tilespmem:$0xD080] =	vst v4  }
0xe6: {  	v2 =	vld.idx.msk [tilespmem:v2+s19+$0x0], $0xffff  }
0xe7: {  	v3 =	vld.idx.msk [tilespmem:v3+s12+$0x0], $0xffff;
	_ =	sdelay $0x4  }
0xe8: {  	v2 =	vadd.f32 v3, v2;
	_ =	sdelay $0x1  }
0xe9: {  	v3 =	vmul.f32 $2.000000030e-01, v2  }
0xea: {  	vm15 =	vgt.f32 v2, $0.0e+00  }
0xeb: {  	v2 =	vsel vm15, v2, v3  }
0xec: {  	v2 =	vsub.f32 v2, v1;
	_ =	sdelay $0x1  }
0xed: {  	v2 =	vmul.f32 $1.442695020e+00, v2;
	_ =	sdelay $0x1  }
0xee: {  	(erf) = vpow2.f32 v2;
	_ =	sdelay $0x2  }
0xef: {  	v2 =	vld [tilespmem:$0x78A0]  }
0xf0: {  	v3 =	vld [tilespmem:$0xA4A0];
	_ =	sdelay $0x4  }
0xf1: {  	v58 =	vpop (erf)  }
0xf2: {  	[tilespmem:$0xD090] =	vst v58  }
0xf3: {  	v2 =	vld.idx.msk [tilespmem:v2+s19+$0x0], $0xffff  }
0xf4: {  	v3 =	vld.idx.msk [tilespmem:v3+s12+$0x0], $0xffff;
	_ =	sdelay $0x4  }
0xf5: {  	v2 =	vadd.f32 v3, v2;
	_ =	sdelay $0x1  }
0xf6: {  	v3 =	vmul.f32 $2.000000030e-01, v2  }
0xf7: {  	vm15 =	vgt.f32 v2, $0.0e+00  }
0xf8: {  	v2 =	vsel vm15, v2, v3  }
0xf9: {  	v2 =	vsub.f32 v2, v1;
	_ =	sdelay $0x1  }
0xfa: {  	v2 =	vmul.f32 $1.442695020e+00, v2;
	_ =	sdelay $0x1  }
0xfb: {  	(erf) = vpow2.f32 v2;
	_ =	sdelay $0x2  }
0xfc: {  	v2 =	vld [tilespmem:$0x78B0]  }
0xfd: {  	v3 =	vld [tilespmem:$0xA4B0];
	_ =	sdelay $0x4  }
0xfe: {  	v59 =	vpop (erf)  }
0xff: {  	[tilespmem:$0xD0A0] =	vst v59  }
0x100: {  	v2 =	vld.idx.msk [tilespmem:v2+s19+$0x0], $0xffff  }
0x101: {  	v3 =	vld.idx.msk [tilespmem:v3+s12+$0x0], $0xffff;
	_ =	sdelay $0x4  }
0x102: {  	v2 =	vadd.f32 v3, v2;
	_ =	sdelay $0x1  }
0x103: {  	v3 =	vmul.f32 $2.000000030e-01, v2  }
0x104: {  	vm15 =	vgt.f32 v2, $0.0e+00  }
0x105: {  	v2 =	vsel vm15, v2, v3  }
0x106: {  	v2 =	vsub.f32 v2, v1;
	_ =	sdelay $0x1  }
0x107: {  	v2 =	vmul.f32 $1.442695020e+00, v2;
	_ =	sdelay $0x1  }
0x108: {  	(erf) = vpow2.f32 v2;
	_ =	sdelay $0x2  }
0x109: {  	v2 =	vld [tilespmem:$0x78C0]  }
0x10a: {  	v3 =	vld [tilespmem:$0xA4C0];
	_ =	sdelay $0x4  }
0x10b: {  	v60 =	vpop (erf)  }
0x10c: {  	[tilespmem:$0xD0B0] =	vst v60  }
0x10d: {  	v2 =	vld.idx.msk [tilespmem:v2+s19+$0x0], $0xffff  }
0x10e: {  	v3 =	vld.idx.msk [tilespmem:v3+s12+$0x0], $0xffff;
	_ =	sdelay $0x4  }
0x10f: {  	v2 =	vadd.f32 v3, v2;
	_ =	sdelay $0x1  }
0x110: {  	v3 =	vmul.f32 $2.000000030e-01, v2  }
0x111: {  	vm15 =	vgt.f32 v2, $0.0e+00  }
0x112: {  	v2 =	vsel vm15, v2, v3  }
0x113: {  	v2 =	vsub.f32 v2, v1;
	_ =	sdelay $0x1  }
0x114: {  	v2 =	vmul.f32 $1.442695020e+00, v2;
	_ =	sdelay $0x1  }
0x115: {  	(erf) = vpow2.f32 v2;
	_ =	sdelay $0x2  }
0x116: {  	v2 =	vld [tilespmem:$0x78D0]  }
0x117: {  	v3 =	vld [tilespmem:$0xA4D0];
	_ =	sdelay $0x4  }
0x118: {  	v61 =	vpop (erf)  }
0x119: {  	[tilespmem:$0xD0C0] =	vst v61  }
0x11a: {  	v2 =	vld.idx.msk [tilespmem:v2+s19+$0x0], $0xffff  }
0x11b: {  	v3 =	vld.idx.msk [tilespmem:v3+s12+$0x0], $0xffff;
	_ =	sdelay $0x4  }
0x11c: {  	v2 =	vadd.f32 v3, v2;
	_ =	sdelay $0x1  }
0x11d: {  	v3 =	vmul.f32 $2.000000030e-01, v2  }
0x11e: {  	vm15 =	vgt.f32 v2, $0.0e+00  }
0x11f: {  	v2 =	vsel vm15, v2, v3  }
0x120: {  	v2 =	vsub.f32 v2, v1;
	_ =	sdelay $0x1  }
0x121: {  	v2 =	vmul.f32 $1.442695020e+00, v2;
	_ =	sdelay $0x1  }
0x122: {  	(erf) = vpow2.f32 v2;
	_ =	sdelay $0x2  }
0x123: {  	v2 =	vld [tilespmem:$0x78E0]  }
0x124: {  	v3 =	vld [tilespmem:$0xA4E0];
	_ =	sdelay $0x4  }
0x125: {  	v62 =	vpop (erf)  }
0x126: {  	[tilespmem:$0xD0D0] =	vst v62  }
0x127: {  	v2 =	vld.idx.msk [tilespmem:v2+s19+$0x0], $0xffff  }
0x128: {  	v3 =	vld.idx.msk [tilespmem:v3+s12+$0x0], $0xffff;
	_ =	sdelay $0x4  }
0x129: {  	v2 =	vadd.f32 v3, v2;
	_ =	sdelay $0x1  }
0x12a: {  	v3 =	vmul.f32 $2.000000030e-01, v2  }
0x12b: {  	vm15 =	vgt.f32 v2, $0.0e+00  }
0x12c: {  	v2 =	vsel vm15, v2, v3  }
0x12d: {  	v2 =	vsub.f32 v2, v1;
	_ =	sdelay $0x1  }
0x12e: {  	v2 =	vmul.f32 $1.442695020e+00, v2;
	_ =	sdelay $0x1  }
0x12f: {  	(erf) = vpow2.f32 v2;
	_ =	sdelay $0x2  }
0x130: {  	v2 =	vld [tilespmem:$0x78F0]  }
0x131: {  	v3 =	vld [tilespmem:$0xA4F0];
	_ =	sdelay $0x4  }
0x132: {  	v63 =	vpop (erf)  }
0x133: {  	[tilespmem:$0xD0E0] =	vst v63  }
0x134: {  	v2 =	vld.idx.msk [tilespmem:v2+s19+$0x0], $0xffff  }
0x135: {  	v3 =	vld.idx.msk [tilespmem:v3+s12+$0x0], $0xffff;
	_ =	sdelay $0x4  }
0x136: {  	v2 =	vadd.f32 v3, v2;
	_ =	sdelay $0x1  }
0x137: {  	v3 =	vmul.f32 $2.000000030e-01, v2  }
0x138: {  	vm15 =	vgt.f32 v2, $0.0e+00  }
0x139: {  	v2 =	vsel vm15, v2, v3  }
0x13a: {  	v1 =	vsub.f32 v2, v1;
	_ =	sdelay $0x1  }
0x13b: {  	v1 =	vmul.f32 $1.442695020e+00, v1;
	_ =	sdelay $0x1  }
0x13c: {  	(erf) = vpow2.f32 v1;
	_ =	sdelay $0x8  }
0x13d: {  	v1 =	vpop (erf)  }
0x13e: {  	[tilespmem:$0xD0F0] =	vst v1  }
.LBB2_8:
0x13f: {  	s20 =	sshra.s32 s19, $0x2  }
0x140: {  	v1 =	vld [tilespmem:s20+$0x7C80];
	_ =	sdelay $0x2  }
0x141: {  	v2 =	vld [tilespmem:s20+$0xA880];
	_ =	sdelay $0x4  }
0x142: {  	[tilespmem:v1+s16+$0x0] =	vst.idx.add.f32.msk $0x1, v2  }
0x143: {  	[tilespmem:v1+s16+$0x0] =	vst.idx.add.f32.msk vm0, v2  }
0x144: {  	[tilespmem:v1+s16+$0x0] =	vst.idx.add.f32.msk vm1, v2  }
0x145: {  	[tilespmem:v1+s16+$0x0] =	vst.idx.add.f32.msk vm2, v2  }
0x146: {  	[tilespmem:v1+s16+$0x0] =	vst.idx.add.f32.msk vm3, v2  }
0x147: {  	[tilespmem:v1+s16+$0x0] =	vst.idx.add.f32.msk vm4, v2  }
0x148: {  	[tilespmem:v1+s16+$0x0] =	vst.idx.add.f32.msk vm5, v2  }
0x149: {  	[tilespmem:v1+s16+$0x0] =	vst.idx.add.f32.msk vm6, v2  }
0x14a: {  	[tilespmem:v1+s16+$0x0] =	vst.idx.add.f32.msk vm7, v2  }
0x14b: {  	[tilespmem:v1+s16+$0x0] =	vst.idx.add.f32.msk vm8, v2  }
0x14c: {  	[tilespmem:v1+s16+$0x0] =	vst.idx.add.f32.msk vm9, v2  }
0x14d: {  	[tilespmem:v1+s16+$0x0] =	vst.idx.add.f32.msk vm10, v2  }
0x14e: {  	[tilespmem:v1+s16+$0x0] =	vst.idx.add.f32.msk vm11, v2  }
0x14f: {  	[tilespmem:v1+s16+$0x0] =	vst.idx.add.f32.msk vm12, v2  }
0x150: {  	[tilespmem:v1+s16+$0x0] =	vst.idx.add.f32.msk vm13, v2  }
0x151: {  	[tilespmem:v1+s16+$0x0] =	vst.idx.add.f32.msk vm14, v2  }
0x152: {  	v1 =	vld [tilespmem:s20+$0x7C90];
	_ =	sdelay $0x2  }
0x153: {  	v2 =	vld [tilespmem:s20+$0xA890];
	_ =	sdelay $0x4  }
0x154: {  	[tilespmem:v1+s16+$0x0] =	vst.idx.add.f32.msk $0x1, v2  }
0x155: {  	[tilespmem:v1+s16+$0x0] =	vst.idx.add.f32.msk vm0, v2  }
0x156: {  	[tilespmem:v1+s16+$0x0] =	vst.idx.add.f32.msk vm1, v2  }
0x157: {  	[tilespmem:v1+s16+$0x0] =	vst.idx.add.f32.msk vm2, v2  }
0x158: {  	[tilespmem:v1+s16+$0x0] =	vst.idx.add.f32.msk vm3, v2  }
0x159: {  	[tilespmem:v1+s16+$0x0] =	vst.idx.add.f32.msk vm4, v2  }
0x15a: {  	[tilespmem:v1+s16+$0x0] =	vst.idx.add.f32.msk vm5, v2  }
0x15b: {  	[tilespmem:v1+s16+$0x0] =	vst.idx.add.f32.msk vm6, v2  }
0x15c: {  	[tilespmem:v1+s16+$0x0] =	vst.idx.add.f32.msk vm7, v2  }
0x15d: {  	[tilespmem:v1+s16+$0x0] =	vst.idx.add.f32.msk vm8, v2  }
0x15e: {  	[tilespmem:v1+s16+$0x0] =	vst.idx.add.f32.msk vm9, v2  }
0x15f: {  	[tilespmem:v1+s16+$0x0] =	vst.idx.add.f32.msk vm10, v2  }
0x160: {  	[tilespmem:v1+s16+$0x0] =	vst.idx.add.f32.msk vm11, v2  }
0x161: {  	[tilespmem:v1+s16+$0x0] =	vst.idx.add.f32.msk vm12, v2  }
0x162: {  	[tilespmem:v1+s16+$0x0] =	vst.idx.add.f32.msk vm13, v2  }
0x163: {  	[tilespmem:v1+s16+$0x0] =	vst.idx.add.f32.msk vm14, v2  }
0x164: {  	v1 =	vld [tilespmem:s20+$0x7CA0];
	_ =	sdelay $0x2  }
0x165: {  	v2 =	vld [tilespmem:s20+$0xA8A0];
	_ =	sdelay $0x4  }
0x166: {  	[tilespmem:v1+s16+$0x0] =	vst.idx.add.f32.msk $0x1, v2  }
0x167: {  	[tilespmem:v1+s16+$0x0] =	vst.idx.add.f32.msk vm0, v2  }
0x168: {  	[tilespmem:v1+s16+$0x0] =	vst.idx.add.f32.msk vm1, v2  }
0x169: {  	[tilespmem:v1+s16+$0x0] =	vst.idx.add.f32.msk vm2, v2  }
0x16a: {  	[tilespmem:v1+s16+$0x0] =	vst.idx.add.f32.msk vm3, v2  }
0x16b: {  	[tilespmem:v1+s16+$0x0] =	vst.idx.add.f32.msk vm4, v2  }
0x16c: {  	[tilespmem:v1+s16+$0x0] =	vst.idx.add.f32.msk vm5, v2  }
0x16d: {  	[tilespmem:v1+s16+$0x0] =	vst.idx.add.f32.msk vm6, v2  }
0x16e: {  	[tilespmem:v1+s16+$0x0] =	vst.idx.add.f32.msk vm7, v2  }
0x16f: {  	[tilespmem:v1+s16+$0x0] =	vst.idx.add.f32.msk vm8, v2  }
0x170: {  	[tilespmem:v1+s16+$0x0] =	vst.idx.add.f32.msk vm9, v2  }
0x171: {  	[tilespmem:v1+s16+$0x0] =	vst.idx.add.f32.msk vm10, v2  }
0x172: {  	[tilespmem:v1+s16+$0x0] =	vst.idx.add.f32.msk vm11, v2  }
0x173: {  	[tilespmem:v1+s16+$0x0] =	vst.idx.add.f32.msk vm12, v2  }
0x174: {  	[tilespmem:v1+s16+$0x0] =	vst.idx.add.f32.msk vm13, v2  }
0x175: {  	[tilespmem:v1+s16+$0x0] =	vst.idx.add.f32.msk vm14, v2  }
0x176: {  	v1 =	vld [tilespmem:s20+$0x7CB0];
	_ =	sdelay $0x2  }
0x177: {  	v2 =	vld [tilespmem:s20+$0xA8B0];
	_ =	sdelay $0x4  }
0x178: {  	[tilespmem:v1+s16+$0x0] =	vst.idx.add.f32.msk $0x1, v2  }
0x179: {  	[tilespmem:v1+s16+$0x0] =	vst.idx.add.f32.msk vm0, v2  }
0x17a: {  	[tilespmem:v1+s16+$0x0] =	vst.idx.add.f32.msk vm1, v2  }
0x17b: {  	[tilespmem:v1+s16+$0x0] =	vst.idx.add.f32.msk vm2, v2  }
0x17c: {  	[tilespmem:v1+s16+$0x0] =	vst.idx.add.f32.msk vm3, v2  }
0x17d: {  	[tilespmem:v1+s16+$0x0] =	vst.idx.add.f32.msk vm4, v2  }
0x17e: {  	[tilespmem:v1+s16+$0x0] =	vst.idx.add.f32.msk vm5, v2  }
0x17f: {  	[tilespmem:v1+s16+$0x0] =	vst.idx.add.f32.msk vm6, v2  }
0x180: {  	[tilespmem:v1+s16+$0x0] =	vst.idx.add.f32.msk vm7, v2  }
0x181: {  	[tilespmem:v1+s16+$0x0] =	vst.idx.add.f32.msk vm8, v2  }
0x182: {  	[tilespmem:v1+s16+$0x0] =	vst.idx.add.f32.msk vm9, v2  }
0x183: {  	[tilespmem:v1+s16+$0x0] =	vst.idx.add.f32.msk vm10, v2  }
0x184: {  	[tilespmem:v1+s16+$0x0] =	vst.idx.add.f32.msk vm11, v2  }
0x185: {  	[tilespmem:v1+s16+$0x0] =	vst.idx.add.f32.msk vm12, v2  }
0x186: {  	[tilespmem:v1+s16+$0x0] =	vst.idx.add.f32.msk vm13, v2  }
0x187: {  	[tilespmem:v1+s16+$0x0] =	vst.idx.add.f32.msk vm14, v2  }
0x188: {  	v1 =	vld [tilespmem:s20+$0x7CC0];
	_ =	sdelay $0x2  }
0x189: {  	v2 =	vld [tilespmem:s20+$0xA8C0];
	_ =	sdelay $0x4  }
0x18a: {  	[tilespmem:v1+s16+$0x0] =	vst.idx.add.f32.msk $0x1, v2  }
0x18b: {  	[tilespmem:v1+s16+$0x0] =	vst.idx.add.f32.msk vm0, v2  }
0x18c: {  	[tilespmem:v1+s16+$0x0] =	vst.idx.add.f32.msk vm1, v2  }
0x18d: {  	[tilespmem:v1+s16+$0x0] =	vst.idx.add.f32.msk vm2, v2  }
0x18e: {  	[tilespmem:v1+s16+$0x0] =	vst.idx.add.f32.msk vm3, v2  }
0x18f: {  	[tilespmem:v1+s16+$0x0] =	vst.idx.add.f32.msk vm4, v2  }
0x190: {  	[tilespmem:v1+s16+$0x0] =	vst.idx.add.f32.msk vm5, v2  }
0x191: {  	[tilespmem:v1+s16+$0x0] =	vst.idx.add.f32.msk vm6, v2  }
0x192: {  	[tilespmem:v1+s16+$0x0] =	vst.idx.add.f32.msk vm7, v2  }
0x193: {  	[tilespmem:v1+s16+$0x0] =	vst.idx.add.f32.msk vm8, v2  }
0x194: {  	[tilespmem:v1+s16+$0x0] =	vst.idx.add.f32.msk vm9, v2  }
0x195: {  	[tilespmem:v1+s16+$0x0] =	vst.idx.add.f32.msk vm10, v2  }
0x196: {  	[tilespmem:v1+s16+$0x0] =	vst.idx.add.f32.msk vm11, v2  }
0x197: {  	[tilespmem:v1+s16+$0x0] =	vst.idx.add.f32.msk vm12, v2  }
0x198: {  	[tilespmem:v1+s16+$0x0] =	vst.idx.add.f32.msk vm13, v2  }
0x199: {  	[tilespmem:v1+s16+$0x0] =	vst.idx.add.f32.msk vm14, v2  }
0x19a: {  	v1 =	vld [tilespmem:s20+$0x7CD0];
	_ =	sdelay $0x2  }
0x19b: {  	v2 =	vld [tilespmem:s20+$0xA8D0];
	_ =	sdelay $0x4  }
0x19c: {  	[tilespmem:v1+s16+$0x0] =	vst.idx.add.f32.msk $0x1, v2  }
0x19d: {  	[tilespmem:v1+s16+$0x0] =	vst.idx.add.f32.msk vm0, v2  }
0x19e: {  	[tilespmem:v1+s16+$0x0] =	vst.idx.add.f32.msk vm1, v2  }
0x19f: {  	[tilespmem:v1+s16+$0x0] =	vst.idx.add.f32.msk vm2, v2  }
0x1a0: {  	[tilespmem:v1+s16+$0x0] =	vst.idx.add.f32.msk vm3, v2  }
0x1a1: {  	[tilespmem:v1+s16+$0x0] =	vst.idx.add.f32.msk vm4, v2  }
0x1a2: {  	[tilespmem:v1+s16+$0x0] =	vst.idx.add.f32.msk vm5, v2  }
0x1a3: {  	[tilespmem:v1+s16+$0x0] =	vst.idx.add.f32.msk vm6, v2  }
0x1a4: {  	[tilespmem:v1+s16+$0x0] =	vst.idx.add.f32.msk vm7, v2  }
0x1a5: {  	[tilespmem:v1+s16+$0x0] =	vst.idx.add.f32.msk vm8, v2  }
0x1a6: {  	[tilespmem:v1+s16+$0x0] =	vst.idx.add.f32.msk vm9, v2  }
0x1a7: {  	[tilespmem:v1+s16+$0x0] =	vst.idx.add.f32.msk vm10, v2  }
0x1a8: {  	[tilespmem:v1+s16+$0x0] =	vst.idx.add.f32.msk vm11, v2  }
0x1a9: {  	[tilespmem:v1+s16+$0x0] =	vst.idx.add.f32.msk vm12, v2  }
0x1aa: {  	[tilespmem:v1+s16+$0x0] =	vst.idx.add.f32.msk vm13, v2  }
0x1ab: {  	[tilespmem:v1+s16+$0x0] =	vst.idx.add.f32.msk vm14, v2  }
0x1ac: {  	v1 =	vld [tilespmem:s20+$0x7CE0];
	_ =	sdelay $0x2  }
0x1ad: {  	v2 =	vld [tilespmem:s20+$0xA8E0];
	_ =	sdelay $0x4  }
0x1ae: {  	[tilespmem:v1+s16+$0x0] =	vst.idx.add.f32.msk $0x1, v2  }
0x1af: {  	[tilespmem:v1+s16+$0x0] =	vst.idx.add.f32.msk vm0, v2  }
0x1b0: {  	[tilespmem:v1+s16+$0x0] =	vst.idx.add.f32.msk vm1, v2  }
0x1b1: {  	[tilespmem:v1+s16+$0x0] =	vst.idx.add.f32.msk vm2, v2  }
0x1b2: {  	[tilespmem:v1+s16+$0x0] =	vst.idx.add.f32.msk vm3, v2  }
0x1b3: {  	[tilespmem:v1+s16+$0x0] =	vst.idx.add.f32.msk vm4, v2  }
0x1b4: {  	[tilespmem:v1+s16+$0x0] =	vst.idx.add.f32.msk vm5, v2  }
0x1b5: {  	[tilespmem:v1+s16+$0x0] =	vst.idx.add.f32.msk vm6, v2  }
0x1b6: {  	[tilespmem:v1+s16+$0x0] =	vst.idx.add.f32.msk vm7, v2  }
0x1b7: {  	[tilespmem:v1+s16+$0x0] =	vst.idx.add.f32.msk vm8, v2  }
0x1b8: {  	[tilespmem:v1+s16+$0x0] =	vst.idx.add.f32.msk vm9, v2  }
0x1b9: {  	[tilespmem:v1+s16+$0x0] =	vst.idx.add.f32.msk vm10, v2  }
0x1ba: {  	[tilespmem:v1+s16+$0x0] =	vst.idx.add.f32.msk vm11, v2  }
0x1bb: {  	[tilespmem:v1+s16+$0x0] =	vst.idx.add.f32.msk vm12, v2  }
0x1bc: {  	[tilespmem:v1+s16+$0x0] =	vst.idx.add.f32.msk vm13, v2  }
0x1bd: {  	[tilespmem:v1+s16+$0x0] =	vst.idx.add.f32.msk vm14, v2  }
0x1be: {  	v1 =	vld [tilespmem:s20+$0x7CF0];
	_ =	sdelay $0x2  }
0x1bf: {  	v2 =	vld [tilespmem:s20+$0xA8F0];
	_ =	sdelay $0x4  }
0x1c0: {  	[tilespmem:v1+s16+$0x0] =	vst.idx.add.f32.msk $0x1, v2  }
0x1c1: {  	[tilespmem:v1+s16+$0x0] =	vst.idx.add.f32.msk vm0, v2  }
0x1c2: {  	[tilespmem:v1+s16+$0x0] =	vst.idx.add.f32.msk vm1, v2  }
0x1c3: {  	[tilespmem:v1+s16+$0x0] =	vst.idx.add.f32.msk vm2, v2  }
0x1c4: {  	[tilespmem:v1+s16+$0x0] =	vst.idx.add.f32.msk vm3, v2  }
0x1c5: {  	[tilespmem:v1+s16+$0x0] =	vst.idx.add.f32.msk vm4, v2  }
0x1c6: {  	[tilespmem:v1+s16+$0x0] =	vst.idx.add.f32.msk vm5, v2  }
0x1c7: {  	[tilespmem:v1+s16+$0x0] =	vst.idx.add.f32.msk vm6, v2  }
0x1c8: {  	[tilespmem:v1+s16+$0x0] =	vst.idx.add.f32.msk vm7, v2  }
0x1c9: {  	[tilespmem:v1+s16+$0x0] =	vst.idx.add.f32.msk vm8, v2  }
0x1ca: {  	p0 =	sne.s32 s19, $0xA000;
	[tilespmem:v1+s16+$0x0] =	vst.idx.add.f32.msk vm9, v2  }
.Ltmp3:
0x1cb: {  	[tilespmem:v1+s16+$0x0] =	vst.idx.add.f32.msk vm10, v2;
	(pc) =	sbr.rel @p0 .LBB2_8-.Ltmp3, $4  }
0x1cc: {  	[tilespmem:v1+s16+$0x0] =	vst.idx.add.f32.msk vm11, v2  }
0x1cd: {  	[tilespmem:v1+s16+$0x0] =	vst.idx.add.f32.msk vm12, v2  }
0x1ce: {  	[tilespmem:v1+s16+$0x0] =	vst.idx.add.f32.msk vm13, v2  }
0x1cf: {  	s19 =	sadd.s32 $0x200, s19;
	[tilespmem:v1+s16+$0x0] =	vst.idx.add.f32.msk vm14, v2  }
0x1d0: {  	[hbm4b:s8+s2] =	stream.linear.scatter [tilespmem:s17], [sflag:$0x1], $0x2880, $0x38;
	[tilespmem:$0xFC80] =	vst v63  }
0x1d1: {  	s18 =	sadd.s32 $0x1, s18;
	_ =	swait.ge [sflag:s11], $0x2880  }
0x1d2: {  	p0 =	sne.s32 s18, s10;
	[sflag:s11] =	ssyncset.done $0x0  }
.Ltmp4:
0x1d3: {  	[sflag:s11] =	ssyncadd.s32 $0xFFFFD780;
	(pc) =	sbr.rel @p0 .LBB2_1-.Ltmp4, $4  }
0x1d4: {  	[hbm4b:s9+s2] =	stream.linear.scatter [tilespmem:s16], [sflag:$0x1], $0x2800, $0x38;
	[tilespmem:$0xFC80] =	vst v63  }
0x1d5: {  	_ =	swait.ge [sflag:s11], $0x2800  }
0x1d6: {  	[sflag:s11] =	ssyncset.done $0x0  }
0x1d7: {  	[sflag:s11] =	ssyncadd.s32 $0xFFFFD800  }
0x1d8: {  	_ =	sfence.sel $0x180000  }
0x1d9: {  	[bflag:$0x0] =	sbarrier.arrive $0xFFFF  }
0x1da: {  	p0 =	sne.s32 s1, $0x0;
	_ =	strace $0x90000047  }
0x1db: {  	s0 =	sadd.s32 @!p0 $0x100000, s0;
	[bflag:$0x2] =	sbarrier.arrive $0xFFFF  }
0x1dc: {  	[sflag:s0] =	ssyncadd.tile.s32 @!p0 $0x1;
	_ =	shalt  }
.Lfunc_end2:
_tile_overlayer_lowered:
.L_overlay_start_2:
0x1dd: {  	(tag) =	ssettag $0x2  }
0x1de: {  	s0 =	rddreg [dreg:$0x0];
	s2 =	stileid.u32  }
0x1df: {  	s1 =	rddreg [dreg:$0x1];
	p0 =	sne.s32 s2, $0x0  }
0x1e0: {  	s3 =	rddreg [dreg:$0x2];
	[bflag:$0x3] =	sbarrier.arrive $0xFFFF;
	s2 =	simm.s32 @!p0 $0x1C01  }
0x1e1: {  	[timem:s3], [sflag:s2] =	dma.local @!p0 [hbm:s0], s1  }
0x1e2: {  	s0 =	simm.s32 @!p0 $0x1  }
0x1e3: {  	_ =	swait.ge @!p0 [sflag:s0], s1  }
0x1e4: {  	s1 =	ssub.s32 @!p0 $0x0, s1;
	[sflag:s0] =	ssyncset.done @!p0 $0x0  }
0x1e5: {  	[sflag:s0] =	ssyncadd.s32 @!p0 s1  }
0x1e6: {  	[bflag:$0x3] =	sbarrier.arrive $0xFFFF  }
0x1e7: {  	_ =	shalt  }

</sc_bundles>
